<compile_context>
chip_gen: v7x
topology: tpu7x:2x2x1
jax: 0.10.2.dev20260603
libtpu: 0.0.44.dev20260713+nightly
codegen_flags: <defaults>
</compile_context>

<pallas_src>
import functools

import jax
import jax.numpy as jnp
from jax import lax
from jax.experimental import pallas as pl
from jax.experimental.pallas import tpu as pltpu
from jax.experimental.pallas import tpu_sc as plsc

N = 10000
E = 320000
CH = 128
NW = 32
EW = 10240
E_PAD = NW * EW
K_CH = EW // CH
NBUF = 2
SEG = 40
K_PAIR = 2 * K_CH
K_FAST = 120
NSEG_FAST = K_FAST // SEG
NSEG_MAX = NSEG_FAST
C_FAST = 0
K_OUT = K_CH // NBUF
N_ACC = 10112
R_T = N_ACC // 16
F_DEG = 128


def _sc_mesh():
    return plsc.VectorSubcoreMesh(core_axis_name="c", subcore_axis_name="s")


def _sc_scatter_rows(u, rowi2, coli2, zeros, f):

    @functools.partial(
        pl.kernel,
        out_type=jax.ShapeDtypeStruct((2 * N_ACC, f), jnp.float32),
        mesh=_sc_mesh(),
        scratch_types=[
            pltpu.VMEM((SEG, CH), jnp.int32),
            pltpu.VMEM((SEG, CH), jnp.int32),
            pltpu.VMEM((NBUF, CH, f), jnp.float32),
            pltpu.VMEM_SHARED((N_ACC, f), jnp.float32),
            pltpu.SemaphoreType.DMA((NBUF,)),
            pltpu.SemaphoreType.DMA((NBUF,)),
        ],
    )
    def k(u_hbm, row_hbm, col_hbm, z_hbm, out_hbm,
          rowbuf, colbuf, rows, acc, gsem, ssem):
        c = lax.axis_index("c")
        s = lax.axis_index("s")
        base = jnp.where(c == C_FAST, 0, K_FAST)
        pltpu.sync_copy(z_hbm.at[pl.ds(s * R_T, R_T)], acc.at[pl.ds(s * R_T, R_T)])
        plsc.subcore_barrier()

        def seg_work(off):
            pltpu.sync_copy(row_hbm.at[s, pl.ds(off, SEG)], rowbuf)
            pltpu.sync_copy(col_hbm.at[s, pl.ds(off, SEG)], colbuf)
            for b in range(NBUF):
                pltpu.async_copy(u_hbm.at[rowbuf.at[b]], rows.at[b], gsem.at[b])

            def body(g, carry2):
                for b in range(NBUF):
                    j = g * NBUF + b
                    bp = (b - 1) % NBUF
                    pltpu.make_async_copy(
                        u_hbm.at[rowbuf.at[j]], rows.at[b], gsem.at[b]).wait()
                    pltpu.async_copy(
                        rows.at[b], acc.at[colbuf.at[j]], ssem.at[b], add=True)
                    jp = j - 1

                    @pl.when(jnp.logical_and(jp >= 0, jp + NBUF < SEG))
                    def _():
                        pltpu.make_async_copy(
                            rows.at[bp], acc.at[colbuf.at[jp]],
                            ssem.at[bp]).wait()
                        pltpu.async_copy(
                            u_hbm.at[rowbuf.at[jp + NBUF]], rows.at[bp],
                            gsem.at[bp])
                return carry2

            lax.fori_loop(0, SEG // NBUF, body, 0)
            for b in range(NBUF):
                j = SEG - NBUF + b
                pltpu.make_async_copy(
                    rows.at[b], acc.at[colbuf.at[j]], ssem.at[b]).wait()

        seg_work(base)
        for sg in range(1, NSEG_MAX):

            @pl.when(c == C_FAST)
            def _(sg=sg):
                seg_work(sg * SEG)

        plsc.subcore_barrier()
        pltpu.sync_copy(
            acc.at[pl.ds(s * R_T, R_T)],
            out_hbm.at[pl.ds(c * N_ACC + s * R_T, R_T)],
        )

    return k(u, rowi2, coli2, zeros)


def _sc_degree(coli3, ones, zeros):

    @functools.partial(
        pl.kernel,
        out_type=jax.ShapeDtypeStruct((2 * N_ACC, F_DEG), jnp.float32),
        mesh=_sc_mesh(),
        scratch_types=[
            pltpu.VMEM((K_CH, CH), jnp.int32),
            pltpu.VMEM((CH, F_DEG), jnp.float32),
            pltpu.VMEM_SHARED((N_ACC, F_DEG), jnp.float32),
            pltpu.SemaphoreType.DMA((NBUF,)),
        ],
    )
    def k(col_hbm, ones_hbm, z_hbm, out_hbm, colbuf, ones_v, acc, ssem):
        c = lax.axis_index("c")
        s = lax.axis_index("s")
        wid = s * 2 + c
        pltpu.sync_copy(col_hbm.at[wid], colbuf)
        pltpu.sync_copy(ones_hbm, ones_v)
        pltpu.sync_copy(z_hbm.at[pl.ds(s * R_T, R_T)], acc.at[pl.ds(s * R_T, R_T)])
        plsc.subcore_barrier()

        for b in range(NBUF):
            pltpu.async_copy(ones_v, acc.at[colbuf.at[b]], ssem.at[b], add=True)

        def body(g, carry):
            for b in range(NBUF):
                kk = g * NBUF + b
                pltpu.make_async_copy(
                    ones_v, acc.at[colbuf.at[kk - NBUF]], ssem.at[b]).wait()
                pltpu.async_copy(
                    ones_v, acc.at[colbuf.at[kk]], ssem.at[b], add=True)
            return carry

        lax.fori_loop(1, K_OUT, body, 0)
        for b in range(NBUF):
            kk = (K_OUT - 1) * NBUF + b
            pltpu.make_async_copy(
                ones_v, acc.at[colbuf.at[kk]], ssem.at[b]).wait()
        plsc.subcore_barrier()
        pltpu.sync_copy(
            acc.at[pl.ds(s * R_T, R_T)],
            out_hbm.at[pl.ds(c * N_ACC + s * R_T, R_T)],
        )

    return k(coli3, ones, zeros)


def _dinv(deg_ref):
    deg = deg_ref[0:N, 0:1] + deg_ref[N_ACC:N_ACC + N, 0:1] + 1.0
    return lax.rsqrt(deg)


def _tc_first(x, w1, deg):

    def body(x_ref, w_ref, d_ref, out_ref):
        dinv = _dinv(d_ref)
        h = jnp.dot(x_ref[...], w_ref[...], preferred_element_type=jnp.float32)
        out_ref[...] = h * dinv

    return pl.pallas_call(
        body,
        out_shape=jax.ShapeDtypeStruct((N, w1.shape[1]), jnp.float32),
    )(x, w1, deg)


def _tc_mid(agg, u, deg, b, g, be, w_next):

    def body(a_ref, u_ref, d_ref, b_ref, g_ref, be_ref, w_ref, out_ref):
        dinv = _dinv(d_ref)
        conv = (a_ref[0:N] + a_ref[N_ACC:N_ACC + N] + u_ref[...]) * dinv + b_ref[...]
        mean = jnp.mean(conv, axis=0, keepdims=True)
        var = jnp.mean((conv - mean) ** 2, axis=0, keepdims=True)
        h = (conv - mean) * lax.rsqrt(var + 1e-5) * g_ref[...] + be_ref[...]
        h = jnp.maximum(h, 0.0)
        out_ref[...] = (
            jnp.dot(h, w_ref[...], preferred_element_type=jnp.float32) * dinv
        )

    return pl.pallas_call(
        body,
        out_shape=jax.ShapeDtypeStruct((N, w_next.shape[1]), jnp.float32),
    )(agg, u, deg, b, g, be, w_next)


def _tc_last(agg, u, deg, b, f_out):

    def body(a_ref, u_ref, d_ref, b_ref, out_ref):
        dinv = _dinv(d_ref)
        out_ref[...] = ((
            a_ref[0:N, 0:f_out] + a_ref[N_ACC:N_ACC + N, 0:f_out]
            + u_ref[0:N, 0:f_out]
        ) * dinv + b_ref[...])

    return pl.pallas_call(
        body,
        out_shape=jax.ShapeDtypeStruct((N, f_out), jnp.float32),
    )(agg, u, deg, b)


def kernel(x, edge_idx, W1, b1, g1, be1, W2, b2, g2, be2, W3, b3):
    row = edge_idx[0]
    col = edge_idx[1]
    pad = E_PAD - E
    rowp = jnp.concatenate([row, jnp.zeros((pad,), jnp.int32)])
    colp = jnp.concatenate([col, jnp.full((pad,), N, jnp.int32)])
    rowi2 = rowp.reshape(16, K_PAIR, CH)
    coli2 = colp.reshape(16, K_PAIR, CH)
    coli3 = colp.reshape(NW, K_CH, CH)

    zeros128 = jnp.zeros((N_ACC, 128), jnp.float32)
    ones128 = jnp.ones((CH, F_DEG), jnp.float32)
    f_out = W3.shape[1]
    W3p = jnp.pad(W3, ((0, 0), (0, 128 - f_out)))

    deg = _sc_degree(coli3, ones128, zeros128)

    u1 = _tc_first(x, W1, deg)
    agg1 = _sc_scatter_rows(u1, rowi2, coli2, zeros128, 128)
    u2 = _tc_mid(agg1, u1, deg, b1.reshape(1, -1), g1.reshape(1, -1),
                 be1.reshape(1, -1), W2)
    agg2 = _sc_scatter_rows(u2, rowi2, coli2, zeros128, 128)
    u3 = _tc_mid(agg2, u2, deg, b2.reshape(1, -1), g2.reshape(1, -1),
                 be2.reshape(1, -1), W3p)
    agg3 = _sc_scatter_rows(u3, rowi2, coli2, zeros128, 128)
    out = _tc_last(agg3, u3, deg, b3.reshape(1, -1), f_out)
    return out

# --- scband reference (transcript-rebuilt; emitter-appended) ---
"""Pipeline reference for scband-gcn-22608707846555 (READ-ONLY COPY).

The authoritative reference and input builder live on the scoring server;
editing this copy changes nothing except your own understanding.
"""

import jax, jax.numpy as jnp
import numpy as np

N = 10000
E = 320000
F_IN = 128
F_HID = 128
F_OUT = 64


def setup_inputs(seed: int = 0) -> dict:
    key = jax.random.key(seed)
    ks = jax.random.split(key, 12)
    x = jax.random.normal(ks[0], (N, F_IN), dtype=jnp.float32)
    edge_idx = jax.random.randint(ks[1], (2, E), 0, N, dtype=jnp.int32)
    W1 = jax.random.normal(ks[2], (F_IN, F_HID), dtype=jnp.float32) * (1.0 / np.sqrt(F_IN))
    b1 = jnp.zeros((F_HID,), dtype=jnp.float32)
    g1 = jnp.ones((F_HID,), dtype=jnp.float32)
    be1 = jnp.zeros((F_HID,), dtype=jnp.float32)
    W2 = jax.random.normal(ks[3], (F_HID, F_HID), dtype=jnp.float32) * (1.0 / np.sqrt(F_HID))
    b2 = jnp.zeros((F_HID,), dtype=jnp.float32)
    g2 = jnp.ones((F_HID,), dtype=jnp.float32)
    be2 = jnp.zeros((F_HID,), dtype=jnp.float32)
    W3 = jax.random.normal(ks[4], (F_HID, F_OUT), dtype=jnp.float32) * (1.0 / np.sqrt(F_HID))
    b3 = jnp.zeros((F_OUT,), dtype=jnp.float32)
    return {"x": x, "edge_idx": edge_idx, "W1": W1, "b1": b1, "g1": g1, "be1": be1,
            "W2": W2, "b2": b2, "g2": g2, "be2": be2, "W3": W3, "b3": b3}


def gcn_conv(x, edge_index, W, b):
    # GCNConv with add_self_loops=True, normalize=True (gcn_norm), bias after aggregation.
    n = x.shape[0]
    h = x @ W
    row = edge_index[0]
    col = edge_index[1]
    loop = jnp.arange(n, dtype=edge_index.dtype)
    row = jnp.concatenate([row, loop])
    col = jnp.concatenate([col, loop])
    deg = jnp.zeros((n,), dtype=h.dtype).at[col].add(1.0)
    dinv = jnp.where(deg > 0, deg ** -0.5, 0.0)
    norm = dinv[row] * dinv[col]
    msg = h[row] * norm[:, None]          # message: x_j * edge_weight
    out = jnp.zeros((n, h.shape[1]), dtype=h.dtype).at[col].add(msg)  # scatter-add aggregate
    return out + b


def batch_norm(x, gamma, beta, eps=1e-5):
    mean = jnp.mean(x, axis=0)
    var = jnp.var(x, axis=0)
    return (x - mean) / jnp.sqrt(var + eps) * gamma + beta


def reference(x, edge_idx, W1, b1, g1, be1, W2, b2, g2, be2, W3, b3):
    h = gcn_conv(x, edge_idx, W1, b1)
    h = batch_norm(h, g1, be1)
    h = jax.nn.relu(h)
    h = gcn_conv(h, edge_idx, W2, b2)
    h = batch_norm(h, g2, be2)
    h = jax.nn.relu(h)
    out = gcn_conv(h, edge_idx, W3, b3)
    return out

if __name__ == "__main__":
    import jax
    _d = setup_inputs()
    print(jax.jit(kernel)(*tuple(_d.values())))

</pallas_src>

<mosaic_0001>
#map = affine_map<(d0, d1) -> (0, 0)>
#map1 = affine_map<(d0, d1) -> (0, 0, 0)>
module attributes {stable_mosaic.version = 14 : i64} {
  func.func @k(%arg0: i32, %arg1: i32, %arg2: memref<10000x128xf32, #tpu.memory_space<hbm>>, %arg3: memref<16x160x128xi32, #tpu.memory_space<hbm>>, %arg4: memref<16x160x128xi32, #tpu.memory_space<hbm>>, %arg5: memref<10112x128xf32, #tpu.memory_space<hbm>>, %arg6: memref<20224x128xf32, #tpu.memory_space<hbm>>, %arg7: memref<40x128xi32, #tpu.memory_space<vmem>>, %arg8: memref<40x128xi32, #tpu.memory_space<vmem>>, %arg9: memref<2x128x128xf32, #tpu.memory_space<vmem>>, %arg10: memref<10112x128xf32, #tpu.memory_space<vmem_shared>>, %arg11: memref<2x!tpu.dma_semaphore, #tpu.memory_space<semaphore_mem>>, %arg12: memref<2x!tpu.dma_semaphore, #tpu.memory_space<semaphore_mem>>) attributes {dimension_semantics = [#tpu.dimension_semantics<core_parallel>, #tpu.dimension_semantics<subcore_parallel>], iteration_bounds = array<i64: 2, 16>, scalar_prefetch = 0 : i64, scratch_operands = 6 : i64, tpu.core_type = #tpu.core_type<sc_vector_subcore>, window_params = [{transform_indices = #map}, {transform_indices = #map1}, {transform_indices = #map1}, {transform_indices = #map}, {transform_indices = #map}]} {
    %eq3A = arith.constant 0 : i32
    %eq3A_0 = arith.cmpi eq, %arg0, %eq3A : i32
    %jit3A = arith.constant 0 : i32
    %jit3A_1 = arith.constant 120 : i32
    %select_n3A = arith.select %eq3A_0, %jit3A, %jit3A_1 : i32
    %mul3A = arith.constant 632 : i32
    %mul3A_2 = arith.muli %arg1, %mul3A : i32
    %mul3A_3 = arith.constant 632 : i32
    %mul3A_4 = arith.muli %arg1, %mul3A_3 : i32
    "tpu.region"() ({
      %run_scoped3A = tpu.sem_alloc : memref<!tpu.dma_semaphore, #tpu.memory_space<semaphore_mem>>
      %dma_start3A_83 = arith.constant 0 : i32
      %dma_start3A_84 = tpu.memref_slice %arg10[%mul3A_4, %dma_start3A_83] : memref<10112x128xf32, #tpu.memory_space<vmem_shared>> -> memref<632x128xf32, #tpu.memory_space<vmem_shared>>
      %dma_start3A_85 = arith.constant 0 : i32
      %dma_start3A_86 = tpu.memref_slice %arg5[%mul3A_2, %dma_start3A_85] : memref<10112x128xf32, #tpu.memory_space<hbm>> -> memref<632x128xf32, #tpu.memory_space<hbm>>
      tpu.enqueue_dma source(%dma_start3A_86 : memref<632x128xf32, #tpu.memory_space<hbm>>) target(%dma_start3A_84 : memref<632x128xf32, #tpu.memory_space<vmem_shared>>) target_semaphore(%run_scoped3A : memref<!tpu.dma_semaphore, #tpu.memory_space<semaphore_mem>>)
      %dma_wait3A_87 = arith.constant 0 : i32
      %dma_wait3A_88 = tpu.memref_slice %arg10[%mul3A_4, %dma_wait3A_87] : memref<10112x128xf32, #tpu.memory_space<vmem_shared>> -> memref<632x128xf32, #tpu.memory_space<vmem_shared>>
      %dma_wait3A_89 = arith.constant 0 : i32
      %dma_wait3A_90 = tpu.memref_slice %arg5[%mul3A_2, %dma_wait3A_89] : memref<10112x128xf32, #tpu.memory_space<hbm>> -> memref<632x128xf32, #tpu.memory_space<hbm>>
      tpu.wait_dma2 semaphore(%run_scoped3A : memref<!tpu.dma_semaphore, #tpu.memory_space<semaphore_mem>>) src(%dma_wait3A_90 : memref<632x128xf32, #tpu.memory_space<hbm>>) dst(%dma_wait3A_88 : memref<632x128xf32, #tpu.memory_space<vmem_shared>>)
      tpu.yield
    }) : () -> ()
    %barrier3A = arith.constant 0 : index
    tpu.barrier barrier_id(%barrier3A)
    "tpu.region"() ({
      %run_scoped3A = tpu.sem_alloc : memref<!tpu.dma_semaphore, #tpu.memory_space<semaphore_mem>>
      %dma_start3A_83 = arith.constant 0 : i32
      %dma_start3A_84 = tpu.memref_slice %arg3[%arg1, %select_n3A, %dma_start3A_83] : memref<16x160x128xi32, #tpu.memory_space<hbm>> -> memref<1x40x128xi32, #tpu.memory_space<hbm>>
      %dma_start3A_85 = tpu.memref_squeeze %dma_start3A_84 : memref<1x40x128xi32, #tpu.memory_space<hbm>> -> memref<40x128xi32, #tpu.memory_space<hbm>>
      %dma_start3A_86 = arith.constant 0 : i32
      %dma_start3A_87 = tpu.memref_slice %arg3[%arg1, %select_n3A, %dma_start3A_86] : memref<16x160x128xi32, #tpu.memory_space<hbm>> -> memref<1x40x128xi32, #tpu.memory_space<hbm>>
      %dma_start3A_88 = tpu.memref_squeeze %dma_start3A_87 : memref<1x40x128xi32, #tpu.memory_space<hbm>> -> memref<40x128xi32, #tpu.memory_space<hbm>>
      tpu.enqueue_dma source(%dma_start3A_88 : memref<40x128xi32, #tpu.memory_space<hbm>>) target(%arg7 : memref<40x128xi32, #tpu.memory_space<vmem>>) target_semaphore(%run_scoped3A : memref<!tpu.dma_semaphore, #tpu.memory_space<semaphore_mem>>)
      %dma_wait3A_89 = arith.constant 0 : i32
      %dma_wait3A_90 = tpu.memref_slice %arg3[%arg1, %select_n3A, %dma_wait3A_89] : memref<16x160x128xi32, #tpu.memory_space<hbm>> -> memref<1x40x128xi32, #tpu.memory_space<hbm>>
      %dma_wait3A_91 = tpu.memref_squeeze %dma_wait3A_90 : memref<1x40x128xi32, #tpu.memory_space<hbm>> -> memref<40x128xi32, #tpu.memory_space<hbm>>
      %dma_wait3A_92 = arith.constant 0 : i32
      %dma_wait3A_93 = tpu.memref_slice %arg3[%arg1, %select_n3A, %dma_wait3A_92] : memref<16x160x128xi32, #tpu.memory_space<hbm>> -> memref<1x40x128xi32, #tpu.memory_space<hbm>>
      %dma_wait3A_94 = tpu.memref_squeeze %dma_wait3A_93 : memref<1x40x128xi32, #tpu.memory_space<hbm>> -> memref<40x128xi32, #tpu.memory_space<hbm>>
      tpu.wait_dma2 semaphore(%run_scoped3A : memref<!tpu.dma_semaphore, #tpu.memory_space<semaphore_mem>>) src(%dma_wait3A_94 : memref<40x128xi32, #tpu.memory_space<hbm>>) dst(%arg7 : memref<40x128xi32, #tpu.memory_space<vmem>>)
      tpu.yield
    }) : () -> ()
    "tpu.region"() ({
      %run_scoped3A = tpu.sem_alloc : memref<!tpu.dma_semaphore, #tpu.memory_space<semaphore_mem>>
      %dma_start3A_83 = arith.constant 0 : i32
      %dma_start3A_84 = tpu.memref_slice %arg4[%arg1, %select_n3A, %dma_start3A_83] : memref<16x160x128xi32, #tpu.memory_space<hbm>> -> memref<1x40x128xi32, #tpu.memory_space<hbm>>
      %dma_start3A_85 = tpu.memref_squeeze %dma_start3A_84 : memref<1x40x128xi32, #tpu.memory_space<hbm>> -> memref<40x128xi32, #tpu.memory_space<hbm>>
      %dma_start3A_86 = arith.constant 0 : i32
      %dma_start3A_87 = tpu.memref_slice %arg4[%arg1, %select_n3A, %dma_start3A_86] : memref<16x160x128xi32, #tpu.memory_space<hbm>> -> memref<1x40x128xi32, #tpu.memory_space<hbm>>
      %dma_start3A_88 = tpu.memref_squeeze %dma_start3A_87 : memref<1x40x128xi32, #tpu.memory_space<hbm>> -> memref<40x128xi32, #tpu.memory_space<hbm>>
      tpu.enqueue_dma source(%dma_start3A_88 : memref<40x128xi32, #tpu.memory_space<hbm>>) target(%arg8 : memref<40x128xi32, #tpu.memory_space<vmem>>) target_semaphore(%run_scoped3A : memref<!tpu.dma_semaphore, #tpu.memory_space<semaphore_mem>>)
      %dma_wait3A_89 = arith.constant 0 : i32
      %dma_wait3A_90 = tpu.memref_slice %arg4[%arg1, %select_n3A, %dma_wait3A_89] : memref<16x160x128xi32, #tpu.memory_space<hbm>> -> memref<1x40x128xi32, #tpu.memory_space<hbm>>
      %dma_wait3A_91 = tpu.memref_squeeze %dma_wait3A_90 : memref<1x40x128xi32, #tpu.memory_space<hbm>> -> memref<40x128xi32, #tpu.memory_space<hbm>>
      %dma_wait3A_92 = arith.constant 0 : i32
      %dma_wait3A_93 = tpu.memref_slice %arg4[%arg1, %select_n3A, %dma_wait3A_92] : memref<16x160x128xi32, #tpu.memory_space<hbm>> -> memref<1x40x128xi32, #tpu.memory_space<hbm>>
      %dma_wait3A_94 = tpu.memref_squeeze %dma_wait3A_93 : memref<1x40x128xi32, #tpu.memory_space<hbm>> -> memref<40x128xi32, #tpu.memory_space<hbm>>
      tpu.wait_dma2 semaphore(%run_scoped3A : memref<!tpu.dma_semaphore, #tpu.memory_space<semaphore_mem>>) src(%dma_wait3A_94 : memref<40x128xi32, #tpu.memory_space<hbm>>) dst(%arg8 : memref<40x128xi32, #tpu.memory_space<vmem>>)
      tpu.yield
    }) : () -> ()
    %dma_start3A = arith.constant 0 : i32
    %dma_start3A_5 = arith.constant 0 : i32
    %dma_start3A_6 = arith.constant 0 : i32
    %dma_start3A_7 = arith.constant 0 : i32
    %dma_start3A_8 = arith.constant 0 : i32
    %dma_start3A_9 = tpu.memref_slice %arg9[%dma_start3A_5, %dma_start3A_7, %dma_start3A_8] : memref<2x128x128xf32, #tpu.memory_space<vmem>> -> memref<1x128x128xf32, #tpu.memory_space<vmem>>
    %dma_start3A_10 = tpu.memref_squeeze %dma_start3A_9 : memref<1x128x128xf32, #tpu.memory_space<vmem>> -> memref<128x128xf32, #tpu.memory_space<vmem>>
    %dma_start3A_11 = arith.constant 0 : i32
    %dma_start3A_12 = tpu.memref_slice %arg7[%dma_start3A, %dma_start3A_11] : memref<40x128xi32, #tpu.memory_space<vmem>> -> memref<1x128xi32, #tpu.memory_space<vmem>>
    %dma_start3A_13 = tpu.memref_squeeze %dma_start3A_12 : memref<1x128xi32, #tpu.memory_space<vmem>> -> memref<128xi32, #tpu.memory_space<vmem>>
    %dma_start3A_14 = arith.constant 0 : i32
    %dma_start3A_15 = arith.constant 0 : i32
    %dma_start3A_16 = tpu.memref_slice %arg2[%dma_start3A_14, %dma_start3A_15] : memref<10000x128xf32, #tpu.memory_space<hbm>> -> memref<10000x128xf32, #tpu.memory_space<hbm>>
    %dma_start3A_17 = tpu.memref_slice %arg11[%dma_start3A_6] : memref<2x!tpu.dma_semaphore, #tpu.memory_space<semaphore_mem>> -> memref<1x!tpu.dma_semaphore, #tpu.memory_space<semaphore_mem>>
    %dma_start3A_18 = tpu.memref_squeeze %dma_start3A_17 : memref<1x!tpu.dma_semaphore, #tpu.memory_space<semaphore_mem>> -> memref<!tpu.dma_semaphore, #tpu.memory_space<semaphore_mem>>
    tpu.enqueue_indirect_dma source(%dma_start3A_16 : memref<10000x128xf32, #tpu.memory_space<hbm>>) target(%dma_start3A_10 : memref<128x128xf32, #tpu.memory_space<vmem>>) offsets(%dma_start3A_13 : memref<128xi32, #tpu.memory_space<vmem>>) semaphore(%dma_start3A_18 : memref<!tpu.dma_semaphore, #tpu.memory_space<semaphore_mem>>)
    %dma_start3A_19 = arith.constant 1 : i32
    %dma_start3A_20 = arith.constant 1 : i32
    %dma_start3A_21 = arith.constant 1 : i32
    %dma_start3A_22 = arith.constant 0 : i32
    %dma_start3A_23 = arith.constant 0 : i32
    %dma_start3A_24 = tpu.memref_slice %arg9[%dma_start3A_20, %dma_start3A_22, %dma_start3A_23] : memref<2x128x128xf32, #tpu.memory_space<vmem>> -> memref<1x128x128xf32, #tpu.memory_space<vmem>>
    %dma_start3A_25 = tpu.memref_squeeze %dma_start3A_24 : memref<1x128x128xf32, #tpu.memory_space<vmem>> -> memref<128x128xf32, #tpu.memory_space<vmem>>
    %dma_start3A_26 = arith.constant 0 : i32
    %dma_start3A_27 = tpu.memref_slice %arg7[%dma_start3A_19, %dma_start3A_26] : memref<40x128xi32, #tpu.memory_space<vmem>> -> memref<1x128xi32, #tpu.memory_space<vmem>>
    %dma_start3A_28 = tpu.memref_squeeze %dma_start3A_27 : memref<1x128xi32, #tpu.memory_space<vmem>> -> memref<128xi32, #tpu.memory_space<vmem>>
    %dma_start3A_29 = arith.constant 0 : i32
    %dma_start3A_30 = arith.constant 0 : i32
    %dma_start3A_31 = tpu.memref_slice %arg2[%dma_start3A_29, %dma_start3A_30] : memref<10000x128xf32, #tpu.memory_space<hbm>> -> memref<10000x128xf32, #tpu.memory_space<hbm>>
    %dma_start3A_32 = tpu.memref_slice %arg11[%dma_start3A_21] : memref<2x!tpu.dma_semaphore, #tpu.memory_space<semaphore_mem>> -> memref<1x!tpu.dma_semaphore, #tpu.memory_space<semaphore_mem>>
    %dma_start3A_33 = tpu.memref_squeeze %dma_start3A_32 : memref<1x!tpu.dma_semaphore, #tpu.memory_space<semaphore_mem>> -> memref<!tpu.dma_semaphore, #tpu.memory_space<semaphore_mem>>
    tpu.enqueue_indirect_dma source(%dma_start3A_31 : memref<10000x128xf32, #tpu.memory_space<hbm>>) target(%dma_start3A_25 : memref<128x128xf32, #tpu.memory_space<vmem>>) offsets(%dma_start3A_28 : memref<128xi32, #tpu.memory_space<vmem>>) semaphore(%dma_start3A_33 : memref<!tpu.dma_semaphore, #tpu.memory_space<semaphore_mem>>)
    %scan3A = arith.constant 0 : i32
    %scan3A_34 = arith.constant 0 : i32
    %scan3A_35 = arith.constant 20 : i32
    %scan3A_36 = arith.addi %scan3A_34, %scan3A_35 : i32
    %scan3A_37 = arith.constant 1 : i32
    scf.for %scan3A_83 = %scan3A_34 to %scan3A_36 step %scan3A_37  : i32 {
      %mul3A_84 = arith.constant 2 : i32
      %mul3A_85 = arith.muli %scan3A_83, %mul3A_84 : i32
      %add3A_86 = arith.constant 0 : i32
      %add3A_87 = arith.addi %mul3A_85, %add3A_86 : i32
      %dma_wait3A_88 = arith.constant 0 : i32
      %dma_wait3A_89 = arith.constant 0 : i32
      %dma_wait3A_90 = arith.constant 0 : i32
      %dma_wait3A_91 = arith.constant 0 : i32
      %dma_wait3A_92 = tpu.memref_slice %arg9[%dma_wait3A_88, %dma_wait3A_90, %dma_wait3A_91] : memref<2x128x128xf32, #tpu.memory_space<vmem>> -> memref<1x128x128xf32, #tpu.memory_space<vmem>>
      %dma_wait3A_93 = tpu.memref_squeeze %dma_wait3A_92 : memref<1x128x128xf32, #tpu.memory_space<vmem>> -> memref<128x128xf32, #tpu.memory_space<vmem>>
      %dma_wait3A_94 = arith.constant 0 : i32
      %dma_wait3A_95 = tpu.memref_slice %arg7[%add3A_87, %dma_wait3A_94] : memref<40x128xi32, #tpu.memory_space<vmem>> -> memref<1x128xi32, #tpu.memory_space<vmem>>
      %dma_wait3A_96 = tpu.memref_squeeze %dma_wait3A_95 : memref<1x128xi32, #tpu.memory_space<vmem>> -> memref<128xi32, #tpu.memory_space<vmem>>
      %dma_wait3A_97 = arith.constant 0 : i32
      %dma_wait3A_98 = arith.constant 0 : i32
      %dma_wait3A_99 = tpu.memref_slice %arg2[%dma_wait3A_97, %dma_wait3A_98] : memref<10000x128xf32, #tpu.memory_space<hbm>> -> memref<10000x128xf32, #tpu.memory_space<hbm>>
      %dma_wait3A_100 = tpu.memref_slice %arg11[%dma_wait3A_89] : memref<2x!tpu.dma_semaphore, #tpu.memory_space<semaphore_mem>> -> memref<1x!tpu.dma_semaphore, #tpu.memory_space<semaphore_mem>>
      %dma_wait3A_101 = tpu.memref_squeeze %dma_wait3A_100 : memref<1x!tpu.dma_semaphore, #tpu.memory_space<semaphore_mem>> -> memref<!tpu.dma_semaphore, #tpu.memory_space<semaphore_mem>>
      tpu.wait_indirect_dma semaphore(%dma_wait3A_101 : memref<!tpu.dma_semaphore, #tpu.memory_space<semaphore_mem>>) src(%dma_wait3A_99 : memref<10000x128xf32, #tpu.memory_space<hbm>>) dst(%dma_wait3A_93 : memref<128x128xf32, #tpu.memory_space<vmem>>)
      %dma_start3A_102 = arith.constant 0 : i32
      %dma_start3A_103 = arith.constant 0 : i32
      %dma_start3A_104 = arith.constant 0 : i32
      %dma_start3A_105 = arith.constant 0 : i32
      %dma_start3A_106 = tpu.memref_slice %arg9[%dma_start3A_102, %dma_start3A_104, %dma_start3A_105] : memref<2x128x128xf32, #tpu.memory_space<vmem>> -> memref<1x128x128xf32, #tpu.memory_space<vmem>>
      %dma_start3A_107 = tpu.memref_squeeze %dma_start3A_106 : memref<1x128x128xf32, #tpu.memory_space<vmem>> -> memref<128x128xf32, #tpu.memory_space<vmem>>
      %dma_start3A_108 = arith.constant 0 : i32
      %dma_start3A_109 = tpu.memref_slice %arg8[%add3A_87, %dma_start3A_108] : memref<40x128xi32, #tpu.memory_space<vmem>> -> memref<1x128xi32, #tpu.memory_space<vmem>>
      %dma_start3A_110 = tpu.memref_squeeze %dma_start3A_109 : memref<1x128xi32, #tpu.memory_space<vmem>> -> memref<128xi32, #tpu.memory_space<vmem>>
      %dma_start3A_111 = arith.constant 0 : i32
      %dma_start3A_112 = arith.constant 0 : i32
      %dma_start3A_113 = tpu.memref_slice %arg10[%dma_start3A_111, %dma_start3A_112] : memref<10112x128xf32, #tpu.memory_space<vmem_shared>> -> memref<10112x128xf32, #tpu.memory_space<vmem_shared>>
      %dma_start3A_114 = tpu.memref_slice %arg12[%dma_start3A_103] : memref<2x!tpu.dma_semaphore, #tpu.memory_space<semaphore_mem>> -> memref<1x!tpu.dma_semaphore, #tpu.memory_space<semaphore_mem>>
      %dma_start3A_115 = tpu.memref_squeeze %dma_start3A_114 : memref<1x!tpu.dma_semaphore, #tpu.memory_space<semaphore_mem>> -> memref<!tpu.dma_semaphore, #tpu.memory_space<semaphore_mem>>
      tpu.enqueue_indirect_dma source(%dma_start3A_107 : memref<128x128xf32, #tpu.memory_space<vmem>>) target(%dma_start3A_113 : memref<10112x128xf32, #tpu.memory_space<vmem_shared>>) offsets(%dma_start3A_110 : memref<128xi32, #tpu.memory_space<vmem>>) semaphore(%dma_start3A_115 : memref<!tpu.dma_semaphore, #tpu.memory_space<semaphore_mem>>) {add = true}
      %sub3A = arith.constant 1 : i32
      %sub3A_116 = arith.subi %add3A_87, %sub3A : i32
      %ge3A = arith.constant 0 : i32
      %ge3A_117 = arith.cmpi sge, %sub3A_116, %ge3A : i32
      %add3A_118 = arith.constant 2 : i32
      %add3A_119 = arith.addi %sub3A_116, %add3A_118 : i32
      %lt3A = arith.constant 40 : i32
      %lt3A_120 = arith.cmpi slt, %add3A_119, %lt3A : i32
      %and3A = arith.andi %ge3A_117, %lt3A_120 : i1
      %convert_element_type3A_121 = arith.extui %and3A : i1 to i32
      %cond3A_122 = arith.constant 0 : i32
      %cond3A_123 = arith.cmpi ne, %convert_element_type3A_121, %cond3A_122 : i32
      scf.if %cond3A_123 {
        %dma_wait3A_168 = arith.constant 1 : i32
        %dma_wait3A_169 = arith.constant 1 : i32
        %dma_wait3A_170 = arith.constant 0 : i32
        %dma_wait3A_171 = arith.constant 0 : i32
        %dma_wait3A_172 = tpu.memref_slice %arg9[%dma_wait3A_168, %dma_wait3A_170, %dma_wait3A_171] : memref<2x128x128xf32, #tpu.memory_space<vmem>> -> memref<1x128x128xf32, #tpu.memory_space<vmem>>
        %dma_wait3A_173 = tpu.memref_squeeze %dma_wait3A_172 : memref<1x128x128xf32, #tpu.memory_space<vmem>> -> memref<128x128xf32, #tpu.memory_space<vmem>>
        %dma_wait3A_174 = arith.constant 0 : i32
        %dma_wait3A_175 = tpu.memref_slice %arg8[%sub3A_116, %dma_wait3A_174] : memref<40x128xi32, #tpu.memory_space<vmem>> -> memref<1x128xi32, #tpu.memory_space<vmem>>
        %dma_wait3A_176 = tpu.memref_squeeze %dma_wait3A_175 : memref<1x128xi32, #tpu.memory_space<vmem>> -> memref<128xi32, #tpu.memory_space<vmem>>
        %dma_wait3A_177 = arith.constant 0 : i32
        %dma_wait3A_178 = arith.constant 0 : i32
        %dma_wait3A_179 = tpu.memref_slice %arg10[%dma_wait3A_177, %dma_wait3A_178] : memref<10112x128xf32, #tpu.memory_space<vmem_shared>> -> memref<10112x128xf32, #tpu.memory_space<vmem_shared>>
        %dma_wait3A_180 = tpu.memref_slice %arg12[%dma_wait3A_169] : memref<2x!tpu.dma_semaphore, #tpu.memory_space<semaphore_mem>> -> memref<1x!tpu.dma_semaphore, #tpu.memory_space<semaphore_mem>>
        %dma_wait3A_181 = tpu.memref_squeeze %dma_wait3A_180 : memref<1x!tpu.dma_semaphore, #tpu.memory_space<semaphore_mem>> -> memref<!tpu.dma_semaphore, #tpu.memory_space<semaphore_mem>>
        tpu.wait_indirect_dma semaphore(%dma_wait3A_181 : memref<!tpu.dma_semaphore, #tpu.memory_space<semaphore_mem>>) src(%dma_wait3A_173 : memref<128x128xf32, #tpu.memory_space<vmem>>) dst(%dma_wait3A_179 : memref<10112x128xf32, #tpu.memory_space<vmem_shared>>)
        %add3A_182 = arith.constant 2 : i32
        %add3A_183 = arith.addi %sub3A_116, %add3A_182 : i32
        %dma_start3A_184 = arith.constant 1 : i32
        %dma_start3A_185 = arith.constant 1 : i32
        %dma_start3A_186 = arith.constant 0 : i32
        %dma_start3A_187 = arith.constant 0 : i32
        %dma_start3A_188 = tpu.memref_slice %arg9[%dma_start3A_184, %dma_start3A_186, %dma_start3A_187] : memref<2x128x128xf32, #tpu.memory_space<vmem>> -> memref<1x128x128xf32, #tpu.memory_space<vmem>>
        %dma_start3A_189 = tpu.memref_squeeze %dma_start3A_188 : memref<1x128x128xf32, #tpu.memory_space<vmem>> -> memref<128x128xf32, #tpu.memory_space<vmem>>
        %dma_start3A_190 = arith.constant 0 : i32
        %dma_start3A_191 = tpu.memref_slice %arg7[%add3A_183, %dma_start3A_190] : memref<40x128xi32, #tpu.memory_space<vmem>> -> memref<1x128xi32, #tpu.memory_space<vmem>>
        %dma_start3A_192 = tpu.memref_squeeze %dma_start3A_191 : memref<1x128xi32, #tpu.memory_space<vmem>> -> memref<128xi32, #tpu.memory_space<vmem>>
        %dma_start3A_193 = arith.constant 0 : i32
        %dma_start3A_194 = arith.constant 0 : i32
        %dma_start3A_195 = tpu.memref_slice %arg2[%dma_start3A_193, %dma_start3A_194] : memref<10000x128xf32, #tpu.memory_space<hbm>> -> memref<10000x128xf32, #tpu.memory_space<hbm>>
        %dma_start3A_196 = tpu.memref_slice %arg11[%dma_start3A_185] : memref<2x!tpu.dma_semaphore, #tpu.memory_space<semaphore_mem>> -> memref<1x!tpu.dma_semaphore, #tpu.memory_space<semaphore_mem>>
        %dma_start3A_197 = tpu.memref_squeeze %dma_start3A_196 : memref<1x!tpu.dma_semaphore, #tpu.memory_space<semaphore_mem>> -> memref<!tpu.dma_semaphore, #tpu.memory_space<semaphore_mem>>
        tpu.enqueue_indirect_dma source(%dma_start3A_195 : memref<10000x128xf32, #tpu.memory_space<hbm>>) target(%dma_start3A_189 : memref<128x128xf32, #tpu.memory_space<vmem>>) offsets(%dma_start3A_192 : memref<128xi32, #tpu.memory_space<vmem>>) semaphore(%dma_start3A_197 : memref<!tpu.dma_semaphore, #tpu.memory_space<semaphore_mem>>)
      } else {
      }
      %mul3A_124 = arith.constant 2 : i32
      %mul3A_125 = arith.muli %scan3A_83, %mul3A_124 : i32
      %add3A_126 = arith.constant 1 : i32
      %add3A_127 = arith.addi %mul3A_125, %add3A_126 : i32
      %dma_wait3A_128 = arith.constant 1 : i32
      %dma_wait3A_129 = arith.constant 1 : i32
      %dma_wait3A_130 = arith.constant 0 : i32
      %dma_wait3A_131 = arith.constant 0 : i32
      %dma_wait3A_132 = tpu.memref_slice %arg9[%dma_wait3A_128, %dma_wait3A_130, %dma_wait3A_131] : memref<2x128x128xf32, #tpu.memory_space<vmem>> -> memref<1x128x128xf32, #tpu.memory_space<vmem>>
      %dma_wait3A_133 = tpu.memref_squeeze %dma_wait3A_132 : memref<1x128x128xf32, #tpu.memory_space<vmem>> -> memref<128x128xf32, #tpu.memory_space<vmem>>
      %dma_wait3A_134 = arith.constant 0 : i32
      %dma_wait3A_135 = tpu.memref_slice %arg7[%add3A_127, %dma_wait3A_134] : memref<40x128xi32, #tpu.memory_space<vmem>> -> memref<1x128xi32, #tpu.memory_space<vmem>>
      %dma_wait3A_136 = tpu.memref_squeeze %dma_wait3A_135 : memref<1x128xi32, #tpu.memory_space<vmem>> -> memref<128xi32, #tpu.memory_space<vmem>>
      %dma_wait3A_137 = arith.constant 0 : i32
      %dma_wait3A_138 = arith.constant 0 : i32
      %dma_wait3A_139 = tpu.memref_slice %arg2[%dma_wait3A_137, %dma_wait3A_138] : memref<10000x128xf32, #tpu.memory_space<hbm>> -> memref<10000x128xf32, #tpu.memory_space<hbm>>
      %dma_wait3A_140 = tpu.memref_slice %arg11[%dma_wait3A_129] : memref<2x!tpu.dma_semaphore, #tpu.memory_space<semaphore_mem>> -> memref<1x!tpu.dma_semaphore, #tpu.memory_space<semaphore_mem>>
      %dma_wait3A_141 = tpu.memref_squeeze %dma_wait3A_140 : memref<1x!tpu.dma_semaphore, #tpu.memory_space<semaphore_mem>> -> memref<!tpu.dma_semaphore, #tpu.memory_space<semaphore_mem>>
      tpu.wait_indirect_dma semaphore(%dma_wait3A_141 : memref<!tpu.dma_semaphore, #tpu.memory_space<semaphore_mem>>) src(%dma_wait3A_139 : memref<10000x128xf32, #tpu.memory_space<hbm>>) dst(%dma_wait3A_133 : memref<128x128xf32, #tpu.memory_space<vmem>>)
      %dma_start3A_142 = arith.constant 1 : i32
      %dma_start3A_143 = arith.constant 1 : i32
      %dma_start3A_144 = arith.constant 0 : i32
      %dma_start3A_145 = arith.constant 0 : i32
      %dma_start3A_146 = tpu.memref_slice %arg9[%dma_start3A_142, %dma_start3A_144, %dma_start3A_145] : memref<2x128x128xf32, #tpu.memory_space<vmem>> -> memref<1x128x128xf32, #tpu.memory_space<vmem>>
      %dma_start3A_147 = tpu.memref_squeeze %dma_start3A_146 : memref<1x128x128xf32, #tpu.memory_space<vmem>> -> memref<128x128xf32, #tpu.memory_space<vmem>>
      %dma_start3A_148 = arith.constant 0 : i32
      %dma_start3A_149 = tpu.memref_slice %arg8[%add3A_127, %dma_start3A_148] : memref<40x128xi32, #tpu.memory_space<vmem>> -> memref<1x128xi32, #tpu.memory_space<vmem>>
      %dma_start3A_150 = tpu.memref_squeeze %dma_start3A_149 : memref<1x128xi32, #tpu.memory_space<vmem>> -> memref<128xi32, #tpu.memory_space<vmem>>
      %dma_start3A_151 = arith.constant 0 : i32
      %dma_start3A_152 = arith.constant 0 : i32
      %dma_start3A_153 = tpu.memref_slice %arg10[%dma_start3A_151, %dma_start3A_152] : memref<10112x128xf32, #tpu.memory_space<vmem_shared>> -> memref<10112x128xf32, #tpu.memory_space<vmem_shared>>
      %dma_start3A_154 = tpu.memref_slice %arg12[%dma_start3A_143] : memref<2x!tpu.dma_semaphore, #tpu.memory_space<semaphore_mem>> -> memref<1x!tpu.dma_semaphore, #tpu.memory_space<semaphore_mem>>
      %dma_start3A_155 = tpu.memref_squeeze %dma_start3A_154 : memref<1x!tpu.dma_semaphore, #tpu.memory_space<semaphore_mem>> -> memref<!tpu.dma_semaphore, #tpu.memory_space<semaphore_mem>>
      tpu.enqueue_indirect_dma source(%dma_start3A_147 : memref<128x128xf32, #tpu.memory_space<vmem>>) target(%dma_start3A_153 : memref<10112x128xf32, #tpu.memory_space<vmem_shared>>) offsets(%dma_start3A_150 : memref<128xi32, #tpu.memory_space<vmem>>) semaphore(%dma_start3A_155 : memref<!tpu.dma_semaphore, #tpu.memory_space<semaphore_mem>>) {add = true}
      %sub3A_156 = arith.constant 1 : i32
      %sub3A_157 = arith.subi %add3A_127, %sub3A_156 : i32
      %ge3A_158 = arith.constant 0 : i32
      %ge3A_159 = arith.cmpi sge, %sub3A_157, %ge3A_158 : i32
      %add3A_160 = arith.constant 2 : i32
      %add3A_161 = arith.addi %sub3A_157, %add3A_160 : i32
      %lt3A_162 = arith.constant 40 : i32
      %lt3A_163 = arith.cmpi slt, %add3A_161, %lt3A_162 : i32
      %and3A_164 = arith.andi %ge3A_159, %lt3A_163 : i1
      %convert_element_type3A_165 = arith.extui %and3A_164 : i1 to i32
      %cond3A_166 = arith.constant 0 : i32
      %cond3A_167 = arith.cmpi ne, %convert_element_type3A_165, %cond3A_166 : i32
      scf.if %cond3A_167 {
        %dma_wait3A_168 = arith.constant 0 : i32
        %dma_wait3A_169 = arith.constant 0 : i32
        %dma_wait3A_170 = arith.constant 0 : i32
        %dma_wait3A_171 = arith.constant 0 : i32
        %dma_wait3A_172 = tpu.memref_slice %arg9[%dma_wait3A_168, %dma_wait3A_170, %dma_wait3A_171] : memref<2x128x128xf32, #tpu.memory_space<vmem>> -> memref<1x128x128xf32, #tpu.memory_space<vmem>>
        %dma_wait3A_173 = tpu.memref_squeeze %dma_wait3A_172 : memref<1x128x128xf32, #tpu.memory_space<vmem>> -> memref<128x128xf32, #tpu.memory_space<vmem>>
        %dma_wait3A_174 = arith.constant 0 : i32
        %dma_wait3A_175 = tpu.memref_slice %arg8[%sub3A_157, %dma_wait3A_174] : memref<40x128xi32, #tpu.memory_space<vmem>> -> memref<1x128xi32, #tpu.memory_space<vmem>>
        %dma_wait3A_176 = tpu.memref_squeeze %dma_wait3A_175 : memref<1x128xi32, #tpu.memory_space<vmem>> -> memref<128xi32, #tpu.memory_space<vmem>>
        %dma_wait3A_177 = arith.constant 0 : i32
        %dma_wait3A_178 = arith.constant 0 : i32
        %dma_wait3A_179 = tpu.memref_slice %arg10[%dma_wait3A_177, %dma_wait3A_178] : memref<10112x128xf32, #tpu.memory_space<vmem_shared>> -> memref<10112x128xf32, #tpu.memory_space<vmem_shared>>
        %dma_wait3A_180 = tpu.memref_slice %arg12[%dma_wait3A_169] : memref<2x!tpu.dma_semaphore, #tpu.memory_space<semaphore_mem>> -> memref<1x!tpu.dma_semaphore, #tpu.memory_space<semaphore_mem>>
        %dma_wait3A_181 = tpu.memref_squeeze %dma_wait3A_180 : memref<1x!tpu.dma_semaphore, #tpu.memory_space<semaphore_mem>> -> memref<!tpu.dma_semaphore, #tpu.memory_space<semaphore_mem>>
        tpu.wait_indirect_dma semaphore(%dma_wait3A_181 : memref<!tpu.dma_semaphore, #tpu.memory_space<semaphore_mem>>) src(%dma_wait3A_173 : memref<128x128xf32, #tpu.memory_space<vmem>>) dst(%dma_wait3A_179 : memref<10112x128xf32, #tpu.memory_space<vmem_shared>>)
        %add3A_182 = arith.constant 2 : i32
        %add3A_183 = arith.addi %sub3A_157, %add3A_182 : i32
        %dma_start3A_184 = arith.constant 0 : i32
        %dma_start3A_185 = arith.constant 0 : i32
        %dma_start3A_186 = arith.constant 0 : i32
        %dma_start3A_187 = arith.constant 0 : i32
        %dma_start3A_188 = tpu.memref_slice %arg9[%dma_start3A_184, %dma_start3A_186, %dma_start3A_187] : memref<2x128x128xf32, #tpu.memory_space<vmem>> -> memref<1x128x128xf32, #tpu.memory_space<vmem>>
        %dma_start3A_189 = tpu.memref_squeeze %dma_start3A_188 : memref<1x128x128xf32, #tpu.memory_space<vmem>> -> memref<128x128xf32, #tpu.memory_space<vmem>>
        %dma_start3A_190 = arith.constant 0 : i32
        %dma_start3A_191 = tpu.memref_slice %arg7[%add3A_183, %dma_start3A_190] : memref<40x128xi32, #tpu.memory_space<vmem>> -> memref<1x128xi32, #tpu.memory_space<vmem>>
        %dma_start3A_192 = tpu.memref_squeeze %dma_start3A_191 : memref<1x128xi32, #tpu.memory_space<vmem>> -> memref<128xi32, #tpu.memory_space<vmem>>
        %dma_start3A_193 = arith.constant 0 : i32
        %dma_start3A_194 = arith.constant 0 : i32
        %dma_start3A_195 = tpu.memref_slice %arg2[%dma_start3A_193, %dma_start3A_194] : memref<10000x128xf32, #tpu.memory_space<hbm>> -> memref<10000x128xf32, #tpu.memory_space<hbm>>
        %dma_start3A_196 = tpu.memref_slice %arg11[%dma_start3A_185] : memref<2x!tpu.dma_semaphore, #tpu.memory_space<semaphore_mem>> -> memref<1x!tpu.dma_semaphore, #tpu.memory_space<semaphore_mem>>
        %dma_start3A_197 = tpu.memref_squeeze %dma_start3A_196 : memref<1x!tpu.dma_semaphore, #tpu.memory_space<semaphore_mem>> -> memref<!tpu.dma_semaphore, #tpu.memory_space<semaphore_mem>>
        tpu.enqueue_indirect_dma source(%dma_start3A_195 : memref<10000x128xf32, #tpu.memory_space<hbm>>) target(%dma_start3A_189 : memref<128x128xf32, #tpu.memory_space<vmem>>) offsets(%dma_start3A_192 : memref<128xi32, #tpu.memory_space<vmem>>) semaphore(%dma_start3A_197 : memref<!tpu.dma_semaphore, #tpu.memory_space<semaphore_mem>>)
      } else {
      }
    }
    %scan3A_38 = arith.constant 20 : i32
    %dma_wait3A = arith.constant 0 : i32
    %dma_wait3A_39 = arith.constant 38 : i32
    %dma_wait3A_40 = arith.constant 0 : i32
    %dma_wait3A_41 = arith.constant 0 : i32
    %dma_wait3A_42 = arith.constant 0 : i32
    %dma_wait3A_43 = tpu.memref_slice %arg9[%dma_wait3A, %dma_wait3A_41, %dma_wait3A_42] : memref<2x128x128xf32, #tpu.memory_space<vmem>> -> memref<1x128x128xf32, #tpu.memory_space<vmem>>
    %dma_wait3A_44 = tpu.memref_squeeze %dma_wait3A_43 : memref<1x128x128xf32, #tpu.memory_space<vmem>> -> memref<128x128xf32, #tpu.memory_space<vmem>>
    %dma_wait3A_45 = arith.constant 0 : i32
    %dma_wait3A_46 = tpu.memref_slice %arg8[%dma_wait3A_39, %dma_wait3A_45] : memref<40x128xi32, #tpu.memory_space<vmem>> -> memref<1x128xi32, #tpu.memory_space<vmem>>
    %dma_wait3A_47 = tpu.memref_squeeze %dma_wait3A_46 : memref<1x128xi32, #tpu.memory_space<vmem>> -> memref<128xi32, #tpu.memory_space<vmem>>
    %dma_wait3A_48 = arith.constant 0 : i32
    %dma_wait3A_49 = arith.constant 0 : i32
    %dma_wait3A_50 = tpu.memref_slice %arg10[%dma_wait3A_48, %dma_wait3A_49] : memref<10112x128xf32, #tpu.memory_space<vmem_shared>> -> memref<10112x128xf32, #tpu.memory_space<vmem_shared>>
    %dma_wait3A_51 = tpu.memref_slice %arg12[%dma_wait3A_40] : memref<2x!tpu.dma_semaphore, #tpu.memory_space<semaphore_mem>> -> memref<1x!tpu.dma_semaphore, #tpu.memory_space<semaphore_mem>>
    %dma_wait3A_52 = tpu.memref_squeeze %dma_wait3A_51 : memref<1x!tpu.dma_semaphore, #tpu.memory_space<semaphore_mem>> -> memref<!tpu.dma_semaphore, #tpu.memory_space<semaphore_mem>>
    tpu.wait_indirect_dma semaphore(%dma_wait3A_52 : memref<!tpu.dma_semaphore, #tpu.memory_space<semaphore_mem>>) src(%dma_wait3A_44 : memref<128x128xf32, #tpu.memory_space<vmem>>) dst(%dma_wait3A_50 : memref<10112x128xf32, #tpu.memory_space<vmem_shared>>)
    %dma_wait3A_53 = arith.constant 1 : i32
    %dma_wait3A_54 = arith.constant 39 : i32
    %dma_wait3A_55 = arith.constant 1 : i32
    %dma_wait3A_56 = arith.constant 0 : i32
    %dma_wait3A_57 = arith.constant 0 : i32
    %dma_wait3A_58 = tpu.memref_slice %arg9[%dma_wait3A_53, %dma_wait3A_56, %dma_wait3A_57] : memref<2x128x128xf32, #tpu.memory_space<vmem>> -> memref<1x128x128xf32, #tpu.memory_space<vmem>>
    %dma_wait3A_59 = tpu.memref_squeeze %dma_wait3A_58 : memref<1x128x128xf32, #tpu.memory_space<vmem>> -> memref<128x128xf32, #tpu.memory_space<vmem>>
    %dma_wait3A_60 = arith.constant 0 : i32
    %dma_wait3A_61 = tpu.memref_slice %arg8[%dma_wait3A_54, %dma_wait3A_60] : memref<40x128xi32, #tpu.memory_space<vmem>> -> memref<1x128xi32, #tpu.memory_space<vmem>>
    %dma_wait3A_62 = tpu.memref_squeeze %dma_wait3A_61 : memref<1x128xi32, #tpu.memory_space<vmem>> -> memref<128xi32, #tpu.memory_space<vmem>>
    %dma_wait3A_63 = arith.constant 0 : i32
    %dma_wait3A_64 = arith.constant 0 : i32
    %dma_wait3A_65 = tpu.memref_slice %arg10[%dma_wait3A_63, %dma_wait3A_64] : memref<10112x128xf32, #tpu.memory_space<vmem_shared>> -> memref<10112x128xf32, #tpu.memory_space<vmem_shared>>
    %dma_wait3A_66 = tpu.memref_slice %arg12[%dma_wait3A_55] : memref<2x!tpu.dma_semaphore, #tpu.memory_space<semaphore_mem>> -> memref<1x!tpu.dma_semaphore, #tpu.memory_space<semaphore_mem>>
    %dma_wait3A_67 = tpu.memref_squeeze %dma_wait3A_66 : memref<1x!tpu.dma_semaphore, #tpu.memory_space<semaphore_mem>> -> memref<!tpu.dma_semaphore, #tpu.memory_space<semaphore_mem>>
    tpu.wait_indirect_dma semaphore(%dma_wait3A_67 : memref<!tpu.dma_semaphore, #tpu.memory_space<semaphore_mem>>) src(%dma_wait3A_59 : memref<128x128xf32, #tpu.memory_space<vmem>>) dst(%dma_wait3A_65 : memref<10112x128xf32, #tpu.memory_space<vmem_shared>>)
    %eq3A_68 = arith.constant 0 : i32
    %eq3A_69 = arith.cmpi eq, %arg0, %eq3A_68 : i32
    %convert_element_type3A = arith.extui %eq3A_69 : i1 to i32
    %cond3A = arith.constant 0 : i32
    %cond3A_70 = arith.cmpi ne, %convert_element_type3A, %cond3A : i32
    scf.if %cond3A_70 {
      "tpu.region"() ({
        %run_scoped3A = tpu.sem_alloc : memref<!tpu.dma_semaphore, #tpu.memory_space<semaphore_mem>>
        %dma_start3A_149 = arith.constant 40 : i32
        %dma_start3A_150 = arith.constant 0 : i32
        %dma_start3A_151 = tpu.memref_slice %arg3[%arg1, %dma_start3A_149, %dma_start3A_150] : memref<16x160x128xi32, #tpu.memory_space<hbm>> -> memref<1x40x128xi32, #tpu.memory_space<hbm>>
        %dma_start3A_152 = tpu.memref_squeeze %dma_start3A_151 : memref<1x40x128xi32, #tpu.memory_space<hbm>> -> memref<40x128xi32, #tpu.memory_space<hbm>>
        %dma_start3A_153 = arith.constant 40 : i32
        %dma_start3A_154 = arith.constant 0 : i32
        %dma_start3A_155 = tpu.memref_slice %arg3[%arg1, %dma_start3A_153, %dma_start3A_154] : memref<16x160x128xi32, #tpu.memory_space<hbm>> -> memref<1x40x128xi32, #tpu.memory_space<hbm>>
        %dma_start3A_156 = tpu.memref_squeeze %dma_start3A_155 : memref<1x40x128xi32, #tpu.memory_space<hbm>> -> memref<40x128xi32, #tpu.memory_space<hbm>>
        tpu.enqueue_dma source(%dma_start3A_156 : memref<40x128xi32, #tpu.memory_space<hbm>>) target(%arg7 : memref<40x128xi32, #tpu.memory_space<vmem>>) target_semaphore(%run_scoped3A : memref<!tpu.dma_semaphore, #tpu.memory_space<semaphore_mem>>)
        %dma_wait3A_157 = arith.constant 40 : i32
        %dma_wait3A_158 = arith.constant 0 : i32
        %dma_wait3A_159 = tpu.memref_slice %arg3[%arg1, %dma_wait3A_157, %dma_wait3A_158] : memref<16x160x128xi32, #tpu.memory_space<hbm>> -> memref<1x40x128xi32, #tpu.memory_space<hbm>>
        %dma_wait3A_160 = tpu.memref_squeeze %dma_wait3A_159 : memref<1x40x128xi32, #tpu.memory_space<hbm>> -> memref<40x128xi32, #tpu.memory_space<hbm>>
        %dma_wait3A_161 = arith.constant 40 : i32
        %dma_wait3A_162 = arith.constant 0 : i32
        %dma_wait3A_163 = tpu.memref_slice %arg3[%arg1, %dma_wait3A_161, %dma_wait3A_162] : memref<16x160x128xi32, #tpu.memory_space<hbm>> -> memref<1x40x128xi32, #tpu.memory_space<hbm>>
        %dma_wait3A_164 = tpu.memref_squeeze %dma_wait3A_163 : memref<1x40x128xi32, #tpu.memory_space<hbm>> -> memref<40x128xi32, #tpu.memory_space<hbm>>
        tpu.wait_dma2 semaphore(%run_scoped3A : memref<!tpu.dma_semaphore, #tpu.memory_space<semaphore_mem>>) src(%dma_wait3A_164 : memref<40x128xi32, #tpu.memory_space<hbm>>) dst(%arg7 : memref<40x128xi32, #tpu.memory_space<vmem>>)
        tpu.yield
      }) : () -> ()
      "tpu.region"() ({
        %run_scoped3A = tpu.sem_alloc : memref<!tpu.dma_semaphore, #tpu.memory_space<semaphore_mem>>
        %dma_start3A_149 = arith.constant 40 : i32
        %dma_start3A_150 = arith.constant 0 : i32
        %dma_start3A_151 = tpu.memref_slice %arg4[%arg1, %dma_start3A_149, %dma_start3A_150] : memref<16x160x128xi32, #tpu.memory_space<hbm>> -> memref<1x40x128xi32, #tpu.memory_space<hbm>>
        %dma_start3A_152 = tpu.memref_squeeze %dma_start3A_151 : memref<1x40x128xi32, #tpu.memory_space<hbm>> -> memref<40x128xi32, #tpu.memory_space<hbm>>
        %dma_start3A_153 = arith.constant 40 : i32
        %dma_start3A_154 = arith.constant 0 : i32
        %dma_start3A_155 = tpu.memref_slice %arg4[%arg1, %dma_start3A_153, %dma_start3A_154] : memref<16x160x128xi32, #tpu.memory_space<hbm>> -> memref<1x40x128xi32, #tpu.memory_space<hbm>>
        %dma_start3A_156 = tpu.memref_squeeze %dma_start3A_155 : memref<1x40x128xi32, #tpu.memory_space<hbm>> -> memref<40x128xi32, #tpu.memory_space<hbm>>
        tpu.enqueue_dma source(%dma_start3A_156 : memref<40x128xi32, #tpu.memory_space<hbm>>) target(%arg8 : memref<40x128xi32, #tpu.memory_space<vmem>>) target_semaphore(%run_scoped3A : memref<!tpu.dma_semaphore, #tpu.memory_space<semaphore_mem>>)
        %dma_wait3A_157 = arith.constant 40 : i32
        %dma_wait3A_158 = arith.constant 0 : i32
        %dma_wait3A_159 = tpu.memref_slice %arg4[%arg1, %dma_wait3A_157, %dma_wait3A_158] : memref<16x160x128xi32, #tpu.memory_space<hbm>> -> memref<1x40x128xi32, #tpu.memory_space<hbm>>
        %dma_wait3A_160 = tpu.memref_squeeze %dma_wait3A_159 : memref<1x40x128xi32, #tpu.memory_space<hbm>> -> memref<40x128xi32, #tpu.memory_space<hbm>>
        %dma_wait3A_161 = arith.constant 40 : i32
        %dma_wait3A_162 = arith.constant 0 : i32
        %dma_wait3A_163 = tpu.memref_slice %arg4[%arg1, %dma_wait3A_161, %dma_wait3A_162] : memref<16x160x128xi32, #tpu.memory_space<hbm>> -> memref<1x40x128xi32, #tpu.memory_space<hbm>>
        %dma_wait3A_164 = tpu.memref_squeeze %dma_wait3A_163 : memref<1x40x128xi32, #tpu.memory_space<hbm>> -> memref<40x128xi32, #tpu.memory_space<hbm>>
        tpu.wait_dma2 semaphore(%run_scoped3A : memref<!tpu.dma_semaphore, #tpu.memory_space<semaphore_mem>>) src(%dma_wait3A_164 : memref<40x128xi32, #tpu.memory_space<hbm>>) dst(%arg8 : memref<40x128xi32, #tpu.memory_space<vmem>>)
        tpu.yield
      }) : () -> ()
      %dma_start3A_83 = arith.constant 0 : i32
      %dma_start3A_84 = arith.constant 0 : i32
      %dma_start3A_85 = arith.constant 0 : i32
      %dma_start3A_86 = arith.constant 0 : i32
      %dma_start3A_87 = arith.constant 0 : i32
      %dma_start3A_88 = tpu.memref_slice %arg9[%dma_start3A_84, %dma_start3A_86, %dma_start3A_87] : memref<2x128x128xf32, #tpu.memory_space<vmem>> -> memref<1x128x128xf32, #tpu.memory_space<vmem>>
      %dma_start3A_89 = tpu.memref_squeeze %dma_start3A_88 : memref<1x128x128xf32, #tpu.memory_space<vmem>> -> memref<128x128xf32, #tpu.memory_space<vmem>>
      %dma_start3A_90 = arith.constant 0 : i32
      %dma_start3A_91 = tpu.memref_slice %arg7[%dma_start3A_83, %dma_start3A_90] : memref<40x128xi32, #tpu.memory_space<vmem>> -> memref<1x128xi32, #tpu.memory_space<vmem>>
      %dma_start3A_92 = tpu.memref_squeeze %dma_start3A_91 : memref<1x128xi32, #tpu.memory_space<vmem>> -> memref<128xi32, #tpu.memory_space<vmem>>
      %dma_start3A_93 = arith.constant 0 : i32
      %dma_start3A_94 = arith.constant 0 : i32
      %dma_start3A_95 = tpu.memref_slice %arg2[%dma_start3A_93, %dma_start3A_94] : memref<10000x128xf32, #tpu.memory_space<hbm>> -> memref<10000x128xf32, #tpu.memory_space<hbm>>
      %dma_start3A_96 = tpu.memref_slice %arg11[%dma_start3A_85] : memref<2x!tpu.dma_semaphore, #tpu.memory_space<semaphore_mem>> -> memref<1x!tpu.dma_semaphore, #tpu.memory_space<semaphore_mem>>
      %dma_start3A_97 = tpu.memref_squeeze %dma_start3A_96 : memref<1x!tpu.dma_semaphore, #tpu.memory_space<semaphore_mem>> -> memref<!tpu.dma_semaphore, #tpu.memory_space<semaphore_mem>>
      tpu.enqueue_indirect_dma source(%dma_start3A_95 : memref<10000x128xf32, #tpu.memory_space<hbm>>) target(%dma_start3A_89 : memref<128x128xf32, #tpu.memory_space<vmem>>) offsets(%dma_start3A_92 : memref<128xi32, #tpu.memory_space<vmem>>) semaphore(%dma_start3A_97 : memref<!tpu.dma_semaphore, #tpu.memory_space<semaphore_mem>>)
      %dma_start3A_98 = arith.constant 1 : i32
      %dma_start3A_99 = arith.constant 1 : i32
      %dma_start3A_100 = arith.constant 1 : i32
      %dma_start3A_101 = arith.constant 0 : i32
      %dma_start3A_102 = arith.constant 0 : i32
      %dma_start3A_103 = tpu.memref_slice %arg9[%dma_start3A_99, %dma_start3A_101, %dma_start3A_102] : memref<2x128x128xf32, #tpu.memory_space<vmem>> -> memref<1x128x128xf32, #tpu.memory_space<vmem>>
      %dma_start3A_104 = tpu.memref_squeeze %dma_start3A_103 : memref<1x128x128xf32, #tpu.memory_space<vmem>> -> memref<128x128xf32, #tpu.memory_space<vmem>>
      %dma_start3A_105 = arith.constant 0 : i32
      %dma_start3A_106 = tpu.memref_slice %arg7[%dma_start3A_98, %dma_start3A_105] : memref<40x128xi32, #tpu.memory_space<vmem>> -> memref<1x128xi32, #tpu.memory_space<vmem>>
      %dma_start3A_107 = tpu.memref_squeeze %dma_start3A_106 : memref<1x128xi32, #tpu.memory_space<vmem>> -> memref<128xi32, #tpu.memory_space<vmem>>
      %dma_start3A_108 = arith.constant 0 : i32
      %dma_start3A_109 = arith.constant 0 : i32
      %dma_start3A_110 = tpu.memref_slice %arg2[%dma_start3A_108, %dma_start3A_109] : memref<10000x128xf32, #tpu.memory_space<hbm>> -> memref<10000x128xf32, #tpu.memory_space<hbm>>
      %dma_start3A_111 = tpu.memref_slice %arg11[%dma_start3A_100] : memref<2x!tpu.dma_semaphore, #tpu.memory_space<semaphore_mem>> -> memref<1x!tpu.dma_semaphore, #tpu.memory_space<semaphore_mem>>
      %dma_start3A_112 = tpu.memref_squeeze %dma_start3A_111 : memref<1x!tpu.dma_semaphore, #tpu.memory_space<semaphore_mem>> -> memref<!tpu.dma_semaphore, #tpu.memory_space<semaphore_mem>>
      tpu.enqueue_indirect_dma source(%dma_start3A_110 : memref<10000x128xf32, #tpu.memory_space<hbm>>) target(%dma_start3A_104 : memref<128x128xf32, #tpu.memory_space<vmem>>) offsets(%dma_start3A_107 : memref<128xi32, #tpu.memory_space<vmem>>) semaphore(%dma_start3A_112 : memref<!tpu.dma_semaphore, #tpu.memory_space<semaphore_mem>>)
      %scan3A_113 = arith.constant 0 : i32
      %scan3A_114 = arith.constant 0 : i32
      %scan3A_115 = arith.constant 20 : i32
      %scan3A_116 = arith.addi %scan3A_114, %scan3A_115 : i32
      %scan3A_117 = arith.constant 1 : i32
      scf.for %scan3A_149 = %scan3A_114 to %scan3A_116 step %scan3A_117  : i32 {
        %mul3A_150 = arith.constant 2 : i32
        %mul3A_151 = arith.muli %scan3A_149, %mul3A_150 : i32
        %add3A_152 = arith.constant 0 : i32
        %add3A_153 = arith.addi %mul3A_151, %add3A_152 : i32
        %dma_wait3A_154 = arith.constant 0 : i32
        %dma_wait3A_155 = arith.constant 0 : i32
        %dma_wait3A_156 = arith.constant 0 : i32
        %dma_wait3A_157 = arith.constant 0 : i32
        %dma_wait3A_158 = tpu.memref_slice %arg9[%dma_wait3A_154, %dma_wait3A_156, %dma_wait3A_157] : memref<2x128x128xf32, #tpu.memory_space<vmem>> -> memref<1x128x128xf32, #tpu.memory_space<vmem>>
        %dma_wait3A_159 = tpu.memref_squeeze %dma_wait3A_158 : memref<1x128x128xf32, #tpu.memory_space<vmem>> -> memref<128x128xf32, #tpu.memory_space<vmem>>
        %dma_wait3A_160 = arith.constant 0 : i32
        %dma_wait3A_161 = tpu.memref_slice %arg7[%add3A_153, %dma_wait3A_160] : memref<40x128xi32, #tpu.memory_space<vmem>> -> memref<1x128xi32, #tpu.memory_space<vmem>>
        %dma_wait3A_162 = tpu.memref_squeeze %dma_wait3A_161 : memref<1x128xi32, #tpu.memory_space<vmem>> -> memref<128xi32, #tpu.memory_space<vmem>>
        %dma_wait3A_163 = arith.constant 0 : i32
        %dma_wait3A_164 = arith.constant 0 : i32
        %dma_wait3A_165 = tpu.memref_slice %arg2[%dma_wait3A_163, %dma_wait3A_164] : memref<10000x128xf32, #tpu.memory_space<hbm>> -> memref<10000x128xf32, #tpu.memory_space<hbm>>
        %dma_wait3A_166 = tpu.memref_slice %arg11[%dma_wait3A_155] : memref<2x!tpu.dma_semaphore, #tpu.memory_space<semaphore_mem>> -> memref<1x!tpu.dma_semaphore, #tpu.memory_space<semaphore_mem>>
        %dma_wait3A_167 = tpu.memref_squeeze %dma_wait3A_166 : memref<1x!tpu.dma_semaphore, #tpu.memory_space<semaphore_mem>> -> memref<!tpu.dma_semaphore, #tpu.memory_space<semaphore_mem>>
        tpu.wait_indirect_dma semaphore(%dma_wait3A_167 : memref<!tpu.dma_semaphore, #tpu.memory_space<semaphore_mem>>) src(%dma_wait3A_165 : memref<10000x128xf32, #tpu.memory_space<hbm>>) dst(%dma_wait3A_159 : memref<128x128xf32, #tpu.memory_space<vmem>>)
        %dma_start3A_168 = arith.constant 0 : i32
        %dma_start3A_169 = arith.constant 0 : i32
        %dma_start3A_170 = arith.constant 0 : i32
        %dma_start3A_171 = arith.constant 0 : i32
        %dma_start3A_172 = tpu.memref_slice %arg9[%dma_start3A_168, %dma_start3A_170, %dma_start3A_171] : memref<2x128x128xf32, #tpu.memory_space<vmem>> -> memref<1x128x128xf32, #tpu.memory_space<vmem>>
        %dma_start3A_173 = tpu.memref_squeeze %dma_start3A_172 : memref<1x128x128xf32, #tpu.memory_space<vmem>> -> memref<128x128xf32, #tpu.memory_space<vmem>>
        %dma_start3A_174 = arith.constant 0 : i32
        %dma_start3A_175 = tpu.memref_slice %arg8[%add3A_153, %dma_start3A_174] : memref<40x128xi32, #tpu.memory_space<vmem>> -> memref<1x128xi32, #tpu.memory_space<vmem>>
        %dma_start3A_176 = tpu.memref_squeeze %dma_start3A_175 : memref<1x128xi32, #tpu.memory_space<vmem>> -> memref<128xi32, #tpu.memory_space<vmem>>
        %dma_start3A_177 = arith.constant 0 : i32
        %dma_start3A_178 = arith.constant 0 : i32
        %dma_start3A_179 = tpu.memref_slice %arg10[%dma_start3A_177, %dma_start3A_178] : memref<10112x128xf32, #tpu.memory_space<vmem_shared>> -> memref<10112x128xf32, #tpu.memory_space<vmem_shared>>
        %dma_start3A_180 = tpu.memref_slice %arg12[%dma_start3A_169] : memref<2x!tpu.dma_semaphore, #tpu.memory_space<semaphore_mem>> -> memref<1x!tpu.dma_semaphore, #tpu.memory_space<semaphore_mem>>
        %dma_start3A_181 = tpu.memref_squeeze %dma_start3A_180 : memref<1x!tpu.dma_semaphore, #tpu.memory_space<semaphore_mem>> -> memref<!tpu.dma_semaphore, #tpu.memory_space<semaphore_mem>>
        tpu.enqueue_indirect_dma source(%dma_start3A_173 : memref<128x128xf32, #tpu.memory_space<vmem>>) target(%dma_start3A_179 : memref<10112x128xf32, #tpu.memory_space<vmem_shared>>) offsets(%dma_start3A_176 : memref<128xi32, #tpu.memory_space<vmem>>) semaphore(%dma_start3A_181 : memref<!tpu.dma_semaphore, #tpu.memory_space<semaphore_mem>>) {add = true}
        %sub3A = arith.constant 1 : i32
        %sub3A_182 = arith.subi %add3A_153, %sub3A : i32
        %ge3A = arith.constant 0 : i32
        %ge3A_183 = arith.cmpi sge, %sub3A_182, %ge3A : i32
        %add3A_184 = arith.constant 2 : i32
        %add3A_185 = arith.addi %sub3A_182, %add3A_184 : i32
        %lt3A = arith.constant 40 : i32
        %lt3A_186 = arith.cmpi slt, %add3A_185, %lt3A : i32
        %and3A = arith.andi %ge3A_183, %lt3A_186 : i1
        %convert_element_type3A_187 = arith.extui %and3A : i1 to i32
        %cond3A_188 = arith.constant 0 : i32
        %cond3A_189 = arith.cmpi ne, %convert_element_type3A_187, %cond3A_188 : i32
        scf.if %cond3A_189 {
          %dma_wait3A_234 = arith.constant 1 : i32
          %dma_wait3A_235 = arith.constant 1 : i32
          %dma_wait3A_236 = arith.constant 0 : i32
          %dma_wait3A_237 = arith.constant 0 : i32
          %dma_wait3A_238 = tpu.memref_slice %arg9[%dma_wait3A_234, %dma_wait3A_236, %dma_wait3A_237] : memref<2x128x128xf32, #tpu.memory_space<vmem>> -> memref<1x128x128xf32, #tpu.memory_space<vmem>>
          %dma_wait3A_239 = tpu.memref_squeeze %dma_wait3A_238 : memref<1x128x128xf32, #tpu.memory_space<vmem>> -> memref<128x128xf32, #tpu.memory_space<vmem>>
          %dma_wait3A_240 = arith.constant 0 : i32
          %dma_wait3A_241 = tpu.memref_slice %arg8[%sub3A_182, %dma_wait3A_240] : memref<40x128xi32, #tpu.memory_space<vmem>> -> memref<1x128xi32, #tpu.memory_space<vmem>>
          %dma_wait3A_242 = tpu.memref_squeeze %dma_wait3A_241 : memref<1x128xi32, #tpu.memory_space<vmem>> -> memref<128xi32, #tpu.memory_space<vmem>>
          %dma_wait3A_243 = arith.constant 0 : i32
          %dma_wait3A_244 = arith.constant 0 : i32
          %dma_wait3A_245 = tpu.memref_slice %arg10[%dma_wait3A_243, %dma_wait3A_244] : memref<10112x128xf32, #tpu.memory_space<vmem_shared>> -> memref<10112x128xf32, #tpu.memory_space<vmem_shared>>
          %dma_wait3A_246 = tpu.memref_slice %arg12[%dma_wait3A_235] : memref<2x!tpu.dma_semaphore, #tpu.memory_space<semaphore_mem>> -> memref<1x!tpu.dma_semaphore, #tpu.memory_space<semaphore_mem>>
          %dma_wait3A_247 = tpu.memref_squeeze %dma_wait3A_246 : memref<1x!tpu.dma_semaphore, #tpu.memory_space<semaphore_mem>> -> memref<!tpu.dma_semaphore, #tpu.memory_space<semaphore_mem>>
          tpu.wait_indirect_dma semaphore(%dma_wait3A_247 : memref<!tpu.dma_semaphore, #tpu.memory_space<semaphore_mem>>) src(%dma_wait3A_239 : memref<128x128xf32, #tpu.memory_space<vmem>>) dst(%dma_wait3A_245 : memref<10112x128xf32, #tpu.memory_space<vmem_shared>>)
          %add3A_248 = arith.constant 2 : i32
          %add3A_249 = arith.addi %sub3A_182, %add3A_248 : i32
          %dma_start3A_250 = arith.constant 1 : i32
          %dma_start3A_251 = arith.constant 1 : i32
          %dma_start3A_252 = arith.constant 0 : i32
          %dma_start3A_253 = arith.constant 0 : i32
          %dma_start3A_254 = tpu.memref_slice %arg9[%dma_start3A_250, %dma_start3A_252, %dma_start3A_253] : memref<2x128x128xf32, #tpu.memory_space<vmem>> -> memref<1x128x128xf32, #tpu.memory_space<vmem>>
          %dma_start3A_255 = tpu.memref_squeeze %dma_start3A_254 : memref<1x128x128xf32, #tpu.memory_space<vmem>> -> memref<128x128xf32, #tpu.memory_space<vmem>>
          %dma_start3A_256 = arith.constant 0 : i32
          %dma_start3A_257 = tpu.memref_slice %arg7[%add3A_249, %dma_start3A_256] : memref<40x128xi32, #tpu.memory_space<vmem>> -> memref<1x128xi32, #tpu.memory_space<vmem>>
          %dma_start3A_258 = tpu.memref_squeeze %dma_start3A_257 : memref<1x128xi32, #tpu.memory_space<vmem>> -> memref<128xi32, #tpu.memory_space<vmem>>
          %dma_start3A_259 = arith.constant 0 : i32
          %dma_start3A_260 = arith.constant 0 : i32
          %dma_start3A_261 = tpu.memref_slice %arg2[%dma_start3A_259, %dma_start3A_260] : memref<10000x128xf32, #tpu.memory_space<hbm>> -> memref<10000x128xf32, #tpu.memory_space<hbm>>
          %dma_start3A_262 = tpu.memref_slice %arg11[%dma_start3A_251] : memref<2x!tpu.dma_semaphore, #tpu.memory_space<semaphore_mem>> -> memref<1x!tpu.dma_semaphore, #tpu.memory_space<semaphore_mem>>
          %dma_start3A_263 = tpu.memref_squeeze %dma_start3A_262 : memref<1x!tpu.dma_semaphore, #tpu.memory_space<semaphore_mem>> -> memref<!tpu.dma_semaphore, #tpu.memory_space<semaphore_mem>>
          tpu.enqueue_indirect_dma source(%dma_start3A_261 : memref<10000x128xf32, #tpu.memory_space<hbm>>) target(%dma_start3A_255 : memref<128x128xf32, #tpu.memory_space<vmem>>) offsets(%dma_start3A_258 : memref<128xi32, #tpu.memory_space<vmem>>) semaphore(%dma_start3A_263 : memref<!tpu.dma_semaphore, #tpu.memory_space<semaphore_mem>>)
        } else {
        }
        %mul3A_190 = arith.constant 2 : i32
        %mul3A_191 = arith.muli %scan3A_149, %mul3A_190 : i32
        %add3A_192 = arith.constant 1 : i32
        %add3A_193 = arith.addi %mul3A_191, %add3A_192 : i32
        %dma_wait3A_194 = arith.constant 1 : i32
        %dma_wait3A_195 = arith.constant 1 : i32
        %dma_wait3A_196 = arith.constant 0 : i32
        %dma_wait3A_197 = arith.constant 0 : i32
        %dma_wait3A_198 = tpu.memref_slice %arg9[%dma_wait3A_194, %dma_wait3A_196, %dma_wait3A_197] : memref<2x128x128xf32, #tpu.memory_space<vmem>> -> memref<1x128x128xf32, #tpu.memory_space<vmem>>
        %dma_wait3A_199 = tpu.memref_squeeze %dma_wait3A_198 : memref<1x128x128xf32, #tpu.memory_space<vmem>> -> memref<128x128xf32, #tpu.memory_space<vmem>>
        %dma_wait3A_200 = arith.constant 0 : i32
        %dma_wait3A_201 = tpu.memref_slice %arg7[%add3A_193, %dma_wait3A_200] : memref<40x128xi32, #tpu.memory_space<vmem>> -> memref<1x128xi32, #tpu.memory_space<vmem>>
        %dma_wait3A_202 = tpu.memref_squeeze %dma_wait3A_201 : memref<1x128xi32, #tpu.memory_space<vmem>> -> memref<128xi32, #tpu.memory_space<vmem>>
        %dma_wait3A_203 = arith.constant 0 : i32
        %dma_wait3A_204 = arith.constant 0 : i32
        %dma_wait3A_205 = tpu.memref_slice %arg2[%dma_wait3A_203, %dma_wait3A_204] : memref<10000x128xf32, #tpu.memory_space<hbm>> -> memref<10000x128xf32, #tpu.memory_space<hbm>>
        %dma_wait3A_206 = tpu.memref_slice %arg11[%dma_wait3A_195] : memref<2x!tpu.dma_semaphore, #tpu.memory_space<semaphore_mem>> -> memref<1x!tpu.dma_semaphore, #tpu.memory_space<semaphore_mem>>
        %dma_wait3A_207 = tpu.memref_squeeze %dma_wait3A_206 : memref<1x!tpu.dma_semaphore, #tpu.memory_space<semaphore_mem>> -> memref<!tpu.dma_semaphore, #tpu.memory_space<semaphore_mem>>
        tpu.wait_indirect_dma semaphore(%dma_wait3A_207 : memref<!tpu.dma_semaphore, #tpu.memory_space<semaphore_mem>>) src(%dma_wait3A_205 : memref<10000x128xf32, #tpu.memory_space<hbm>>) dst(%dma_wait3A_199 : memref<128x128xf32, #tpu.memory_space<vmem>>)
        %dma_start3A_208 = arith.constant 1 : i32
        %dma_start3A_209 = arith.constant 1 : i32
        %dma_start3A_210 = arith.constant 0 : i32
        %dma_start3A_211 = arith.constant 0 : i32
        %dma_start3A_212 = tpu.memref_slice %arg9[%dma_start3A_208, %dma_start3A_210, %dma_start3A_211] : memref<2x128x128xf32, #tpu.memory_space<vmem>> -> memref<1x128x128xf32, #tpu.memory_space<vmem>>
        %dma_start3A_213 = tpu.memref_squeeze %dma_start3A_212 : memref<1x128x128xf32, #tpu.memory_space<vmem>> -> memref<128x128xf32, #tpu.memory_space<vmem>>
        %dma_start3A_214 = arith.constant 0 : i32
        %dma_start3A_215 = tpu.memref_slice %arg8[%add3A_193, %dma_start3A_214] : memref<40x128xi32, #tpu.memory_space<vmem>> -> memref<1x128xi32, #tpu.memory_space<vmem>>
        %dma_start3A_216 = tpu.memref_squeeze %dma_start3A_215 : memref<1x128xi32, #tpu.memory_space<vmem>> -> memref<128xi32, #tpu.memory_space<vmem>>
        %dma_start3A_217 = arith.constant 0 : i32
        %dma_start3A_218 = arith.constant 0 : i32
        %dma_start3A_219 = tpu.memref_slice %arg10[%dma_start3A_217, %dma_start3A_218] : memref<10112x128xf32, #tpu.memory_space<vmem_shared>> -> memref<10112x128xf32, #tpu.memory_space<vmem_shared>>
        %dma_start3A_220 = tpu.memref_slice %arg12[%dma_start3A_209] : memref<2x!tpu.dma_semaphore, #tpu.memory_space<semaphore_mem>> -> memref<1x!tpu.dma_semaphore, #tpu.memory_space<semaphore_mem>>
        %dma_start3A_221 = tpu.memref_squeeze %dma_start3A_220 : memref<1x!tpu.dma_semaphore, #tpu.memory_space<semaphore_mem>> -> memref<!tpu.dma_semaphore, #tpu.memory_space<semaphore_mem>>
        tpu.enqueue_indirect_dma source(%dma_start3A_213 : memref<128x128xf32, #tpu.memory_space<vmem>>) target(%dma_start3A_219 : memref<10112x128xf32, #tpu.memory_space<vmem_shared>>) offsets(%dma_start3A_216 : memref<128xi32, #tpu.memory_space<vmem>>) semaphore(%dma_start3A_221 : memref<!tpu.dma_semaphore, #tpu.memory_space<semaphore_mem>>) {add = true}
        %sub3A_222 = arith.constant 1 : i32
        %sub3A_223 = arith.subi %add3A_193, %sub3A_222 : i32
        %ge3A_224 = arith.constant 0 : i32
        %ge3A_225 = arith.cmpi sge, %sub3A_223, %ge3A_224 : i32
        %add3A_226 = arith.constant 2 : i32
        %add3A_227 = arith.addi %sub3A_223, %add3A_226 : i32
        %lt3A_228 = arith.constant 40 : i32
        %lt3A_229 = arith.cmpi slt, %add3A_227, %lt3A_228 : i32
        %and3A_230 = arith.andi %ge3A_225, %lt3A_229 : i1
        %convert_element_type3A_231 = arith.extui %and3A_230 : i1 to i32
        %cond3A_232 = arith.constant 0 : i32
        %cond3A_233 = arith.cmpi ne, %convert_element_type3A_231, %cond3A_232 : i32
        scf.if %cond3A_233 {
          %dma_wait3A_234 = arith.constant 0 : i32
          %dma_wait3A_235 = arith.constant 0 : i32
          %dma_wait3A_236 = arith.constant 0 : i32
          %dma_wait3A_237 = arith.constant 0 : i32
          %dma_wait3A_238 = tpu.memref_slice %arg9[%dma_wait3A_234, %dma_wait3A_236, %dma_wait3A_237] : memref<2x128x128xf32, #tpu.memory_space<vmem>> -> memref<1x128x128xf32, #tpu.memory_space<vmem>>
          %dma_wait3A_239 = tpu.memref_squeeze %dma_wait3A_238 : memref<1x128x128xf32, #tpu.memory_space<vmem>> -> memref<128x128xf32, #tpu.memory_space<vmem>>
          %dma_wait3A_240 = arith.constant 0 : i32
          %dma_wait3A_241 = tpu.memref_slice %arg8[%sub3A_223, %dma_wait3A_240] : memref<40x128xi32, #tpu.memory_space<vmem>> -> memref<1x128xi32, #tpu.memory_space<vmem>>
          %dma_wait3A_242 = tpu.memref_squeeze %dma_wait3A_241 : memref<1x128xi32, #tpu.memory_space<vmem>> -> memref<128xi32, #tpu.memory_space<vmem>>
          %dma_wait3A_243 = arith.constant 0 : i32
          %dma_wait3A_244 = arith.constant 0 : i32
          %dma_wait3A_245 = tpu.memref_slice %arg10[%dma_wait3A_243, %dma_wait3A_244] : memref<10112x128xf32, #tpu.memory_space<vmem_shared>> -> memref<10112x128xf32, #tpu.memory_space<vmem_shared>>
          %dma_wait3A_246 = tpu.memref_slice %arg12[%dma_wait3A_235] : memref<2x!tpu.dma_semaphore, #tpu.memory_space<semaphore_mem>> -> memref<1x!tpu.dma_semaphore, #tpu.memory_space<semaphore_mem>>
          %dma_wait3A_247 = tpu.memref_squeeze %dma_wait3A_246 : memref<1x!tpu.dma_semaphore, #tpu.memory_space<semaphore_mem>> -> memref<!tpu.dma_semaphore, #tpu.memory_space<semaphore_mem>>
          tpu.wait_indirect_dma semaphore(%dma_wait3A_247 : memref<!tpu.dma_semaphore, #tpu.memory_space<semaphore_mem>>) src(%dma_wait3A_239 : memref<128x128xf32, #tpu.memory_space<vmem>>) dst(%dma_wait3A_245 : memref<10112x128xf32, #tpu.memory_space<vmem_shared>>)
          %add3A_248 = arith.constant 2 : i32
          %add3A_249 = arith.addi %sub3A_223, %add3A_248 : i32
          %dma_start3A_250 = arith.constant 0 : i32
          %dma_start3A_251 = arith.constant 0 : i32
          %dma_start3A_252 = arith.constant 0 : i32
          %dma_start3A_253 = arith.constant 0 : i32
          %dma_start3A_254 = tpu.memref_slice %arg9[%dma_start3A_250, %dma_start3A_252, %dma_start3A_253] : memref<2x128x128xf32, #tpu.memory_space<vmem>> -> memref<1x128x128xf32, #tpu.memory_space<vmem>>
          %dma_start3A_255 = tpu.memref_squeeze %dma_start3A_254 : memref<1x128x128xf32, #tpu.memory_space<vmem>> -> memref<128x128xf32, #tpu.memory_space<vmem>>
          %dma_start3A_256 = arith.constant 0 : i32
          %dma_start3A_257 = tpu.memref_slice %arg7[%add3A_249, %dma_start3A_256] : memref<40x128xi32, #tpu.memory_space<vmem>> -> memref<1x128xi32, #tpu.memory_space<vmem>>
          %dma_start3A_258 = tpu.memref_squeeze %dma_start3A_257 : memref<1x128xi32, #tpu.memory_space<vmem>> -> memref<128xi32, #tpu.memory_space<vmem>>
          %dma_start3A_259 = arith.constant 0 : i32
          %dma_start3A_260 = arith.constant 0 : i32
          %dma_start3A_261 = tpu.memref_slice %arg2[%dma_start3A_259, %dma_start3A_260] : memref<10000x128xf32, #tpu.memory_space<hbm>> -> memref<10000x128xf32, #tpu.memory_space<hbm>>
          %dma_start3A_262 = tpu.memref_slice %arg11[%dma_start3A_251] : memref<2x!tpu.dma_semaphore, #tpu.memory_space<semaphore_mem>> -> memref<1x!tpu.dma_semaphore, #tpu.memory_space<semaphore_mem>>
          %dma_start3A_263 = tpu.memref_squeeze %dma_start3A_262 : memref<1x!tpu.dma_semaphore, #tpu.memory_space<semaphore_mem>> -> memref<!tpu.dma_semaphore, #tpu.memory_space<semaphore_mem>>
          tpu.enqueue_indirect_dma source(%dma_start3A_261 : memref<10000x128xf32, #tpu.memory_space<hbm>>) target(%dma_start3A_255 : memref<128x128xf32, #tpu.memory_space<vmem>>) offsets(%dma_start3A_258 : memref<128xi32, #tpu.memory_space<vmem>>) semaphore(%dma_start3A_263 : memref<!tpu.dma_semaphore, #tpu.memory_space<semaphore_mem>>)
        } else {
        }
      }
      %scan3A_118 = arith.constant 20 : i32
      %dma_wait3A_119 = arith.constant 0 : i32
      %dma_wait3A_120 = arith.constant 38 : i32
      %dma_wait3A_121 = arith.constant 0 : i32
      %dma_wait3A_122 = arith.constant 0 : i32
      %dma_wait3A_123 = arith.constant 0 : i32
      %dma_wait3A_124 = tpu.memref_slice %arg9[%dma_wait3A_119, %dma_wait3A_122, %dma_wait3A_123] : memref<2x128x128xf32, #tpu.memory_space<vmem>> -> memref<1x128x128xf32, #tpu.memory_space<vmem>>
      %dma_wait3A_125 = tpu.memref_squeeze %dma_wait3A_124 : memref<1x128x128xf32, #tpu.memory_space<vmem>> -> memref<128x128xf32, #tpu.memory_space<vmem>>
      %dma_wait3A_126 = arith.constant 0 : i32
      %dma_wait3A_127 = tpu.memref_slice %arg8[%dma_wait3A_120, %dma_wait3A_126] : memref<40x128xi32, #tpu.memory_space<vmem>> -> memref<1x128xi32, #tpu.memory_space<vmem>>
      %dma_wait3A_128 = tpu.memref_squeeze %dma_wait3A_127 : memref<1x128xi32, #tpu.memory_space<vmem>> -> memref<128xi32, #tpu.memory_space<vmem>>
      %dma_wait3A_129 = arith.constant 0 : i32
      %dma_wait3A_130 = arith.constant 0 : i32
      %dma_wait3A_131 = tpu.memref_slice %arg10[%dma_wait3A_129, %dma_wait3A_130] : memref<10112x128xf32, #tpu.memory_space<vmem_shared>> -> memref<10112x128xf32, #tpu.memory_space<vmem_shared>>
      %dma_wait3A_132 = tpu.memref_slice %arg12[%dma_wait3A_121] : memref<2x!tpu.dma_semaphore, #tpu.memory_space<semaphore_mem>> -> memref<1x!tpu.dma_semaphore, #tpu.memory_space<semaphore_mem>>
      %dma_wait3A_133 = tpu.memref_squeeze %dma_wait3A_132 : memref<1x!tpu.dma_semaphore, #tpu.memory_space<semaphore_mem>> -> memref<!tpu.dma_semaphore, #tpu.memory_space<semaphore_mem>>
      tpu.wait_indirect_dma semaphore(%dma_wait3A_133 : memref<!tpu.dma_semaphore, #tpu.memory_space<semaphore_mem>>) src(%dma_wait3A_125 : memref<128x128xf32, #tpu.memory_space<vmem>>) dst(%dma_wait3A_131 : memref<10112x128xf32, #tpu.memory_space<vmem_shared>>)
      %dma_wait3A_134 = arith.constant 1 : i32
      %dma_wait3A_135 = arith.constant 39 : i32
      %dma_wait3A_136 = arith.constant 1 : i32
      %dma_wait3A_137 = arith.constant 0 : i32
      %dma_wait3A_138 = arith.constant 0 : i32
      %dma_wait3A_139 = tpu.memref_slice %arg9[%dma_wait3A_134, %dma_wait3A_137, %dma_wait3A_138] : memref<2x128x128xf32, #tpu.memory_space<vmem>> -> memref<1x128x128xf32, #tpu.memory_space<vmem>>
      %dma_wait3A_140 = tpu.memref_squeeze %dma_wait3A_139 : memref<1x128x128xf32, #tpu.memory_space<vmem>> -> memref<128x128xf32, #tpu.memory_space<vmem>>
      %dma_wait3A_141 = arith.constant 0 : i32
      %dma_wait3A_142 = tpu.memref_slice %arg8[%dma_wait3A_135, %dma_wait3A_141] : memref<40x128xi32, #tpu.memory_space<vmem>> -> memref<1x128xi32, #tpu.memory_space<vmem>>
      %dma_wait3A_143 = tpu.memref_squeeze %dma_wait3A_142 : memref<1x128xi32, #tpu.memory_space<vmem>> -> memref<128xi32, #tpu.memory_space<vmem>>
      %dma_wait3A_144 = arith.constant 0 : i32
      %dma_wait3A_145 = arith.constant 0 : i32
      %dma_wait3A_146 = tpu.memref_slice %arg10[%dma_wait3A_144, %dma_wait3A_145] : memref<10112x128xf32, #tpu.memory_space<vmem_shared>> -> memref<10112x128xf32, #tpu.memory_space<vmem_shared>>
      %dma_wait3A_147 = tpu.memref_slice %arg12[%dma_wait3A_136] : memref<2x!tpu.dma_semaphore, #tpu.memory_space<semaphore_mem>> -> memref<1x!tpu.dma_semaphore, #tpu.memory_space<semaphore_mem>>
      %dma_wait3A_148 = tpu.memref_squeeze %dma_wait3A_147 : memref<1x!tpu.dma_semaphore, #tpu.memory_space<semaphore_mem>> -> memref<!tpu.dma_semaphore, #tpu.memory_space<semaphore_mem>>
      tpu.wait_indirect_dma semaphore(%dma_wait3A_148 : memref<!tpu.dma_semaphore, #tpu.memory_space<semaphore_mem>>) src(%dma_wait3A_140 : memref<128x128xf32, #tpu.memory_space<vmem>>) dst(%dma_wait3A_146 : memref<10112x128xf32, #tpu.memory_space<vmem_shared>>)
    } else {
    }
    %eq3A_71 = arith.constant 0 : i32
    %eq3A_72 = arith.cmpi eq, %arg0, %eq3A_71 : i32
    %convert_element_type3A_73 = arith.extui %eq3A_72 : i1 to i32
    %cond3A_74 = arith.constant 0 : i32
    %cond3A_75 = arith.cmpi ne, %convert_element_type3A_73, %cond3A_74 : i32
    scf.if %cond3A_75 {
      "tpu.region"() ({
        %run_scoped3A = tpu.sem_alloc : memref<!tpu.dma_semaphore, #tpu.memory_space<semaphore_mem>>
        %dma_start3A_149 = arith.constant 80 : i32
        %dma_start3A_150 = arith.constant 0 : i32
        %dma_start3A_151 = tpu.memref_slice %arg3[%arg1, %dma_start3A_149, %dma_start3A_150] : memref<16x160x128xi32, #tpu.memory_space<hbm>> -> memref<1x40x128xi32, #tpu.memory_space<hbm>>
        %dma_start3A_152 = tpu.memref_squeeze %dma_start3A_151 : memref<1x40x128xi32, #tpu.memory_space<hbm>> -> memref<40x128xi32, #tpu.memory_space<hbm>>
        %dma_start3A_153 = arith.constant 80 : i32
        %dma_start3A_154 = arith.constant 0 : i32
        %dma_start3A_155 = tpu.memref_slice %arg3[%arg1, %dma_start3A_153, %dma_start3A_154] : memref<16x160x128xi32, #tpu.memory_space<hbm>> -> memref<1x40x128xi32, #tpu.memory_space<hbm>>
        %dma_start3A_156 = tpu.memref_squeeze %dma_start3A_155 : memref<1x40x128xi32, #tpu.memory_space<hbm>> -> memref<40x128xi32, #tpu.memory_space<hbm>>
        tpu.enqueue_dma source(%dma_start3A_156 : memref<40x128xi32, #tpu.memory_space<hbm>>) target(%arg7 : memref<40x128xi32, #tpu.memory_space<vmem>>) target_semaphore(%run_scoped3A : memref<!tpu.dma_semaphore, #tpu.memory_space<semaphore_mem>>)
        %dma_wait3A_157 = arith.constant 80 : i32
        %dma_wait3A_158 = arith.constant 0 : i32
        %dma_wait3A_159 = tpu.memref_slice %arg3[%arg1, %dma_wait3A_157, %dma_wait3A_158] : memref<16x160x128xi32, #tpu.memory_space<hbm>> -> memref<1x40x128xi32, #tpu.memory_space<hbm>>
        %dma_wait3A_160 = tpu.memref_squeeze %dma_wait3A_159 : memref<1x40x128xi32, #tpu.memory_space<hbm>> -> memref<40x128xi32, #tpu.memory_space<hbm>>
        %dma_wait3A_161 = arith.constant 80 : i32
        %dma_wait3A_162 = arith.constant 0 : i32
        %dma_wait3A_163 = tpu.memref_slice %arg3[%arg1, %dma_wait3A_161, %dma_wait3A_162] : memref<16x160x128xi32, #tpu.memory_space<hbm>> -> memref<1x40x128xi32, #tpu.memory_space<hbm>>
        %dma_wait3A_164 = tpu.memref_squeeze %dma_wait3A_163 : memref<1x40x128xi32, #tpu.memory_space<hbm>> -> memref<40x128xi32, #tpu.memory_space<hbm>>
        tpu.wait_dma2 semaphore(%run_scoped3A : memref<!tpu.dma_semaphore, #tpu.memory_space<semaphore_mem>>) src(%dma_wait3A_164 : memref<40x128xi32, #tpu.memory_space<hbm>>) dst(%arg7 : memref<40x128xi32, #tpu.memory_space<vmem>>)
        tpu.yield
      }) : () -> ()
      "tpu.region"() ({
        %run_scoped3A = tpu.sem_alloc : memref<!tpu.dma_semaphore, #tpu.memory_space<semaphore_mem>>
        %dma_start3A_149 = arith.constant 80 : i32
        %dma_start3A_150 = arith.constant 0 : i32
        %dma_start3A_151 = tpu.memref_slice %arg4[%arg1, %dma_start3A_149, %dma_start3A_150] : memref<16x160x128xi32, #tpu.memory_space<hbm>> -> memref<1x40x128xi32, #tpu.memory_space<hbm>>
        %dma_start3A_152 = tpu.memref_squeeze %dma_start3A_151 : memref<1x40x128xi32, #tpu.memory_space<hbm>> -> memref<40x128xi32, #tpu.memory_space<hbm>>
        %dma_start3A_153 = arith.constant 80 : i32
        %dma_start3A_154 = arith.constant 0 : i32
        %dma_start3A_155 = tpu.memref_slice %arg4[%arg1, %dma_start3A_153, %dma_start3A_154] : memref<16x160x128xi32, #tpu.memory_space<hbm>> -> memref<1x40x128xi32, #tpu.memory_space<hbm>>
        %dma_start3A_156 = tpu.memref_squeeze %dma_start3A_155 : memref<1x40x128xi32, #tpu.memory_space<hbm>> -> memref<40x128xi32, #tpu.memory_space<hbm>>
        tpu.enqueue_dma source(%dma_start3A_156 : memref<40x128xi32, #tpu.memory_space<hbm>>) target(%arg8 : memref<40x128xi32, #tpu.memory_space<vmem>>) target_semaphore(%run_scoped3A : memref<!tpu.dma_semaphore, #tpu.memory_space<semaphore_mem>>)
        %dma_wait3A_157 = arith.constant 80 : i32
        %dma_wait3A_158 = arith.constant 0 : i32
        %dma_wait3A_159 = tpu.memref_slice %arg4[%arg1, %dma_wait3A_157, %dma_wait3A_158] : memref<16x160x128xi32, #tpu.memory_space<hbm>> -> memref<1x40x128xi32, #tpu.memory_space<hbm>>
        %dma_wait3A_160 = tpu.memref_squeeze %dma_wait3A_159 : memref<1x40x128xi32, #tpu.memory_space<hbm>> -> memref<40x128xi32, #tpu.memory_space<hbm>>
        %dma_wait3A_161 = arith.constant 80 : i32
        %dma_wait3A_162 = arith.constant 0 : i32
        %dma_wait3A_163 = tpu.memref_slice %arg4[%arg1, %dma_wait3A_161, %dma_wait3A_162] : memref<16x160x128xi32, #tpu.memory_space<hbm>> -> memref<1x40x128xi32, #tpu.memory_space<hbm>>
        %dma_wait3A_164 = tpu.memref_squeeze %dma_wait3A_163 : memref<1x40x128xi32, #tpu.memory_space<hbm>> -> memref<40x128xi32, #tpu.memory_space<hbm>>
        tpu.wait_dma2 semaphore(%run_scoped3A : memref<!tpu.dma_semaphore, #tpu.memory_space<semaphore_mem>>) src(%dma_wait3A_164 : memref<40x128xi32, #tpu.memory_space<hbm>>) dst(%arg8 : memref<40x128xi32, #tpu.memory_space<vmem>>)
        tpu.yield
      }) : () -> ()
      %dma_start3A_83 = arith.constant 0 : i32
      %dma_start3A_84 = arith.constant 0 : i32
      %dma_start3A_85 = arith.constant 0 : i32
      %dma_start3A_86 = arith.constant 0 : i32
      %dma_start3A_87 = arith.constant 0 : i32
      %dma_start3A_88 = tpu.memref_slice %arg9[%dma_start3A_84, %dma_start3A_86, %dma_start3A_87] : memref<2x128x128xf32, #tpu.memory_space<vmem>> -> memref<1x128x128xf32, #tpu.memory_space<vmem>>
      %dma_start3A_89 = tpu.memref_squeeze %dma_start3A_88 : memref<1x128x128xf32, #tpu.memory_space<vmem>> -> memref<128x128xf32, #tpu.memory_space<vmem>>
      %dma_start3A_90 = arith.constant 0 : i32
      %dma_start3A_91 = tpu.memref_slice %arg7[%dma_start3A_83, %dma_start3A_90] : memref<40x128xi32, #tpu.memory_space<vmem>> -> memref<1x128xi32, #tpu.memory_space<vmem>>
      %dma_start3A_92 = tpu.memref_squeeze %dma_start3A_91 : memref<1x128xi32, #tpu.memory_space<vmem>> -> memref<128xi32, #tpu.memory_space<vmem>>
      %dma_start3A_93 = arith.constant 0 : i32
      %dma_start3A_94 = arith.constant 0 : i32
      %dma_start3A_95 = tpu.memref_slice %arg2[%dma_start3A_93, %dma_start3A_94] : memref<10000x128xf32, #tpu.memory_space<hbm>> -> memref<10000x128xf32, #tpu.memory_space<hbm>>
      %dma_start3A_96 = tpu.memref_slice %arg11[%dma_start3A_85] : memref<2x!tpu.dma_semaphore, #tpu.memory_space<semaphore_mem>> -> memref<1x!tpu.dma_semaphore, #tpu.memory_space<semaphore_mem>>
      %dma_start3A_97 = tpu.memref_squeeze %dma_start3A_96 : memref<1x!tpu.dma_semaphore, #tpu.memory_space<semaphore_mem>> -> memref<!tpu.dma_semaphore, #tpu.memory_space<semaphore_mem>>
      tpu.enqueue_indirect_dma source(%dma_start3A_95 : memref<10000x128xf32, #tpu.memory_space<hbm>>) target(%dma_start3A_89 : memref<128x128xf32, #tpu.memory_space<vmem>>) offsets(%dma_start3A_92 : memref<128xi32, #tpu.memory_space<vmem>>) semaphore(%dma_start3A_97 : memref<!tpu.dma_semaphore, #tpu.memory_space<semaphore_mem>>)
      %dma_start3A_98 = arith.constant 1 : i32
      %dma_start3A_99 = arith.constant 1 : i32
      %dma_start3A_100 = arith.constant 1 : i32
      %dma_start3A_101 = arith.constant 0 : i32
      %dma_start3A_102 = arith.constant 0 : i32
      %dma_start3A_103 = tpu.memref_slice %arg9[%dma_start3A_99, %dma_start3A_101, %dma_start3A_102] : memref<2x128x128xf32, #tpu.memory_space<vmem>> -> memref<1x128x128xf32, #tpu.memory_space<vmem>>
      %dma_start3A_104 = tpu.memref_squeeze %dma_start3A_103 : memref<1x128x128xf32, #tpu.memory_space<vmem>> -> memref<128x128xf32, #tpu.memory_space<vmem>>
      %dma_start3A_105 = arith.constant 0 : i32
      %dma_start3A_106 = tpu.memref_slice %arg7[%dma_start3A_98, %dma_start3A_105] : memref<40x128xi32, #tpu.memory_space<vmem>> -> memref<1x128xi32, #tpu.memory_space<vmem>>
      %dma_start3A_107 = tpu.memref_squeeze %dma_start3A_106 : memref<1x128xi32, #tpu.memory_space<vmem>> -> memref<128xi32, #tpu.memory_space<vmem>>
      %dma_start3A_108 = arith.constant 0 : i32
      %dma_start3A_109 = arith.constant 0 : i32
      %dma_start3A_110 = tpu.memref_slice %arg2[%dma_start3A_108, %dma_start3A_109] : memref<10000x128xf32, #tpu.memory_space<hbm>> -> memref<10000x128xf32, #tpu.memory_space<hbm>>
      %dma_start3A_111 = tpu.memref_slice %arg11[%dma_start3A_100] : memref<2x!tpu.dma_semaphore, #tpu.memory_space<semaphore_mem>> -> memref<1x!tpu.dma_semaphore, #tpu.memory_space<semaphore_mem>>
      %dma_start3A_112 = tpu.memref_squeeze %dma_start3A_111 : memref<1x!tpu.dma_semaphore, #tpu.memory_space<semaphore_mem>> -> memref<!tpu.dma_semaphore, #tpu.memory_space<semaphore_mem>>
      tpu.enqueue_indirect_dma source(%dma_start3A_110 : memref<10000x128xf32, #tpu.memory_space<hbm>>) target(%dma_start3A_104 : memref<128x128xf32, #tpu.memory_space<vmem>>) offsets(%dma_start3A_107 : memref<128xi32, #tpu.memory_space<vmem>>) semaphore(%dma_start3A_112 : memref<!tpu.dma_semaphore, #tpu.memory_space<semaphore_mem>>)
      %scan3A_113 = arith.constant 0 : i32
      %scan3A_114 = arith.constant 0 : i32
      %scan3A_115 = arith.constant 20 : i32
      %scan3A_116 = arith.addi %scan3A_114, %scan3A_115 : i32
      %scan3A_117 = arith.constant 1 : i32
      scf.for %scan3A_149 = %scan3A_114 to %scan3A_116 step %scan3A_117  : i32 {
        %mul3A_150 = arith.constant 2 : i32
        %mul3A_151 = arith.muli %scan3A_149, %mul3A_150 : i32
        %add3A_152 = arith.constant 0 : i32
        %add3A_153 = arith.addi %mul3A_151, %add3A_152 : i32
        %dma_wait3A_154 = arith.constant 0 : i32
        %dma_wait3A_155 = arith.constant 0 : i32
        %dma_wait3A_156 = arith.constant 0 : i32
        %dma_wait3A_157 = arith.constant 0 : i32
        %dma_wait3A_158 = tpu.memref_slice %arg9[%dma_wait3A_154, %dma_wait3A_156, %dma_wait3A_157] : memref<2x128x128xf32, #tpu.memory_space<vmem>> -> memref<1x128x128xf32, #tpu.memory_space<vmem>>
        %dma_wait3A_159 = tpu.memref_squeeze %dma_wait3A_158 : memref<1x128x128xf32, #tpu.memory_space<vmem>> -> memref<128x128xf32, #tpu.memory_space<vmem>>
        %dma_wait3A_160 = arith.constant 0 : i32
        %dma_wait3A_161 = tpu.memref_slice %arg7[%add3A_153, %dma_wait3A_160] : memref<40x128xi32, #tpu.memory_space<vmem>> -> memref<1x128xi32, #tpu.memory_space<vmem>>
        %dma_wait3A_162 = tpu.memref_squeeze %dma_wait3A_161 : memref<1x128xi32, #tpu.memory_space<vmem>> -> memref<128xi32, #tpu.memory_space<vmem>>
        %dma_wait3A_163 = arith.constant 0 : i32
        %dma_wait3A_164 = arith.constant 0 : i32
        %dma_wait3A_165 = tpu.memref_slice %arg2[%dma_wait3A_163, %dma_wait3A_164] : memref<10000x128xf32, #tpu.memory_space<hbm>> -> memref<10000x128xf32, #tpu.memory_space<hbm>>
        %dma_wait3A_166 = tpu.memref_slice %arg11[%dma_wait3A_155] : memref<2x!tpu.dma_semaphore, #tpu.memory_space<semaphore_mem>> -> memref<1x!tpu.dma_semaphore, #tpu.memory_space<semaphore_mem>>
        %dma_wait3A_167 = tpu.memref_squeeze %dma_wait3A_166 : memref<1x!tpu.dma_semaphore, #tpu.memory_space<semaphore_mem>> -> memref<!tpu.dma_semaphore, #tpu.memory_space<semaphore_mem>>
        tpu.wait_indirect_dma semaphore(%dma_wait3A_167 : memref<!tpu.dma_semaphore, #tpu.memory_space<semaphore_mem>>) src(%dma_wait3A_165 : memref<10000x128xf32, #tpu.memory_space<hbm>>) dst(%dma_wait3A_159 : memref<128x128xf32, #tpu.memory_space<vmem>>)
        %dma_start3A_168 = arith.constant 0 : i32
        %dma_start3A_169 = arith.constant 0 : i32
        %dma_start3A_170 = arith.constant 0 : i32
        %dma_start3A_171 = arith.constant 0 : i32
        %dma_start3A_172 = tpu.memref_slice %arg9[%dma_start3A_168, %dma_start3A_170, %dma_start3A_171] : memref<2x128x128xf32, #tpu.memory_space<vmem>> -> memref<1x128x128xf32, #tpu.memory_space<vmem>>
        %dma_start3A_173 = tpu.memref_squeeze %dma_start3A_172 : memref<1x128x128xf32, #tpu.memory_space<vmem>> -> memref<128x128xf32, #tpu.memory_space<vmem>>
        %dma_start3A_174 = arith.constant 0 : i32
        %dma_start3A_175 = tpu.memref_slice %arg8[%add3A_153, %dma_start3A_174] : memref<40x128xi32, #tpu.memory_space<vmem>> -> memref<1x128xi32, #tpu.memory_space<vmem>>
        %dma_start3A_176 = tpu.memref_squeeze %dma_start3A_175 : memref<1x128xi32, #tpu.memory_space<vmem>> -> memref<128xi32, #tpu.memory_space<vmem>>
        %dma_start3A_177 = arith.constant 0 : i32
        %dma_start3A_178 = arith.constant 0 : i32
        %dma_start3A_179 = tpu.memref_slice %arg10[%dma_start3A_177, %dma_start3A_178] : memref<10112x128xf32, #tpu.memory_space<vmem_shared>> -> memref<10112x128xf32, #tpu.memory_space<vmem_shared>>
        %dma_start3A_180 = tpu.memref_slice %arg12[%dma_start3A_169] : memref<2x!tpu.dma_semaphore, #tpu.memory_space<semaphore_mem>> -> memref<1x!tpu.dma_semaphore, #tpu.memory_space<semaphore_mem>>
        %dma_start3A_181 = tpu.memref_squeeze %dma_start3A_180 : memref<1x!tpu.dma_semaphore, #tpu.memory_space<semaphore_mem>> -> memref<!tpu.dma_semaphore, #tpu.memory_space<semaphore_mem>>
        tpu.enqueue_indirect_dma source(%dma_start3A_173 : memref<128x128xf32, #tpu.memory_space<vmem>>) target(%dma_start3A_179 : memref<10112x128xf32, #tpu.memory_space<vmem_shared>>) offsets(%dma_start3A_176 : memref<128xi32, #tpu.memory_space<vmem>>) semaphore(%dma_start3A_181 : memref<!tpu.dma_semaphore, #tpu.memory_space<semaphore_mem>>) {add = true}
        %sub3A = arith.constant 1 : i32
        %sub3A_182 = arith.subi %add3A_153, %sub3A : i32
        %ge3A = arith.constant 0 : i32
        %ge3A_183 = arith.cmpi sge, %sub3A_182, %ge3A : i32
        %add3A_184 = arith.constant 2 : i32
        %add3A_185 = arith.addi %sub3A_182, %add3A_184 : i32
        %lt3A = arith.constant 40 : i32
        %lt3A_186 = arith.cmpi slt, %add3A_185, %lt3A : i32
        %and3A = arith.andi %ge3A_183, %lt3A_186 : i1
        %convert_element_type3A_187 = arith.extui %and3A : i1 to i32
        %cond3A_188 = arith.constant 0 : i32
        %cond3A_189 = arith.cmpi ne, %convert_element_type3A_187, %cond3A_188 : i32
        scf.if %cond3A_189 {
          %dma_wait3A_234 = arith.constant 1 : i32
          %dma_wait3A_235 = arith.constant 1 : i32
          %dma_wait3A_236 = arith.constant 0 : i32
          %dma_wait3A_237 = arith.constant 0 : i32
          %dma_wait3A_238 = tpu.memref_slice %arg9[%dma_wait3A_234, %dma_wait3A_236, %dma_wait3A_237] : memref<2x128x128xf32, #tpu.memory_space<vmem>> -> memref<1x128x128xf32, #tpu.memory_space<vmem>>
          %dma_wait3A_239 = tpu.memref_squeeze %dma_wait3A_238 : memref<1x128x128xf32, #tpu.memory_space<vmem>> -> memref<128x128xf32, #tpu.memory_space<vmem>>
          %dma_wait3A_240 = arith.constant 0 : i32
          %dma_wait3A_241 = tpu.memref_slice %arg8[%sub3A_182, %dma_wait3A_240] : memref<40x128xi32, #tpu.memory_space<vmem>> -> memref<1x128xi32, #tpu.memory_space<vmem>>
          %dma_wait3A_242 = tpu.memref_squeeze %dma_wait3A_241 : memref<1x128xi32, #tpu.memory_space<vmem>> -> memref<128xi32, #tpu.memory_space<vmem>>
          %dma_wait3A_243 = arith.constant 0 : i32
          %dma_wait3A_244 = arith.constant 0 : i32
          %dma_wait3A_245 = tpu.memref_slice %arg10[%dma_wait3A_243, %dma_wait3A_244] : memref<10112x128xf32, #tpu.memory_space<vmem_shared>> -> memref<10112x128xf32, #tpu.memory_space<vmem_shared>>
          %dma_wait3A_246 = tpu.memref_slice %arg12[%dma_wait3A_235] : memref<2x!tpu.dma_semaphore, #tpu.memory_space<semaphore_mem>> -> memref<1x!tpu.dma_semaphore, #tpu.memory_space<semaphore_mem>>
          %dma_wait3A_247 = tpu.memref_squeeze %dma_wait3A_246 : memref<1x!tpu.dma_semaphore, #tpu.memory_space<semaphore_mem>> -> memref<!tpu.dma_semaphore, #tpu.memory_space<semaphore_mem>>
          tpu.wait_indirect_dma semaphore(%dma_wait3A_247 : memref<!tpu.dma_semaphore, #tpu.memory_space<semaphore_mem>>) src(%dma_wait3A_239 : memref<128x128xf32, #tpu.memory_space<vmem>>) dst(%dma_wait3A_245 : memref<10112x128xf32, #tpu.memory_space<vmem_shared>>)
          %add3A_248 = arith.constant 2 : i32
          %add3A_249 = arith.addi %sub3A_182, %add3A_248 : i32
          %dma_start3A_250 = arith.constant 1 : i32
          %dma_start3A_251 = arith.constant 1 : i32
          %dma_start3A_252 = arith.constant 0 : i32
          %dma_start3A_253 = arith.constant 0 : i32
          %dma_start3A_254 = tpu.memref_slice %arg9[%dma_start3A_250, %dma_start3A_252, %dma_start3A_253] : memref<2x128x128xf32, #tpu.memory_space<vmem>> -> memref<1x128x128xf32, #tpu.memory_space<vmem>>
          %dma_start3A_255 = tpu.memref_squeeze %dma_start3A_254 : memref<1x128x128xf32, #tpu.memory_space<vmem>> -> memref<128x128xf32, #tpu.memory_space<vmem>>
          %dma_start3A_256 = arith.constant 0 : i32
          %dma_start3A_257 = tpu.memref_slice %arg7[%add3A_249, %dma_start3A_256] : memref<40x128xi32, #tpu.memory_space<vmem>> -> memref<1x128xi32, #tpu.memory_space<vmem>>
          %dma_start3A_258 = tpu.memref_squeeze %dma_start3A_257 : memref<1x128xi32, #tpu.memory_space<vmem>> -> memref<128xi32, #tpu.memory_space<vmem>>
          %dma_start3A_259 = arith.constant 0 : i32
          %dma_start3A_260 = arith.constant 0 : i32
          %dma_start3A_261 = tpu.memref_slice %arg2[%dma_start3A_259, %dma_start3A_260] : memref<10000x128xf32, #tpu.memory_space<hbm>> -> memref<10000x128xf32, #tpu.memory_space<hbm>>
          %dma_start3A_262 = tpu.memref_slice %arg11[%dma_start3A_251] : memref<2x!tpu.dma_semaphore, #tpu.memory_space<semaphore_mem>> -> memref<1x!tpu.dma_semaphore, #tpu.memory_space<semaphore_mem>>
          %dma_start3A_263 = tpu.memref_squeeze %dma_start3A_262 : memref<1x!tpu.dma_semaphore, #tpu.memory_space<semaphore_mem>> -> memref<!tpu.dma_semaphore, #tpu.memory_space<semaphore_mem>>
          tpu.enqueue_indirect_dma source(%dma_start3A_261 : memref<10000x128xf32, #tpu.memory_space<hbm>>) target(%dma_start3A_255 : memref<128x128xf32, #tpu.memory_space<vmem>>) offsets(%dma_start3A_258 : memref<128xi32, #tpu.memory_space<vmem>>) semaphore(%dma_start3A_263 : memref<!tpu.dma_semaphore, #tpu.memory_space<semaphore_mem>>)
        } else {
        }
        %mul3A_190 = arith.constant 2 : i32
        %mul3A_191 = arith.muli %scan3A_149, %mul3A_190 : i32
        %add3A_192 = arith.constant 1 : i32
        %add3A_193 = arith.addi %mul3A_191, %add3A_192 : i32
        %dma_wait3A_194 = arith.constant 1 : i32
        %dma_wait3A_195 = arith.constant 1 : i32
        %dma_wait3A_196 = arith.constant 0 : i32
        %dma_wait3A_197 = arith.constant 0 : i32
        %dma_wait3A_198 = tpu.memref_slice %arg9[%dma_wait3A_194, %dma_wait3A_196, %dma_wait3A_197] : memref<2x128x128xf32, #tpu.memory_space<vmem>> -> memref<1x128x128xf32, #tpu.memory_space<vmem>>
        %dma_wait3A_199 = tpu.memref_squeeze %dma_wait3A_198 : memref<1x128x128xf32, #tpu.memory_space<vmem>> -> memref<128x128xf32, #tpu.memory_space<vmem>>
        %dma_wait3A_200 = arith.constant 0 : i32
        %dma_wait3A_201 = tpu.memref_slice %arg7[%add3A_193, %dma_wait3A_200] : memref<40x128xi32, #tpu.memory_space<vmem>> -> memref<1x128xi32, #tpu.memory_space<vmem>>
        %dma_wait3A_202 = tpu.memref_squeeze %dma_wait3A_201 : memref<1x128xi32, #tpu.memory_space<vmem>> -> memref<128xi32, #tpu.memory_space<vmem>>
        %dma_wait3A_203 = arith.constant 0 : i32
        %dma_wait3A_204 = arith.constant 0 : i32
        %dma_wait3A_205 = tpu.memref_slice %arg2[%dma_wait3A_203, %dma_wait3A_204] : memref<10000x128xf32, #tpu.memory_space<hbm>> -> memref<10000x128xf32, #tpu.memory_space<hbm>>
        %dma_wait3A_206 = tpu.memref_slice %arg11[%dma_wait3A_195] : memref<2x!tpu.dma_semaphore, #tpu.memory_space<semaphore_mem>> -> memref<1x!tpu.dma_semaphore, #tpu.memory_space<semaphore_mem>>
        %dma_wait3A_207 = tpu.memref_squeeze %dma_wait3A_206 : memref<1x!tpu.dma_semaphore, #tpu.memory_space<semaphore_mem>> -> memref<!tpu.dma_semaphore, #tpu.memory_space<semaphore_mem>>
        tpu.wait_indirect_dma semaphore(%dma_wait3A_207 : memref<!tpu.dma_semaphore, #tpu.memory_space<semaphore_mem>>) src(%dma_wait3A_205 : memref<10000x128xf32, #tpu.memory_space<hbm>>) dst(%dma_wait3A_199 : memref<128x128xf32, #tpu.memory_space<vmem>>)
        %dma_start3A_208 = arith.constant 1 : i32
        %dma_start3A_209 = arith.constant 1 : i32
        %dma_start3A_210 = arith.constant 0 : i32
        %dma_start3A_211 = arith.constant 0 : i32
        %dma_start3A_212 = tpu.memref_slice %arg9[%dma_start3A_208, %dma_start3A_210, %dma_start3A_211] : memref<2x128x128xf32, #tpu.memory_space<vmem>> -> memref<1x128x128xf32, #tpu.memory_space<vmem>>
        %dma_start3A_213 = tpu.memref_squeeze %dma_start3A_212 : memref<1x128x128xf32, #tpu.memory_space<vmem>> -> memref<128x128xf32, #tpu.memory_space<vmem>>
        %dma_start3A_214 = arith.constant 0 : i32
        %dma_start3A_215 = tpu.memref_slice %arg8[%add3A_193, %dma_start3A_214] : memref<40x128xi32, #tpu.memory_space<vmem>> -> memref<1x128xi32, #tpu.memory_space<vmem>>
        %dma_start3A_216 = tpu.memref_squeeze %dma_start3A_215 : memref<1x128xi32, #tpu.memory_space<vmem>> -> memref<128xi32, #tpu.memory_space<vmem>>
        %dma_start3A_217 = arith.constant 0 : i32
        %dma_start3A_218 = arith.constant 0 : i32
        %dma_start3A_219 = tpu.memref_slice %arg10[%dma_start3A_217, %dma_start3A_218] : memref<10112x128xf32, #tpu.memory_space<vmem_shared>> -> memref<10112x128xf32, #tpu.memory_space<vmem_shared>>
        %dma_start3A_220 = tpu.memref_slice %arg12[%dma_start3A_209] : memref<2x!tpu.dma_semaphore, #tpu.memory_space<semaphore_mem>> -> memref<1x!tpu.dma_semaphore, #tpu.memory_space<semaphore_mem>>
        %dma_start3A_221 = tpu.memref_squeeze %dma_start3A_220 : memref<1x!tpu.dma_semaphore, #tpu.memory_space<semaphore_mem>> -> memref<!tpu.dma_semaphore, #tpu.memory_space<semaphore_mem>>
        tpu.enqueue_indirect_dma source(%dma_start3A_213 : memref<128x128xf32, #tpu.memory_space<vmem>>) target(%dma_start3A_219 : memref<10112x128xf32, #tpu.memory_space<vmem_shared>>) offsets(%dma_start3A_216 : memref<128xi32, #tpu.memory_space<vmem>>) semaphore(%dma_start3A_221 : memref<!tpu.dma_semaphore, #tpu.memory_space<semaphore_mem>>) {add = true}
        %sub3A_222 = arith.constant 1 : i32
        %sub3A_223 = arith.subi %add3A_193, %sub3A_222 : i32
        %ge3A_224 = arith.constant 0 : i32
        %ge3A_225 = arith.cmpi sge, %sub3A_223, %ge3A_224 : i32
        %add3A_226 = arith.constant 2 : i32
        %add3A_227 = arith.addi %sub3A_223, %add3A_226 : i32
        %lt3A_228 = arith.constant 40 : i32
        %lt3A_229 = arith.cmpi slt, %add3A_227, %lt3A_228 : i32
        %and3A_230 = arith.andi %ge3A_225, %lt3A_229 : i1
        %convert_element_type3A_231 = arith.extui %and3A_230 : i1 to i32
        %cond3A_232 = arith.constant 0 : i32
        %cond3A_233 = arith.cmpi ne, %convert_element_type3A_231, %cond3A_232 : i32
        scf.if %cond3A_233 {
          %dma_wait3A_234 = arith.constant 0 : i32
          %dma_wait3A_235 = arith.constant 0 : i32
          %dma_wait3A_236 = arith.constant 0 : i32
          %dma_wait3A_237 = arith.constant 0 : i32
          %dma_wait3A_238 = tpu.memref_slice %arg9[%dma_wait3A_234, %dma_wait3A_236, %dma_wait3A_237] : memref<2x128x128xf32, #tpu.memory_space<vmem>> -> memref<1x128x128xf32, #tpu.memory_space<vmem>>
          %dma_wait3A_239 = tpu.memref_squeeze %dma_wait3A_238 : memref<1x128x128xf32, #tpu.memory_space<vmem>> -> memref<128x128xf32, #tpu.memory_space<vmem>>
          %dma_wait3A_240 = arith.constant 0 : i32
          %dma_wait3A_241 = tpu.memref_slice %arg8[%sub3A_223, %dma_wait3A_240] : memref<40x128xi32, #tpu.memory_space<vmem>> -> memref<1x128xi32, #tpu.memory_space<vmem>>
          %dma_wait3A_242 = tpu.memref_squeeze %dma_wait3A_241 : memref<1x128xi32, #tpu.memory_space<vmem>> -> memref<128xi32, #tpu.memory_space<vmem>>
          %dma_wait3A_243 = arith.constant 0 : i32
          %dma_wait3A_244 = arith.constant 0 : i32
          %dma_wait3A_245 = tpu.memref_slice %arg10[%dma_wait3A_243, %dma_wait3A_244] : memref<10112x128xf32, #tpu.memory_space<vmem_shared>> -> memref<10112x128xf32, #tpu.memory_space<vmem_shared>>
          %dma_wait3A_246 = tpu.memref_slice %arg12[%dma_wait3A_235] : memref<2x!tpu.dma_semaphore, #tpu.memory_space<semaphore_mem>> -> memref<1x!tpu.dma_semaphore, #tpu.memory_space<semaphore_mem>>
          %dma_wait3A_247 = tpu.memref_squeeze %dma_wait3A_246 : memref<1x!tpu.dma_semaphore, #tpu.memory_space<semaphore_mem>> -> memref<!tpu.dma_semaphore, #tpu.memory_space<semaphore_mem>>
          tpu.wait_indirect_dma semaphore(%dma_wait3A_247 : memref<!tpu.dma_semaphore, #tpu.memory_space<semaphore_mem>>) src(%dma_wait3A_239 : memref<128x128xf32, #tpu.memory_space<vmem>>) dst(%dma_wait3A_245 : memref<10112x128xf32, #tpu.memory_space<vmem_shared>>)
          %add3A_248 = arith.constant 2 : i32
          %add3A_249 = arith.addi %sub3A_223, %add3A_248 : i32
          %dma_start3A_250 = arith.constant 0 : i32
          %dma_start3A_251 = arith.constant 0 : i32
          %dma_start3A_252 = arith.constant 0 : i32
          %dma_start3A_253 = arith.constant 0 : i32
          %dma_start3A_254 = tpu.memref_slice %arg9[%dma_start3A_250, %dma_start3A_252, %dma_start3A_253] : memref<2x128x128xf32, #tpu.memory_space<vmem>> -> memref<1x128x128xf32, #tpu.memory_space<vmem>>
          %dma_start3A_255 = tpu.memref_squeeze %dma_start3A_254 : memref<1x128x128xf32, #tpu.memory_space<vmem>> -> memref<128x128xf32, #tpu.memory_space<vmem>>
          %dma_start3A_256 = arith.constant 0 : i32
          %dma_start3A_257 = tpu.memref_slice %arg7[%add3A_249, %dma_start3A_256] : memref<40x128xi32, #tpu.memory_space<vmem>> -> memref<1x128xi32, #tpu.memory_space<vmem>>
          %dma_start3A_258 = tpu.memref_squeeze %dma_start3A_257 : memref<1x128xi32, #tpu.memory_space<vmem>> -> memref<128xi32, #tpu.memory_space<vmem>>
          %dma_start3A_259 = arith.constant 0 : i32
          %dma_start3A_260 = arith.constant 0 : i32
          %dma_start3A_261 = tpu.memref_slice %arg2[%dma_start3A_259, %dma_start3A_260] : memref<10000x128xf32, #tpu.memory_space<hbm>> -> memref<10000x128xf32, #tpu.memory_space<hbm>>
          %dma_start3A_262 = tpu.memref_slice %arg11[%dma_start3A_251] : memref<2x!tpu.dma_semaphore, #tpu.memory_space<semaphore_mem>> -> memref<1x!tpu.dma_semaphore, #tpu.memory_space<semaphore_mem>>
          %dma_start3A_263 = tpu.memref_squeeze %dma_start3A_262 : memref<1x!tpu.dma_semaphore, #tpu.memory_space<semaphore_mem>> -> memref<!tpu.dma_semaphore, #tpu.memory_space<semaphore_mem>>
          tpu.enqueue_indirect_dma source(%dma_start3A_261 : memref<10000x128xf32, #tpu.memory_space<hbm>>) target(%dma_start3A_255 : memref<128x128xf32, #tpu.memory_space<vmem>>) offsets(%dma_start3A_258 : memref<128xi32, #tpu.memory_space<vmem>>) semaphore(%dma_start3A_263 : memref<!tpu.dma_semaphore, #tpu.memory_space<semaphore_mem>>)
        } else {
        }
      }
      %scan3A_118 = arith.constant 20 : i32
      %dma_wait3A_119 = arith.constant 0 : i32
      %dma_wait3A_120 = arith.constant 38 : i32
      %dma_wait3A_121 = arith.constant 0 : i32
      %dma_wait3A_122 = arith.constant 0 : i32
      %dma_wait3A_123 = arith.constant 0 : i32
      %dma_wait3A_124 = tpu.memref_slice %arg9[%dma_wait3A_119, %dma_wait3A_122, %dma_wait3A_123] : memref<2x128x128xf32, #tpu.memory_space<vmem>> -> memref<1x128x128xf32, #tpu.memory_space<vmem>>
      %dma_wait3A_125 = tpu.memref_squeeze %dma_wait3A_124 : memref<1x128x128xf32, #tpu.memory_space<vmem>> -> memref<128x128xf32, #tpu.memory_space<vmem>>
      %dma_wait3A_126 = arith.constant 0 : i32
      %dma_wait3A_127 = tpu.memref_slice %arg8[%dma_wait3A_120, %dma_wait3A_126] : memref<40x128xi32, #tpu.memory_space<vmem>> -> memref<1x128xi32, #tpu.memory_space<vmem>>
      %dma_wait3A_128 = tpu.memref_squeeze %dma_wait3A_127 : memref<1x128xi32, #tpu.memory_space<vmem>> -> memref<128xi32, #tpu.memory_space<vmem>>
      %dma_wait3A_129 = arith.constant 0 : i32
      %dma_wait3A_130 = arith.constant 0 : i32
      %dma_wait3A_131 = tpu.memref_slice %arg10[%dma_wait3A_129, %dma_wait3A_130] : memref<10112x128xf32, #tpu.memory_space<vmem_shared>> -> memref<10112x128xf32, #tpu.memory_space<vmem_shared>>
      %dma_wait3A_132 = tpu.memref_slice %arg12[%dma_wait3A_121] : memref<2x!tpu.dma_semaphore, #tpu.memory_space<semaphore_mem>> -> memref<1x!tpu.dma_semaphore, #tpu.memory_space<semaphore_mem>>
      %dma_wait3A_133 = tpu.memref_squeeze %dma_wait3A_132 : memref<1x!tpu.dma_semaphore, #tpu.memory_space<semaphore_mem>> -> memref<!tpu.dma_semaphore, #tpu.memory_space<semaphore_mem>>
      tpu.wait_indirect_dma semaphore(%dma_wait3A_133 : memref<!tpu.dma_semaphore, #tpu.memory_space<semaphore_mem>>) src(%dma_wait3A_125 : memref<128x128xf32, #tpu.memory_space<vmem>>) dst(%dma_wait3A_131 : memref<10112x128xf32, #tpu.memory_space<vmem_shared>>)
      %dma_wait3A_134 = arith.constant 1 : i32
      %dma_wait3A_135 = arith.constant 39 : i32
      %dma_wait3A_136 = arith.constant 1 : i32
      %dma_wait3A_137 = arith.constant 0 : i32
      %dma_wait3A_138 = arith.constant 0 : i32
      %dma_wait3A_139 = tpu.memref_slice %arg9[%dma_wait3A_134, %dma_wait3A_137, %dma_wait3A_138] : memref<2x128x128xf32, #tpu.memory_space<vmem>> -> memref<1x128x128xf32, #tpu.memory_space<vmem>>
      %dma_wait3A_140 = tpu.memref_squeeze %dma_wait3A_139 : memref<1x128x128xf32, #tpu.memory_space<vmem>> -> memref<128x128xf32, #tpu.memory_space<vmem>>
      %dma_wait3A_141 = arith.constant 0 : i32
      %dma_wait3A_142 = tpu.memref_slice %arg8[%dma_wait3A_135, %dma_wait3A_141] : memref<40x128xi32, #tpu.memory_space<vmem>> -> memref<1x128xi32, #tpu.memory_space<vmem>>
      %dma_wait3A_143 = tpu.memref_squeeze %dma_wait3A_142 : memref<1x128xi32, #tpu.memory_space<vmem>> -> memref<128xi32, #tpu.memory_space<vmem>>
      %dma_wait3A_144 = arith.constant 0 : i32
      %dma_wait3A_145 = arith.constant 0 : i32
      %dma_wait3A_146 = tpu.memref_slice %arg10[%dma_wait3A_144, %dma_wait3A_145] : memref<10112x128xf32, #tpu.memory_space<vmem_shared>> -> memref<10112x128xf32, #tpu.memory_space<vmem_shared>>
      %dma_wait3A_147 = tpu.memref_slice %arg12[%dma_wait3A_136] : memref<2x!tpu.dma_semaphore, #tpu.memory_space<semaphore_mem>> -> memref<1x!tpu.dma_semaphore, #tpu.memory_space<semaphore_mem>>
      %dma_wait3A_148 = tpu.memref_squeeze %dma_wait3A_147 : memref<1x!tpu.dma_semaphore, #tpu.memory_space<semaphore_mem>> -> memref<!tpu.dma_semaphore, #tpu.memory_space<semaphore_mem>>
      tpu.wait_indirect_dma semaphore(%dma_wait3A_148 : memref<!tpu.dma_semaphore, #tpu.memory_space<semaphore_mem>>) src(%dma_wait3A_140 : memref<128x128xf32, #tpu.memory_space<vmem>>) dst(%dma_wait3A_146 : memref<10112x128xf32, #tpu.memory_space<vmem_shared>>)
    } else {
    }
    %barrier3A_76 = arith.constant 0 : index
    tpu.barrier barrier_id(%barrier3A_76)
    %mul3A_77 = arith.constant 632 : i32
    %mul3A_78 = arith.muli %arg1, %mul3A_77 : i32
    %mul3A_79 = arith.constant 10112 : i32
    %mul3A_80 = arith.muli %arg0, %mul3A_79 : i32
    %mul3A_81 = arith.constant 632 : i32
    %mul3A_82 = arith.muli %arg1, %mul3A_81 : i32
    %add3A = arith.addi %mul3A_80, %mul3A_82 : i32
    "tpu.region"() ({
      %run_scoped3A = tpu.sem_alloc : memref<!tpu.dma_semaphore, #tpu.memory_space<semaphore_mem>>
      %dma_start3A_83 = arith.constant 0 : i32
      %dma_start3A_84 = tpu.memref_slice %arg6[%add3A, %dma_start3A_83] : memref<20224x128xf32, #tpu.memory_space<hbm>> -> memref<632x128xf32, #tpu.memory_space<hbm>>
      %dma_start3A_85 = arith.constant 0 : i32
      %dma_start3A_86 = tpu.memref_slice %arg10[%mul3A_78, %dma_start3A_85] : memref<10112x128xf32, #tpu.memory_space<vmem_shared>> -> memref<632x128xf32, #tpu.memory_space<vmem_shared>>
      tpu.enqueue_dma source(%dma_start3A_86 : memref<632x128xf32, #tpu.memory_space<vmem_shared>>) target(%dma_start3A_84 : memref<632x128xf32, #tpu.memory_space<hbm>>) target_semaphore(%run_scoped3A : memref<!tpu.dma_semaphore, #tpu.memory_space<semaphore_mem>>)
      %dma_wait3A_87 = arith.constant 0 : i32
      %dma_wait3A_88 = tpu.memref_slice %arg6[%add3A, %dma_wait3A_87] : memref<20224x128xf32, #tpu.memory_space<hbm>> -> memref<632x128xf32, #tpu.memory_space<hbm>>
      %dma_wait3A_89 = arith.constant 0 : i32
      %dma_wait3A_90 = tpu.memref_slice %arg10[%mul3A_78, %dma_wait3A_89] : memref<10112x128xf32, #tpu.memory_space<vmem_shared>> -> memref<632x128xf32, #tpu.memory_space<vmem_shared>>
      tpu.wait_dma2 semaphore(%run_scoped3A : memref<!tpu.dma_semaphore, #tpu.memory_space<semaphore_mem>>) src(%dma_wait3A_90 : memref<632x128xf32, #tpu.memory_space<vmem_shared>>) dst(%dma_wait3A_88 : memref<632x128xf32, #tpu.memory_space<hbm>>)
      tpu.yield
    }) : () -> ()
    return
  }
}

#map = affine_map<(d0, d1) -> (0, 0, 0)>
#map1 = affine_map<(d0, d1) -> (0, 0)>
module attributes {stable_mosaic.version = 14 : i64} {
  func.func @k(%arg0: i32, %arg1: i32, %arg2: memref<32x80x128xi32, #tpu.memory_space<hbm>>, %arg3: memref<128x128xf32, #tpu.memory_space<hbm>>, %arg4: memref<10112x128xf32, #tpu.memory_space<hbm>>, %arg5: memref<20224x128xf32, #tpu.memory_space<hbm>>, %arg6: memref<80x128xi32, #tpu.memory_space<vmem>>, %arg7: memref<128x128xf32, #tpu.memory_space<vmem>>, %arg8: memref<10112x128xf32, #tpu.memory_space<vmem_shared>>, %arg9: memref<2x!tpu.dma_semaphore, #tpu.memory_space<semaphore_mem>>) attributes {dimension_semantics = [#tpu.dimension_semantics<core_parallel>, #tpu.dimension_semantics<subcore_parallel>], iteration_bounds = array<i64: 2, 16>, scalar_prefetch = 0 : i64, scratch_operands = 4 : i64, tpu.core_type = #tpu.core_type<sc_vector_subcore>, window_params = [{transform_indices = #map}, {transform_indices = #map1}, {transform_indices = #map1}, {transform_indices = #map1}]} {
    %mul3A = arith.constant 2 : i32
    %mul3A_0 = arith.muli %arg1, %mul3A : i32
    %add3A = arith.addi %mul3A_0, %arg0 : i32
    "tpu.region"() ({
      %run_scoped3A = tpu.sem_alloc : memref<!tpu.dma_semaphore, #tpu.memory_space<semaphore_mem>>
      %dma_start3A_56 = arith.constant 0 : i32
      %dma_start3A_57 = arith.constant 0 : i32
      %dma_start3A_58 = tpu.memref_slice %arg2[%add3A, %dma_start3A_56, %dma_start3A_57] : memref<32x80x128xi32, #tpu.memory_space<hbm>> -> memref<1x80x128xi32, #tpu.memory_space<hbm>>
      %dma_start3A_59 = tpu.memref_squeeze %dma_start3A_58 : memref<1x80x128xi32, #tpu.memory_space<hbm>> -> memref<80x128xi32, #tpu.memory_space<hbm>>
      %dma_start3A_60 = arith.constant 0 : i32
      %dma_start3A_61 = arith.constant 0 : i32
      %dma_start3A_62 = tpu.memref_slice %arg2[%add3A, %dma_start3A_60, %dma_start3A_61] : memref<32x80x128xi32, #tpu.memory_space<hbm>> -> memref<1x80x128xi32, #tpu.memory_space<hbm>>
      %dma_start3A_63 = tpu.memref_squeeze %dma_start3A_62 : memref<1x80x128xi32, #tpu.memory_space<hbm>> -> memref<80x128xi32, #tpu.memory_space<hbm>>
      tpu.enqueue_dma source(%dma_start3A_63 : memref<80x128xi32, #tpu.memory_space<hbm>>) target(%arg6 : memref<80x128xi32, #tpu.memory_space<vmem>>) target_semaphore(%run_scoped3A : memref<!tpu.dma_semaphore, #tpu.memory_space<semaphore_mem>>)
      %dma_wait3A_64 = arith.constant 0 : i32
      %dma_wait3A_65 = arith.constant 0 : i32
      %dma_wait3A_66 = tpu.memref_slice %arg2[%add3A, %dma_wait3A_64, %dma_wait3A_65] : memref<32x80x128xi32, #tpu.memory_space<hbm>> -> memref<1x80x128xi32, #tpu.memory_space<hbm>>
      %dma_wait3A_67 = tpu.memref_squeeze %dma_wait3A_66 : memref<1x80x128xi32, #tpu.memory_space<hbm>> -> memref<80x128xi32, #tpu.memory_space<hbm>>
      %dma_wait3A_68 = arith.constant 0 : i32
      %dma_wait3A_69 = arith.constant 0 : i32
      %dma_wait3A_70 = tpu.memref_slice %arg2[%add3A, %dma_wait3A_68, %dma_wait3A_69] : memref<32x80x128xi32, #tpu.memory_space<hbm>> -> memref<1x80x128xi32, #tpu.memory_space<hbm>>
      %dma_wait3A_71 = tpu.memref_squeeze %dma_wait3A_70 : memref<1x80x128xi32, #tpu.memory_space<hbm>> -> memref<80x128xi32, #tpu.memory_space<hbm>>
      tpu.wait_dma2 semaphore(%run_scoped3A : memref<!tpu.dma_semaphore, #tpu.memory_space<semaphore_mem>>) src(%dma_wait3A_71 : memref<80x128xi32, #tpu.memory_space<hbm>>) dst(%arg6 : memref<80x128xi32, #tpu.memory_space<vmem>>)
      tpu.yield
    }) : () -> ()
    "tpu.region"() ({
      %run_scoped3A = tpu.sem_alloc : memref<!tpu.dma_semaphore, #tpu.memory_space<semaphore_mem>>
      tpu.enqueue_dma source(%arg3 : memref<128x128xf32, #tpu.memory_space<hbm>>) target(%arg7 : memref<128x128xf32, #tpu.memory_space<vmem>>) target_semaphore(%run_scoped3A : memref<!tpu.dma_semaphore, #tpu.memory_space<semaphore_mem>>)
      tpu.wait_dma2 semaphore(%run_scoped3A : memref<!tpu.dma_semaphore, #tpu.memory_space<semaphore_mem>>) src(%arg3 : memref<128x128xf32, #tpu.memory_space<hbm>>) dst(%arg7 : memref<128x128xf32, #tpu.memory_space<vmem>>)
      tpu.yield
    }) : () -> ()
    %mul3A_1 = arith.constant 632 : i32
    %mul3A_2 = arith.muli %arg1, %mul3A_1 : i32
    %mul3A_3 = arith.constant 632 : i32
    %mul3A_4 = arith.muli %arg1, %mul3A_3 : i32
    "tpu.region"() ({
      %run_scoped3A = tpu.sem_alloc : memref<!tpu.dma_semaphore, #tpu.memory_space<semaphore_mem>>
      %dma_start3A_56 = arith.constant 0 : i32
      %dma_start3A_57 = tpu.memref_slice %arg8[%mul3A_4, %dma_start3A_56] : memref<10112x128xf32, #tpu.memory_space<vmem_shared>> -> memref<632x128xf32, #tpu.memory_space<vmem_shared>>
      %dma_start3A_58 = arith.constant 0 : i32
      %dma_start3A_59 = tpu.memref_slice %arg4[%mul3A_2, %dma_start3A_58] : memref<10112x128xf32, #tpu.memory_space<hbm>> -> memref<632x128xf32, #tpu.memory_space<hbm>>
      tpu.enqueue_dma source(%dma_start3A_59 : memref<632x128xf32, #tpu.memory_space<hbm>>) target(%dma_start3A_57 : memref<632x128xf32, #tpu.memory_space<vmem_shared>>) target_semaphore(%run_scoped3A : memref<!tpu.dma_semaphore, #tpu.memory_space<semaphore_mem>>)
      %dma_wait3A_60 = arith.constant 0 : i32
      %dma_wait3A_61 = tpu.memref_slice %arg8[%mul3A_4, %dma_wait3A_60] : memref<10112x128xf32, #tpu.memory_space<vmem_shared>> -> memref<632x128xf32, #tpu.memory_space<vmem_shared>>
      %dma_wait3A_62 = arith.constant 0 : i32
      %dma_wait3A_63 = tpu.memref_slice %arg4[%mul3A_2, %dma_wait3A_62] : memref<10112x128xf32, #tpu.memory_space<hbm>> -> memref<632x128xf32, #tpu.memory_space<hbm>>
      tpu.wait_dma2 semaphore(%run_scoped3A : memref<!tpu.dma_semaphore, #tpu.memory_space<semaphore_mem>>) src(%dma_wait3A_63 : memref<632x128xf32, #tpu.memory_space<hbm>>) dst(%dma_wait3A_61 : memref<632x128xf32, #tpu.memory_space<vmem_shared>>)
      tpu.yield
    }) : () -> ()
    %barrier3A = arith.constant 0 : index
    tpu.barrier barrier_id(%barrier3A)
    %dma_start3A = arith.constant 0 : i32
    %dma_start3A_5 = arith.constant 0 : i32
    %dma_start3A_6 = arith.constant 0 : i32
    %dma_start3A_7 = tpu.memref_slice %arg6[%dma_start3A, %dma_start3A_6] : memref<80x128xi32, #tpu.memory_space<vmem>> -> memref<1x128xi32, #tpu.memory_space<vmem>>
    %dma_start3A_8 = tpu.memref_squeeze %dma_start3A_7 : memref<1x128xi32, #tpu.memory_space<vmem>> -> memref<128xi32, #tpu.memory_space<vmem>>
    %dma_start3A_9 = arith.constant 0 : i32
    %dma_start3A_10 = arith.constant 0 : i32
    %dma_start3A_11 = tpu.memref_slice %arg8[%dma_start3A_9, %dma_start3A_10] : memref<10112x128xf32, #tpu.memory_space<vmem_shared>> -> memref<10112x128xf32, #tpu.memory_space<vmem_shared>>
    %dma_start3A_12 = tpu.memref_slice %arg9[%dma_start3A_5] : memref<2x!tpu.dma_semaphore, #tpu.memory_space<semaphore_mem>> -> memref<1x!tpu.dma_semaphore, #tpu.memory_space<semaphore_mem>>
    %dma_start3A_13 = tpu.memref_squeeze %dma_start3A_12 : memref<1x!tpu.dma_semaphore, #tpu.memory_space<semaphore_mem>> -> memref<!tpu.dma_semaphore, #tpu.memory_space<semaphore_mem>>
    tpu.enqueue_indirect_dma source(%arg7 : memref<128x128xf32, #tpu.memory_space<vmem>>) target(%dma_start3A_11 : memref<10112x128xf32, #tpu.memory_space<vmem_shared>>) offsets(%dma_start3A_8 : memref<128xi32, #tpu.memory_space<vmem>>) semaphore(%dma_start3A_13 : memref<!tpu.dma_semaphore, #tpu.memory_space<semaphore_mem>>) {add = true}
    %dma_start3A_14 = arith.constant 1 : i32
    %dma_start3A_15 = arith.constant 1 : i32
    %dma_start3A_16 = arith.constant 0 : i32
    %dma_start3A_17 = tpu.memref_slice %arg6[%dma_start3A_14, %dma_start3A_16] : memref<80x128xi32, #tpu.memory_space<vmem>> -> memref<1x128xi32, #tpu.memory_space<vmem>>
    %dma_start3A_18 = tpu.memref_squeeze %dma_start3A_17 : memref<1x128xi32, #tpu.memory_space<vmem>> -> memref<128xi32, #tpu.memory_space<vmem>>
    %dma_start3A_19 = arith.constant 0 : i32
    %dma_start3A_20 = arith.constant 0 : i32
    %dma_start3A_21 = tpu.memref_slice %arg8[%dma_start3A_19, %dma_start3A_20] : memref<10112x128xf32, #tpu.memory_space<vmem_shared>> -> memref<10112x128xf32, #tpu.memory_space<vmem_shared>>
    %dma_start3A_22 = tpu.memref_slice %arg9[%dma_start3A_15] : memref<2x!tpu.dma_semaphore, #tpu.memory_space<semaphore_mem>> -> memref<1x!tpu.dma_semaphore, #tpu.memory_space<semaphore_mem>>
    %dma_start3A_23 = tpu.memref_squeeze %dma_start3A_22 : memref<1x!tpu.dma_semaphore, #tpu.memory_space<semaphore_mem>> -> memref<!tpu.dma_semaphore, #tpu.memory_space<semaphore_mem>>
    tpu.enqueue_indirect_dma source(%arg7 : memref<128x128xf32, #tpu.memory_space<vmem>>) target(%dma_start3A_21 : memref<10112x128xf32, #tpu.memory_space<vmem_shared>>) offsets(%dma_start3A_18 : memref<128xi32, #tpu.memory_space<vmem>>) semaphore(%dma_start3A_23 : memref<!tpu.dma_semaphore, #tpu.memory_space<semaphore_mem>>) {add = true}
    %scan3A = arith.constant 0 : i32
    %scan3A_24 = arith.constant 1 : i32
    %scan3A_25 = arith.constant 39 : i32
    %scan3A_26 = arith.addi %scan3A_24, %scan3A_25 : i32
    %scan3A_27 = arith.constant 1 : i32
    scf.for %scan3A_56 = %scan3A_24 to %scan3A_26 step %scan3A_27  : i32 {
      %mul3A_57 = arith.constant 2 : i32
      %mul3A_58 = arith.muli %scan3A_56, %mul3A_57 : i32
      %add3A_59 = arith.constant 0 : i32
      %add3A_60 = arith.addi %mul3A_58, %add3A_59 : i32
      %sub3A = arith.constant 2 : i32
      %sub3A_61 = arith.subi %add3A_60, %sub3A : i32
      %dma_wait3A_62 = arith.constant 0 : i32
      %dma_wait3A_63 = arith.constant 0 : i32
      %dma_wait3A_64 = tpu.memref_slice %arg6[%sub3A_61, %dma_wait3A_63] : memref<80x128xi32, #tpu.memory_space<vmem>> -> memref<1x128xi32, #tpu.memory_space<vmem>>
      %dma_wait3A_65 = tpu.memref_squeeze %dma_wait3A_64 : memref<1x128xi32, #tpu.memory_space<vmem>> -> memref<128xi32, #tpu.memory_space<vmem>>
      %dma_wait3A_66 = arith.constant 0 : i32
      %dma_wait3A_67 = arith.constant 0 : i32
      %dma_wait3A_68 = tpu.memref_slice %arg8[%dma_wait3A_66, %dma_wait3A_67] : memref<10112x128xf32, #tpu.memory_space<vmem_shared>> -> memref<10112x128xf32, #tpu.memory_space<vmem_shared>>
      %dma_wait3A_69 = tpu.memref_slice %arg9[%dma_wait3A_62] : memref<2x!tpu.dma_semaphore, #tpu.memory_space<semaphore_mem>> -> memref<1x!tpu.dma_semaphore, #tpu.memory_space<semaphore_mem>>
      %dma_wait3A_70 = tpu.memref_squeeze %dma_wait3A_69 : memref<1x!tpu.dma_semaphore, #tpu.memory_space<semaphore_mem>> -> memref<!tpu.dma_semaphore, #tpu.memory_space<semaphore_mem>>
      tpu.wait_indirect_dma semaphore(%dma_wait3A_70 : memref<!tpu.dma_semaphore, #tpu.memory_space<semaphore_mem>>) src(%arg7 : memref<128x128xf32, #tpu.memory_space<vmem>>) dst(%dma_wait3A_68 : memref<10112x128xf32, #tpu.memory_space<vmem_shared>>)
      %dma_start3A_71 = arith.constant 0 : i32
      %dma_start3A_72 = arith.constant 0 : i32
      %dma_start3A_73 = tpu.memref_slice %arg6[%add3A_60, %dma_start3A_72] : memref<80x128xi32, #tpu.memory_space<vmem>> -> memref<1x128xi32, #tpu.memory_space<vmem>>
      %dma_start3A_74 = tpu.memref_squeeze %dma_start3A_73 : memref<1x128xi32, #tpu.memory_space<vmem>> -> memref<128xi32, #tpu.memory_space<vmem>>
      %dma_start3A_75 = arith.constant 0 : i32
      %dma_start3A_76 = arith.constant 0 : i32
      %dma_start3A_77 = tpu.memref_slice %arg8[%dma_start3A_75, %dma_start3A_76] : memref<10112x128xf32, #tpu.memory_space<vmem_shared>> -> memref<10112x128xf32, #tpu.memory_space<vmem_shared>>
      %dma_start3A_78 = tpu.memref_slice %arg9[%dma_start3A_71] : memref<2x!tpu.dma_semaphore, #tpu.memory_space<semaphore_mem>> -> memref<1x!tpu.dma_semaphore, #tpu.memory_space<semaphore_mem>>
      %dma_start3A_79 = tpu.memref_squeeze %dma_start3A_78 : memref<1x!tpu.dma_semaphore, #tpu.memory_space<semaphore_mem>> -> memref<!tpu.dma_semaphore, #tpu.memory_space<semaphore_mem>>
      tpu.enqueue_indirect_dma source(%arg7 : memref<128x128xf32, #tpu.memory_space<vmem>>) target(%dma_start3A_77 : memref<10112x128xf32, #tpu.memory_space<vmem_shared>>) offsets(%dma_start3A_74 : memref<128xi32, #tpu.memory_space<vmem>>) semaphore(%dma_start3A_79 : memref<!tpu.dma_semaphore, #tpu.memory_space<semaphore_mem>>) {add = true}
      %mul3A_80 = arith.constant 2 : i32
      %mul3A_81 = arith.muli %scan3A_56, %mul3A_80 : i32
      %add3A_82 = arith.constant 1 : i32
      %add3A_83 = arith.addi %mul3A_81, %add3A_82 : i32
      %sub3A_84 = arith.constant 2 : i32
      %sub3A_85 = arith.subi %add3A_83, %sub3A_84 : i32
      %dma_wait3A_86 = arith.constant 1 : i32
      %dma_wait3A_87 = arith.constant 0 : i32
      %dma_wait3A_88 = tpu.memref_slice %arg6[%sub3A_85, %dma_wait3A_87] : memref<80x128xi32, #tpu.memory_space<vmem>> -> memref<1x128xi32, #tpu.memory_space<vmem>>
      %dma_wait3A_89 = tpu.memref_squeeze %dma_wait3A_88 : memref<1x128xi32, #tpu.memory_space<vmem>> -> memref<128xi32, #tpu.memory_space<vmem>>
      %dma_wait3A_90 = arith.constant 0 : i32
      %dma_wait3A_91 = arith.constant 0 : i32
      %dma_wait3A_92 = tpu.memref_slice %arg8[%dma_wait3A_90, %dma_wait3A_91] : memref<10112x128xf32, #tpu.memory_space<vmem_shared>> -> memref<10112x128xf32, #tpu.memory_space<vmem_shared>>
      %dma_wait3A_93 = tpu.memref_slice %arg9[%dma_wait3A_86] : memref<2x!tpu.dma_semaphore, #tpu.memory_space<semaphore_mem>> -> memref<1x!tpu.dma_semaphore, #tpu.memory_space<semaphore_mem>>
      %dma_wait3A_94 = tpu.memref_squeeze %dma_wait3A_93 : memref<1x!tpu.dma_semaphore, #tpu.memory_space<semaphore_mem>> -> memref<!tpu.dma_semaphore, #tpu.memory_space<semaphore_mem>>
      tpu.wait_indirect_dma semaphore(%dma_wait3A_94 : memref<!tpu.dma_semaphore, #tpu.memory_space<semaphore_mem>>) src(%arg7 : memref<128x128xf32, #tpu.memory_space<vmem>>) dst(%dma_wait3A_92 : memref<10112x128xf32, #tpu.memory_space<vmem_shared>>)
      %dma_start3A_95 = arith.constant 1 : i32
      %dma_start3A_96 = arith.constant 0 : i32
      %dma_start3A_97 = tpu.memref_slice %arg6[%add3A_83, %dma_start3A_96] : memref<80x128xi32, #tpu.memory_space<vmem>> -> memref<1x128xi32, #tpu.memory_space<vmem>>
      %dma_start3A_98 = tpu.memref_squeeze %dma_start3A_97 : memref<1x128xi32, #tpu.memory_space<vmem>> -> memref<128xi32, #tpu.memory_space<vmem>>
      %dma_start3A_99 = arith.constant 0 : i32
      %dma_start3A_100 = arith.constant 0 : i32
      %dma_start3A_101 = tpu.memref_slice %arg8[%dma_start3A_99, %dma_start3A_100] : memref<10112x128xf32, #tpu.memory_space<vmem_shared>> -> memref<10112x128xf32, #tpu.memory_space<vmem_shared>>
      %dma_start3A_102 = tpu.memref_slice %arg9[%dma_start3A_95] : memref<2x!tpu.dma_semaphore, #tpu.memory_space<semaphore_mem>> -> memref<1x!tpu.dma_semaphore, #tpu.memory_space<semaphore_mem>>
      %dma_start3A_103 = tpu.memref_squeeze %dma_start3A_102 : memref<1x!tpu.dma_semaphore, #tpu.memory_space<semaphore_mem>> -> memref<!tpu.dma_semaphore, #tpu.memory_space<semaphore_mem>>
      tpu.enqueue_indirect_dma source(%arg7 : memref<128x128xf32, #tpu.memory_space<vmem>>) target(%dma_start3A_101 : memref<10112x128xf32, #tpu.memory_space<vmem_shared>>) offsets(%dma_start3A_98 : memref<128xi32, #tpu.memory_space<vmem>>) semaphore(%dma_start3A_103 : memref<!tpu.dma_semaphore, #tpu.memory_space<semaphore_mem>>) {add = true}
    }
    %scan3A_28 = arith.constant 39 : i32
    %dma_wait3A = arith.constant 78 : i32
    %dma_wait3A_29 = arith.constant 0 : i32
    %dma_wait3A_30 = arith.constant 0 : i32
    %dma_wait3A_31 = tpu.memref_slice %arg6[%dma_wait3A, %dma_wait3A_30] : memref<80x128xi32, #tpu.memory_space<vmem>> -> memref<1x128xi32, #tpu.memory_space<vmem>>
    %dma_wait3A_32 = tpu.memref_squeeze %dma_wait3A_31 : memref<1x128xi32, #tpu.memory_space<vmem>> -> memref<128xi32, #tpu.memory_space<vmem>>
    %dma_wait3A_33 = arith.constant 0 : i32
    %dma_wait3A_34 = arith.constant 0 : i32
    %dma_wait3A_35 = tpu.memref_slice %arg8[%dma_wait3A_33, %dma_wait3A_34] : memref<10112x128xf32, #tpu.memory_space<vmem_shared>> -> memref<10112x128xf32, #tpu.memory_space<vmem_shared>>
    %dma_wait3A_36 = tpu.memref_slice %arg9[%dma_wait3A_29] : memref<2x!tpu.dma_semaphore, #tpu.memory_space<semaphore_mem>> -> memref<1x!tpu.dma_semaphore, #tpu.memory_space<semaphore_mem>>
    %dma_wait3A_37 = tpu.memref_squeeze %dma_wait3A_36 : memref<1x!tpu.dma_semaphore, #tpu.memory_space<semaphore_mem>> -> memref<!tpu.dma_semaphore, #tpu.memory_space<semaphore_mem>>
    tpu.wait_indirect_dma semaphore(%dma_wait3A_37 : memref<!tpu.dma_semaphore, #tpu.memory_space<semaphore_mem>>) src(%arg7 : memref<128x128xf32, #tpu.memory_space<vmem>>) dst(%dma_wait3A_35 : memref<10112x128xf32, #tpu.memory_space<vmem_shared>>)
    %dma_wait3A_38 = arith.constant 79 : i32
    %dma_wait3A_39 = arith.constant 1 : i32
    %dma_wait3A_40 = arith.constant 0 : i32
    %dma_wait3A_41 = tpu.memref_slice %arg6[%dma_wait3A_38, %dma_wait3A_40] : memref<80x128xi32, #tpu.memory_space<vmem>> -> memref<1x128xi32, #tpu.memory_space<vmem>>
    %dma_wait3A_42 = tpu.memref_squeeze %dma_wait3A_41 : memref<1x128xi32, #tpu.memory_space<vmem>> -> memref<128xi32, #tpu.memory_space<vmem>>
    %dma_wait3A_43 = arith.constant 0 : i32
    %dma_wait3A_44 = arith.constant 0 : i32
    %dma_wait3A_45 = tpu.memref_slice %arg8[%dma_wait3A_43, %dma_wait3A_44] : memref<10112x128xf32, #tpu.memory_space<vmem_shared>> -> memref<10112x128xf32, #tpu.memory_space<vmem_shared>>
    %dma_wait3A_46 = tpu.memref_slice %arg9[%dma_wait3A_39] : memref<2x!tpu.dma_semaphore, #tpu.memory_space<semaphore_mem>> -> memref<1x!tpu.dma_semaphore, #tpu.memory_space<semaphore_mem>>
    %dma_wait3A_47 = tpu.memref_squeeze %dma_wait3A_46 : memref<1x!tpu.dma_semaphore, #tpu.memory_space<semaphore_mem>> -> memref<!tpu.dma_semaphore, #tpu.memory_space<semaphore_mem>>
    tpu.wait_indirect_dma semaphore(%dma_wait3A_47 : memref<!tpu.dma_semaphore, #tpu.memory_space<semaphore_mem>>) src(%arg7 : memref<128x128xf32, #tpu.memory_space<vmem>>) dst(%dma_wait3A_45 : memref<10112x128xf32, #tpu.memory_space<vmem_shared>>)
    %barrier3A_48 = arith.constant 0 : index
    tpu.barrier barrier_id(%barrier3A_48)
    %mul3A_49 = arith.constant 632 : i32
    %mul3A_50 = arith.muli %arg1, %mul3A_49 : i32
    %mul3A_51 = arith.constant 10112 : i32
    %mul3A_52 = arith.muli %arg0, %mul3A_51 : i32
    %mul3A_53 = arith.constant 632 : i32
    %mul3A_54 = arith.muli %arg1, %mul3A_53 : i32
    %add3A_55 = arith.addi %mul3A_52, %mul3A_54 : i32
    "tpu.region"() ({
      %run_scoped3A = tpu.sem_alloc : memref<!tpu.dma_semaphore, #tpu.memory_space<semaphore_mem>>
      %dma_start3A_56 = arith.constant 0 : i32
      %dma_start3A_57 = tpu.memref_slice %arg5[%add3A_55, %dma_start3A_56] : memref<20224x128xf32, #tpu.memory_space<hbm>> -> memref<632x128xf32, #tpu.memory_space<hbm>>
      %dma_start3A_58 = arith.constant 0 : i32
      %dma_start3A_59 = tpu.memref_slice %arg8[%mul3A_50, %dma_start3A_58] : memref<10112x128xf32, #tpu.memory_space<vmem_shared>> -> memref<632x128xf32, #tpu.memory_space<vmem_shared>>
      tpu.enqueue_dma source(%dma_start3A_59 : memref<632x128xf32, #tpu.memory_space<vmem_shared>>) target(%dma_start3A_57 : memref<632x128xf32, #tpu.memory_space<hbm>>) target_semaphore(%run_scoped3A : memref<!tpu.dma_semaphore, #tpu.memory_space<semaphore_mem>>)
      %dma_wait3A_60 = arith.constant 0 : i32
      %dma_wait3A_61 = tpu.memref_slice %arg5[%add3A_55, %dma_wait3A_60] : memref<20224x128xf32, #tpu.memory_space<hbm>> -> memref<632x128xf32, #tpu.memory_space<hbm>>
      %dma_wait3A_62 = arith.constant 0 : i32
      %dma_wait3A_63 = tpu.memref_slice %arg8[%mul3A_50, %dma_wait3A_62] : memref<10112x128xf32, #tpu.memory_space<vmem_shared>> -> memref<632x128xf32, #tpu.memory_space<vmem_shared>>
      tpu.wait_dma2 semaphore(%run_scoped3A : memref<!tpu.dma_semaphore, #tpu.memory_space<semaphore_mem>>) src(%dma_wait3A_63 : memref<632x128xf32, #tpu.memory_space<vmem_shared>>) dst(%dma_wait3A_61 : memref<632x128xf32, #tpu.memory_space<hbm>>)
      tpu.yield
    }) : () -> ()
    return
  }
}

#map = affine_map<(d0, d1) -> (0, 0)>
#map1 = affine_map<(d0, d1) -> (0, 0, 0)>
module attributes {stable_mosaic.version = 14 : i64} {
  func.func @k(%arg0: i32, %arg1: i32, %arg2: memref<10000x128xf32, #tpu.memory_space<hbm>>, %arg3: memref<16x160x128xi32, #tpu.memory_space<hbm>>, %arg4: memref<16x160x128xi32, #tpu.memory_space<hbm>>, %arg5: memref<10112x128xf32, #tpu.memory_space<hbm>>, %arg6: memref<20224x128xf32, #tpu.memory_space<hbm>>, %arg7: memref<40x128xi32, #tpu.memory_space<vmem>>, %arg8: memref<40x128xi32, #tpu.memory_space<vmem>>, %arg9: memref<2x128x128xf32, #tpu.memory_space<vmem>>, %arg10: memref<10112x128xf32, #tpu.memory_space<vmem_shared>>, %arg11: memref<2x!tpu.dma_semaphore, #tpu.memory_space<semaphore_mem>>, %arg12: memref<2x!tpu.dma_semaphore, #tpu.memory_space<semaphore_mem>>) attributes {dimension_semantics = [#tpu.dimension_semantics<core_parallel>, #tpu.dimension_semantics<subcore_parallel>], iteration_bounds = array<i64: 2, 16>, scalar_prefetch = 0 : i64, scratch_operands = 6 : i64, tpu.core_type = #tpu.core_type<sc_vector_subcore>, window_params = [{transform_indices = #map}, {transform_indices = #map1}, {transform_indices = #map1}, {transform_indices = #map}, {transform_indices = #map}]} {
    %eq3A = arith.constant 0 : i32
    %eq3A_0 = arith.cmpi eq, %arg0, %eq3A : i32
    %jit3A = arith.constant 0 : i32
    %jit3A_1 = arith.constant 120 : i32
    %select_n3A = arith.select %eq3A_0, %jit3A, %jit3A_1 : i32
    %mul3A = arith.constant 632 : i32
    %mul3A_2 = arith.muli %arg1, %mul3A : i32
    %mul3A_3 = arith.constant 632 : i32
    %mul3A_4 = arith.muli %arg1, %mul3A_3 : i32
    "tpu.region"() ({
      %run_scoped3A = tpu.sem_alloc : memref<!tpu.dma_semaphore, #tpu.memory_space<semaphore_mem>>
      %dma_start3A_83 = arith.constant 0 : i32
      %dma_start3A_84 = tpu.memref_slice %arg10[%mul3A_4, %dma_start3A_83] : memref<10112x128xf32, #tpu.memory_space<vmem_shared>> -> memref<632x128xf32, #tpu.memory_space<vmem_shared>>
      %dma_start3A_85 = arith.constant 0 : i32
      %dma_start3A_86 = tpu.memref_slice %arg5[%mul3A_2, %dma_start3A_85] : memref<10112x128xf32, #tpu.memory_space<hbm>> -> memref<632x128xf32, #tpu.memory_space<hbm>>
      tpu.enqueue_dma source(%dma_start3A_86 : memref<632x128xf32, #tpu.memory_space<hbm>>) target(%dma_start3A_84 : memref<632x128xf32, #tpu.memory_space<vmem_shared>>) target_semaphore(%run_scoped3A : memref<!tpu.dma_semaphore, #tpu.memory_space<semaphore_mem>>)
      %dma_wait3A_87 = arith.constant 0 : i32
      %dma_wait3A_88 = tpu.memref_slice %arg10[%mul3A_4, %dma_wait3A_87] : memref<10112x128xf32, #tpu.memory_space<vmem_shared>> -> memref<632x128xf32, #tpu.memory_space<vmem_shared>>
      %dma_wait3A_89 = arith.constant 0 : i32
      %dma_wait3A_90 = tpu.memref_slice %arg5[%mul3A_2, %dma_wait3A_89] : memref<10112x128xf32, #tpu.memory_space<hbm>> -> memref<632x128xf32, #tpu.memory_space<hbm>>
      tpu.wait_dma2 semaphore(%run_scoped3A : memref<!tpu.dma_semaphore, #tpu.memory_space<semaphore_mem>>) src(%dma_wait3A_90 : memref<632x128xf32, #tpu.memory_space<hbm>>) dst(%dma_wait3A_88 : memref<632x128xf32, #tpu.memory_space<vmem_shared>>)
      tpu.yield
    }) : () -> ()
    %barrier3A = arith.constant 0 : index
    tpu.barrier barrier_id(%barrier3A)
    "tpu.region"() ({
      %run_scoped3A = tpu.sem_alloc : memref<!tpu.dma_semaphore, #tpu.memory_space<semaphore_mem>>
      %dma_start3A_83 = arith.constant 0 : i32
      %dma_start3A_84 = tpu.memref_slice %arg3[%arg1, %select_n3A, %dma_start3A_83] : memref<16x160x128xi32, #tpu.memory_space<hbm>> -> memref<1x40x128xi32, #tpu.memory_space<hbm>>
      %dma_start3A_85 = tpu.memref_squeeze %dma_start3A_84 : memref<1x40x128xi32, #tpu.memory_space<hbm>> -> memref<40x128xi32, #tpu.memory_space<hbm>>
      %dma_start3A_86 = arith.constant 0 : i32
      %dma_start3A_87 = tpu.memref_slice %arg3[%arg1, %select_n3A, %dma_start3A_86] : memref<16x160x128xi32, #tpu.memory_space<hbm>> -> memref<1x40x128xi32, #tpu.memory_space<hbm>>
      %dma_start3A_88 = tpu.memref_squeeze %dma_start3A_87 : memref<1x40x128xi32, #tpu.memory_space<hbm>> -> memref<40x128xi32, #tpu.memory_space<hbm>>
      tpu.enqueue_dma source(%dma_start3A_88 : memref<40x128xi32, #tpu.memory_space<hbm>>) target(%arg7 : memref<40x128xi32, #tpu.memory_space<vmem>>) target_semaphore(%run_scoped3A : memref<!tpu.dma_semaphore, #tpu.memory_space<semaphore_mem>>)
      %dma_wait3A_89 = arith.constant 0 : i32
      %dma_wait3A_90 = tpu.memref_slice %arg3[%arg1, %select_n3A, %dma_wait3A_89] : memref<16x160x128xi32, #tpu.memory_space<hbm>> -> memref<1x40x128xi32, #tpu.memory_space<hbm>>
      %dma_wait3A_91 = tpu.memref_squeeze %dma_wait3A_90 : memref<1x40x128xi32, #tpu.memory_space<hbm>> -> memref<40x128xi32, #tpu.memory_space<hbm>>
      %dma_wait3A_92 = arith.constant 0 : i32
      %dma_wait3A_93 = tpu.memref_slice %arg3[%arg1, %select_n3A, %dma_wait3A_92] : memref<16x160x128xi32, #tpu.memory_space<hbm>> -> memref<1x40x128xi32, #tpu.memory_space<hbm>>
      %dma_wait3A_94 = tpu.memref_squeeze %dma_wait3A_93 : memref<1x40x128xi32, #tpu.memory_space<hbm>> -> memref<40x128xi32, #tpu.memory_space<hbm>>
      tpu.wait_dma2 semaphore(%run_scoped3A : memref<!tpu.dma_semaphore, #tpu.memory_space<semaphore_mem>>) src(%dma_wait3A_94 : memref<40x128xi32, #tpu.memory_space<hbm>>) dst(%arg7 : memref<40x128xi32, #tpu.memory_space<vmem>>)
      tpu.yield
    }) : () -> ()
    "tpu.region"() ({
      %run_scoped3A = tpu.sem_alloc : memref<!tpu.dma_semaphore, #tpu.memory_space<semaphore_mem>>
      %dma_start3A_83 = arith.constant 0 : i32
      %dma_start3A_84 = tpu.memref_slice %arg4[%arg1, %select_n3A, %dma_start3A_83] : memref<16x160x128xi32, #tpu.memory_space<hbm>> -> memref<1x40x128xi32, #tpu.memory_space<hbm>>
      %dma_start3A_85 = tpu.memref_squeeze %dma_start3A_84 : memref<1x40x128xi32, #tpu.memory_space<hbm>> -> memref<40x128xi32, #tpu.memory_space<hbm>>
      %dma_start3A_86 = arith.constant 0 : i32
      %dma_start3A_87 = tpu.memref_slice %arg4[%arg1, %select_n3A, %dma_start3A_86] : memref<16x160x128xi32, #tpu.memory_space<hbm>> -> memref<1x40x128xi32, #tpu.memory_space<hbm>>
      %dma_start3A_88 = tpu.memref_squeeze %dma_start3A_87 : memref<1x40x128xi32, #tpu.memory_space<hbm>> -> memref<40x128xi32, #tpu.memory_space<hbm>>
      tpu.enqueue_dma source(%dma_start3A_88 : memref<40x128xi32, #tpu.memory_space<hbm>>) target(%arg8 : memref<40x128xi32, #tpu.memory_space<vmem>>) target_semaphore(%run_scoped3A : memref<!tpu.dma_semaphore, #tpu.memory_space<semaphore_mem>>)
      %dma_wait3A_89 = arith.constant 0 : i32
      %dma_wait3A_90 = tpu.memref_slice %arg4[%arg1, %select_n3A, %dma_wait3A_89] : memref<16x160x128xi32, #tpu.memory_space<hbm>> -> memref<1x40x128xi32, #tpu.memory_space<hbm>>
      %dma_wait3A_91 = tpu.memref_squeeze %dma_wait3A_90 : memref<1x40x128xi32, #tpu.memory_space<hbm>> -> memref<40x128xi32, #tpu.memory_space<hbm>>
      %dma_wait3A_92 = arith.constant 0 : i32
      %dma_wait3A_93 = tpu.memref_slice %arg4[%arg1, %select_n3A, %dma_wait3A_92] : memref<16x160x128xi32, #tpu.memory_space<hbm>> -> memref<1x40x128xi32, #tpu.memory_space<hbm>>
      %dma_wait3A_94 = tpu.memref_squeeze %dma_wait3A_93 : memref<1x40x128xi32, #tpu.memory_space<hbm>> -> memref<40x128xi32, #tpu.memory_space<hbm>>
      tpu.wait_dma2 semaphore(%run_scoped3A : memref<!tpu.dma_semaphore, #tpu.memory_space<semaphore_mem>>) src(%dma_wait3A_94 : memref<40x128xi32, #tpu.memory_space<hbm>>) dst(%arg8 : memref<40x128xi32, #tpu.memory_space<vmem>>)
      tpu.yield
    }) : () -> ()
    %dma_start3A = arith.constant 0 : i32
    %dma_start3A_5 = arith.constant 0 : i32
    %dma_start3A_6 = arith.constant 0 : i32
    %dma_start3A_7 = arith.constant 0 : i32
    %dma_start3A_8 = arith.constant 0 : i32
    %dma_start3A_9 = tpu.memref_slice %arg9[%dma_start3A_5, %dma_start3A_7, %dma_start3A_8] : memref<2x128x128xf32, #tpu.memory_space<vmem>> -> memref<1x128x128xf32, #tpu.memory_space<vmem>>
    %dma_start3A_10 = tpu.memref_squeeze %dma_start3A_9 : memref<1x128x128xf32, #tpu.memory_space<vmem>> -> memref<128x128xf32, #tpu.memory_space<vmem>>
    %dma_start3A_11 = arith.constant 0 : i32
    %dma_start3A_12 = tpu.memref_slice %arg7[%dma_start3A, %dma_start3A_11] : memref<40x128xi32, #tpu.memory_space<vmem>> -> memref<1x128xi32, #tpu.memory_space<vmem>>
    %dma_start3A_13 = tpu.memref_squeeze %dma_start3A_12 : memref<1x128xi32, #tpu.memory_space<vmem>> -> memref<128xi32, #tpu.memory_space<vmem>>
    %dma_start3A_14 = arith.constant 0 : i32
    %dma_start3A_15 = arith.constant 0 : i32
    %dma_start3A_16 = tpu.memref_slice %arg2[%dma_start3A_14, %dma_start3A_15] : memref<10000x128xf32, #tpu.memory_space<hbm>> -> memref<10000x128xf32, #tpu.memory_space<hbm>>
    %dma_start3A_17 = tpu.memref_slice %arg11[%dma_start3A_6] : memref<2x!tpu.dma_semaphore, #tpu.memory_space<semaphore_mem>> -> memref<1x!tpu.dma_semaphore, #tpu.memory_space<semaphore_mem>>
    %dma_start3A_18 = tpu.memref_squeeze %dma_start3A_17 : memref<1x!tpu.dma_semaphore, #tpu.memory_space<semaphore_mem>> -> memref<!tpu.dma_semaphore, #tpu.memory_space<semaphore_mem>>
    tpu.enqueue_indirect_dma source(%dma_start3A_16 : memref<10000x128xf32, #tpu.memory_space<hbm>>) target(%dma_start3A_10 : memref<128x128xf32, #tpu.memory_space<vmem>>) offsets(%dma_start3A_13 : memref<128xi32, #tpu.memory_space<vmem>>) semaphore(%dma_start3A_18 : memref<!tpu.dma_semaphore, #tpu.memory_space<semaphore_mem>>)
    %dma_start3A_19 = arith.constant 1 : i32
    %dma_start3A_20 = arith.constant 1 : i32
    %dma_start3A_21 = arith.constant 1 : i32
    %dma_start3A_22 = arith.constant 0 : i32
    %dma_start3A_23 = arith.constant 0 : i32
    %dma_start3A_24 = tpu.memref_slice %arg9[%dma_start3A_20, %dma_start3A_22, %dma_start3A_23] : memref<2x128x128xf32, #tpu.memory_space<vmem>> -> memref<1x128x128xf32, #tpu.memory_space<vmem>>
    %dma_start3A_25 = tpu.memref_squeeze %dma_start3A_24 : memref<1x128x128xf32, #tpu.memory_space<vmem>> -> memref<128x128xf32, #tpu.memory_space<vmem>>
    %dma_start3A_26 = arith.constant 0 : i32
    %dma_start3A_27 = tpu.memref_slice %arg7[%dma_start3A_19, %dma_start3A_26] : memref<40x128xi32, #tpu.memory_space<vmem>> -> memref<1x128xi32, #tpu.memory_space<vmem>>
    %dma_start3A_28 = tpu.memref_squeeze %dma_start3A_27 : memref<1x128xi32, #tpu.memory_space<vmem>> -> memref<128xi32, #tpu.memory_space<vmem>>
    %dma_start3A_29 = arith.constant 0 : i32
    %dma_start3A_30 = arith.constant 0 : i32
    %dma_start3A_31 = tpu.memref_slice %arg2[%dma_start3A_29, %dma_start3A_30] : memref<10000x128xf32, #tpu.memory_space<hbm>> -> memref<10000x128xf32, #tpu.memory_space<hbm>>
    %dma_start3A_32 = tpu.memref_slice %arg11[%dma_start3A_21] : memref<2x!tpu.dma_semaphore, #tpu.memory_space<semaphore_mem>> -> memref<1x!tpu.dma_semaphore, #tpu.memory_space<semaphore_mem>>
    %dma_start3A_33 = tpu.memref_squeeze %dma_start3A_32 : memref<1x!tpu.dma_semaphore, #tpu.memory_space<semaphore_mem>> -> memref<!tpu.dma_semaphore, #tpu.memory_space<semaphore_mem>>
    tpu.enqueue_indirect_dma source(%dma_start3A_31 : memref<10000x128xf32, #tpu.memory_space<hbm>>) target(%dma_start3A_25 : memref<128x128xf32, #tpu.memory_space<vmem>>) offsets(%dma_start3A_28 : memref<128xi32, #tpu.memory_space<vmem>>) semaphore(%dma_start3A_33 : memref<!tpu.dma_semaphore, #tpu.memory_space<semaphore_mem>>)
    %scan3A = arith.constant 0 : i32
    %scan3A_34 = arith.constant 0 : i32
    %scan3A_35 = arith.constant 20 : i32
    %scan3A_36 = arith.addi %scan3A_34, %scan3A_35 : i32
    %scan3A_37 = arith.constant 1 : i32
    scf.for %scan3A_83 = %scan3A_34 to %scan3A_36 step %scan3A_37  : i32 {
      %mul3A_84 = arith.constant 2 : i32
      %mul3A_85 = arith.muli %scan3A_83, %mul3A_84 : i32
      %add3A_86 = arith.constant 0 : i32
      %add3A_87 = arith.addi %mul3A_85, %add3A_86 : i32
      %dma_wait3A_88 = arith.constant 0 : i32
      %dma_wait3A_89 = arith.constant 0 : i32
      %dma_wait3A_90 = arith.constant 0 : i32
      %dma_wait3A_91 = arith.constant 0 : i32
      %dma_wait3A_92 = tpu.memref_slice %arg9[%dma_wait3A_88, %dma_wait3A_90, %dma_wait3A_91] : memref<2x128x128xf32, #tpu.memory_space<vmem>> -> memref<1x128x128xf32, #tpu.memory_space<vmem>>
      %dma_wait3A_93 = tpu.memref_squeeze %dma_wait3A_92 : memref<1x128x128xf32, #tpu.memory_space<vmem>> -> memref<128x128xf32, #tpu.memory_space<vmem>>
      %dma_wait3A_94 = arith.constant 0 : i32
      %dma_wait3A_95 = tpu.memref_slice %arg7[%add3A_87, %dma_wait3A_94] : memref<40x128xi32, #tpu.memory_space<vmem>> -> memref<1x128xi32, #tpu.memory_space<vmem>>
      %dma_wait3A_96 = tpu.memref_squeeze %dma_wait3A_95 : memref<1x128xi32, #tpu.memory_space<vmem>> -> memref<128xi32, #tpu.memory_space<vmem>>
      %dma_wait3A_97 = arith.constant 0 : i32
      %dma_wait3A_98 = arith.constant 0 : i32
      %dma_wait3A_99 = tpu.memref_slice %arg2[%dma_wait3A_97, %dma_wait3A_98] : memref<10000x128xf32, #tpu.memory_space<hbm>> -> memref<10000x128xf32, #tpu.memory_space<hbm>>
      %dma_wait3A_100 = tpu.memref_slice %arg11[%dma_wait3A_89] : memref<2x!tpu.dma_semaphore, #tpu.memory_space<semaphore_mem>> -> memref<1x!tpu.dma_semaphore, #tpu.memory_space<semaphore_mem>>
      %dma_wait3A_101 = tpu.memref_squeeze %dma_wait3A_100 : memref<1x!tpu.dma_semaphore, #tpu.memory_space<semaphore_mem>> -> memref<!tpu.dma_semaphore, #tpu.memory_space<semaphore_mem>>
      tpu.wait_indirect_dma semaphore(%dma_wait3A_101 : memref<!tpu.dma_semaphore, #tpu.memory_space<semaphore_mem>>) src(%dma_wait3A_99 : memref<10000x128xf32, #tpu.memory_space<hbm>>) dst(%dma_wait3A_93 : memref<128x128xf32, #tpu.memory_space<vmem>>)
      %dma_start3A_102 = arith.constant 0 : i32
      %dma_start3A_103 = arith.constant 0 : i32
      %dma_start3A_104 = arith.constant 0 : i32
      %dma_start3A_105 = arith.constant 0 : i32
      %dma_start3A_106 = tpu.memref_slice %arg9[%dma_start3A_102, %dma_start3A_104, %dma_start3A_105] : memref<2x128x128xf32, #tpu.memory_space<vmem>> -> memref<1x128x128xf32, #tpu.memory_space<vmem>>
      %dma_start3A_107 = tpu.memref_squeeze %dma_start3A_106 : memref<1x128x128xf32, #tpu.memory_space<vmem>> -> memref<128x128xf32, #tpu.memory_space<vmem>>
      %dma_start3A_108 = arith.constant 0 : i32
      %dma_start3A_109 = tpu.memref_slice %arg8[%add3A_87, %dma_start3A_108] : memref<40x128xi32, #tpu.memory_space<vmem>> -> memref<1x128xi32, #tpu.memory_space<vmem>>
      %dma_start3A_110 = tpu.memref_squeeze %dma_start3A_109 : memref<1x128xi32, #tpu.memory_space<vmem>> -> memref<128xi32, #tpu.memory_space<vmem>>
      %dma_start3A_111 = arith.constant 0 : i32
      %dma_start3A_112 = arith.constant 0 : i32
      %dma_start3A_113 = tpu.memref_slice %arg10[%dma_start3A_111, %dma_start3A_112] : memref<10112x128xf32, #tpu.memory_space<vmem_shared>> -> memref<10112x128xf32, #tpu.memory_space<vmem_shared>>
      %dma_start3A_114 = tpu.memref_slice %arg12[%dma_start3A_103] : memref<2x!tpu.dma_semaphore, #tpu.memory_space<semaphore_mem>> -> memref<1x!tpu.dma_semaphore, #tpu.memory_space<semaphore_mem>>
      %dma_start3A_115 = tpu.memref_squeeze %dma_start3A_114 : memref<1x!tpu.dma_semaphore, #tpu.memory_space<semaphore_mem>> -> memref<!tpu.dma_semaphore, #tpu.memory_space<semaphore_mem>>
      tpu.enqueue_indirect_dma source(%dma_start3A_107 : memref<128x128xf32, #tpu.memory_space<vmem>>) target(%dma_start3A_113 : memref<10112x128xf32, #tpu.memory_space<vmem_shared>>) offsets(%dma_start3A_110 : memref<128xi32, #tpu.memory_space<vmem>>) semaphore(%dma_start3A_115 : memref<!tpu.dma_semaphore, #tpu.memory_space<semaphore_mem>>) {add = true}
      %sub3A = arith.constant 1 : i32
      %sub3A_116 = arith.subi %add3A_87, %sub3A : i32
      %ge3A = arith.constant 0 : i32
      %ge3A_117 = arith.cmpi sge, %sub3A_116, %ge3A : i32
      %add3A_118 = arith.constant 2 : i32
      %add3A_119 = arith.addi %sub3A_116, %add3A_118 : i32
      %lt3A = arith.constant 40 : i32
      %lt3A_120 = arith.cmpi slt, %add3A_119, %lt3A : i32
      %and3A = arith.andi %ge3A_117, %lt3A_120 : i1
      %convert_element_type3A_121 = arith.extui %and3A : i1 to i32
      %cond3A_122 = arith.constant 0 : i32
      %cond3A_123 = arith.cmpi ne, %convert_element_type3A_121, %cond3A_122 : i32
      scf.if %cond3A_123 {
        %dma_wait3A_168 = arith.constant 1 : i32
        %dma_wait3A_169 = arith.constant 1 : i32
        %dma_wait3A_170 = arith.constant 0 : i32
        %dma_wait3A_171 = arith.constant 0 : i32
        %dma_wait3A_172 = tpu.memref_slice %arg9[%dma_wait3A_168, %dma_wait3A_170, %dma_wait3A_171] : memref<2x128x128xf32, #tpu.memory_space<vmem>> -> memref<1x128x128xf32, #tpu.memory_space<vmem>>
        %dma_wait3A_173 = tpu.memref_squeeze %dma_wait3A_172 : memref<1x128x128xf32, #tpu.memory_space<vmem>> -> memref<128x128xf32, #tpu.memory_space<vmem>>
        %dma_wait3A_174 = arith.constant 0 : i32
        %dma_wait3A_175 = tpu.memref_slice %arg8[%sub3A_116, %dma_wait3A_174] : memref<40x128xi32, #tpu.memory_space<vmem>> -> memref<1x128xi32, #tpu.memory_space<vmem>>
        %dma_wait3A_176 = tpu.memref_squeeze %dma_wait3A_175 : memref<1x128xi32, #tpu.memory_space<vmem>> -> memref<128xi32, #tpu.memory_space<vmem>>
        %dma_wait3A_177 = arith.constant 0 : i32
        %dma_wait3A_178 = arith.constant 0 : i32
        %dma_wait3A_179 = tpu.memref_slice %arg10[%dma_wait3A_177, %dma_wait3A_178] : memref<10112x128xf32, #tpu.memory_space<vmem_shared>> -> memref<10112x128xf32, #tpu.memory_space<vmem_shared>>
        %dma_wait3A_180 = tpu.memref_slice %arg12[%dma_wait3A_169] : memref<2x!tpu.dma_semaphore, #tpu.memory_space<semaphore_mem>> -> memref<1x!tpu.dma_semaphore, #tpu.memory_space<semaphore_mem>>
        %dma_wait3A_181 = tpu.memref_squeeze %dma_wait3A_180 : memref<1x!tpu.dma_semaphore, #tpu.memory_space<semaphore_mem>> -> memref<!tpu.dma_semaphore, #tpu.memory_space<semaphore_mem>>
        tpu.wait_indirect_dma semaphore(%dma_wait3A_181 : memref<!tpu.dma_semaphore, #tpu.memory_space<semaphore_mem>>) src(%dma_wait3A_173 : memref<128x128xf32, #tpu.memory_space<vmem>>) dst(%dma_wait3A_179 : memref<10112x128xf32, #tpu.memory_space<vmem_shared>>)
        %add3A_182 = arith.constant 2 : i32
        %add3A_183 = arith.addi %sub3A_116, %add3A_182 : i32
        %dma_start3A_184 = arith.constant 1 : i32
        %dma_start3A_185 = arith.constant 1 : i32
        %dma_start3A_186 = arith.constant 0 : i32
        %dma_start3A_187 = arith.constant 0 : i32
        %dma_start3A_188 = tpu.memref_slice %arg9[%dma_start3A_184, %dma_start3A_186, %dma_start3A_187] : memref<2x128x128xf32, #tpu.memory_space<vmem>> -> memref<1x128x128xf32, #tpu.memory_space<vmem>>
        %dma_start3A_189 = tpu.memref_squeeze %dma_start3A_188 : memref<1x128x128xf32, #tpu.memory_space<vmem>> -> memref<128x128xf32, #tpu.memory_space<vmem>>
        %dma_start3A_190 = arith.constant 0 : i32
        %dma_start3A_191 = tpu.memref_slice %arg7[%add3A_183, %dma_start3A_190] : memref<40x128xi32, #tpu.memory_space<vmem>> -> memref<1x128xi32, #tpu.memory_space<vmem>>
        %dma_start3A_192 = tpu.memref_squeeze %dma_start3A_191 : memref<1x128xi32, #tpu.memory_space<vmem>> -> memref<128xi32, #tpu.memory_space<vmem>>
        %dma_start3A_193 = arith.constant 0 : i32
        %dma_start3A_194 = arith.constant 0 : i32
        %dma_start3A_195 = tpu.memref_slice %arg2[%dma_start3A_193, %dma_start3A_194] : memref<10000x128xf32, #tpu.memory_space<hbm>> -> memref<10000x128xf32, #tpu.memory_space<hbm>>
        %dma_start3A_196 = tpu.memref_slice %arg11[%dma_start3A_185] : memref<2x!tpu.dma_semaphore, #tpu.memory_space<semaphore_mem>> -> memref<1x!tpu.dma_semaphore, #tpu.memory_space<semaphore_mem>>
        %dma_start3A_197 = tpu.memref_squeeze %dma_start3A_196 : memref<1x!tpu.dma_semaphore, #tpu.memory_space<semaphore_mem>> -> memref<!tpu.dma_semaphore, #tpu.memory_space<semaphore_mem>>
        tpu.enqueue_indirect_dma source(%dma_start3A_195 : memref<10000x128xf32, #tpu.memory_space<hbm>>) target(%dma_start3A_189 : memref<128x128xf32, #tpu.memory_space<vmem>>) offsets(%dma_start3A_192 : memref<128xi32, #tpu.memory_space<vmem>>) semaphore(%dma_start3A_197 : memref<!tpu.dma_semaphore, #tpu.memory_space<semaphore_mem>>)
      } else {
      }
      %mul3A_124 = arith.constant 2 : i32
      %mul3A_125 = arith.muli %scan3A_83, %mul3A_124 : i32
      %add3A_126 = arith.constant 1 : i32
      %add3A_127 = arith.addi %mul3A_125, %add3A_126 : i32
      %dma_wait3A_128 = arith.constant 1 : i32
      %dma_wait3A_129 = arith.constant 1 : i32
      %dma_wait3A_130 = arith.constant 0 : i32
      %dma_wait3A_131 = arith.constant 0 : i32
      %dma_wait3A_132 = tpu.memref_slice %arg9[%dma_wait3A_128, %dma_wait3A_130, %dma_wait3A_131] : memref<2x128x128xf32, #tpu.memory_space<vmem>> -> memref<1x128x128xf32, #tpu.memory_space<vmem>>
      %dma_wait3A_133 = tpu.memref_squeeze %dma_wait3A_132 : memref<1x128x128xf32, #tpu.memory_space<vmem>> -> memref<128x128xf32, #tpu.memory_space<vmem>>
      %dma_wait3A_134 = arith.constant 0 : i32
      %dma_wait3A_135 = tpu.memref_slice %arg7[%add3A_127, %dma_wait3A_134] : memref<40x128xi32, #tpu.memory_space<vmem>> -> memref<1x128xi32, #tpu.memory_space<vmem>>
      %dma_wait3A_136 = tpu.memref_squeeze %dma_wait3A_135 : memref<1x128xi32, #tpu.memory_space<vmem>> -> memref<128xi32, #tpu.memory_space<vmem>>
      %dma_wait3A_137 = arith.constant 0 : i32
      %dma_wait3A_138 = arith.constant 0 : i32
      %dma_wait3A_139 = tpu.memref_slice %arg2[%dma_wait3A_137, %dma_wait3A_138] : memref<10000x128xf32, #tpu.memory_space<hbm>> -> memref<10000x128xf32, #tpu.memory_space<hbm>>
      %dma_wait3A_140 = tpu.memref_slice %arg11[%dma_wait3A_129] : memref<2x!tpu.dma_semaphore, #tpu.memory_space<semaphore_mem>> -> memref<1x!tpu.dma_semaphore, #tpu.memory_space<semaphore_mem>>
      %dma_wait3A_141 = tpu.memref_squeeze %dma_wait3A_140 : memref<1x!tpu.dma_semaphore, #tpu.memory_space<semaphore_mem>> -> memref<!tpu.dma_semaphore, #tpu.memory_space<semaphore_mem>>
      tpu.wait_indirect_dma semaphore(%dma_wait3A_141 : memref<!tpu.dma_semaphore, #tpu.memory_space<semaphore_mem>>) src(%dma_wait3A_139 : memref<10000x128xf32, #tpu.memory_space<hbm>>) dst(%dma_wait3A_133 : memref<128x128xf32, #tpu.memory_space<vmem>>)
      %dma_start3A_142 = arith.constant 1 : i32
      %dma_start3A_143 = arith.constant 1 : i32
      %dma_start3A_144 = arith.constant 0 : i32
      %dma_start3A_145 = arith.constant 0 : i32
      %dma_start3A_146 = tpu.memref_slice %arg9[%dma_start3A_142, %dma_start3A_144, %dma_start3A_145] : memref<2x128x128xf32, #tpu.memory_space<vmem>> -> memref<1x128x128xf32, #tpu.memory_space<vmem>>
      %dma_start3A_147 = tpu.memref_squeeze %dma_start3A_146 : memref<1x128x128xf32, #tpu.memory_space<vmem>> -> memref<128x128xf32, #tpu.memory_space<vmem>>
      %dma_start3A_148 = arith.constant 0 : i32
      %dma_start3A_149 = tpu.memref_slice %arg8[%add3A_127, %dma_start3A_148] : memref<40x128xi32, #tpu.memory_space<vmem>> -> memref<1x128xi32, #tpu.memory_space<vmem>>
      %dma_start3A_150 = tpu.memref_squeeze %dma_start3A_149 : memref<1x128xi32, #tpu.memory_space<vmem>> -> memref<128xi32, #tpu.memory_space<vmem>>
      %dma_start3A_151 = arith.constant 0 : i32
      %dma_start3A_152 = arith.constant 0 : i32
      %dma_start3A_153 = tpu.memref_slice %arg10[%dma_start3A_151, %dma_start3A_152] : memref<10112x128xf32, #tpu.memory_space<vmem_shared>> -> memref<10112x128xf32, #tpu.memory_space<vmem_shared>>
      %dma_start3A_154 = tpu.memref_slice %arg12[%dma_start3A_143] : memref<2x!tpu.dma_semaphore, #tpu.memory_space<semaphore_mem>> -> memref<1x!tpu.dma_semaphore, #tpu.memory_space<semaphore_mem>>
      %dma_start3A_155 = tpu.memref_squeeze %dma_start3A_154 : memref<1x!tpu.dma_semaphore, #tpu.memory_space<semaphore_mem>> -> memref<!tpu.dma_semaphore, #tpu.memory_space<semaphore_mem>>
      tpu.enqueue_indirect_dma source(%dma_start3A_147 : memref<128x128xf32, #tpu.memory_space<vmem>>) target(%dma_start3A_153 : memref<10112x128xf32, #tpu.memory_space<vmem_shared>>) offsets(%dma_start3A_150 : memref<128xi32, #tpu.memory_space<vmem>>) semaphore(%dma_start3A_155 : memref<!tpu.dma_semaphore, #tpu.memory_space<semaphore_mem>>) {add = true}
      %sub3A_156 = arith.constant 1 : i32
      %sub3A_157 = arith.subi %add3A_127, %sub3A_156 : i32
      %ge3A_158 = arith.constant 0 : i32
      %ge3A_159 = arith.cmpi sge, %sub3A_157, %ge3A_158 : i32
      %add3A_160 = arith.constant 2 : i32
      %add3A_161 = arith.addi %sub3A_157, %add3A_160 : i32
      %lt3A_162 = arith.constant 40 : i32
      %lt3A_163 = arith.cmpi slt, %add3A_161, %lt3A_162 : i32
      %and3A_164 = arith.andi %ge3A_159, %lt3A_163 : i1
      %convert_element_type3A_165 = arith.extui %and3A_164 : i1 to i32
      %cond3A_166 = arith.constant 0 : i32
      %cond3A_167 = arith.cmpi ne, %convert_element_type3A_165, %cond3A_166 : i32
      scf.if %cond3A_167 {
        %dma_wait3A_168 = arith.constant 0 : i32
        %dma_wait3A_169 = arith.constant 0 : i32
        %dma_wait3A_170 = arith.constant 0 : i32
        %dma_wait3A_171 = arith.constant 0 : i32
        %dma_wait3A_172 = tpu.memref_slice %arg9[%dma_wait3A_168, %dma_wait3A_170, %dma_wait3A_171] : memref<2x128x128xf32, #tpu.memory_space<vmem>> -> memref<1x128x128xf32, #tpu.memory_space<vmem>>
        %dma_wait3A_173 = tpu.memref_squeeze %dma_wait3A_172 : memref<1x128x128xf32, #tpu.memory_space<vmem>> -> memref<128x128xf32, #tpu.memory_space<vmem>>
        %dma_wait3A_174 = arith.constant 0 : i32
        %dma_wait3A_175 = tpu.memref_slice %arg8[%sub3A_157, %dma_wait3A_174] : memref<40x128xi32, #tpu.memory_space<vmem>> -> memref<1x128xi32, #tpu.memory_space<vmem>>
        %dma_wait3A_176 = tpu.memref_squeeze %dma_wait3A_175 : memref<1x128xi32, #tpu.memory_space<vmem>> -> memref<128xi32, #tpu.memory_space<vmem>>
        %dma_wait3A_177 = arith.constant 0 : i32
        %dma_wait3A_178 = arith.constant 0 : i32
        %dma_wait3A_179 = tpu.memref_slice %arg10[%dma_wait3A_177, %dma_wait3A_178] : memref<10112x128xf32, #tpu.memory_space<vmem_shared>> -> memref<10112x128xf32, #tpu.memory_space<vmem_shared>>
        %dma_wait3A_180 = tpu.memref_slice %arg12[%dma_wait3A_169] : memref<2x!tpu.dma_semaphore, #tpu.memory_space<semaphore_mem>> -> memref<1x!tpu.dma_semaphore, #tpu.memory_space<semaphore_mem>>
        %dma_wait3A_181 = tpu.memref_squeeze %dma_wait3A_180 : memref<1x!tpu.dma_semaphore, #tpu.memory_space<semaphore_mem>> -> memref<!tpu.dma_semaphore, #tpu.memory_space<semaphore_mem>>
        tpu.wait_indirect_dma semaphore(%dma_wait3A_181 : memref<!tpu.dma_semaphore, #tpu.memory_space<semaphore_mem>>) src(%dma_wait3A_173 : memref<128x128xf32, #tpu.memory_space<vmem>>) dst(%dma_wait3A_179 : memref<10112x128xf32, #tpu.memory_space<vmem_shared>>)
        %add3A_182 = arith.constant 2 : i32
        %add3A_183 = arith.addi %sub3A_157, %add3A_182 : i32
        %dma_start3A_184 = arith.constant 0 : i32
        %dma_start3A_185 = arith.constant 0 : i32
        %dma_start3A_186 = arith.constant 0 : i32
        %dma_start3A_187 = arith.constant 0 : i32
        %dma_start3A_188 = tpu.memref_slice %arg9[%dma_start3A_184, %dma_start3A_186, %dma_start3A_187] : memref<2x128x128xf32, #tpu.memory_space<vmem>> -> memref<1x128x128xf32, #tpu.memory_space<vmem>>
        %dma_start3A_189 = tpu.memref_squeeze %dma_start3A_188 : memref<1x128x128xf32, #tpu.memory_space<vmem>> -> memref<128x128xf32, #tpu.memory_space<vmem>>
        %dma_start3A_190 = arith.constant 0 : i32
        %dma_start3A_191 = tpu.memref_slice %arg7[%add3A_183, %dma_start3A_190] : memref<40x128xi32, #tpu.memory_space<vmem>> -> memref<1x128xi32, #tpu.memory_space<vmem>>
        %dma_start3A_192 = tpu.memref_squeeze %dma_start3A_191 : memref<1x128xi32, #tpu.memory_space<vmem>> -> memref<128xi32, #tpu.memory_space<vmem>>
        %dma_start3A_193 = arith.constant 0 : i32
        %dma_start3A_194 = arith.constant 0 : i32
        %dma_start3A_195 = tpu.memref_slice %arg2[%dma_start3A_193, %dma_start3A_194] : memref<10000x128xf32, #tpu.memory_space<hbm>> -> memref<10000x128xf32, #tpu.memory_space<hbm>>
        %dma_start3A_196 = tpu.memref_slice %arg11[%dma_start3A_185] : memref<2x!tpu.dma_semaphore, #tpu.memory_space<semaphore_mem>> -> memref<1x!tpu.dma_semaphore, #tpu.memory_space<semaphore_mem>>
        %dma_start3A_197 = tpu.memref_squeeze %dma_start3A_196 : memref<1x!tpu.dma_semaphore, #tpu.memory_space<semaphore_mem>> -> memref<!tpu.dma_semaphore, #tpu.memory_space<semaphore_mem>>
        tpu.enqueue_indirect_dma source(%dma_start3A_195 : memref<10000x128xf32, #tpu.memory_space<hbm>>) target(%dma_start3A_189 : memref<128x128xf32, #tpu.memory_space<vmem>>) offsets(%dma_start3A_192 : memref<128xi32, #tpu.memory_space<vmem>>) semaphore(%dma_start3A_197 : memref<!tpu.dma_semaphore, #tpu.memory_space<semaphore_mem>>)
      } else {
      }
    }
    %scan3A_38 = arith.constant 20 : i32
    %dma_wait3A = arith.constant 0 : i32
    %dma_wait3A_39 = arith.constant 38 : i32
    %dma_wait3A_40 = arith.constant 0 : i32
    %dma_wait3A_41 = arith.constant 0 : i32
    %dma_wait3A_42 = arith.constant 0 : i32
    %dma_wait3A_43 = tpu.memref_slice %arg9[%dma_wait3A, %dma_wait3A_41, %dma_wait3A_42] : memref<2x128x128xf32, #tpu.memory_space<vmem>> -> memref<1x128x128xf32, #tpu.memory_space<vmem>>
    %dma_wait3A_44 = tpu.memref_squeeze %dma_wait3A_43 : memref<1x128x128xf32, #tpu.memory_space<vmem>> -> memref<128x128xf32, #tpu.memory_space<vmem>>
    %dma_wait3A_45 = arith.constant 0 : i32
    %dma_wait3A_46 = tpu.memref_slice %arg8[%dma_wait3A_39, %dma_wait3A_45] : memref<40x128xi32, #tpu.memory_space<vmem>> -> memref<1x128xi32, #tpu.memory_space<vmem>>
    %dma_wait3A_47 = tpu.memref_squeeze %dma_wait3A_46 : memref<1x128xi32, #tpu.memory_space<vmem>> -> memref<128xi32, #tpu.memory_space<vmem>>
    %dma_wait3A_48 = arith.constant 0 : i32
    %dma_wait3A_49 = arith.constant 0 : i32
    %dma_wait3A_50 = tpu.memref_slice %arg10[%dma_wait3A_48, %dma_wait3A_49] : memref<10112x128xf32, #tpu.memory_space<vmem_shared>> -> memref<10112x128xf32, #tpu.memory_space<vmem_shared>>
    %dma_wait3A_51 = tpu.memref_slice %arg12[%dma_wait3A_40] : memref<2x!tpu.dma_semaphore, #tpu.memory_space<semaphore_mem>> -> memref<1x!tpu.dma_semaphore, #tpu.memory_space<semaphore_mem>>
    %dma_wait3A_52 = tpu.memref_squeeze %dma_wait3A_51 : memref<1x!tpu.dma_semaphore, #tpu.memory_space<semaphore_mem>> -> memref<!tpu.dma_semaphore, #tpu.memory_space<semaphore_mem>>
    tpu.wait_indirect_dma semaphore(%dma_wait3A_52 : memref<!tpu.dma_semaphore, #tpu.memory_space<semaphore_mem>>) src(%dma_wait3A_44 : memref<128x128xf32, #tpu.memory_space<vmem>>) dst(%dma_wait3A_50 : memref<10112x128xf32, #tpu.memory_space<vmem_shared>>)
    %dma_wait3A_53 = arith.constant 1 : i32
    %dma_wait3A_54 = arith.constant 39 : i32
    %dma_wait3A_55 = arith.constant 1 : i32
    %dma_wait3A_56 = arith.constant 0 : i32
    %dma_wait3A_57 = arith.constant 0 : i32
    %dma_wait3A_58 = tpu.memref_slice %arg9[%dma_wait3A_53, %dma_wait3A_56, %dma_wait3A_57] : memref<2x128x128xf32, #tpu.memory_space<vmem>> -> memref<1x128x128xf32, #tpu.memory_space<vmem>>
    %dma_wait3A_59 = tpu.memref_squeeze %dma_wait3A_58 : memref<1x128x128xf32, #tpu.memory_space<vmem>> -> memref<128x128xf32, #tpu.memory_space<vmem>>
    %dma_wait3A_60 = arith.constant 0 : i32
    %dma_wait3A_61 = tpu.memref_slice %arg8[%dma_wait3A_54, %dma_wait3A_60] : memref<40x128xi32, #tpu.memory_space<vmem>> -> memref<1x128xi32, #tpu.memory_space<vmem>>
    %dma_wait3A_62 = tpu.memref_squeeze %dma_wait3A_61 : memref<1x128xi32, #tpu.memory_space<vmem>> -> memref<128xi32, #tpu.memory_space<vmem>>
    %dma_wait3A_63 = arith.constant 0 : i32
    %dma_wait3A_64 = arith.constant 0 : i32
    %dma_wait3A_65 = tpu.memref_slice %arg10[%dma_wait3A_63, %dma_wait3A_64] : memref<10112x128xf32, #tpu.memory_space<vmem_shared>> -> memref<10112x128xf32, #tpu.memory_space<vmem_shared>>
    %dma_wait3A_66 = tpu.memref_slice %arg12[%dma_wait3A_55] : memref<2x!tpu.dma_semaphore, #tpu.memory_space<semaphore_mem>> -> memref<1x!tpu.dma_semaphore, #tpu.memory_space<semaphore_mem>>
    %dma_wait3A_67 = tpu.memref_squeeze %dma_wait3A_66 : memref<1x!tpu.dma_semaphore, #tpu.memory_space<semaphore_mem>> -> memref<!tpu.dma_semaphore, #tpu.memory_space<semaphore_mem>>
    tpu.wait_indirect_dma semaphore(%dma_wait3A_67 : memref<!tpu.dma_semaphore, #tpu.memory_space<semaphore_mem>>) src(%dma_wait3A_59 : memref<128x128xf32, #tpu.memory_space<vmem>>) dst(%dma_wait3A_65 : memref<10112x128xf32, #tpu.memory_space<vmem_shared>>)
    %eq3A_68 = arith.constant 0 : i32
    %eq3A_69 = arith.cmpi eq, %arg0, %eq3A_68 : i32
    %convert_element_type3A = arith.extui %eq3A_69 : i1 to i32
    %cond3A = arith.constant 0 : i32
    %cond3A_70 = arith.cmpi ne, %convert_element_type3A, %cond3A : i32
    scf.if %cond3A_70 {
      "tpu.region"() ({
        %run_scoped3A = tpu.sem_alloc : memref<!tpu.dma_semaphore, #tpu.memory_space<semaphore_mem>>
        %dma_start3A_149 = arith.constant 40 : i32
        %dma_start3A_150 = arith.constant 0 : i32
        %dma_start3A_151 = tpu.memref_slice %arg3[%arg1, %dma_start3A_149, %dma_start3A_150] : memref<16x160x128xi32, #tpu.memory_space<hbm>> -> memref<1x40x128xi32, #tpu.memory_space<hbm>>
        %dma_start3A_152 = tpu.memref_squeeze %dma_start3A_151 : memref<1x40x128xi32, #tpu.memory_space<hbm>> -> memref<40x128xi32, #tpu.memory_space<hbm>>
        %dma_start3A_153 = arith.constant 40 : i32
        %dma_start3A_154 = arith.constant 0 : i32
        %dma_start3A_155 = tpu.memref_slice %arg3[%arg1, %dma_start3A_153, %dma_start3A_154] : memref<16x160x128xi32, #tpu.memory_space<hbm>> -> memref<1x40x128xi32, #tpu.memory_space<hbm>>
        %dma_start3A_156 = tpu.memref_squeeze %dma_start3A_155 : memref<1x40x128xi32, #tpu.memory_space<hbm>> -> memref<40x128xi32, #tpu.memory_space<hbm>>
        tpu.enqueue_dma source(%dma_start3A_156 : memref<40x128xi32, #tpu.memory_space<hbm>>) target(%arg7 : memref<40x128xi32, #tpu.memory_space<vmem>>) target_semaphore(%run_scoped3A : memref<!tpu.dma_semaphore, #tpu.memory_space<semaphore_mem>>)
        %dma_wait3A_157 = arith.constant 40 : i32
        %dma_wait3A_158 = arith.constant 0 : i32
        %dma_wait3A_159 = tpu.memref_slice %arg3[%arg1, %dma_wait3A_157, %dma_wait3A_158] : memref<16x160x128xi32, #tpu.memory_space<hbm>> -> memref<1x40x128xi32, #tpu.memory_space<hbm>>
        %dma_wait3A_160 = tpu.memref_squeeze %dma_wait3A_159 : memref<1x40x128xi32, #tpu.memory_space<hbm>> -> memref<40x128xi32, #tpu.memory_space<hbm>>
        %dma_wait3A_161 = arith.constant 40 : i32
        %dma_wait3A_162 = arith.constant 0 : i32
        %dma_wait3A_163 = tpu.memref_slice %arg3[%arg1, %dma_wait3A_161, %dma_wait3A_162] : memref<16x160x128xi32, #tpu.memory_space<hbm>> -> memref<1x40x128xi32, #tpu.memory_space<hbm>>
        %dma_wait3A_164 = tpu.memref_squeeze %dma_wait3A_163 : memref<1x40x128xi32, #tpu.memory_space<hbm>> -> memref<40x128xi32, #tpu.memory_space<hbm>>
        tpu.wait_dma2 semaphore(%run_scoped3A : memref<!tpu.dma_semaphore, #tpu.memory_space<semaphore_mem>>) src(%dma_wait3A_164 : memref<40x128xi32, #tpu.memory_space<hbm>>) dst(%arg7 : memref<40x128xi32, #tpu.memory_space<vmem>>)
        tpu.yield
      }) : () -> ()
      "tpu.region"() ({
        %run_scoped3A = tpu.sem_alloc : memref<!tpu.dma_semaphore, #tpu.memory_space<semaphore_mem>>
        %dma_start3A_149 = arith.constant 40 : i32
        %dma_start3A_150 = arith.constant 0 : i32
        %dma_start3A_151 = tpu.memref_slice %arg4[%arg1, %dma_start3A_149, %dma_start3A_150] : memref<16x160x128xi32, #tpu.memory_space<hbm>> -> memref<1x40x128xi32, #tpu.memory_space<hbm>>
        %dma_start3A_152 = tpu.memref_squeeze %dma_start3A_151 : memref<1x40x128xi32, #tpu.memory_space<hbm>> -> memref<40x128xi32, #tpu.memory_space<hbm>>
        %dma_start3A_153 = arith.constant 40 : i32
        %dma_start3A_154 = arith.constant 0 : i32
        %dma_start3A_155 = tpu.memref_slice %arg4[%arg1, %dma_start3A_153, %dma_start3A_154] : memref<16x160x128xi32, #tpu.memory_space<hbm>> -> memref<1x40x128xi32, #tpu.memory_space<hbm>>
        %dma_start3A_156 = tpu.memref_squeeze %dma_start3A_155 : memref<1x40x128xi32, #tpu.memory_space<hbm>> -> memref<40x128xi32, #tpu.memory_space<hbm>>
        tpu.enqueue_dma source(%dma_start3A_156 : memref<40x128xi32, #tpu.memory_space<hbm>>) target(%arg8 : memref<40x128xi32, #tpu.memory_space<vmem>>) target_semaphore(%run_scoped3A : memref<!tpu.dma_semaphore, #tpu.memory_space<semaphore_mem>>)
        %dma_wait3A_157 = arith.constant 40 : i32
        %dma_wait3A_158 = arith.constant 0 : i32
        %dma_wait3A_159 = tpu.memref_slice %arg4[%arg1, %dma_wait3A_157, %dma_wait3A_158] : memref<16x160x128xi32, #tpu.memory_space<hbm>> -> memref<1x40x128xi32, #tpu.memory_space<hbm>>
        %dma_wait3A_160 = tpu.memref_squeeze %dma_wait3A_159 : memref<1x40x128xi32, #tpu.memory_space<hbm>> -> memref<40x128xi32, #tpu.memory_space<hbm>>
        %dma_wait3A_161 = arith.constant 40 : i32
        %dma_wait3A_162 = arith.constant 0 : i32
        %dma_wait3A_163 = tpu.memref_slice %arg4[%arg1, %dma_wait3A_161, %dma_wait3A_162] : memref<16x160x128xi32, #tpu.memory_space<hbm>> -> memref<1x40x128xi32, #tpu.memory_space<hbm>>
        %dma_wait3A_164 = tpu.memref_squeeze %dma_wait3A_163 : memref<1x40x128xi32, #tpu.memory_space<hbm>> -> memref<40x128xi32, #tpu.memory_space<hbm>>
        tpu.wait_dma2 semaphore(%run_scoped3A : memref<!tpu.dma_semaphore, #tpu.memory_space<semaphore_mem>>) src(%dma_wait3A_164 : memref<40x128xi32, #tpu.memory_space<hbm>>) dst(%arg8 : memref<40x128xi32, #tpu.memory_space<vmem>>)
        tpu.yield
      }) : () -> ()
      %dma_start3A_83 = arith.constant 0 : i32
      %dma_start3A_84 = arith.constant 0 : i32
      %dma_start3A_85 = arith.constant 0 : i32
      %dma_start3A_86 = arith.constant 0 : i32
      %dma_start3A_87 = arith.constant 0 : i32
      %dma_start3A_88 = tpu.memref_slice %arg9[%dma_start3A_84, %dma_start3A_86, %dma_start3A_87] : memref<2x128x128xf32, #tpu.memory_space<vmem>> -> memref<1x128x128xf32, #tpu.memory_space<vmem>>
      %dma_start3A_89 = tpu.memref_squeeze %dma_start3A_88 : memref<1x128x128xf32, #tpu.memory_space<vmem>> -> memref<128x128xf32, #tpu.memory_space<vmem>>
      %dma_start3A_90 = arith.constant 0 : i32
      %dma_start3A_91 = tpu.memref_slice %arg7[%dma_start3A_83, %dma_start3A_90] : memref<40x128xi32, #tpu.memory_space<vmem>> -> memref<1x128xi32, #tpu.memory_space<vmem>>
      %dma_start3A_92 = tpu.memref_squeeze %dma_start3A_91 : memref<1x128xi32, #tpu.memory_space<vmem>> -> memref<128xi32, #tpu.memory_space<vmem>>
      %dma_start3A_93 = arith.constant 0 : i32
      %dma_start3A_94 = arith.constant 0 : i32
      %dma_start3A_95 = tpu.memref_slice %arg2[%dma_start3A_93, %dma_start3A_94] : memref<10000x128xf32, #tpu.memory_space<hbm>> -> memref<10000x128xf32, #tpu.memory_space<hbm>>
      %dma_start3A_96 = tpu.memref_slice %arg11[%dma_start3A_85] : memref<2x!tpu.dma_semaphore, #tpu.memory_space<semaphore_mem>> -> memref<1x!tpu.dma_semaphore, #tpu.memory_space<semaphore_mem>>
      %dma_start3A_97 = tpu.memref_squeeze %dma_start3A_96 : memref<1x!tpu.dma_semaphore, #tpu.memory_space<semaphore_mem>> -> memref<!tpu.dma_semaphore, #tpu.memory_space<semaphore_mem>>
      tpu.enqueue_indirect_dma source(%dma_start3A_95 : memref<10000x128xf32, #tpu.memory_space<hbm>>) target(%dma_start3A_89 : memref<128x128xf32, #tpu.memory_space<vmem>>) offsets(%dma_start3A_92 : memref<128xi32, #tpu.memory_space<vmem>>) semaphore(%dma_start3A_97 : memref<!tpu.dma_semaphore, #tpu.memory_space<semaphore_mem>>)
      %dma_start3A_98 = arith.constant 1 : i32
      %dma_start3A_99 = arith.constant 1 : i32
      %dma_start3A_100 = arith.constant 1 : i32
      %dma_start3A_101 = arith.constant 0 : i32
      %dma_start3A_102 = arith.constant 0 : i32
      %dma_start3A_103 = tpu.memref_slice %arg9[%dma_start3A_99, %dma_start3A_101, %dma_start3A_102] : memref<2x128x128xf32, #tpu.memory_space<vmem>> -> memref<1x128x128xf32, #tpu.memory_space<vmem>>
      %dma_start3A_104 = tpu.memref_squeeze %dma_start3A_103 : memref<1x128x128xf32, #tpu.memory_space<vmem>> -> memref<128x128xf32, #tpu.memory_space<vmem>>
      %dma_start3A_105 = arith.constant 0 : i32
      %dma_start3A_106 = tpu.memref_slice %arg7[%dma_start3A_98, %dma_start3A_105] : memref<40x128xi32, #tpu.memory_space<vmem>> -> memref<1x128xi32, #tpu.memory_space<vmem>>
      %dma_start3A_107 = tpu.memref_squeeze %dma_start3A_106 : memref<1x128xi32, #tpu.memory_space<vmem>> -> memref<128xi32, #tpu.memory_space<vmem>>
      %dma_start3A_108 = arith.constant 0 : i32
      %dma_start3A_109 = arith.constant 0 : i32
      %dma_start3A_110 = tpu.memref_slice %arg2[%dma_start3A_108, %dma_start3A_109] : memref<10000x128xf32, #tpu.memory_space<hbm>> -> memref<10000x128xf32, #tpu.memory_space<hbm>>
      %dma_start3A_111 = tpu.memref_slice %arg11[%dma_start3A_100] : memref<2x!tpu.dma_semaphore, #tpu.memory_space<semaphore_mem>> -> memref<1x!tpu.dma_semaphore, #tpu.memory_space<semaphore_mem>>
      %dma_start3A_112 = tpu.memref_squeeze %dma_start3A_111 : memref<1x!tpu.dma_semaphore, #tpu.memory_space<semaphore_mem>> -> memref<!tpu.dma_semaphore, #tpu.memory_space<semaphore_mem>>
      tpu.enqueue_indirect_dma source(%dma_start3A_110 : memref<10000x128xf32, #tpu.memory_space<hbm>>) target(%dma_start3A_104 : memref<128x128xf32, #tpu.memory_space<vmem>>) offsets(%dma_start3A_107 : memref<128xi32, #tpu.memory_space<vmem>>) semaphore(%dma_start3A_112 : memref<!tpu.dma_semaphore, #tpu.memory_space<semaphore_mem>>)
      %scan3A_113 = arith.constant 0 : i32
      %scan3A_114 = arith.constant 0 : i32
      %scan3A_115 = arith.constant 20 : i32
      %scan3A_116 = arith.addi %scan3A_114, %scan3A_115 : i32
      %scan3A_117 = arith.constant 1 : i32
      scf.for %scan3A_149 = %scan3A_114 to %scan3A_116 step %scan3A_117  : i32 {
        %mul3A_150 = arith.constant 2 : i32
        %mul3A_151 = arith.muli %scan3A_149, %mul3A_150 : i32
        %add3A_152 = arith.constant 0 : i32
        %add3A_153 = arith.addi %mul3A_151, %add3A_152 : i32
        %dma_wait3A_154 = arith.constant 0 : i32
        %dma_wait3A_155 = arith.constant 0 : i32
        %dma_wait3A_156 = arith.constant 0 : i32
        %dma_wait3A_157 = arith.constant 0 : i32
        %dma_wait3A_158 = tpu.memref_slice %arg9[%dma_wait3A_154, %dma_wait3A_156, %dma_wait3A_157] : memref<2x128x128xf32, #tpu.memory_space<vmem>> -> memref<1x128x128xf32, #tpu.memory_space<vmem>>
        %dma_wait3A_159 = tpu.memref_squeeze %dma_wait3A_158 : memref<1x128x128xf32, #tpu.memory_space<vmem>> -> memref<128x128xf32, #tpu.memory_space<vmem>>
        %dma_wait3A_160 = arith.constant 0 : i32
        %dma_wait3A_161 = tpu.memref_slice %arg7[%add3A_153, %dma_wait3A_160] : memref<40x128xi32, #tpu.memory_space<vmem>> -> memref<1x128xi32, #tpu.memory_space<vmem>>
        %dma_wait3A_162 = tpu.memref_squeeze %dma_wait3A_161 : memref<1x128xi32, #tpu.memory_space<vmem>> -> memref<128xi32, #tpu.memory_space<vmem>>
        %dma_wait3A_163 = arith.constant 0 : i32
        %dma_wait3A_164 = arith.constant 0 : i32
        %dma_wait3A_165 = tpu.memref_slice %arg2[%dma_wait3A_163, %dma_wait3A_164] : memref<10000x128xf32, #tpu.memory_space<hbm>> -> memref<10000x128xf32, #tpu.memory_space<hbm>>
        %dma_wait3A_166 = tpu.memref_slice %arg11[%dma_wait3A_155] : memref<2x!tpu.dma_semaphore, #tpu.memory_space<semaphore_mem>> -> memref<1x!tpu.dma_semaphore, #tpu.memory_space<semaphore_mem>>
        %dma_wait3A_167 = tpu.memref_squeeze %dma_wait3A_166 : memref<1x!tpu.dma_semaphore, #tpu.memory_space<semaphore_mem>> -> memref<!tpu.dma_semaphore, #tpu.memory_space<semaphore_mem>>
        tpu.wait_indirect_dma semaphore(%dma_wait3A_167 : memref<!tpu.dma_semaphore, #tpu.memory_space<semaphore_mem>>) src(%dma_wait3A_165 : memref<10000x128xf32, #tpu.memory_space<hbm>>) dst(%dma_wait3A_159 : memref<128x128xf32, #tpu.memory_space<vmem>>)
        %dma_start3A_168 = arith.constant 0 : i32
        %dma_start3A_169 = arith.constant 0 : i32
        %dma_start3A_170 = arith.constant 0 : i32
        %dma_start3A_171 = arith.constant 0 : i32
        %dma_start3A_172 = tpu.memref_slice %arg9[%dma_start3A_168, %dma_start3A_170, %dma_start3A_171] : memref<2x128x128xf32, #tpu.memory_space<vmem>> -> memref<1x128x128xf32, #tpu.memory_space<vmem>>
        %dma_start3A_173 = tpu.memref_squeeze %dma_start3A_172 : memref<1x128x128xf32, #tpu.memory_space<vmem>> -> memref<128x128xf32, #tpu.memory_space<vmem>>
        %dma_start3A_174 = arith.constant 0 : i32
        %dma_start3A_175 = tpu.memref_slice %arg8[%add3A_153, %dma_start3A_174] : memref<40x128xi32, #tpu.memory_space<vmem>> -> memref<1x128xi32, #tpu.memory_space<vmem>>
        %dma_start3A_176 = tpu.memref_squeeze %dma_start3A_175 : memref<1x128xi32, #tpu.memory_space<vmem>> -> memref<128xi32, #tpu.memory_space<vmem>>
        %dma_start3A_177 = arith.constant 0 : i32
        %dma_start3A_178 = arith.constant 0 : i32
        %dma_start3A_179 = tpu.memref_slice %arg10[%dma_start3A_177, %dma_start3A_178] : memref<10112x128xf32, #tpu.memory_space<vmem_shared>> -> memref<10112x128xf32, #tpu.memory_space<vmem_shared>>
        %dma_start3A_180 = tpu.memref_slice %arg12[%dma_start3A_169] : memref<2x!tpu.dma_semaphore, #tpu.memory_space<semaphore_mem>> -> memref<1x!tpu.dma_semaphore, #tpu.memory_space<semaphore_mem>>
        %dma_start3A_181 = tpu.memref_squeeze %dma_start3A_180 : memref<1x!tpu.dma_semaphore, #tpu.memory_space<semaphore_mem>> -> memref<!tpu.dma_semaphore, #tpu.memory_space<semaphore_mem>>
        tpu.enqueue_indirect_dma source(%dma_start3A_173 : memref<128x128xf32, #tpu.memory_space<vmem>>) target(%dma_start3A_179 : memref<10112x128xf32, #tpu.memory_space<vmem_shared>>) offsets(%dma_start3A_176 : memref<128xi32, #tpu.memory_space<vmem>>) semaphore(%dma_start3A_181 : memref<!tpu.dma_semaphore, #tpu.memory_space<semaphore_mem>>) {add = true}
        %sub3A = arith.constant 1 : i32
        %sub3A_182 = arith.subi %add3A_153, %sub3A : i32
        %ge3A = arith.constant 0 : i32
        %ge3A_183 = arith.cmpi sge, %sub3A_182, %ge3A : i32
        %add3A_184 = arith.constant 2 : i32
        %add3A_185 = arith.addi %sub3A_182, %add3A_184 : i32
        %lt3A = arith.constant 40 : i32
        %lt3A_186 = arith.cmpi slt, %add3A_185, %lt3A : i32
        %and3A = arith.andi %ge3A_183, %lt3A_186 : i1
        %convert_element_type3A_187 = arith.extui %and3A : i1 to i32
        %cond3A_188 = arith.constant 0 : i32
        %cond3A_189 = arith.cmpi ne, %convert_element_type3A_187, %cond3A_188 : i32
        scf.if %cond3A_189 {
          %dma_wait3A_234 = arith.constant 1 : i32
          %dma_wait3A_235 = arith.constant 1 : i32
          %dma_wait3A_236 = arith.constant 0 : i32
          %dma_wait3A_237 = arith.constant 0 : i32
          %dma_wait3A_238 = tpu.memref_slice %arg9[%dma_wait3A_234, %dma_wait3A_236, %dma_wait3A_237] : memref<2x128x128xf32, #tpu.memory_space<vmem>> -> memref<1x128x128xf32, #tpu.memory_space<vmem>>
          %dma_wait3A_239 = tpu.memref_squeeze %dma_wait3A_238 : memref<1x128x128xf32, #tpu.memory_space<vmem>> -> memref<128x128xf32, #tpu.memory_space<vmem>>
          %dma_wait3A_240 = arith.constant 0 : i32
          %dma_wait3A_241 = tpu.memref_slice %arg8[%sub3A_182, %dma_wait3A_240] : memref<40x128xi32, #tpu.memory_space<vmem>> -> memref<1x128xi32, #tpu.memory_space<vmem>>
          %dma_wait3A_242 = tpu.memref_squeeze %dma_wait3A_241 : memref<1x128xi32, #tpu.memory_space<vmem>> -> memref<128xi32, #tpu.memory_space<vmem>>
          %dma_wait3A_243 = arith.constant 0 : i32
          %dma_wait3A_244 = arith.constant 0 : i32
          %dma_wait3A_245 = tpu.memref_slice %arg10[%dma_wait3A_243, %dma_wait3A_244] : memref<10112x128xf32, #tpu.memory_space<vmem_shared>> -> memref<10112x128xf32, #tpu.memory_space<vmem_shared>>
          %dma_wait3A_246 = tpu.memref_slice %arg12[%dma_wait3A_235] : memref<2x!tpu.dma_semaphore, #tpu.memory_space<semaphore_mem>> -> memref<1x!tpu.dma_semaphore, #tpu.memory_space<semaphore_mem>>
          %dma_wait3A_247 = tpu.memref_squeeze %dma_wait3A_246 : memref<1x!tpu.dma_semaphore, #tpu.memory_space<semaphore_mem>> -> memref<!tpu.dma_semaphore, #tpu.memory_space<semaphore_mem>>
          tpu.wait_indirect_dma semaphore(%dma_wait3A_247 : memref<!tpu.dma_semaphore, #tpu.memory_space<semaphore_mem>>) src(%dma_wait3A_239 : memref<128x128xf32, #tpu.memory_space<vmem>>) dst(%dma_wait3A_245 : memref<10112x128xf32, #tpu.memory_space<vmem_shared>>)
          %add3A_248 = arith.constant 2 : i32
          %add3A_249 = arith.addi %sub3A_182, %add3A_248 : i32
          %dma_start3A_250 = arith.constant 1 : i32
          %dma_start3A_251 = arith.constant 1 : i32
          %dma_start3A_252 = arith.constant 0 : i32
          %dma_start3A_253 = arith.constant 0 : i32
          %dma_start3A_254 = tpu.memref_slice %arg9[%dma_start3A_250, %dma_start3A_252, %dma_start3A_253] : memref<2x128x128xf32, #tpu.memory_space<vmem>> -> memref<1x128x128xf32, #tpu.memory_space<vmem>>
          %dma_start3A_255 = tpu.memref_squeeze %dma_start3A_254 : memref<1x128x128xf32, #tpu.memory_space<vmem>> -> memref<128x128xf32, #tpu.memory_space<vmem>>
          %dma_start3A_256 = arith.constant 0 : i32
          %dma_start3A_257 = tpu.memref_slice %arg7[%add3A_249, %dma_start3A_256] : memref<40x128xi32, #tpu.memory_space<vmem>> -> memref<1x128xi32, #tpu.memory_space<vmem>>
          %dma_start3A_258 = tpu.memref_squeeze %dma_start3A_257 : memref<1x128xi32, #tpu.memory_space<vmem>> -> memref<128xi32, #tpu.memory_space<vmem>>
          %dma_start3A_259 = arith.constant 0 : i32
          %dma_start3A_260 = arith.constant 0 : i32
          %dma_start3A_261 = tpu.memref_slice %arg2[%dma_start3A_259, %dma_start3A_260] : memref<10000x128xf32, #tpu.memory_space<hbm>> -> memref<10000x128xf32, #tpu.memory_space<hbm>>
          %dma_start3A_262 = tpu.memref_slice %arg11[%dma_start3A_251] : memref<2x!tpu.dma_semaphore, #tpu.memory_space<semaphore_mem>> -> memref<1x!tpu.dma_semaphore, #tpu.memory_space<semaphore_mem>>
          %dma_start3A_263 = tpu.memref_squeeze %dma_start3A_262 : memref<1x!tpu.dma_semaphore, #tpu.memory_space<semaphore_mem>> -> memref<!tpu.dma_semaphore, #tpu.memory_space<semaphore_mem>>
          tpu.enqueue_indirect_dma source(%dma_start3A_261 : memref<10000x128xf32, #tpu.memory_space<hbm>>) target(%dma_start3A_255 : memref<128x128xf32, #tpu.memory_space<vmem>>) offsets(%dma_start3A_258 : memref<128xi32, #tpu.memory_space<vmem>>) semaphore(%dma_start3A_263 : memref<!tpu.dma_semaphore, #tpu.memory_space<semaphore_mem>>)
        } else {
        }
        %mul3A_190 = arith.constant 2 : i32
        %mul3A_191 = arith.muli %scan3A_149, %mul3A_190 : i32
        %add3A_192 = arith.constant 1 : i32
        %add3A_193 = arith.addi %mul3A_191, %add3A_192 : i32
        %dma_wait3A_194 = arith.constant 1 : i32
        %dma_wait3A_195 = arith.constant 1 : i32
        %dma_wait3A_196 = arith.constant 0 : i32
        %dma_wait3A_197 = arith.constant 0 : i32
        %dma_wait3A_198 = tpu.memref_slice %arg9[%dma_wait3A_194, %dma_wait3A_196, %dma_wait3A_197] : memref<2x128x128xf32, #tpu.memory_space<vmem>> -> memref<1x128x128xf32, #tpu.memory_space<vmem>>
        %dma_wait3A_199 = tpu.memref_squeeze %dma_wait3A_198 : memref<1x128x128xf32, #tpu.memory_space<vmem>> -> memref<128x128xf32, #tpu.memory_space<vmem>>
        %dma_wait3A_200 = arith.constant 0 : i32
        %dma_wait3A_201 = tpu.memref_slice %arg7[%add3A_193, %dma_wait3A_200] : memref<40x128xi32, #tpu.memory_space<vmem>> -> memref<1x128xi32, #tpu.memory_space<vmem>>
        %dma_wait3A_202 = tpu.memref_squeeze %dma_wait3A_201 : memref<1x128xi32, #tpu.memory_space<vmem>> -> memref<128xi32, #tpu.memory_space<vmem>>
        %dma_wait3A_203 = arith.constant 0 : i32
        %dma_wait3A_204 = arith.constant 0 : i32
        %dma_wait3A_205 = tpu.memref_slice %arg2[%dma_wait3A_203, %dma_wait3A_204] : memref<10000x128xf32, #tpu.memory_space<hbm>> -> memref<10000x128xf32, #tpu.memory_space<hbm>>
        %dma_wait3A_206 = tpu.memref_slice %arg11[%dma_wait3A_195] : memref<2x!tpu.dma_semaphore, #tpu.memory_space<semaphore_mem>> -> memref<1x!tpu.dma_semaphore, #tpu.memory_space<semaphore_mem>>
        %dma_wait3A_207 = tpu.memref_squeeze %dma_wait3A_206 : memref<1x!tpu.dma_semaphore, #tpu.memory_space<semaphore_mem>> -> memref<!tpu.dma_semaphore, #tpu.memory_space<semaphore_mem>>
        tpu.wait_indirect_dma semaphore(%dma_wait3A_207 : memref<!tpu.dma_semaphore, #tpu.memory_space<semaphore_mem>>) src(%dma_wait3A_205 : memref<10000x128xf32, #tpu.memory_space<hbm>>) dst(%dma_wait3A_199 : memref<128x128xf32, #tpu.memory_space<vmem>>)
        %dma_start3A_208 = arith.constant 1 : i32
        %dma_start3A_209 = arith.constant 1 : i32
        %dma_start3A_210 = arith.constant 0 : i32
        %dma_start3A_211 = arith.constant 0 : i32
        %dma_start3A_212 = tpu.memref_slice %arg9[%dma_start3A_208, %dma_start3A_210, %dma_start3A_211] : memref<2x128x128xf32, #tpu.memory_space<vmem>> -> memref<1x128x128xf32, #tpu.memory_space<vmem>>
        %dma_start3A_213 = tpu.memref_squeeze %dma_start3A_212 : memref<1x128x128xf32, #tpu.memory_space<vmem>> -> memref<128x128xf32, #tpu.memory_space<vmem>>
        %dma_start3A_214 = arith.constant 0 : i32
        %dma_start3A_215 = tpu.memref_slice %arg8[%add3A_193, %dma_start3A_214] : memref<40x128xi32, #tpu.memory_space<vmem>> -> memref<1x128xi32, #tpu.memory_space<vmem>>
        %dma_start3A_216 = tpu.memref_squeeze %dma_start3A_215 : memref<1x128xi32, #tpu.memory_space<vmem>> -> memref<128xi32, #tpu.memory_space<vmem>>
        %dma_start3A_217 = arith.constant 0 : i32
        %dma_start3A_218 = arith.constant 0 : i32
        %dma_start3A_219 = tpu.memref_slice %arg10[%dma_start3A_217, %dma_start3A_218] : memref<10112x128xf32, #tpu.memory_space<vmem_shared>> -> memref<10112x128xf32, #tpu.memory_space<vmem_shared>>
        %dma_start3A_220 = tpu.memref_slice %arg12[%dma_start3A_209] : memref<2x!tpu.dma_semaphore, #tpu.memory_space<semaphore_mem>> -> memref<1x!tpu.dma_semaphore, #tpu.memory_space<semaphore_mem>>
        %dma_start3A_221 = tpu.memref_squeeze %dma_start3A_220 : memref<1x!tpu.dma_semaphore, #tpu.memory_space<semaphore_mem>> -> memref<!tpu.dma_semaphore, #tpu.memory_space<semaphore_mem>>
        tpu.enqueue_indirect_dma source(%dma_start3A_213 : memref<128x128xf32, #tpu.memory_space<vmem>>) target(%dma_start3A_219 : memref<10112x128xf32, #tpu.memory_space<vmem_shared>>) offsets(%dma_start3A_216 : memref<128xi32, #tpu.memory_space<vmem>>) semaphore(%dma_start3A_221 : memref<!tpu.dma_semaphore, #tpu.memory_space<semaphore_mem>>) {add = true}
        %sub3A_222 = arith.constant 1 : i32
        %sub3A_223 = arith.subi %add3A_193, %sub3A_222 : i32
        %ge3A_224 = arith.constant 0 : i32
        %ge3A_225 = arith.cmpi sge, %sub3A_223, %ge3A_224 : i32
        %add3A_226 = arith.constant 2 : i32
        %add3A_227 = arith.addi %sub3A_223, %add3A_226 : i32
        %lt3A_228 = arith.constant 40 : i32
        %lt3A_229 = arith.cmpi slt, %add3A_227, %lt3A_228 : i32
        %and3A_230 = arith.andi %ge3A_225, %lt3A_229 : i1
        %convert_element_type3A_231 = arith.extui %and3A_230 : i1 to i32
        %cond3A_232 = arith.constant 0 : i32
        %cond3A_233 = arith.cmpi ne, %convert_element_type3A_231, %cond3A_232 : i32
        scf.if %cond3A_233 {
          %dma_wait3A_234 = arith.constant 0 : i32
          %dma_wait3A_235 = arith.constant 0 : i32
          %dma_wait3A_236 = arith.constant 0 : i32
          %dma_wait3A_237 = arith.constant 0 : i32
          %dma_wait3A_238 = tpu.memref_slice %arg9[%dma_wait3A_234, %dma_wait3A_236, %dma_wait3A_237] : memref<2x128x128xf32, #tpu.memory_space<vmem>> -> memref<1x128x128xf32, #tpu.memory_space<vmem>>
          %dma_wait3A_239 = tpu.memref_squeeze %dma_wait3A_238 : memref<1x128x128xf32, #tpu.memory_space<vmem>> -> memref<128x128xf32, #tpu.memory_space<vmem>>
          %dma_wait3A_240 = arith.constant 0 : i32
          %dma_wait3A_241 = tpu.memref_slice %arg8[%sub3A_223, %dma_wait3A_240] : memref<40x128xi32, #tpu.memory_space<vmem>> -> memref<1x128xi32, #tpu.memory_space<vmem>>
          %dma_wait3A_242 = tpu.memref_squeeze %dma_wait3A_241 : memref<1x128xi32, #tpu.memory_space<vmem>> -> memref<128xi32, #tpu.memory_space<vmem>>
          %dma_wait3A_243 = arith.constant 0 : i32
          %dma_wait3A_244 = arith.constant 0 : i32
          %dma_wait3A_245 = tpu.memref_slice %arg10[%dma_wait3A_243, %dma_wait3A_244] : memref<10112x128xf32, #tpu.memory_space<vmem_shared>> -> memref<10112x128xf32, #tpu.memory_space<vmem_shared>>
          %dma_wait3A_246 = tpu.memref_slice %arg12[%dma_wait3A_235] : memref<2x!tpu.dma_semaphore, #tpu.memory_space<semaphore_mem>> -> memref<1x!tpu.dma_semaphore, #tpu.memory_space<semaphore_mem>>
          %dma_wait3A_247 = tpu.memref_squeeze %dma_wait3A_246 : memref<1x!tpu.dma_semaphore, #tpu.memory_space<semaphore_mem>> -> memref<!tpu.dma_semaphore, #tpu.memory_space<semaphore_mem>>
          tpu.wait_indirect_dma semaphore(%dma_wait3A_247 : memref<!tpu.dma_semaphore, #tpu.memory_space<semaphore_mem>>) src(%dma_wait3A_239 : memref<128x128xf32, #tpu.memory_space<vmem>>) dst(%dma_wait3A_245 : memref<10112x128xf32, #tpu.memory_space<vmem_shared>>)
          %add3A_248 = arith.constant 2 : i32
          %add3A_249 = arith.addi %sub3A_223, %add3A_248 : i32
          %dma_start3A_250 = arith.constant 0 : i32
          %dma_start3A_251 = arith.constant 0 : i32
          %dma_start3A_252 = arith.constant 0 : i32
          %dma_start3A_253 = arith.constant 0 : i32
          %dma_start3A_254 = tpu.memref_slice %arg9[%dma_start3A_250, %dma_start3A_252, %dma_start3A_253] : memref<2x128x128xf32, #tpu.memory_space<vmem>> -> memref<1x128x128xf32, #tpu.memory_space<vmem>>
          %dma_start3A_255 = tpu.memref_squeeze %dma_start3A_254 : memref<1x128x128xf32, #tpu.memory_space<vmem>> -> memref<128x128xf32, #tpu.memory_space<vmem>>
          %dma_start3A_256 = arith.constant 0 : i32
          %dma_start3A_257 = tpu.memref_slice %arg7[%add3A_249, %dma_start3A_256] : memref<40x128xi32, #tpu.memory_space<vmem>> -> memref<1x128xi32, #tpu.memory_space<vmem>>
          %dma_start3A_258 = tpu.memref_squeeze %dma_start3A_257 : memref<1x128xi32, #tpu.memory_space<vmem>> -> memref<128xi32, #tpu.memory_space<vmem>>
          %dma_start3A_259 = arith.constant 0 : i32
          %dma_start3A_260 = arith.constant 0 : i32
          %dma_start3A_261 = tpu.memref_slice %arg2[%dma_start3A_259, %dma_start3A_260] : memref<10000x128xf32, #tpu.memory_space<hbm>> -> memref<10000x128xf32, #tpu.memory_space<hbm>>
          %dma_start3A_262 = tpu.memref_slice %arg11[%dma_start3A_251] : memref<2x!tpu.dma_semaphore, #tpu.memory_space<semaphore_mem>> -> memref<1x!tpu.dma_semaphore, #tpu.memory_space<semaphore_mem>>
          %dma_start3A_263 = tpu.memref_squeeze %dma_start3A_262 : memref<1x!tpu.dma_semaphore, #tpu.memory_space<semaphore_mem>> -> memref<!tpu.dma_semaphore, #tpu.memory_space<semaphore_mem>>
          tpu.enqueue_indirect_dma source(%dma_start3A_261 : memref<10000x128xf32, #tpu.memory_space<hbm>>) target(%dma_start3A_255 : memref<128x128xf32, #tpu.memory_space<vmem>>) offsets(%dma_start3A_258 : memref<128xi32, #tpu.memory_space<vmem>>) semaphore(%dma_start3A_263 : memref<!tpu.dma_semaphore, #tpu.memory_space<semaphore_mem>>)
        } else {
        }
      }
      %scan3A_118 = arith.constant 20 : i32
      %dma_wait3A_119 = arith.constant 0 : i32
      %dma_wait3A_120 = arith.constant 38 : i32
      %dma_wait3A_121 = arith.constant 0 : i32
      %dma_wait3A_122 = arith.constant 0 : i32
      %dma_wait3A_123 = arith.constant 0 : i32
      %dma_wait3A_124 = tpu.memref_slice %arg9[%dma_wait3A_119, %dma_wait3A_122, %dma_wait3A_123] : memref<2x128x128xf32, #tpu.memory_space<vmem>> -> memref<1x128x128xf32, #tpu.memory_space<vmem>>
      %dma_wait3A_125 = tpu.memref_squeeze %dma_wait3A_124 : memref<1x128x128xf32, #tpu.memory_space<vmem>> -> memref<128x128xf32, #tpu.memory_space<vmem>>
      %dma_wait3A_126 = arith.constant 0 : i32
      %dma_wait3A_127 = tpu.memref_slice %arg8[%dma_wait3A_120, %dma_wait3A_126] : memref<40x128xi32, #tpu.memory_space<vmem>> -> memref<1x128xi32, #tpu.memory_space<vmem>>
      %dma_wait3A_128 = tpu.memref_squeeze %dma_wait3A_127 : memref<1x128xi32, #tpu.memory_space<vmem>> -> memref<128xi32, #tpu.memory_space<vmem>>
      %dma_wait3A_129 = arith.constant 0 : i32
      %dma_wait3A_130 = arith.constant 0 : i32
      %dma_wait3A_131 = tpu.memref_slice %arg10[%dma_wait3A_129, %dma_wait3A_130] : memref<10112x128xf32, #tpu.memory_space<vmem_shared>> -> memref<10112x128xf32, #tpu.memory_space<vmem_shared>>
      %dma_wait3A_132 = tpu.memref_slice %arg12[%dma_wait3A_121] : memref<2x!tpu.dma_semaphore, #tpu.memory_space<semaphore_mem>> -> memref<1x!tpu.dma_semaphore, #tpu.memory_space<semaphore_mem>>
      %dma_wait3A_133 = tpu.memref_squeeze %dma_wait3A_132 : memref<1x!tpu.dma_semaphore, #tpu.memory_space<semaphore_mem>> -> memref<!tpu.dma_semaphore, #tpu.memory_space<semaphore_mem>>
      tpu.wait_indirect_dma semaphore(%dma_wait3A_133 : memref<!tpu.dma_semaphore, #tpu.memory_space<semaphore_mem>>) src(%dma_wait3A_125 : memref<128x128xf32, #tpu.memory_space<vmem>>) dst(%dma_wait3A_131 : memref<10112x128xf32, #tpu.memory_space<vmem_shared>>)
      %dma_wait3A_134 = arith.constant 1 : i32
      %dma_wait3A_135 = arith.constant 39 : i32
      %dma_wait3A_136 = arith.constant 1 : i32
      %dma_wait3A_137 = arith.constant 0 : i32
      %dma_wait3A_138 = arith.constant 0 : i32
      %dma_wait3A_139 = tpu.memref_slice %arg9[%dma_wait3A_134, %dma_wait3A_137, %dma_wait3A_138] : memref<2x128x128xf32, #tpu.memory_space<vmem>> -> memref<1x128x128xf32, #tpu.memory_space<vmem>>
      %dma_wait3A_140 = tpu.memref_squeeze %dma_wait3A_139 : memref<1x128x128xf32, #tpu.memory_space<vmem>> -> memref<128x128xf32, #tpu.memory_space<vmem>>
      %dma_wait3A_141 = arith.constant 0 : i32
      %dma_wait3A_142 = tpu.memref_slice %arg8[%dma_wait3A_135, %dma_wait3A_141] : memref<40x128xi32, #tpu.memory_space<vmem>> -> memref<1x128xi32, #tpu.memory_space<vmem>>
      %dma_wait3A_143 = tpu.memref_squeeze %dma_wait3A_142 : memref<1x128xi32, #tpu.memory_space<vmem>> -> memref<128xi32, #tpu.memory_space<vmem>>
      %dma_wait3A_144 = arith.constant 0 : i32
      %dma_wait3A_145 = arith.constant 0 : i32
      %dma_wait3A_146 = tpu.memref_slice %arg10[%dma_wait3A_144, %dma_wait3A_145] : memref<10112x128xf32, #tpu.memory_space<vmem_shared>> -> memref<10112x128xf32, #tpu.memory_space<vmem_shared>>
      %dma_wait3A_147 = tpu.memref_slice %arg12[%dma_wait3A_136] : memref<2x!tpu.dma_semaphore, #tpu.memory_space<semaphore_mem>> -> memref<1x!tpu.dma_semaphore, #tpu.memory_space<semaphore_mem>>
      %dma_wait3A_148 = tpu.memref_squeeze %dma_wait3A_147 : memref<1x!tpu.dma_semaphore, #tpu.memory_space<semaphore_mem>> -> memref<!tpu.dma_semaphore, #tpu.memory_space<semaphore_mem>>
      tpu.wait_indirect_dma semaphore(%dma_wait3A_148 : memref<!tpu.dma_semaphore, #tpu.memory_space<semaphore_mem>>) src(%dma_wait3A_140 : memref<128x128xf32, #tpu.memory_space<vmem>>) dst(%dma_wait3A_146 : memref<10112x128xf32, #tpu.memory_space<vmem_shared>>)
    } else {
    }
    %eq3A_71 = arith.constant 0 : i32
    %eq3A_72 = arith.cmpi eq, %arg0, %eq3A_71 : i32
    %convert_element_type3A_73 = arith.extui %eq3A_72 : i1 to i32
    %cond3A_74 = arith.constant 0 : i32
    %cond3A_75 = arith.cmpi ne, %convert_element_type3A_73, %cond3A_74 : i32
    scf.if %cond3A_75 {
      "tpu.region"() ({
        %run_scoped3A = tpu.sem_alloc : memref<!tpu.dma_semaphore, #tpu.memory_space<semaphore_mem>>
        %dma_start3A_149 = arith.constant 80 : i32
        %dma_start3A_150 = arith.constant 0 : i32
        %dma_start3A_151 = tpu.memref_slice %arg3[%arg1, %dma_start3A_149, %dma_start3A_150] : memref<16x160x128xi32, #tpu.memory_space<hbm>> -> memref<1x40x128xi32, #tpu.memory_space<hbm>>
        %dma_start3A_152 = tpu.memref_squeeze %dma_start3A_151 : memref<1x40x128xi32, #tpu.memory_space<hbm>> -> memref<40x128xi32, #tpu.memory_space<hbm>>
        %dma_start3A_153 = arith.constant 80 : i32
        %dma_start3A_154 = arith.constant 0 : i32
        %dma_start3A_155 = tpu.memref_slice %arg3[%arg1, %dma_start3A_153, %dma_start3A_154] : memref<16x160x128xi32, #tpu.memory_space<hbm>> -> memref<1x40x128xi32, #tpu.memory_space<hbm>>
        %dma_start3A_156 = tpu.memref_squeeze %dma_start3A_155 : memref<1x40x128xi32, #tpu.memory_space<hbm>> -> memref<40x128xi32, #tpu.memory_space<hbm>>
        tpu.enqueue_dma source(%dma_start3A_156 : memref<40x128xi32, #tpu.memory_space<hbm>>) target(%arg7 : memref<40x128xi32, #tpu.memory_space<vmem>>) target_semaphore(%run_scoped3A : memref<!tpu.dma_semaphore, #tpu.memory_space<semaphore_mem>>)
        %dma_wait3A_157 = arith.constant 80 : i32
        %dma_wait3A_158 = arith.constant 0 : i32
        %dma_wait3A_159 = tpu.memref_slice %arg3[%arg1, %dma_wait3A_157, %dma_wait3A_158] : memref<16x160x128xi32, #tpu.memory_space<hbm>> -> memref<1x40x128xi32, #tpu.memory_space<hbm>>
        %dma_wait3A_160 = tpu.memref_squeeze %dma_wait3A_159 : memref<1x40x128xi32, #tpu.memory_space<hbm>> -> memref<40x128xi32, #tpu.memory_space<hbm>>
        %dma_wait3A_161 = arith.constant 80 : i32
        %dma_wait3A_162 = arith.constant 0 : i32
        %dma_wait3A_163 = tpu.memref_slice %arg3[%arg1, %dma_wait3A_161, %dma_wait3A_162] : memref<16x160x128xi32, #tpu.memory_space<hbm>> -> memref<1x40x128xi32, #tpu.memory_space<hbm>>
        %dma_wait3A_164 = tpu.memref_squeeze %dma_wait3A_163 : memref<1x40x128xi32, #tpu.memory_space<hbm>> -> memref<40x128xi32, #tpu.memory_space<hbm>>
        tpu.wait_dma2 semaphore(%run_scoped3A : memref<!tpu.dma_semaphore, #tpu.memory_space<semaphore_mem>>) src(%dma_wait3A_164 : memref<40x128xi32, #tpu.memory_space<hbm>>) dst(%arg7 : memref<40x128xi32, #tpu.memory_space<vmem>>)
        tpu.yield
      }) : () -> ()
      "tpu.region"() ({
        %run_scoped3A = tpu.sem_alloc : memref<!tpu.dma_semaphore, #tpu.memory_space<semaphore_mem>>
        %dma_start3A_149 = arith.constant 80 : i32
        %dma_start3A_150 = arith.constant 0 : i32
        %dma_start3A_151 = tpu.memref_slice %arg4[%arg1, %dma_start3A_149, %dma_start3A_150] : memref<16x160x128xi32, #tpu.memory_space<hbm>> -> memref<1x40x128xi32, #tpu.memory_space<hbm>>
        %dma_start3A_152 = tpu.memref_squeeze %dma_start3A_151 : memref<1x40x128xi32, #tpu.memory_space<hbm>> -> memref<40x128xi32, #tpu.memory_space<hbm>>
        %dma_start3A_153 = arith.constant 80 : i32
        %dma_start3A_154 = arith.constant 0 : i32
        %dma_start3A_155 = tpu.memref_slice %arg4[%arg1, %dma_start3A_153, %dma_start3A_154] : memref<16x160x128xi32, #tpu.memory_space<hbm>> -> memref<1x40x128xi32, #tpu.memory_space<hbm>>
        %dma_start3A_156 = tpu.memref_squeeze %dma_start3A_155 : memref<1x40x128xi32, #tpu.memory_space<hbm>> -> memref<40x128xi32, #tpu.memory_space<hbm>>
        tpu.enqueue_dma source(%dma_start3A_156 : memref<40x128xi32, #tpu.memory_space<hbm>>) target(%arg8 : memref<40x128xi32, #tpu.memory_space<vmem>>) target_semaphore(%run_scoped3A : memref<!tpu.dma_semaphore, #tpu.memory_space<semaphore_mem>>)
        %dma_wait3A_157 = arith.constant 80 : i32
        %dma_wait3A_158 = arith.constant 0 : i32
        %dma_wait3A_159 = tpu.memref_slice %arg4[%arg1, %dma_wait3A_157, %dma_wait3A_158] : memref<16x160x128xi32, #tpu.memory_space<hbm>> -> memref<1x40x128xi32, #tpu.memory_space<hbm>>
        %dma_wait3A_160 = tpu.memref_squeeze %dma_wait3A_159 : memref<1x40x128xi32, #tpu.memory_space<hbm>> -> memref<40x128xi32, #tpu.memory_space<hbm>>
        %dma_wait3A_161 = arith.constant 80 : i32
        %dma_wait3A_162 = arith.constant 0 : i32
        %dma_wait3A_163 = tpu.memref_slice %arg4[%arg1, %dma_wait3A_161, %dma_wait3A_162] : memref<16x160x128xi32, #tpu.memory_space<hbm>> -> memref<1x40x128xi32, #tpu.memory_space<hbm>>
        %dma_wait3A_164 = tpu.memref_squeeze %dma_wait3A_163 : memref<1x40x128xi32, #tpu.memory_space<hbm>> -> memref<40x128xi32, #tpu.memory_space<hbm>>
        tpu.wait_dma2 semaphore(%run_scoped3A : memref<!tpu.dma_semaphore, #tpu.memory_space<semaphore_mem>>) src(%dma_wait3A_164 : memref<40x128xi32, #tpu.memory_space<hbm>>) dst(%arg8 : memref<40x128xi32, #tpu.memory_space<vmem>>)
        tpu.yield
      }) : () -> ()
      %dma_start3A_83 = arith.constant 0 : i32
      %dma_start3A_84 = arith.constant 0 : i32
      %dma_start3A_85 = arith.constant 0 : i32
      %dma_start3A_86 = arith.constant 0 : i32
      %dma_start3A_87 = arith.constant 0 : i32
      %dma_start3A_88 = tpu.memref_slice %arg9[%dma_start3A_84, %dma_start3A_86, %dma_start3A_87] : memref<2x128x128xf32, #tpu.memory_space<vmem>> -> memref<1x128x128xf32, #tpu.memory_space<vmem>>
      %dma_start3A_89 = tpu.memref_squeeze %dma_start3A_88 : memref<1x128x128xf32, #tpu.memory_space<vmem>> -> memref<128x128xf32, #tpu.memory_space<vmem>>
      %dma_start3A_90 = arith.constant 0 : i32
      %dma_start3A_91 = tpu.memref_slice %arg7[%dma_start3A_83, %dma_start3A_90] : memref<40x128xi32, #tpu.memory_space<vmem>> -> memref<1x128xi32, #tpu.memory_space<vmem>>
      %dma_start3A_92 = tpu.memref_squeeze %dma_start3A_91 : memref<1x128xi32, #tpu.memory_space<vmem>> -> memref<128xi32, #tpu.memory_space<vmem>>
      %dma_start3A_93 = arith.constant 0 : i32
      %dma_start3A_94 = arith.constant 0 : i32
      %dma_start3A_95 = tpu.memref_slice %arg2[%dma_start3A_93, %dma_start3A_94] : memref<10000x128xf32, #tpu.memory_space<hbm>> -> memref<10000x128xf32, #tpu.memory_space<hbm>>
      %dma_start3A_96 = tpu.memref_slice %arg11[%dma_start3A_85] : memref<2x!tpu.dma_semaphore, #tpu.memory_space<semaphore_mem>> -> memref<1x!tpu.dma_semaphore, #tpu.memory_space<semaphore_mem>>
      %dma_start3A_97 = tpu.memref_squeeze %dma_start3A_96 : memref<1x!tpu.dma_semaphore, #tpu.memory_space<semaphore_mem>> -> memref<!tpu.dma_semaphore, #tpu.memory_space<semaphore_mem>>
      tpu.enqueue_indirect_dma source(%dma_start3A_95 : memref<10000x128xf32, #tpu.memory_space<hbm>>) target(%dma_start3A_89 : memref<128x128xf32, #tpu.memory_space<vmem>>) offsets(%dma_start3A_92 : memref<128xi32, #tpu.memory_space<vmem>>) semaphore(%dma_start3A_97 : memref<!tpu.dma_semaphore, #tpu.memory_space<semaphore_mem>>)
      %dma_start3A_98 = arith.constant 1 : i32
      %dma_start3A_99 = arith.constant 1 : i32
      %dma_start3A_100 = arith.constant 1 : i32
      %dma_start3A_101 = arith.constant 0 : i32
      %dma_start3A_102 = arith.constant 0 : i32
      %dma_start3A_103 = tpu.memref_slice %arg9[%dma_start3A_99, %dma_start3A_101, %dma_start3A_102] : memref<2x128x128xf32, #tpu.memory_space<vmem>> -> memref<1x128x128xf32, #tpu.memory_space<vmem>>
      %dma_start3A_104 = tpu.memref_squeeze %dma_start3A_103 : memref<1x128x128xf32, #tpu.memory_space<vmem>> -> memref<128x128xf32, #tpu.memory_space<vmem>>
      %dma_start3A_105 = arith.constant 0 : i32
      %dma_start3A_106 = tpu.memref_slice %arg7[%dma_start3A_98, %dma_start3A_105] : memref<40x128xi32, #tpu.memory_space<vmem>> -> memref<1x128xi32, #tpu.memory_space<vmem>>
      %dma_start3A_107 = tpu.memref_squeeze %dma_start3A_106 : memref<1x128xi32, #tpu.memory_space<vmem>> -> memref<128xi32, #tpu.memory_space<vmem>>
      %dma_start3A_108 = arith.constant 0 : i32
      %dma_start3A_109 = arith.constant 0 : i32
      %dma_start3A_110 = tpu.memref_slice %arg2[%dma_start3A_108, %dma_start3A_109] : memref<10000x128xf32, #tpu.memory_space<hbm>> -> memref<10000x128xf32, #tpu.memory_space<hbm>>
      %dma_start3A_111 = tpu.memref_slice %arg11[%dma_start3A_100] : memref<2x!tpu.dma_semaphore, #tpu.memory_space<semaphore_mem>> -> memref<1x!tpu.dma_semaphore, #tpu.memory_space<semaphore_mem>>
      %dma_start3A_112 = tpu.memref_squeeze %dma_start3A_111 : memref<1x!tpu.dma_semaphore, #tpu.memory_space<semaphore_mem>> -> memref<!tpu.dma_semaphore, #tpu.memory_space<semaphore_mem>>
      tpu.enqueue_indirect_dma source(%dma_start3A_110 : memref<10000x128xf32, #tpu.memory_space<hbm>>) target(%dma_start3A_104 : memref<128x128xf32, #tpu.memory_space<vmem>>) offsets(%dma_start3A_107 : memref<128xi32, #tpu.memory_space<vmem>>) semaphore(%dma_start3A_112 : memref<!tpu.dma_semaphore, #tpu.memory_space<semaphore_mem>>)
      %scan3A_113 = arith.constant 0 : i32
      %scan3A_114 = arith.constant 0 : i32
      %scan3A_115 = arith.constant 20 : i32
      %scan3A_116 = arith.addi %scan3A_114, %scan3A_115 : i32
      %scan3A_117 = arith.constant 1 : i32
      scf.for %scan3A_149 = %scan3A_114 to %scan3A_116 step %scan3A_117  : i32 {
        %mul3A_150 = arith.constant 2 : i32
        %mul3A_151 = arith.muli %scan3A_149, %mul3A_150 : i32
        %add3A_152 = arith.constant 0 : i32
        %add3A_153 = arith.addi %mul3A_151, %add3A_152 : i32
        %dma_wait3A_154 = arith.constant 0 : i32
        %dma_wait3A_155 = arith.constant 0 : i32
        %dma_wait3A_156 = arith.constant 0 : i32
        %dma_wait3A_157 = arith.constant 0 : i32
        %dma_wait3A_158 = tpu.memref_slice %arg9[%dma_wait3A_154, %dma_wait3A_156, %dma_wait3A_157] : memref<2x128x128xf32, #tpu.memory_space<vmem>> -> memref<1x128x128xf32, #tpu.memory_space<vmem>>
        %dma_wait3A_159 = tpu.memref_squeeze %dma_wait3A_158 : memref<1x128x128xf32, #tpu.memory_space<vmem>> -> memref<128x128xf32, #tpu.memory_space<vmem>>
        %dma_wait3A_160 = arith.constant 0 : i32
        %dma_wait3A_161 = tpu.memref_slice %arg7[%add3A_153, %dma_wait3A_160] : memref<40x128xi32, #tpu.memory_space<vmem>> -> memref<1x128xi32, #tpu.memory_space<vmem>>
        %dma_wait3A_162 = tpu.memref_squeeze %dma_wait3A_161 : memref<1x128xi32, #tpu.memory_space<vmem>> -> memref<128xi32, #tpu.memory_space<vmem>>
        %dma_wait3A_163 = arith.constant 0 : i32
        %dma_wait3A_164 = arith.constant 0 : i32
        %dma_wait3A_165 = tpu.memref_slice %arg2[%dma_wait3A_163, %dma_wait3A_164] : memref<10000x128xf32, #tpu.memory_space<hbm>> -> memref<10000x128xf32, #tpu.memory_space<hbm>>
        %dma_wait3A_166 = tpu.memref_slice %arg11[%dma_wait3A_155] : memref<2x!tpu.dma_semaphore, #tpu.memory_space<semaphore_mem>> -> memref<1x!tpu.dma_semaphore, #tpu.memory_space<semaphore_mem>>
        %dma_wait3A_167 = tpu.memref_squeeze %dma_wait3A_166 : memref<1x!tpu.dma_semaphore, #tpu.memory_space<semaphore_mem>> -> memref<!tpu.dma_semaphore, #tpu.memory_space<semaphore_mem>>
        tpu.wait_indirect_dma semaphore(%dma_wait3A_167 : memref<!tpu.dma_semaphore, #tpu.memory_space<semaphore_mem>>) src(%dma_wait3A_165 : memref<10000x128xf32, #tpu.memory_space<hbm>>) dst(%dma_wait3A_159 : memref<128x128xf32, #tpu.memory_space<vmem>>)
        %dma_start3A_168 = arith.constant 0 : i32
        %dma_start3A_169 = arith.constant 0 : i32
        %dma_start3A_170 = arith.constant 0 : i32
        %dma_start3A_171 = arith.constant 0 : i32
        %dma_start3A_172 = tpu.memref_slice %arg9[%dma_start3A_168, %dma_start3A_170, %dma_start3A_171] : memref<2x128x128xf32, #tpu.memory_space<vmem>> -> memref<1x128x128xf32, #tpu.memory_space<vmem>>
        %dma_start3A_173 = tpu.memref_squeeze %dma_start3A_172 : memref<1x128x128xf32, #tpu.memory_space<vmem>> -> memref<128x128xf32, #tpu.memory_space<vmem>>
        %dma_start3A_174 = arith.constant 0 : i32
        %dma_start3A_175 = tpu.memref_slice %arg8[%add3A_153, %dma_start3A_174] : memref<40x128xi32, #tpu.memory_space<vmem>> -> memref<1x128xi32, #tpu.memory_space<vmem>>
        %dma_start3A_176 = tpu.memref_squeeze %dma_start3A_175 : memref<1x128xi32, #tpu.memory_space<vmem>> -> memref<128xi32, #tpu.memory_space<vmem>>
        %dma_start3A_177 = arith.constant 0 : i32
        %dma_start3A_178 = arith.constant 0 : i32
        %dma_start3A_179 = tpu.memref_slice %arg10[%dma_start3A_177, %dma_start3A_178] : memref<10112x128xf32, #tpu.memory_space<vmem_shared>> -> memref<10112x128xf32, #tpu.memory_space<vmem_shared>>
        %dma_start3A_180 = tpu.memref_slice %arg12[%dma_start3A_169] : memref<2x!tpu.dma_semaphore, #tpu.memory_space<semaphore_mem>> -> memref<1x!tpu.dma_semaphore, #tpu.memory_space<semaphore_mem>>
        %dma_start3A_181 = tpu.memref_squeeze %dma_start3A_180 : memref<1x!tpu.dma_semaphore, #tpu.memory_space<semaphore_mem>> -> memref<!tpu.dma_semaphore, #tpu.memory_space<semaphore_mem>>
        tpu.enqueue_indirect_dma source(%dma_start3A_173 : memref<128x128xf32, #tpu.memory_space<vmem>>) target(%dma_start3A_179 : memref<10112x128xf32, #tpu.memory_space<vmem_shared>>) offsets(%dma_start3A_176 : memref<128xi32, #tpu.memory_space<vmem>>) semaphore(%dma_start3A_181 : memref<!tpu.dma_semaphore, #tpu.memory_space<semaphore_mem>>) {add = true}
        %sub3A = arith.constant 1 : i32
        %sub3A_182 = arith.subi %add3A_153, %sub3A : i32
        %ge3A = arith.constant 0 : i32
        %ge3A_183 = arith.cmpi sge, %sub3A_182, %ge3A : i32
        %add3A_184 = arith.constant 2 : i32
        %add3A_185 = arith.addi %sub3A_182, %add3A_184 : i32
        %lt3A = arith.constant 40 : i32
        %lt3A_186 = arith.cmpi slt, %add3A_185, %lt3A : i32
        %and3A = arith.andi %ge3A_183, %lt3A_186 : i1
        %convert_element_type3A_187 = arith.extui %and3A : i1 to i32
        %cond3A_188 = arith.constant 0 : i32
        %cond3A_189 = arith.cmpi ne, %convert_element_type3A_187, %cond3A_188 : i32
        scf.if %cond3A_189 {
          %dma_wait3A_234 = arith.constant 1 : i32
          %dma_wait3A_235 = arith.constant 1 : i32
          %dma_wait3A_236 = arith.constant 0 : i32
          %dma_wait3A_237 = arith.constant 0 : i32
          %dma_wait3A_238 = tpu.memref_slice %arg9[%dma_wait3A_234, %dma_wait3A_236, %dma_wait3A_237] : memref<2x128x128xf32, #tpu.memory_space<vmem>> -> memref<1x128x128xf32, #tpu.memory_space<vmem>>
          %dma_wait3A_239 = tpu.memref_squeeze %dma_wait3A_238 : memref<1x128x128xf32, #tpu.memory_space<vmem>> -> memref<128x128xf32, #tpu.memory_space<vmem>>
          %dma_wait3A_240 = arith.constant 0 : i32
          %dma_wait3A_241 = tpu.memref_slice %arg8[%sub3A_182, %dma_wait3A_240] : memref<40x128xi32, #tpu.memory_space<vmem>> -> memref<1x128xi32, #tpu.memory_space<vmem>>
          %dma_wait3A_242 = tpu.memref_squeeze %dma_wait3A_241 : memref<1x128xi32, #tpu.memory_space<vmem>> -> memref<128xi32, #tpu.memory_space<vmem>>
          %dma_wait3A_243 = arith.constant 0 : i32
          %dma_wait3A_244 = arith.constant 0 : i32
          %dma_wait3A_245 = tpu.memref_slice %arg10[%dma_wait3A_243, %dma_wait3A_244] : memref<10112x128xf32, #tpu.memory_space<vmem_shared>> -> memref<10112x128xf32, #tpu.memory_space<vmem_shared>>
          %dma_wait3A_246 = tpu.memref_slice %arg12[%dma_wait3A_235] : memref<2x!tpu.dma_semaphore, #tpu.memory_space<semaphore_mem>> -> memref<1x!tpu.dma_semaphore, #tpu.memory_space<semaphore_mem>>
          %dma_wait3A_247 = tpu.memref_squeeze %dma_wait3A_246 : memref<1x!tpu.dma_semaphore, #tpu.memory_space<semaphore_mem>> -> memref<!tpu.dma_semaphore, #tpu.memory_space<semaphore_mem>>
          tpu.wait_indirect_dma semaphore(%dma_wait3A_247 : memref<!tpu.dma_semaphore, #tpu.memory_space<semaphore_mem>>) src(%dma_wait3A_239 : memref<128x128xf32, #tpu.memory_space<vmem>>) dst(%dma_wait3A_245 : memref<10112x128xf32, #tpu.memory_space<vmem_shared>>)
          %add3A_248 = arith.constant 2 : i32
          %add3A_249 = arith.addi %sub3A_182, %add3A_248 : i32
          %dma_start3A_250 = arith.constant 1 : i32
          %dma_start3A_251 = arith.constant 1 : i32
          %dma_start3A_252 = arith.constant 0 : i32
          %dma_start3A_253 = arith.constant 0 : i32
          %dma_start3A_254 = tpu.memref_slice %arg9[%dma_start3A_250, %dma_start3A_252, %dma_start3A_253] : memref<2x128x128xf32, #tpu.memory_space<vmem>> -> memref<1x128x128xf32, #tpu.memory_space<vmem>>
          %dma_start3A_255 = tpu.memref_squeeze %dma_start3A_254 : memref<1x128x128xf32, #tpu.memory_space<vmem>> -> memref<128x128xf32, #tpu.memory_space<vmem>>
          %dma_start3A_256 = arith.constant 0 : i32
          %dma_start3A_257 = tpu.memref_slice %arg7[%add3A_249, %dma_start3A_256] : memref<40x128xi32, #tpu.memory_space<vmem>> -> memref<1x128xi32, #tpu.memory_space<vmem>>
          %dma_start3A_258 = tpu.memref_squeeze %dma_start3A_257 : memref<1x128xi32, #tpu.memory_space<vmem>> -> memref<128xi32, #tpu.memory_space<vmem>>
          %dma_start3A_259 = arith.constant 0 : i32
          %dma_start3A_260 = arith.constant 0 : i32
          %dma_start3A_261 = tpu.memref_slice %arg2[%dma_start3A_259, %dma_start3A_260] : memref<10000x128xf32, #tpu.memory_space<hbm>> -> memref<10000x128xf32, #tpu.memory_space<hbm>>
          %dma_start3A_262 = tpu.memref_slice %arg11[%dma_start3A_251] : memref<2x!tpu.dma_semaphore, #tpu.memory_space<semaphore_mem>> -> memref<1x!tpu.dma_semaphore, #tpu.memory_space<semaphore_mem>>
          %dma_start3A_263 = tpu.memref_squeeze %dma_start3A_262 : memref<1x!tpu.dma_semaphore, #tpu.memory_space<semaphore_mem>> -> memref<!tpu.dma_semaphore, #tpu.memory_space<semaphore_mem>>
          tpu.enqueue_indirect_dma source(%dma_start3A_261 : memref<10000x128xf32, #tpu.memory_space<hbm>>) target(%dma_start3A_255 : memref<128x128xf32, #tpu.memory_space<vmem>>) offsets(%dma_start3A_258 : memref<128xi32, #tpu.memory_space<vmem>>) semaphore(%dma_start3A_263 : memref<!tpu.dma_semaphore, #tpu.memory_space<semaphore_mem>>)
        } else {
        }
        %mul3A_190 = arith.constant 2 : i32
        %mul3A_191 = arith.muli %scan3A_149, %mul3A_190 : i32
        %add3A_192 = arith.constant 1 : i32
        %add3A_193 = arith.addi %mul3A_191, %add3A_192 : i32
        %dma_wait3A_194 = arith.constant 1 : i32
        %dma_wait3A_195 = arith.constant 1 : i32
        %dma_wait3A_196 = arith.constant 0 : i32
        %dma_wait3A_197 = arith.constant 0 : i32
        %dma_wait3A_198 = tpu.memref_slice %arg9[%dma_wait3A_194, %dma_wait3A_196, %dma_wait3A_197] : memref<2x128x128xf32, #tpu.memory_space<vmem>> -> memref<1x128x128xf32, #tpu.memory_space<vmem>>
        %dma_wait3A_199 = tpu.memref_squeeze %dma_wait3A_198 : memref<1x128x128xf32, #tpu.memory_space<vmem>> -> memref<128x128xf32, #tpu.memory_space<vmem>>
        %dma_wait3A_200 = arith.constant 0 : i32
        %dma_wait3A_201 = tpu.memref_slice %arg7[%add3A_193, %dma_wait3A_200] : memref<40x128xi32, #tpu.memory_space<vmem>> -> memref<1x128xi32, #tpu.memory_space<vmem>>
        %dma_wait3A_202 = tpu.memref_squeeze %dma_wait3A_201 : memref<1x128xi32, #tpu.memory_space<vmem>> -> memref<128xi32, #tpu.memory_space<vmem>>
        %dma_wait3A_203 = arith.constant 0 : i32
        %dma_wait3A_204 = arith.constant 0 : i32
        %dma_wait3A_205 = tpu.memref_slice %arg2[%dma_wait3A_203, %dma_wait3A_204] : memref<10000x128xf32, #tpu.memory_space<hbm>> -> memref<10000x128xf32, #tpu.memory_space<hbm>>
        %dma_wait3A_206 = tpu.memref_slice %arg11[%dma_wait3A_195] : memref<2x!tpu.dma_semaphore, #tpu.memory_space<semaphore_mem>> -> memref<1x!tpu.dma_semaphore, #tpu.memory_space<semaphore_mem>>
        %dma_wait3A_207 = tpu.memref_squeeze %dma_wait3A_206 : memref<1x!tpu.dma_semaphore, #tpu.memory_space<semaphore_mem>> -> memref<!tpu.dma_semaphore, #tpu.memory_space<semaphore_mem>>
        tpu.wait_indirect_dma semaphore(%dma_wait3A_207 : memref<!tpu.dma_semaphore, #tpu.memory_space<semaphore_mem>>) src(%dma_wait3A_205 : memref<10000x128xf32, #tpu.memory_space<hbm>>) dst(%dma_wait3A_199 : memref<128x128xf32, #tpu.memory_space<vmem>>)
        %dma_start3A_208 = arith.constant 1 : i32
        %dma_start3A_209 = arith.constant 1 : i32
        %dma_start3A_210 = arith.constant 0 : i32
        %dma_start3A_211 = arith.constant 0 : i32
        %dma_start3A_212 = tpu.memref_slice %arg9[%dma_start3A_208, %dma_start3A_210, %dma_start3A_211] : memref<2x128x128xf32, #tpu.memory_space<vmem>> -> memref<1x128x128xf32, #tpu.memory_space<vmem>>
        %dma_start3A_213 = tpu.memref_squeeze %dma_start3A_212 : memref<1x128x128xf32, #tpu.memory_space<vmem>> -> memref<128x128xf32, #tpu.memory_space<vmem>>
        %dma_start3A_214 = arith.constant 0 : i32
        %dma_start3A_215 = tpu.memref_slice %arg8[%add3A_193, %dma_start3A_214] : memref<40x128xi32, #tpu.memory_space<vmem>> -> memref<1x128xi32, #tpu.memory_space<vmem>>
        %dma_start3A_216 = tpu.memref_squeeze %dma_start3A_215 : memref<1x128xi32, #tpu.memory_space<vmem>> -> memref<128xi32, #tpu.memory_space<vmem>>
        %dma_start3A_217 = arith.constant 0 : i32
        %dma_start3A_218 = arith.constant 0 : i32
        %dma_start3A_219 = tpu.memref_slice %arg10[%dma_start3A_217, %dma_start3A_218] : memref<10112x128xf32, #tpu.memory_space<vmem_shared>> -> memref<10112x128xf32, #tpu.memory_space<vmem_shared>>
        %dma_start3A_220 = tpu.memref_slice %arg12[%dma_start3A_209] : memref<2x!tpu.dma_semaphore, #tpu.memory_space<semaphore_mem>> -> memref<1x!tpu.dma_semaphore, #tpu.memory_space<semaphore_mem>>
        %dma_start3A_221 = tpu.memref_squeeze %dma_start3A_220 : memref<1x!tpu.dma_semaphore, #tpu.memory_space<semaphore_mem>> -> memref<!tpu.dma_semaphore, #tpu.memory_space<semaphore_mem>>
        tpu.enqueue_indirect_dma source(%dma_start3A_213 : memref<128x128xf32, #tpu.memory_space<vmem>>) target(%dma_start3A_219 : memref<10112x128xf32, #tpu.memory_space<vmem_shared>>) offsets(%dma_start3A_216 : memref<128xi32, #tpu.memory_space<vmem>>) semaphore(%dma_start3A_221 : memref<!tpu.dma_semaphore, #tpu.memory_space<semaphore_mem>>) {add = true}
        %sub3A_222 = arith.constant 1 : i32
        %sub3A_223 = arith.subi %add3A_193, %sub3A_222 : i32
        %ge3A_224 = arith.constant 0 : i32
        %ge3A_225 = arith.cmpi sge, %sub3A_223, %ge3A_224 : i32
        %add3A_226 = arith.constant 2 : i32
        %add3A_227 = arith.addi %sub3A_223, %add3A_226 : i32
        %lt3A_228 = arith.constant 40 : i32
        %lt3A_229 = arith.cmpi slt, %add3A_227, %lt3A_228 : i32
        %and3A_230 = arith.andi %ge3A_225, %lt3A_229 : i1
        %convert_element_type3A_231 = arith.extui %and3A_230 : i1 to i32
        %cond3A_232 = arith.constant 0 : i32
        %cond3A_233 = arith.cmpi ne, %convert_element_type3A_231, %cond3A_232 : i32
        scf.if %cond3A_233 {
          %dma_wait3A_234 = arith.constant 0 : i32
          %dma_wait3A_235 = arith.constant 0 : i32
          %dma_wait3A_236 = arith.constant 0 : i32
          %dma_wait3A_237 = arith.constant 0 : i32
          %dma_wait3A_238 = tpu.memref_slice %arg9[%dma_wait3A_234, %dma_wait3A_236, %dma_wait3A_237] : memref<2x128x128xf32, #tpu.memory_space<vmem>> -> memref<1x128x128xf32, #tpu.memory_space<vmem>>
          %dma_wait3A_239 = tpu.memref_squeeze %dma_wait3A_238 : memref<1x128x128xf32, #tpu.memory_space<vmem>> -> memref<128x128xf32, #tpu.memory_space<vmem>>
          %dma_wait3A_240 = arith.constant 0 : i32
          %dma_wait3A_241 = tpu.memref_slice %arg8[%sub3A_223, %dma_wait3A_240] : memref<40x128xi32, #tpu.memory_space<vmem>> -> memref<1x128xi32, #tpu.memory_space<vmem>>
          %dma_wait3A_242 = tpu.memref_squeeze %dma_wait3A_241 : memref<1x128xi32, #tpu.memory_space<vmem>> -> memref<128xi32, #tpu.memory_space<vmem>>
          %dma_wait3A_243 = arith.constant 0 : i32
          %dma_wait3A_244 = arith.constant 0 : i32
          %dma_wait3A_245 = tpu.memref_slice %arg10[%dma_wait3A_243, %dma_wait3A_244] : memref<10112x128xf32, #tpu.memory_space<vmem_shared>> -> memref<10112x128xf32, #tpu.memory_space<vmem_shared>>
          %dma_wait3A_246 = tpu.memref_slice %arg12[%dma_wait3A_235] : memref<2x!tpu.dma_semaphore, #tpu.memory_space<semaphore_mem>> -> memref<1x!tpu.dma_semaphore, #tpu.memory_space<semaphore_mem>>
          %dma_wait3A_247 = tpu.memref_squeeze %dma_wait3A_246 : memref<1x!tpu.dma_semaphore, #tpu.memory_space<semaphore_mem>> -> memref<!tpu.dma_semaphore, #tpu.memory_space<semaphore_mem>>
          tpu.wait_indirect_dma semaphore(%dma_wait3A_247 : memref<!tpu.dma_semaphore, #tpu.memory_space<semaphore_mem>>) src(%dma_wait3A_239 : memref<128x128xf32, #tpu.memory_space<vmem>>) dst(%dma_wait3A_245 : memref<10112x128xf32, #tpu.memory_space<vmem_shared>>)
          %add3A_248 = arith.constant 2 : i32
          %add3A_249 = arith.addi %sub3A_223, %add3A_248 : i32
          %dma_start3A_250 = arith.constant 0 : i32
          %dma_start3A_251 = arith.constant 0 : i32
          %dma_start3A_252 = arith.constant 0 : i32
          %dma_start3A_253 = arith.constant 0 : i32
          %dma_start3A_254 = tpu.memref_slice %arg9[%dma_start3A_250, %dma_start3A_252, %dma_start3A_253] : memref<2x128x128xf32, #tpu.memory_space<vmem>> -> memref<1x128x128xf32, #tpu.memory_space<vmem>>
          %dma_start3A_255 = tpu.memref_squeeze %dma_start3A_254 : memref<1x128x128xf32, #tpu.memory_space<vmem>> -> memref<128x128xf32, #tpu.memory_space<vmem>>
          %dma_start3A_256 = arith.constant 0 : i32
          %dma_start3A_257 = tpu.memref_slice %arg7[%add3A_249, %dma_start3A_256] : memref<40x128xi32, #tpu.memory_space<vmem>> -> memref<1x128xi32, #tpu.memory_space<vmem>>
          %dma_start3A_258 = tpu.memref_squeeze %dma_start3A_257 : memref<1x128xi32, #tpu.memory_space<vmem>> -> memref<128xi32, #tpu.memory_space<vmem>>
          %dma_start3A_259 = arith.constant 0 : i32
          %dma_start3A_260 = arith.constant 0 : i32
          %dma_start3A_261 = tpu.memref_slice %arg2[%dma_start3A_259, %dma_start3A_260] : memref<10000x128xf32, #tpu.memory_space<hbm>> -> memref<10000x128xf32, #tpu.memory_space<hbm>>
          %dma_start3A_262 = tpu.memref_slice %arg11[%dma_start3A_251] : memref<2x!tpu.dma_semaphore, #tpu.memory_space<semaphore_mem>> -> memref<1x!tpu.dma_semaphore, #tpu.memory_space<semaphore_mem>>
          %dma_start3A_263 = tpu.memref_squeeze %dma_start3A_262 : memref<1x!tpu.dma_semaphore, #tpu.memory_space<semaphore_mem>> -> memref<!tpu.dma_semaphore, #tpu.memory_space<semaphore_mem>>
          tpu.enqueue_indirect_dma source(%dma_start3A_261 : memref<10000x128xf32, #tpu.memory_space<hbm>>) target(%dma_start3A_255 : memref<128x128xf32, #tpu.memory_space<vmem>>) offsets(%dma_start3A_258 : memref<128xi32, #tpu.memory_space<vmem>>) semaphore(%dma_start3A_263 : memref<!tpu.dma_semaphore, #tpu.memory_space<semaphore_mem>>)
        } else {
        }
      }
      %scan3A_118 = arith.constant 20 : i32
      %dma_wait3A_119 = arith.constant 0 : i32
      %dma_wait3A_120 = arith.constant 38 : i32
      %dma_wait3A_121 = arith.constant 0 : i32
      %dma_wait3A_122 = arith.constant 0 : i32
      %dma_wait3A_123 = arith.constant 0 : i32
      %dma_wait3A_124 = tpu.memref_slice %arg9[%dma_wait3A_119, %dma_wait3A_122, %dma_wait3A_123] : memref<2x128x128xf32, #tpu.memory_space<vmem>> -> memref<1x128x128xf32, #tpu.memory_space<vmem>>
      %dma_wait3A_125 = tpu.memref_squeeze %dma_wait3A_124 : memref<1x128x128xf32, #tpu.memory_space<vmem>> -> memref<128x128xf32, #tpu.memory_space<vmem>>
      %dma_wait3A_126 = arith.constant 0 : i32
      %dma_wait3A_127 = tpu.memref_slice %arg8[%dma_wait3A_120, %dma_wait3A_126] : memref<40x128xi32, #tpu.memory_space<vmem>> -> memref<1x128xi32, #tpu.memory_space<vmem>>
      %dma_wait3A_128 = tpu.memref_squeeze %dma_wait3A_127 : memref<1x128xi32, #tpu.memory_space<vmem>> -> memref<128xi32, #tpu.memory_space<vmem>>
      %dma_wait3A_129 = arith.constant 0 : i32
      %dma_wait3A_130 = arith.constant 0 : i32
      %dma_wait3A_131 = tpu.memref_slice %arg10[%dma_wait3A_129, %dma_wait3A_130] : memref<10112x128xf32, #tpu.memory_space<vmem_shared>> -> memref<10112x128xf32, #tpu.memory_space<vmem_shared>>
      %dma_wait3A_132 = tpu.memref_slice %arg12[%dma_wait3A_121] : memref<2x!tpu.dma_semaphore, #tpu.memory_space<semaphore_mem>> -> memref<1x!tpu.dma_semaphore, #tpu.memory_space<semaphore_mem>>
      %dma_wait3A_133 = tpu.memref_squeeze %dma_wait3A_132 : memref<1x!tpu.dma_semaphore, #tpu.memory_space<semaphore_mem>> -> memref<!tpu.dma_semaphore, #tpu.memory_space<semaphore_mem>>
      tpu.wait_indirect_dma semaphore(%dma_wait3A_133 : memref<!tpu.dma_semaphore, #tpu.memory_space<semaphore_mem>>) src(%dma_wait3A_125 : memref<128x128xf32, #tpu.memory_space<vmem>>) dst(%dma_wait3A_131 : memref<10112x128xf32, #tpu.memory_space<vmem_shared>>)
      %dma_wait3A_134 = arith.constant 1 : i32
      %dma_wait3A_135 = arith.constant 39 : i32
      %dma_wait3A_136 = arith.constant 1 : i32
      %dma_wait3A_137 = arith.constant 0 : i32
      %dma_wait3A_138 = arith.constant 0 : i32
      %dma_wait3A_139 = tpu.memref_slice %arg9[%dma_wait3A_134, %dma_wait3A_137, %dma_wait3A_138] : memref<2x128x128xf32, #tpu.memory_space<vmem>> -> memref<1x128x128xf32, #tpu.memory_space<vmem>>
      %dma_wait3A_140 = tpu.memref_squeeze %dma_wait3A_139 : memref<1x128x128xf32, #tpu.memory_space<vmem>> -> memref<128x128xf32, #tpu.memory_space<vmem>>
      %dma_wait3A_141 = arith.constant 0 : i32
      %dma_wait3A_142 = tpu.memref_slice %arg8[%dma_wait3A_135, %dma_wait3A_141] : memref<40x128xi32, #tpu.memory_space<vmem>> -> memref<1x128xi32, #tpu.memory_space<vmem>>
      %dma_wait3A_143 = tpu.memref_squeeze %dma_wait3A_142 : memref<1x128xi32, #tpu.memory_space<vmem>> -> memref<128xi32, #tpu.memory_space<vmem>>
      %dma_wait3A_144 = arith.constant 0 : i32
      %dma_wait3A_145 = arith.constant 0 : i32
      %dma_wait3A_146 = tpu.memref_slice %arg10[%dma_wait3A_144, %dma_wait3A_145] : memref<10112x128xf32, #tpu.memory_space<vmem_shared>> -> memref<10112x128xf32, #tpu.memory_space<vmem_shared>>
      %dma_wait3A_147 = tpu.memref_slice %arg12[%dma_wait3A_136] : memref<2x!tpu.dma_semaphore, #tpu.memory_space<semaphore_mem>> -> memref<1x!tpu.dma_semaphore, #tpu.memory_space<semaphore_mem>>
      %dma_wait3A_148 = tpu.memref_squeeze %dma_wait3A_147 : memref<1x!tpu.dma_semaphore, #tpu.memory_space<semaphore_mem>> -> memref<!tpu.dma_semaphore, #tpu.memory_space<semaphore_mem>>
      tpu.wait_indirect_dma semaphore(%dma_wait3A_148 : memref<!tpu.dma_semaphore, #tpu.memory_space<semaphore_mem>>) src(%dma_wait3A_140 : memref<128x128xf32, #tpu.memory_space<vmem>>) dst(%dma_wait3A_146 : memref<10112x128xf32, #tpu.memory_space<vmem_shared>>)
    } else {
    }
    %barrier3A_76 = arith.constant 0 : index
    tpu.barrier barrier_id(%barrier3A_76)
    %mul3A_77 = arith.constant 632 : i32
    %mul3A_78 = arith.muli %arg1, %mul3A_77 : i32
    %mul3A_79 = arith.constant 10112 : i32
    %mul3A_80 = arith.muli %arg0, %mul3A_79 : i32
    %mul3A_81 = arith.constant 632 : i32
    %mul3A_82 = arith.muli %arg1, %mul3A_81 : i32
    %add3A = arith.addi %mul3A_80, %mul3A_82 : i32
    "tpu.region"() ({
      %run_scoped3A = tpu.sem_alloc : memref<!tpu.dma_semaphore, #tpu.memory_space<semaphore_mem>>
      %dma_start3A_83 = arith.constant 0 : i32
      %dma_start3A_84 = tpu.memref_slice %arg6[%add3A, %dma_start3A_83] : memref<20224x128xf32, #tpu.memory_space<hbm>> -> memref<632x128xf32, #tpu.memory_space<hbm>>
      %dma_start3A_85 = arith.constant 0 : i32
      %dma_start3A_86 = tpu.memref_slice %arg10[%mul3A_78, %dma_start3A_85] : memref<10112x128xf32, #tpu.memory_space<vmem_shared>> -> memref<632x128xf32, #tpu.memory_space<vmem_shared>>
      tpu.enqueue_dma source(%dma_start3A_86 : memref<632x128xf32, #tpu.memory_space<vmem_shared>>) target(%dma_start3A_84 : memref<632x128xf32, #tpu.memory_space<hbm>>) target_semaphore(%run_scoped3A : memref<!tpu.dma_semaphore, #tpu.memory_space<semaphore_mem>>)
      %dma_wait3A_87 = arith.constant 0 : i32
      %dma_wait3A_88 = tpu.memref_slice %arg6[%add3A, %dma_wait3A_87] : memref<20224x128xf32, #tpu.memory_space<hbm>> -> memref<632x128xf32, #tpu.memory_space<hbm>>
      %dma_wait3A_89 = arith.constant 0 : i32
      %dma_wait3A_90 = tpu.memref_slice %arg10[%mul3A_78, %dma_wait3A_89] : memref<10112x128xf32, #tpu.memory_space<vmem_shared>> -> memref<632x128xf32, #tpu.memory_space<vmem_shared>>
      tpu.wait_dma2 semaphore(%run_scoped3A : memref<!tpu.dma_semaphore, #tpu.memory_space<semaphore_mem>>) src(%dma_wait3A_90 : memref<632x128xf32, #tpu.memory_space<vmem_shared>>) dst(%dma_wait3A_88 : memref<632x128xf32, #tpu.memory_space<hbm>>)
      tpu.yield
    }) : () -> ()
    return
  }
}

#map = affine_map<(d0, d1) -> (0, 0)>
#map1 = affine_map<(d0, d1) -> (0, 0, 0)>
module attributes {stable_mosaic.version = 14 : i64} {
  func.func @k(%arg0: i32, %arg1: i32, %arg2: memref<10000x128xf32, #tpu.memory_space<hbm>>, %arg3: memref<16x160x128xi32, #tpu.memory_space<hbm>>, %arg4: memref<16x160x128xi32, #tpu.memory_space<hbm>>, %arg5: memref<10112x128xf32, #tpu.memory_space<hbm>>, %arg6: memref<20224x128xf32, #tpu.memory_space<hbm>>, %arg7: memref<40x128xi32, #tpu.memory_space<vmem>>, %arg8: memref<40x128xi32, #tpu.memory_space<vmem>>, %arg9: memref<2x128x128xf32, #tpu.memory_space<vmem>>, %arg10: memref<10112x128xf32, #tpu.memory_space<vmem_shared>>, %arg11: memref<2x!tpu.dma_semaphore, #tpu.memory_space<semaphore_mem>>, %arg12: memref<2x!tpu.dma_semaphore, #tpu.memory_space<semaphore_mem>>) attributes {dimension_semantics = [#tpu.dimension_semantics<core_parallel>, #tpu.dimension_semantics<subcore_parallel>], iteration_bounds = array<i64: 2, 16>, scalar_prefetch = 0 : i64, scratch_operands = 6 : i64, tpu.core_type = #tpu.core_type<sc_vector_subcore>, window_params = [{transform_indices = #map}, {transform_indices = #map1}, {transform_indices = #map1}, {transform_indices = #map}, {transform_indices = #map}]} {
    %eq3A = arith.constant 0 : i32
    %eq3A_0 = arith.cmpi eq, %arg0, %eq3A : i32
    %jit3A = arith.constant 0 : i32
    %jit3A_1 = arith.constant 120 : i32
    %select_n3A = arith.select %eq3A_0, %jit3A, %jit3A_1 : i32
    %mul3A = arith.constant 632 : i32
    %mul3A_2 = arith.muli %arg1, %mul3A : i32
    %mul3A_3 = arith.constant 632 : i32
    %mul3A_4 = arith.muli %arg1, %mul3A_3 : i32
    "tpu.region"() ({
      %run_scoped3A = tpu.sem_alloc : memref<!tpu.dma_semaphore, #tpu.memory_space<semaphore_mem>>
      %dma_start3A_83 = arith.constant 0 : i32
      %dma_start3A_84 = tpu.memref_slice %arg10[%mul3A_4, %dma_start3A_83] : memref<10112x128xf32, #tpu.memory_space<vmem_shared>> -> memref<632x128xf32, #tpu.memory_space<vmem_shared>>
      %dma_start3A_85 = arith.constant 0 : i32
      %dma_start3A_86 = tpu.memref_slice %arg5[%mul3A_2, %dma_start3A_85] : memref<10112x128xf32, #tpu.memory_space<hbm>> -> memref<632x128xf32, #tpu.memory_space<hbm>>
      tpu.enqueue_dma source(%dma_start3A_86 : memref<632x128xf32, #tpu.memory_space<hbm>>) target(%dma_start3A_84 : memref<632x128xf32, #tpu.memory_space<vmem_shared>>) target_semaphore(%run_scoped3A : memref<!tpu.dma_semaphore, #tpu.memory_space<semaphore_mem>>)
      %dma_wait3A_87 = arith.constant 0 : i32
      %dma_wait3A_88 = tpu.memref_slice %arg10[%mul3A_4, %dma_wait3A_87] : memref<10112x128xf32, #tpu.memory_space<vmem_shared>> -> memref<632x128xf32, #tpu.memory_space<vmem_shared>>
      %dma_wait3A_89 = arith.constant 0 : i32
      %dma_wait3A_90 = tpu.memref_slice %arg5[%mul3A_2, %dma_wait3A_89] : memref<10112x128xf32, #tpu.memory_space<hbm>> -> memref<632x128xf32, #tpu.memory_space<hbm>>
      tpu.wait_dma2 semaphore(%run_scoped3A : memref<!tpu.dma_semaphore, #tpu.memory_space<semaphore_mem>>) src(%dma_wait3A_90 : memref<632x128xf32, #tpu.memory_space<hbm>>) dst(%dma_wait3A_88 : memref<632x128xf32, #tpu.memory_space<vmem_shared>>)
      tpu.yield
    }) : () -> ()
    %barrier3A = arith.constant 0 : index
    tpu.barrier barrier_id(%barrier3A)
    "tpu.region"() ({
      %run_scoped3A = tpu.sem_alloc : memref<!tpu.dma_semaphore, #tpu.memory_space<semaphore_mem>>
      %dma_start3A_83 = arith.constant 0 : i32
      %dma_start3A_84 = tpu.memref_slice %arg3[%arg1, %select_n3A, %dma_start3A_83] : memref<16x160x128xi32, #tpu.memory_space<hbm>> -> memref<1x40x128xi32, #tpu.memory_space<hbm>>
      %dma_start3A_85 = tpu.memref_squeeze %dma_start3A_84 : memref<1x40x128xi32, #tpu.memory_space<hbm>> -> memref<40x128xi32, #tpu.memory_space<hbm>>
      %dma_start3A_86 = arith.constant 0 : i32
      %dma_start3A_87 = tpu.memref_slice %arg3[%arg1, %select_n3A, %dma_start3A_86] : memref<16x160x128xi32, #tpu.memory_space<hbm>> -> memref<1x40x128xi32, #tpu.memory_space<hbm>>
      %dma_start3A_88 = tpu.memref_squeeze %dma_start3A_87 : memref<1x40x128xi32, #tpu.memory_space<hbm>> -> memref<40x128xi32, #tpu.memory_space<hbm>>
      tpu.enqueue_dma source(%dma_start3A_88 : memref<40x128xi32, #tpu.memory_space<hbm>>) target(%arg7 : memref<40x128xi32, #tpu.memory_space<vmem>>) target_semaphore(%run_scoped3A : memref<!tpu.dma_semaphore, #tpu.memory_space<semaphore_mem>>)
      %dma_wait3A_89 = arith.constant 0 : i32
      %dma_wait3A_90 = tpu.memref_slice %arg3[%arg1, %select_n3A, %dma_wait3A_89] : memref<16x160x128xi32, #tpu.memory_space<hbm>> -> memref<1x40x128xi32, #tpu.memory_space<hbm>>
      %dma_wait3A_91 = tpu.memref_squeeze %dma_wait3A_90 : memref<1x40x128xi32, #tpu.memory_space<hbm>> -> memref<40x128xi32, #tpu.memory_space<hbm>>
      %dma_wait3A_92 = arith.constant 0 : i32
      %dma_wait3A_93 = tpu.memref_slice %arg3[%arg1, %select_n3A, %dma_wait3A_92] : memref<16x160x128xi32, #tpu.memory_space<hbm>> -> memref<1x40x128xi32, #tpu.memory_space<hbm>>
      %dma_wait3A_94 = tpu.memref_squeeze %dma_wait3A_93 : memref<1x40x128xi32, #tpu.memory_space<hbm>> -> memref<40x128xi32, #tpu.memory_space<hbm>>
      tpu.wait_dma2 semaphore(%run_scoped3A : memref<!tpu.dma_semaphore, #tpu.memory_space<semaphore_mem>>) src(%dma_wait3A_94 : memref<40x128xi32, #tpu.memory_space<hbm>>) dst(%arg7 : memref<40x128xi32, #tpu.memory_space<vmem>>)
      tpu.yield
    }) : () -> ()
    "tpu.region"() ({
      %run_scoped3A = tpu.sem_alloc : memref<!tpu.dma_semaphore, #tpu.memory_space<semaphore_mem>>
      %dma_start3A_83 = arith.constant 0 : i32
      %dma_start3A_84 = tpu.memref_slice %arg4[%arg1, %select_n3A, %dma_start3A_83] : memref<16x160x128xi32, #tpu.memory_space<hbm>> -> memref<1x40x128xi32, #tpu.memory_space<hbm>>
      %dma_start3A_85 = tpu.memref_squeeze %dma_start3A_84 : memref<1x40x128xi32, #tpu.memory_space<hbm>> -> memref<40x128xi32, #tpu.memory_space<hbm>>
      %dma_start3A_86 = arith.constant 0 : i32
      %dma_start3A_87 = tpu.memref_slice %arg4[%arg1, %select_n3A, %dma_start3A_86] : memref<16x160x128xi32, #tpu.memory_space<hbm>> -> memref<1x40x128xi32, #tpu.memory_space<hbm>>
      %dma_start3A_88 = tpu.memref_squeeze %dma_start3A_87 : memref<1x40x128xi32, #tpu.memory_space<hbm>> -> memref<40x128xi32, #tpu.memory_space<hbm>>
      tpu.enqueue_dma source(%dma_start3A_88 : memref<40x128xi32, #tpu.memory_space<hbm>>) target(%arg8 : memref<40x128xi32, #tpu.memory_space<vmem>>) target_semaphore(%run_scoped3A : memref<!tpu.dma_semaphore, #tpu.memory_space<semaphore_mem>>)
      %dma_wait3A_89 = arith.constant 0 : i32
      %dma_wait3A_90 = tpu.memref_slice %arg4[%arg1, %select_n3A, %dma_wait3A_89] : memref<16x160x128xi32, #tpu.memory_space<hbm>> -> memref<1x40x128xi32, #tpu.memory_space<hbm>>
      %dma_wait3A_91 = tpu.memref_squeeze %dma_wait3A_90 : memref<1x40x128xi32, #tpu.memory_space<hbm>> -> memref<40x128xi32, #tpu.memory_space<hbm>>
      %dma_wait3A_92 = arith.constant 0 : i32
      %dma_wait3A_93 = tpu.memref_slice %arg4[%arg1, %select_n3A, %dma_wait3A_92] : memref<16x160x128xi32, #tpu.memory_space<hbm>> -> memref<1x40x128xi32, #tpu.memory_space<hbm>>
      %dma_wait3A_94 = tpu.memref_squeeze %dma_wait3A_93 : memref<1x40x128xi32, #tpu.memory_space<hbm>> -> memref<40x128xi32, #tpu.memory_space<hbm>>
      tpu.wait_dma2 semaphore(%run_scoped3A : memref<!tpu.dma_semaphore, #tpu.memory_space<semaphore_mem>>) src(%dma_wait3A_94 : memref<40x128xi32, #tpu.memory_space<hbm>>) dst(%arg8 : memref<40x128xi32, #tpu.memory_space<vmem>>)
      tpu.yield
    }) : () -> ()
    %dma_start3A = arith.constant 0 : i32
    %dma_start3A_5 = arith.constant 0 : i32
    %dma_start3A_6 = arith.constant 0 : i32
    %dma_start3A_7 = arith.constant 0 : i32
    %dma_start3A_8 = arith.constant 0 : i32
    %dma_start3A_9 = tpu.memref_slice %arg9[%dma_start3A_5, %dma_start3A_7, %dma_start3A_8] : memref<2x128x128xf32, #tpu.memory_space<vmem>> -> memref<1x128x128xf32, #tpu.memory_space<vmem>>
    %dma_start3A_10 = tpu.memref_squeeze %dma_start3A_9 : memref<1x128x128xf32, #tpu.memory_space<vmem>> -> memref<128x128xf32, #tpu.memory_space<vmem>>
    %dma_start3A_11 = arith.constant 0 : i32
    %dma_start3A_12 = tpu.memref_slice %arg7[%dma_start3A, %dma_start3A_11] : memref<40x128xi32, #tpu.memory_space<vmem>> -> memref<1x128xi32, #tpu.memory_space<vmem>>
    %dma_start3A_13 = tpu.memref_squeeze %dma_start3A_12 : memref<1x128xi32, #tpu.memory_space<vmem>> -> memref<128xi32, #tpu.memory_space<vmem>>
    %dma_start3A_14 = arith.constant 0 : i32
    %dma_start3A_15 = arith.constant 0 : i32
    %dma_start3A_16 = tpu.memref_slice %arg2[%dma_start3A_14, %dma_start3A_15] : memref<10000x128xf32, #tpu.memory_space<hbm>> -> memref<10000x128xf32, #tpu.memory_space<hbm>>
    %dma_start3A_17 = tpu.memref_slice %arg11[%dma_start3A_6] : memref<2x!tpu.dma_semaphore, #tpu.memory_space<semaphore_mem>> -> memref<1x!tpu.dma_semaphore, #tpu.memory_space<semaphore_mem>>
    %dma_start3A_18 = tpu.memref_squeeze %dma_start3A_17 : memref<1x!tpu.dma_semaphore, #tpu.memory_space<semaphore_mem>> -> memref<!tpu.dma_semaphore, #tpu.memory_space<semaphore_mem>>
    tpu.enqueue_indirect_dma source(%dma_start3A_16 : memref<10000x128xf32, #tpu.memory_space<hbm>>) target(%dma_start3A_10 : memref<128x128xf32, #tpu.memory_space<vmem>>) offsets(%dma_start3A_13 : memref<128xi32, #tpu.memory_space<vmem>>) semaphore(%dma_start3A_18 : memref<!tpu.dma_semaphore, #tpu.memory_space<semaphore_mem>>)
    %dma_start3A_19 = arith.constant 1 : i32
    %dma_start3A_20 = arith.constant 1 : i32
    %dma_start3A_21 = arith.constant 1 : i32
    %dma_start3A_22 = arith.constant 0 : i32
    %dma_start3A_23 = arith.constant 0 : i32
    %dma_start3A_24 = tpu.memref_slice %arg9[%dma_start3A_20, %dma_start3A_22, %dma_start3A_23] : memref<2x128x128xf32, #tpu.memory_space<vmem>> -> memref<1x128x128xf32, #tpu.memory_space<vmem>>
    %dma_start3A_25 = tpu.memref_squeeze %dma_start3A_24 : memref<1x128x128xf32, #tpu.memory_space<vmem>> -> memref<128x128xf32, #tpu.memory_space<vmem>>
    %dma_start3A_26 = arith.constant 0 : i32
    %dma_start3A_27 = tpu.memref_slice %arg7[%dma_start3A_19, %dma_start3A_26] : memref<40x128xi32, #tpu.memory_space<vmem>> -> memref<1x128xi32, #tpu.memory_space<vmem>>
    %dma_start3A_28 = tpu.memref_squeeze %dma_start3A_27 : memref<1x128xi32, #tpu.memory_space<vmem>> -> memref<128xi32, #tpu.memory_space<vmem>>
    %dma_start3A_29 = arith.constant 0 : i32
    %dma_start3A_30 = arith.constant 0 : i32
    %dma_start3A_31 = tpu.memref_slice %arg2[%dma_start3A_29, %dma_start3A_30] : memref<10000x128xf32, #tpu.memory_space<hbm>> -> memref<10000x128xf32, #tpu.memory_space<hbm>>
    %dma_start3A_32 = tpu.memref_slice %arg11[%dma_start3A_21] : memref<2x!tpu.dma_semaphore, #tpu.memory_space<semaphore_mem>> -> memref<1x!tpu.dma_semaphore, #tpu.memory_space<semaphore_mem>>
    %dma_start3A_33 = tpu.memref_squeeze %dma_start3A_32 : memref<1x!tpu.dma_semaphore, #tpu.memory_space<semaphore_mem>> -> memref<!tpu.dma_semaphore, #tpu.memory_space<semaphore_mem>>
    tpu.enqueue_indirect_dma source(%dma_start3A_31 : memref<10000x128xf32, #tpu.memory_space<hbm>>) target(%dma_start3A_25 : memref<128x128xf32, #tpu.memory_space<vmem>>) offsets(%dma_start3A_28 : memref<128xi32, #tpu.memory_space<vmem>>) semaphore(%dma_start3A_33 : memref<!tpu.dma_semaphore, #tpu.memory_space<semaphore_mem>>)
    %scan3A = arith.constant 0 : i32
    %scan3A_34 = arith.constant 0 : i32
    %scan3A_35 = arith.constant 20 : i32
    %scan3A_36 = arith.addi %scan3A_34, %scan3A_35 : i32
    %scan3A_37 = arith.constant 1 : i32
    scf.for %scan3A_83 = %scan3A_34 to %scan3A_36 step %scan3A_37  : i32 {
      %mul3A_84 = arith.constant 2 : i32
      %mul3A_85 = arith.muli %scan3A_83, %mul3A_84 : i32
      %add3A_86 = arith.constant 0 : i32
      %add3A_87 = arith.addi %mul3A_85, %add3A_86 : i32
      %dma_wait3A_88 = arith.constant 0 : i32
      %dma_wait3A_89 = arith.constant 0 : i32
      %dma_wait3A_90 = arith.constant 0 : i32
      %dma_wait3A_91 = arith.constant 0 : i32
      %dma_wait3A_92 = tpu.memref_slice %arg9[%dma_wait3A_88, %dma_wait3A_90, %dma_wait3A_91] : memref<2x128x128xf32, #tpu.memory_space<vmem>> -> memref<1x128x128xf32, #tpu.memory_space<vmem>>
      %dma_wait3A_93 = tpu.memref_squeeze %dma_wait3A_92 : memref<1x128x128xf32, #tpu.memory_space<vmem>> -> memref<128x128xf32, #tpu.memory_space<vmem>>
      %dma_wait3A_94 = arith.constant 0 : i32
      %dma_wait3A_95 = tpu.memref_slice %arg7[%add3A_87, %dma_wait3A_94] : memref<40x128xi32, #tpu.memory_space<vmem>> -> memref<1x128xi32, #tpu.memory_space<vmem>>
      %dma_wait3A_96 = tpu.memref_squeeze %dma_wait3A_95 : memref<1x128xi32, #tpu.memory_space<vmem>> -> memref<128xi32, #tpu.memory_space<vmem>>
      %dma_wait3A_97 = arith.constant 0 : i32
      %dma_wait3A_98 = arith.constant 0 : i32
      %dma_wait3A_99 = tpu.memref_slice %arg2[%dma_wait3A_97, %dma_wait3A_98] : memref<10000x128xf32, #tpu.memory_space<hbm>> -> memref<10000x128xf32, #tpu.memory_space<hbm>>
      %dma_wait3A_100 = tpu.memref_slice %arg11[%dma_wait3A_89] : memref<2x!tpu.dma_semaphore, #tpu.memory_space<semaphore_mem>> -> memref<1x!tpu.dma_semaphore, #tpu.memory_space<semaphore_mem>>
      %dma_wait3A_101 = tpu.memref_squeeze %dma_wait3A_100 : memref<1x!tpu.dma_semaphore, #tpu.memory_space<semaphore_mem>> -> memref<!tpu.dma_semaphore, #tpu.memory_space<semaphore_mem>>
      tpu.wait_indirect_dma semaphore(%dma_wait3A_101 : memref<!tpu.dma_semaphore, #tpu.memory_space<semaphore_mem>>) src(%dma_wait3A_99 : memref<10000x128xf32, #tpu.memory_space<hbm>>) dst(%dma_wait3A_93 : memref<128x128xf32, #tpu.memory_space<vmem>>)
      %dma_start3A_102 = arith.constant 0 : i32
      %dma_start3A_103 = arith.constant 0 : i32
      %dma_start3A_104 = arith.constant 0 : i32
      %dma_start3A_105 = arith.constant 0 : i32
      %dma_start3A_106 = tpu.memref_slice %arg9[%dma_start3A_102, %dma_start3A_104, %dma_start3A_105] : memref<2x128x128xf32, #tpu.memory_space<vmem>> -> memref<1x128x128xf32, #tpu.memory_space<vmem>>
      %dma_start3A_107 = tpu.memref_squeeze %dma_start3A_106 : memref<1x128x128xf32, #tpu.memory_space<vmem>> -> memref<128x128xf32, #tpu.memory_space<vmem>>
      %dma_start3A_108 = arith.constant 0 : i32
      %dma_start3A_109 = tpu.memref_slice %arg8[%add3A_87, %dma_start3A_108] : memref<40x128xi32, #tpu.memory_space<vmem>> -> memref<1x128xi32, #tpu.memory_space<vmem>>
      %dma_start3A_110 = tpu.memref_squeeze %dma_start3A_109 : memref<1x128xi32, #tpu.memory_space<vmem>> -> memref<128xi32, #tpu.memory_space<vmem>>
      %dma_start3A_111 = arith.constant 0 : i32
      %dma_start3A_112 = arith.constant 0 : i32
      %dma_start3A_113 = tpu.memref_slice %arg10[%dma_start3A_111, %dma_start3A_112] : memref<10112x128xf32, #tpu.memory_space<vmem_shared>> -> memref<10112x128xf32, #tpu.memory_space<vmem_shared>>
      %dma_start3A_114 = tpu.memref_slice %arg12[%dma_start3A_103] : memref<2x!tpu.dma_semaphore, #tpu.memory_space<semaphore_mem>> -> memref<1x!tpu.dma_semaphore, #tpu.memory_space<semaphore_mem>>
      %dma_start3A_115 = tpu.memref_squeeze %dma_start3A_114 : memref<1x!tpu.dma_semaphore, #tpu.memory_space<semaphore_mem>> -> memref<!tpu.dma_semaphore, #tpu.memory_space<semaphore_mem>>
      tpu.enqueue_indirect_dma source(%dma_start3A_107 : memref<128x128xf32, #tpu.memory_space<vmem>>) target(%dma_start3A_113 : memref<10112x128xf32, #tpu.memory_space<vmem_shared>>) offsets(%dma_start3A_110 : memref<128xi32, #tpu.memory_space<vmem>>) semaphore(%dma_start3A_115 : memref<!tpu.dma_semaphore, #tpu.memory_space<semaphore_mem>>) {add = true}
      %sub3A = arith.constant 1 : i32
      %sub3A_116 = arith.subi %add3A_87, %sub3A : i32
      %ge3A = arith.constant 0 : i32
      %ge3A_117 = arith.cmpi sge, %sub3A_116, %ge3A : i32
      %add3A_118 = arith.constant 2 : i32
      %add3A_119 = arith.addi %sub3A_116, %add3A_118 : i32
      %lt3A = arith.constant 40 : i32
      %lt3A_120 = arith.cmpi slt, %add3A_119, %lt3A : i32
      %and3A = arith.andi %ge3A_117, %lt3A_120 : i1
      %convert_element_type3A_121 = arith.extui %and3A : i1 to i32
      %cond3A_122 = arith.constant 0 : i32
      %cond3A_123 = arith.cmpi ne, %convert_element_type3A_121, %cond3A_122 : i32
      scf.if %cond3A_123 {
        %dma_wait3A_168 = arith.constant 1 : i32
        %dma_wait3A_169 = arith.constant 1 : i32
        %dma_wait3A_170 = arith.constant 0 : i32
        %dma_wait3A_171 = arith.constant 0 : i32
        %dma_wait3A_172 = tpu.memref_slice %arg9[%dma_wait3A_168, %dma_wait3A_170, %dma_wait3A_171] : memref<2x128x128xf32, #tpu.memory_space<vmem>> -> memref<1x128x128xf32, #tpu.memory_space<vmem>>
        %dma_wait3A_173 = tpu.memref_squeeze %dma_wait3A_172 : memref<1x128x128xf32, #tpu.memory_space<vmem>> -> memref<128x128xf32, #tpu.memory_space<vmem>>
        %dma_wait3A_174 = arith.constant 0 : i32
        %dma_wait3A_175 = tpu.memref_slice %arg8[%sub3A_116, %dma_wait3A_174] : memref<40x128xi32, #tpu.memory_space<vmem>> -> memref<1x128xi32, #tpu.memory_space<vmem>>
        %dma_wait3A_176 = tpu.memref_squeeze %dma_wait3A_175 : memref<1x128xi32, #tpu.memory_space<vmem>> -> memref<128xi32, #tpu.memory_space<vmem>>
        %dma_wait3A_177 = arith.constant 0 : i32
        %dma_wait3A_178 = arith.constant 0 : i32
        %dma_wait3A_179 = tpu.memref_slice %arg10[%dma_wait3A_177, %dma_wait3A_178] : memref<10112x128xf32, #tpu.memory_space<vmem_shared>> -> memref<10112x128xf32, #tpu.memory_space<vmem_shared>>
        %dma_wait3A_180 = tpu.memref_slice %arg12[%dma_wait3A_169] : memref<2x!tpu.dma_semaphore, #tpu.memory_space<semaphore_mem>> -> memref<1x!tpu.dma_semaphore, #tpu.memory_space<semaphore_mem>>
        %dma_wait3A_181 = tpu.memref_squeeze %dma_wait3A_180 : memref<1x!tpu.dma_semaphore, #tpu.memory_space<semaphore_mem>> -> memref<!tpu.dma_semaphore, #tpu.memory_space<semaphore_mem>>
        tpu.wait_indirect_dma semaphore(%dma_wait3A_181 : memref<!tpu.dma_semaphore, #tpu.memory_space<semaphore_mem>>) src(%dma_wait3A_173 : memref<128x128xf32, #tpu.memory_space<vmem>>) dst(%dma_wait3A_179 : memref<10112x128xf32, #tpu.memory_space<vmem_shared>>)
        %add3A_182 = arith.constant 2 : i32
        %add3A_183 = arith.addi %sub3A_116, %add3A_182 : i32
        %dma_start3A_184 = arith.constant 1 : i32
        %dma_start3A_185 = arith.constant 1 : i32
        %dma_start3A_186 = arith.constant 0 : i32
        %dma_start3A_187 = arith.constant 0 : i32
        %dma_start3A_188 = tpu.memref_slice %arg9[%dma_start3A_184, %dma_start3A_186, %dma_start3A_187] : memref<2x128x128xf32, #tpu.memory_space<vmem>> -> memref<1x128x128xf32, #tpu.memory_space<vmem>>
        %dma_start3A_189 = tpu.memref_squeeze %dma_start3A_188 : memref<1x128x128xf32, #tpu.memory_space<vmem>> -> memref<128x128xf32, #tpu.memory_space<vmem>>
        %dma_start3A_190 = arith.constant 0 : i32
        %dma_start3A_191 = tpu.memref_slice %arg7[%add3A_183, %dma_start3A_190] : memref<40x128xi32, #tpu.memory_space<vmem>> -> memref<1x128xi32, #tpu.memory_space<vmem>>
        %dma_start3A_192 = tpu.memref_squeeze %dma_start3A_191 : memref<1x128xi32, #tpu.memory_space<vmem>> -> memref<128xi32, #tpu.memory_space<vmem>>
        %dma_start3A_193 = arith.constant 0 : i32
        %dma_start3A_194 = arith.constant 0 : i32
        %dma_start3A_195 = tpu.memref_slice %arg2[%dma_start3A_193, %dma_start3A_194] : memref<10000x128xf32, #tpu.memory_space<hbm>> -> memref<10000x128xf32, #tpu.memory_space<hbm>>
        %dma_start3A_196 = tpu.memref_slice %arg11[%dma_start3A_185] : memref<2x!tpu.dma_semaphore, #tpu.memory_space<semaphore_mem>> -> memref<1x!tpu.dma_semaphore, #tpu.memory_space<semaphore_mem>>
        %dma_start3A_197 = tpu.memref_squeeze %dma_start3A_196 : memref<1x!tpu.dma_semaphore, #tpu.memory_space<semaphore_mem>> -> memref<!tpu.dma_semaphore, #tpu.memory_space<semaphore_mem>>
        tpu.enqueue_indirect_dma source(%dma_start3A_195 : memref<10000x128xf32, #tpu.memory_space<hbm>>) target(%dma_start3A_189 : memref<128x128xf32, #tpu.memory_space<vmem>>) offsets(%dma_start3A_192 : memref<128xi32, #tpu.memory_space<vmem>>) semaphore(%dma_start3A_197 : memref<!tpu.dma_semaphore, #tpu.memory_space<semaphore_mem>>)
      } else {
      }
      %mul3A_124 = arith.constant 2 : i32
      %mul3A_125 = arith.muli %scan3A_83, %mul3A_124 : i32
      %add3A_126 = arith.constant 1 : i32
      %add3A_127 = arith.addi %mul3A_125, %add3A_126 : i32
      %dma_wait3A_128 = arith.constant 1 : i32
      %dma_wait3A_129 = arith.constant 1 : i32
      %dma_wait3A_130 = arith.constant 0 : i32
      %dma_wait3A_131 = arith.constant 0 : i32
      %dma_wait3A_132 = tpu.memref_slice %arg9[%dma_wait3A_128, %dma_wait3A_130, %dma_wait3A_131] : memref<2x128x128xf32, #tpu.memory_space<vmem>> -> memref<1x128x128xf32, #tpu.memory_space<vmem>>
      %dma_wait3A_133 = tpu.memref_squeeze %dma_wait3A_132 : memref<1x128x128xf32, #tpu.memory_space<vmem>> -> memref<128x128xf32, #tpu.memory_space<vmem>>
      %dma_wait3A_134 = arith.constant 0 : i32
      %dma_wait3A_135 = tpu.memref_slice %arg7[%add3A_127, %dma_wait3A_134] : memref<40x128xi32, #tpu.memory_space<vmem>> -> memref<1x128xi32, #tpu.memory_space<vmem>>
      %dma_wait3A_136 = tpu.memref_squeeze %dma_wait3A_135 : memref<1x128xi32, #tpu.memory_space<vmem>> -> memref<128xi32, #tpu.memory_space<vmem>>
      %dma_wait3A_137 = arith.constant 0 : i32
      %dma_wait3A_138 = arith.constant 0 : i32
      %dma_wait3A_139 = tpu.memref_slice %arg2[%dma_wait3A_137, %dma_wait3A_138] : memref<10000x128xf32, #tpu.memory_space<hbm>> -> memref<10000x128xf32, #tpu.memory_space<hbm>>
      %dma_wait3A_140 = tpu.memref_slice %arg11[%dma_wait3A_129] : memref<2x!tpu.dma_semaphore, #tpu.memory_space<semaphore_mem>> -> memref<1x!tpu.dma_semaphore, #tpu.memory_space<semaphore_mem>>
      %dma_wait3A_141 = tpu.memref_squeeze %dma_wait3A_140 : memref<1x!tpu.dma_semaphore, #tpu.memory_space<semaphore_mem>> -> memref<!tpu.dma_semaphore, #tpu.memory_space<semaphore_mem>>
      tpu.wait_indirect_dma semaphore(%dma_wait3A_141 : memref<!tpu.dma_semaphore, #tpu.memory_space<semaphore_mem>>) src(%dma_wait3A_139 : memref<10000x128xf32, #tpu.memory_space<hbm>>) dst(%dma_wait3A_133 : memref<128x128xf32, #tpu.memory_space<vmem>>)
      %dma_start3A_142 = arith.constant 1 : i32
      %dma_start3A_143 = arith.constant 1 : i32
      %dma_start3A_144 = arith.constant 0 : i32
      %dma_start3A_145 = arith.constant 0 : i32
      %dma_start3A_146 = tpu.memref_slice %arg9[%dma_start3A_142, %dma_start3A_144, %dma_start3A_145] : memref<2x128x128xf32, #tpu.memory_space<vmem>> -> memref<1x128x128xf32, #tpu.memory_space<vmem>>
      %dma_start3A_147 = tpu.memref_squeeze %dma_start3A_146 : memref<1x128x128xf32, #tpu.memory_space<vmem>> -> memref<128x128xf32, #tpu.memory_space<vmem>>
      %dma_start3A_148 = arith.constant 0 : i32
      %dma_start3A_149 = tpu.memref_slice %arg8[%add3A_127, %dma_start3A_148] : memref<40x128xi32, #tpu.memory_space<vmem>> -> memref<1x128xi32, #tpu.memory_space<vmem>>
      %dma_start3A_150 = tpu.memref_squeeze %dma_start3A_149 : memref<1x128xi32, #tpu.memory_space<vmem>> -> memref<128xi32, #tpu.memory_space<vmem>>
      %dma_start3A_151 = arith.constant 0 : i32
      %dma_start3A_152 = arith.constant 0 : i32
      %dma_start3A_153 = tpu.memref_slice %arg10[%dma_start3A_151, %dma_start3A_152] : memref<10112x128xf32, #tpu.memory_space<vmem_shared>> -> memref<10112x128xf32, #tpu.memory_space<vmem_shared>>
      %dma_start3A_154 = tpu.memref_slice %arg12[%dma_start3A_143] : memref<2x!tpu.dma_semaphore, #tpu.memory_space<semaphore_mem>> -> memref<1x!tpu.dma_semaphore, #tpu.memory_space<semaphore_mem>>
      %dma_start3A_155 = tpu.memref_squeeze %dma_start3A_154 : memref<1x!tpu.dma_semaphore, #tpu.memory_space<semaphore_mem>> -> memref<!tpu.dma_semaphore, #tpu.memory_space<semaphore_mem>>
      tpu.enqueue_indirect_dma source(%dma_start3A_147 : memref<128x128xf32, #tpu.memory_space<vmem>>) target(%dma_start3A_153 : memref<10112x128xf32, #tpu.memory_space<vmem_shared>>) offsets(%dma_start3A_150 : memref<128xi32, #tpu.memory_space<vmem>>) semaphore(%dma_start3A_155 : memref<!tpu.dma_semaphore, #tpu.memory_space<semaphore_mem>>) {add = true}
      %sub3A_156 = arith.constant 1 : i32
      %sub3A_157 = arith.subi %add3A_127, %sub3A_156 : i32
      %ge3A_158 = arith.constant 0 : i32
      %ge3A_159 = arith.cmpi sge, %sub3A_157, %ge3A_158 : i32
      %add3A_160 = arith.constant 2 : i32
      %add3A_161 = arith.addi %sub3A_157, %add3A_160 : i32
      %lt3A_162 = arith.constant 40 : i32
      %lt3A_163 = arith.cmpi slt, %add3A_161, %lt3A_162 : i32
      %and3A_164 = arith.andi %ge3A_159, %lt3A_163 : i1
      %convert_element_type3A_165 = arith.extui %and3A_164 : i1 to i32
      %cond3A_166 = arith.constant 0 : i32
      %cond3A_167 = arith.cmpi ne, %convert_element_type3A_165, %cond3A_166 : i32
      scf.if %cond3A_167 {
        %dma_wait3A_168 = arith.constant 0 : i32
        %dma_wait3A_169 = arith.constant 0 : i32
        %dma_wait3A_170 = arith.constant 0 : i32
        %dma_wait3A_171 = arith.constant 0 : i32
        %dma_wait3A_172 = tpu.memref_slice %arg9[%dma_wait3A_168, %dma_wait3A_170, %dma_wait3A_171] : memref<2x128x128xf32, #tpu.memory_space<vmem>> -> memref<1x128x128xf32, #tpu.memory_space<vmem>>
        %dma_wait3A_173 = tpu.memref_squeeze %dma_wait3A_172 : memref<1x128x128xf32, #tpu.memory_space<vmem>> -> memref<128x128xf32, #tpu.memory_space<vmem>>
        %dma_wait3A_174 = arith.constant 0 : i32
        %dma_wait3A_175 = tpu.memref_slice %arg8[%sub3A_157, %dma_wait3A_174] : memref<40x128xi32, #tpu.memory_space<vmem>> -> memref<1x128xi32, #tpu.memory_space<vmem>>
        %dma_wait3A_176 = tpu.memref_squeeze %dma_wait3A_175 : memref<1x128xi32, #tpu.memory_space<vmem>> -> memref<128xi32, #tpu.memory_space<vmem>>
        %dma_wait3A_177 = arith.constant 0 : i32
        %dma_wait3A_178 = arith.constant 0 : i32
        %dma_wait3A_179 = tpu.memref_slice %arg10[%dma_wait3A_177, %dma_wait3A_178] : memref<10112x128xf32, #tpu.memory_space<vmem_shared>> -> memref<10112x128xf32, #tpu.memory_space<vmem_shared>>
        %dma_wait3A_180 = tpu.memref_slice %arg12[%dma_wait3A_169] : memref<2x!tpu.dma_semaphore, #tpu.memory_space<semaphore_mem>> -> memref<1x!tpu.dma_semaphore, #tpu.memory_space<semaphore_mem>>
        %dma_wait3A_181 = tpu.memref_squeeze %dma_wait3A_180 : memref<1x!tpu.dma_semaphore, #tpu.memory_space<semaphore_mem>> -> memref<!tpu.dma_semaphore, #tpu.memory_space<semaphore_mem>>
        tpu.wait_indirect_dma semaphore(%dma_wait3A_181 : memref<!tpu.dma_semaphore, #tpu.memory_space<semaphore_mem>>) src(%dma_wait3A_173 : memref<128x128xf32, #tpu.memory_space<vmem>>) dst(%dma_wait3A_179 : memref<10112x128xf32, #tpu.memory_space<vmem_shared>>)
        %add3A_182 = arith.constant 2 : i32
        %add3A_183 = arith.addi %sub3A_157, %add3A_182 : i32
        %dma_start3A_184 = arith.constant 0 : i32
        %dma_start3A_185 = arith.constant 0 : i32
        %dma_start3A_186 = arith.constant 0 : i32
        %dma_start3A_187 = arith.constant 0 : i32
        %dma_start3A_188 = tpu.memref_slice %arg9[%dma_start3A_184, %dma_start3A_186, %dma_start3A_187] : memref<2x128x128xf32, #tpu.memory_space<vmem>> -> memref<1x128x128xf32, #tpu.memory_space<vmem>>
        %dma_start3A_189 = tpu.memref_squeeze %dma_start3A_188 : memref<1x128x128xf32, #tpu.memory_space<vmem>> -> memref<128x128xf32, #tpu.memory_space<vmem>>
        %dma_start3A_190 = arith.constant 0 : i32
        %dma_start3A_191 = tpu.memref_slice %arg7[%add3A_183, %dma_start3A_190] : memref<40x128xi32, #tpu.memory_space<vmem>> -> memref<1x128xi32, #tpu.memory_space<vmem>>
        %dma_start3A_192 = tpu.memref_squeeze %dma_start3A_191 : memref<1x128xi32, #tpu.memory_space<vmem>> -> memref<128xi32, #tpu.memory_space<vmem>>
        %dma_start3A_193 = arith.constant 0 : i32
        %dma_start3A_194 = arith.constant 0 : i32
        %dma_start3A_195 = tpu.memref_slice %arg2[%dma_start3A_193, %dma_start3A_194] : memref<10000x128xf32, #tpu.memory_space<hbm>> -> memref<10000x128xf32, #tpu.memory_space<hbm>>
        %dma_start3A_196 = tpu.memref_slice %arg11[%dma_start3A_185] : memref<2x!tpu.dma_semaphore, #tpu.memory_space<semaphore_mem>> -> memref<1x!tpu.dma_semaphore, #tpu.memory_space<semaphore_mem>>
        %dma_start3A_197 = tpu.memref_squeeze %dma_start3A_196 : memref<1x!tpu.dma_semaphore, #tpu.memory_space<semaphore_mem>> -> memref<!tpu.dma_semaphore, #tpu.memory_space<semaphore_mem>>
        tpu.enqueue_indirect_dma source(%dma_start3A_195 : memref<10000x128xf32, #tpu.memory_space<hbm>>) target(%dma_start3A_189 : memref<128x128xf32, #tpu.memory_space<vmem>>) offsets(%dma_start3A_192 : memref<128xi32, #tpu.memory_space<vmem>>) semaphore(%dma_start3A_197 : memref<!tpu.dma_semaphore, #tpu.memory_space<semaphore_mem>>)
      } else {
      }
    }
    %scan3A_38 = arith.constant 20 : i32
    %dma_wait3A = arith.constant 0 : i32
    %dma_wait3A_39 = arith.constant 38 : i32
    %dma_wait3A_40 = arith.constant 0 : i32
    %dma_wait3A_41 = arith.constant 0 : i32
    %dma_wait3A_42 = arith.constant 0 : i32
    %dma_wait3A_43 = tpu.memref_slice %arg9[%dma_wait3A, %dma_wait3A_41, %dma_wait3A_42] : memref<2x128x128xf32, #tpu.memory_space<vmem>> -> memref<1x128x128xf32, #tpu.memory_space<vmem>>
    %dma_wait3A_44 = tpu.memref_squeeze %dma_wait3A_43 : memref<1x128x128xf32, #tpu.memory_space<vmem>> -> memref<128x128xf32, #tpu.memory_space<vmem>>
    %dma_wait3A_45 = arith.constant 0 : i32
    %dma_wait3A_46 = tpu.memref_slice %arg8[%dma_wait3A_39, %dma_wait3A_45] : memref<40x128xi32, #tpu.memory_space<vmem>> -> memref<1x128xi32, #tpu.memory_space<vmem>>
    %dma_wait3A_47 = tpu.memref_squeeze %dma_wait3A_46 : memref<1x128xi32, #tpu.memory_space<vmem>> -> memref<128xi32, #tpu.memory_space<vmem>>
    %dma_wait3A_48 = arith.constant 0 : i32
    %dma_wait3A_49 = arith.constant 0 : i32
    %dma_wait3A_50 = tpu.memref_slice %arg10[%dma_wait3A_48, %dma_wait3A_49] : memref<10112x128xf32, #tpu.memory_space<vmem_shared>> -> memref<10112x128xf32, #tpu.memory_space<vmem_shared>>
    %dma_wait3A_51 = tpu.memref_slice %arg12[%dma_wait3A_40] : memref<2x!tpu.dma_semaphore, #tpu.memory_space<semaphore_mem>> -> memref<1x!tpu.dma_semaphore, #tpu.memory_space<semaphore_mem>>
    %dma_wait3A_52 = tpu.memref_squeeze %dma_wait3A_51 : memref<1x!tpu.dma_semaphore, #tpu.memory_space<semaphore_mem>> -> memref<!tpu.dma_semaphore, #tpu.memory_space<semaphore_mem>>
    tpu.wait_indirect_dma semaphore(%dma_wait3A_52 : memref<!tpu.dma_semaphore, #tpu.memory_space<semaphore_mem>>) src(%dma_wait3A_44 : memref<128x128xf32, #tpu.memory_space<vmem>>) dst(%dma_wait3A_50 : memref<10112x128xf32, #tpu.memory_space<vmem_shared>>)
    %dma_wait3A_53 = arith.constant 1 : i32
    %dma_wait3A_54 = arith.constant 39 : i32
    %dma_wait3A_55 = arith.constant 1 : i32
    %dma_wait3A_56 = arith.constant 0 : i32
    %dma_wait3A_57 = arith.constant 0 : i32
    %dma_wait3A_58 = tpu.memref_slice %arg9[%dma_wait3A_53, %dma_wait3A_56, %dma_wait3A_57] : memref<2x128x128xf32, #tpu.memory_space<vmem>> -> memref<1x128x128xf32, #tpu.memory_space<vmem>>
    %dma_wait3A_59 = tpu.memref_squeeze %dma_wait3A_58 : memref<1x128x128xf32, #tpu.memory_space<vmem>> -> memref<128x128xf32, #tpu.memory_space<vmem>>
    %dma_wait3A_60 = arith.constant 0 : i32
    %dma_wait3A_61 = tpu.memref_slice %arg8[%dma_wait3A_54, %dma_wait3A_60] : memref<40x128xi32, #tpu.memory_space<vmem>> -> memref<1x128xi32, #tpu.memory_space<vmem>>
    %dma_wait3A_62 = tpu.memref_squeeze %dma_wait3A_61 : memref<1x128xi32, #tpu.memory_space<vmem>> -> memref<128xi32, #tpu.memory_space<vmem>>
    %dma_wait3A_63 = arith.constant 0 : i32
    %dma_wait3A_64 = arith.constant 0 : i32
    %dma_wait3A_65 = tpu.memref_slice %arg10[%dma_wait3A_63, %dma_wait3A_64] : memref<10112x128xf32, #tpu.memory_space<vmem_shared>> -> memref<10112x128xf32, #tpu.memory_space<vmem_shared>>
    %dma_wait3A_66 = tpu.memref_slice %arg12[%dma_wait3A_55] : memref<2x!tpu.dma_semaphore, #tpu.memory_space<semaphore_mem>> -> memref<1x!tpu.dma_semaphore, #tpu.memory_space<semaphore_mem>>
    %dma_wait3A_67 = tpu.memref_squeeze %dma_wait3A_66 : memref<1x!tpu.dma_semaphore, #tpu.memory_space<semaphore_mem>> -> memref<!tpu.dma_semaphore, #tpu.memory_space<semaphore_mem>>
    tpu.wait_indirect_dma semaphore(%dma_wait3A_67 : memref<!tpu.dma_semaphore, #tpu.memory_space<semaphore_mem>>) src(%dma_wait3A_59 : memref<128x128xf32, #tpu.memory_space<vmem>>) dst(%dma_wait3A_65 : memref<10112x128xf32, #tpu.memory_space<vmem_shared>>)
    %eq3A_68 = arith.constant 0 : i32
    %eq3A_69 = arith.cmpi eq, %arg0, %eq3A_68 : i32
    %convert_element_type3A = arith.extui %eq3A_69 : i1 to i32
    %cond3A = arith.constant 0 : i32
    %cond3A_70 = arith.cmpi ne, %convert_element_type3A, %cond3A : i32
    scf.if %cond3A_70 {
      "tpu.region"() ({
        %run_scoped3A = tpu.sem_alloc : memref<!tpu.dma_semaphore, #tpu.memory_space<semaphore_mem>>
        %dma_start3A_149 = arith.constant 40 : i32
        %dma_start3A_150 = arith.constant 0 : i32
        %dma_start3A_151 = tpu.memref_slice %arg3[%arg1, %dma_start3A_149, %dma_start3A_150] : memref<16x160x128xi32, #tpu.memory_space<hbm>> -> memref<1x40x128xi32, #tpu.memory_space<hbm>>
        %dma_start3A_152 = tpu.memref_squeeze %dma_start3A_151 : memref<1x40x128xi32, #tpu.memory_space<hbm>> -> memref<40x128xi32, #tpu.memory_space<hbm>>
        %dma_start3A_153 = arith.constant 40 : i32
        %dma_start3A_154 = arith.constant 0 : i32
        %dma_start3A_155 = tpu.memref_slice %arg3[%arg1, %dma_start3A_153, %dma_start3A_154] : memref<16x160x128xi32, #tpu.memory_space<hbm>> -> memref<1x40x128xi32, #tpu.memory_space<hbm>>
        %dma_start3A_156 = tpu.memref_squeeze %dma_start3A_155 : memref<1x40x128xi32, #tpu.memory_space<hbm>> -> memref<40x128xi32, #tpu.memory_space<hbm>>
        tpu.enqueue_dma source(%dma_start3A_156 : memref<40x128xi32, #tpu.memory_space<hbm>>) target(%arg7 : memref<40x128xi32, #tpu.memory_space<vmem>>) target_semaphore(%run_scoped3A : memref<!tpu.dma_semaphore, #tpu.memory_space<semaphore_mem>>)
        %dma_wait3A_157 = arith.constant 40 : i32
        %dma_wait3A_158 = arith.constant 0 : i32
        %dma_wait3A_159 = tpu.memref_slice %arg3[%arg1, %dma_wait3A_157, %dma_wait3A_158] : memref<16x160x128xi32, #tpu.memory_space<hbm>> -> memref<1x40x128xi32, #tpu.memory_space<hbm>>
        %dma_wait3A_160 = tpu.memref_squeeze %dma_wait3A_159 : memref<1x40x128xi32, #tpu.memory_space<hbm>> -> memref<40x128xi32, #tpu.memory_space<hbm>>
        %dma_wait3A_161 = arith.constant 40 : i32
        %dma_wait3A_162 = arith.constant 0 : i32
        %dma_wait3A_163 = tpu.memref_slice %arg3[%arg1, %dma_wait3A_161, %dma_wait3A_162] : memref<16x160x128xi32, #tpu.memory_space<hbm>> -> memref<1x40x128xi32, #tpu.memory_space<hbm>>
        %dma_wait3A_164 = tpu.memref_squeeze %dma_wait3A_163 : memref<1x40x128xi32, #tpu.memory_space<hbm>> -> memref<40x128xi32, #tpu.memory_space<hbm>>
        tpu.wait_dma2 semaphore(%run_scoped3A : memref<!tpu.dma_semaphore, #tpu.memory_space<semaphore_mem>>) src(%dma_wait3A_164 : memref<40x128xi32, #tpu.memory_space<hbm>>) dst(%arg7 : memref<40x128xi32, #tpu.memory_space<vmem>>)
        tpu.yield
      }) : () -> ()
      "tpu.region"() ({
        %run_scoped3A = tpu.sem_alloc : memref<!tpu.dma_semaphore, #tpu.memory_space<semaphore_mem>>
        %dma_start3A_149 = arith.constant 40 : i32
        %dma_start3A_150 = arith.constant 0 : i32
        %dma_start3A_151 = tpu.memref_slice %arg4[%arg1, %dma_start3A_149, %dma_start3A_150] : memref<16x160x128xi32, #tpu.memory_space<hbm>> -> memref<1x40x128xi32, #tpu.memory_space<hbm>>
        %dma_start3A_152 = tpu.memref_squeeze %dma_start3A_151 : memref<1x40x128xi32, #tpu.memory_space<hbm>> -> memref<40x128xi32, #tpu.memory_space<hbm>>
        %dma_start3A_153 = arith.constant 40 : i32
        %dma_start3A_154 = arith.constant 0 : i32
        %dma_start3A_155 = tpu.memref_slice %arg4[%arg1, %dma_start3A_153, %dma_start3A_154] : memref<16x160x128xi32, #tpu.memory_space<hbm>> -> memref<1x40x128xi32, #tpu.memory_space<hbm>>
        %dma_start3A_156 = tpu.memref_squeeze %dma_start3A_155 : memref<1x40x128xi32, #tpu.memory_space<hbm>> -> memref<40x128xi32, #tpu.memory_space<hbm>>
        tpu.enqueue_dma source(%dma_start3A_156 : memref<40x128xi32, #tpu.memory_space<hbm>>) target(%arg8 : memref<40x128xi32, #tpu.memory_space<vmem>>) target_semaphore(%run_scoped3A : memref<!tpu.dma_semaphore, #tpu.memory_space<semaphore_mem>>)
        %dma_wait3A_157 = arith.constant 40 : i32
        %dma_wait3A_158 = arith.constant 0 : i32
        %dma_wait3A_159 = tpu.memref_slice %arg4[%arg1, %dma_wait3A_157, %dma_wait3A_158] : memref<16x160x128xi32, #tpu.memory_space<hbm>> -> memref<1x40x128xi32, #tpu.memory_space<hbm>>
        %dma_wait3A_160 = tpu.memref_squeeze %dma_wait3A_159 : memref<1x40x128xi32, #tpu.memory_space<hbm>> -> memref<40x128xi32, #tpu.memory_space<hbm>>
        %dma_wait3A_161 = arith.constant 40 : i32
        %dma_wait3A_162 = arith.constant 0 : i32
        %dma_wait3A_163 = tpu.memref_slice %arg4[%arg1, %dma_wait3A_161, %dma_wait3A_162] : memref<16x160x128xi32, #tpu.memory_space<hbm>> -> memref<1x40x128xi32, #tpu.memory_space<hbm>>
        %dma_wait3A_164 = tpu.memref_squeeze %dma_wait3A_163 : memref<1x40x128xi32, #tpu.memory_space<hbm>> -> memref<40x128xi32, #tpu.memory_space<hbm>>
        tpu.wait_dma2 semaphore(%run_scoped3A : memref<!tpu.dma_semaphore, #tpu.memory_space<semaphore_mem>>) src(%dma_wait3A_164 : memref<40x128xi32, #tpu.memory_space<hbm>>) dst(%arg8 : memref<40x128xi32, #tpu.memory_space<vmem>>)
        tpu.yield
      }) : () -> ()
      %dma_start3A_83 = arith.constant 0 : i32
      %dma_start3A_84 = arith.constant 0 : i32
      %dma_start3A_85 = arith.constant 0 : i32
      %dma_start3A_86 = arith.constant 0 : i32
      %dma_start3A_87 = arith.constant 0 : i32
      %dma_start3A_88 = tpu.memref_slice %arg9[%dma_start3A_84, %dma_start3A_86, %dma_start3A_87] : memref<2x128x128xf32, #tpu.memory_space<vmem>> -> memref<1x128x128xf32, #tpu.memory_space<vmem>>
      %dma_start3A_89 = tpu.memref_squeeze %dma_start3A_88 : memref<1x128x128xf32, #tpu.memory_space<vmem>> -> memref<128x128xf32, #tpu.memory_space<vmem>>
      %dma_start3A_90 = arith.constant 0 : i32
      %dma_start3A_91 = tpu.memref_slice %arg7[%dma_start3A_83, %dma_start3A_90] : memref<40x128xi32, #tpu.memory_space<vmem>> -> memref<1x128xi32, #tpu.memory_space<vmem>>
      %dma_start3A_92 = tpu.memref_squeeze %dma_start3A_91 : memref<1x128xi32, #tpu.memory_space<vmem>> -> memref<128xi32, #tpu.memory_space<vmem>>
      %dma_start3A_93 = arith.constant 0 : i32
      %dma_start3A_94 = arith.constant 0 : i32
      %dma_start3A_95 = tpu.memref_slice %arg2[%dma_start3A_93, %dma_start3A_94] : memref<10000x128xf32, #tpu.memory_space<hbm>> -> memref<10000x128xf32, #tpu.memory_space<hbm>>
      %dma_start3A_96 = tpu.memref_slice %arg11[%dma_start3A_85] : memref<2x!tpu.dma_semaphore, #tpu.memory_space<semaphore_mem>> -> memref<1x!tpu.dma_semaphore, #tpu.memory_space<semaphore_mem>>
      %dma_start3A_97 = tpu.memref_squeeze %dma_start3A_96 : memref<1x!tpu.dma_semaphore, #tpu.memory_space<semaphore_mem>> -> memref<!tpu.dma_semaphore, #tpu.memory_space<semaphore_mem>>
      tpu.enqueue_indirect_dma source(%dma_start3A_95 : memref<10000x128xf32, #tpu.memory_space<hbm>>) target(%dma_start3A_89 : memref<128x128xf32, #tpu.memory_space<vmem>>) offsets(%dma_start3A_92 : memref<128xi32, #tpu.memory_space<vmem>>) semaphore(%dma_start3A_97 : memref<!tpu.dma_semaphore, #tpu.memory_space<semaphore_mem>>)
      %dma_start3A_98 = arith.constant 1 : i32
      %dma_start3A_99 = arith.constant 1 : i32
      %dma_start3A_100 = arith.constant 1 : i32
      %dma_start3A_101 = arith.constant 0 : i32
      %dma_start3A_102 = arith.constant 0 : i32
      %dma_start3A_103 = tpu.memref_slice %arg9[%dma_start3A_99, %dma_start3A_101, %dma_start3A_102] : memref<2x128x128xf32, #tpu.memory_space<vmem>> -> memref<1x128x128xf32, #tpu.memory_space<vmem>>
      %dma_start3A_104 = tpu.memref_squeeze %dma_start3A_103 : memref<1x128x128xf32, #tpu.memory_space<vmem>> -> memref<128x128xf32, #tpu.memory_space<vmem>>
      %dma_start3A_105 = arith.constant 0 : i32
      %dma_start3A_106 = tpu.memref_slice %arg7[%dma_start3A_98, %dma_start3A_105] : memref<40x128xi32, #tpu.memory_space<vmem>> -> memref<1x128xi32, #tpu.memory_space<vmem>>
      %dma_start3A_107 = tpu.memref_squeeze %dma_start3A_106 : memref<1x128xi32, #tpu.memory_space<vmem>> -> memref<128xi32, #tpu.memory_space<vmem>>
      %dma_start3A_108 = arith.constant 0 : i32
      %dma_start3A_109 = arith.constant 0 : i32
      %dma_start3A_110 = tpu.memref_slice %arg2[%dma_start3A_108, %dma_start3A_109] : memref<10000x128xf32, #tpu.memory_space<hbm>> -> memref<10000x128xf32, #tpu.memory_space<hbm>>
      %dma_start3A_111 = tpu.memref_slice %arg11[%dma_start3A_100] : memref<2x!tpu.dma_semaphore, #tpu.memory_space<semaphore_mem>> -> memref<1x!tpu.dma_semaphore, #tpu.memory_space<semaphore_mem>>
      %dma_start3A_112 = tpu.memref_squeeze %dma_start3A_111 : memref<1x!tpu.dma_semaphore, #tpu.memory_space<semaphore_mem>> -> memref<!tpu.dma_semaphore, #tpu.memory_space<semaphore_mem>>
      tpu.enqueue_indirect_dma source(%dma_start3A_110 : memref<10000x128xf32, #tpu.memory_space<hbm>>) target(%dma_start3A_104 : memref<128x128xf32, #tpu.memory_space<vmem>>) offsets(%dma_start3A_107 : memref<128xi32, #tpu.memory_space<vmem>>) semaphore(%dma_start3A_112 : memref<!tpu.dma_semaphore, #tpu.memory_space<semaphore_mem>>)
      %scan3A_113 = arith.constant 0 : i32
      %scan3A_114 = arith.constant 0 : i32
      %scan3A_115 = arith.constant 20 : i32
      %scan3A_116 = arith.addi %scan3A_114, %scan3A_115 : i32
      %scan3A_117 = arith.constant 1 : i32
      scf.for %scan3A_149 = %scan3A_114 to %scan3A_116 step %scan3A_117  : i32 {
        %mul3A_150 = arith.constant 2 : i32
        %mul3A_151 = arith.muli %scan3A_149, %mul3A_150 : i32
        %add3A_152 = arith.constant 0 : i32
        %add3A_153 = arith.addi %mul3A_151, %add3A_152 : i32
        %dma_wait3A_154 = arith.constant 0 : i32
        %dma_wait3A_155 = arith.constant 0 : i32
        %dma_wait3A_156 = arith.constant 0 : i32
        %dma_wait3A_157 = arith.constant 0 : i32
        %dma_wait3A_158 = tpu.memref_slice %arg9[%dma_wait3A_154, %dma_wait3A_156, %dma_wait3A_157] : memref<2x128x128xf32, #tpu.memory_space<vmem>> -> memref<1x128x128xf32, #tpu.memory_space<vmem>>
        %dma_wait3A_159 = tpu.memref_squeeze %dma_wait3A_158 : memref<1x128x128xf32, #tpu.memory_space<vmem>> -> memref<128x128xf32, #tpu.memory_space<vmem>>
        %dma_wait3A_160 = arith.constant 0 : i32
        %dma_wait3A_161 = tpu.memref_slice %arg7[%add3A_153, %dma_wait3A_160] : memref<40x128xi32, #tpu.memory_space<vmem>> -> memref<1x128xi32, #tpu.memory_space<vmem>>
        %dma_wait3A_162 = tpu.memref_squeeze %dma_wait3A_161 : memref<1x128xi32, #tpu.memory_space<vmem>> -> memref<128xi32, #tpu.memory_space<vmem>>
        %dma_wait3A_163 = arith.constant 0 : i32
        %dma_wait3A_164 = arith.constant 0 : i32
        %dma_wait3A_165 = tpu.memref_slice %arg2[%dma_wait3A_163, %dma_wait3A_164] : memref<10000x128xf32, #tpu.memory_space<hbm>> -> memref<10000x128xf32, #tpu.memory_space<hbm>>
        %dma_wait3A_166 = tpu.memref_slice %arg11[%dma_wait3A_155] : memref<2x!tpu.dma_semaphore, #tpu.memory_space<semaphore_mem>> -> memref<1x!tpu.dma_semaphore, #tpu.memory_space<semaphore_mem>>
        %dma_wait3A_167 = tpu.memref_squeeze %dma_wait3A_166 : memref<1x!tpu.dma_semaphore, #tpu.memory_space<semaphore_mem>> -> memref<!tpu.dma_semaphore, #tpu.memory_space<semaphore_mem>>
        tpu.wait_indirect_dma semaphore(%dma_wait3A_167 : memref<!tpu.dma_semaphore, #tpu.memory_space<semaphore_mem>>) src(%dma_wait3A_165 : memref<10000x128xf32, #tpu.memory_space<hbm>>) dst(%dma_wait3A_159 : memref<128x128xf32, #tpu.memory_space<vmem>>)
        %dma_start3A_168 = arith.constant 0 : i32
        %dma_start3A_169 = arith.constant 0 : i32
        %dma_start3A_170 = arith.constant 0 : i32
        %dma_start3A_171 = arith.constant 0 : i32
        %dma_start3A_172 = tpu.memref_slice %arg9[%dma_start3A_168, %dma_start3A_170, %dma_start3A_171] : memref<2x128x128xf32, #tpu.memory_space<vmem>> -> memref<1x128x128xf32, #tpu.memory_space<vmem>>
        %dma_start3A_173 = tpu.memref_squeeze %dma_start3A_172 : memref<1x128x128xf32, #tpu.memory_space<vmem>> -> memref<128x128xf32, #tpu.memory_space<vmem>>
        %dma_start3A_174 = arith.constant 0 : i32
        %dma_start3A_175 = tpu.memref_slice %arg8[%add3A_153, %dma_start3A_174] : memref<40x128xi32, #tpu.memory_space<vmem>> -> memref<1x128xi32, #tpu.memory_space<vmem>>
        %dma_start3A_176 = tpu.memref_squeeze %dma_start3A_175 : memref<1x128xi32, #tpu.memory_space<vmem>> -> memref<128xi32, #tpu.memory_space<vmem>>
        %dma_start3A_177 = arith.constant 0 : i32
        %dma_start3A_178 = arith.constant 0 : i32
        %dma_start3A_179 = tpu.memref_slice %arg10[%dma_start3A_177, %dma_start3A_178] : memref<10112x128xf32, #tpu.memory_space<vmem_shared>> -> memref<10112x128xf32, #tpu.memory_space<vmem_shared>>
        %dma_start3A_180 = tpu.memref_slice %arg12[%dma_start3A_169] : memref<2x!tpu.dma_semaphore, #tpu.memory_space<semaphore_mem>> -> memref<1x!tpu.dma_semaphore, #tpu.memory_space<semaphore_mem>>
        %dma_start3A_181 = tpu.memref_squeeze %dma_start3A_180 : memref<1x!tpu.dma_semaphore, #tpu.memory_space<semaphore_mem>> -> memref<!tpu.dma_semaphore, #tpu.memory_space<semaphore_mem>>
        tpu.enqueue_indirect_dma source(%dma_start3A_173 : memref<128x128xf32, #tpu.memory_space<vmem>>) target(%dma_start3A_179 : memref<10112x128xf32, #tpu.memory_space<vmem_shared>>) offsets(%dma_start3A_176 : memref<128xi32, #tpu.memory_space<vmem>>) semaphore(%dma_start3A_181 : memref<!tpu.dma_semaphore, #tpu.memory_space<semaphore_mem>>) {add = true}
        %sub3A = arith.constant 1 : i32
        %sub3A_182 = arith.subi %add3A_153, %sub3A : i32
        %ge3A = arith.constant 0 : i32
        %ge3A_183 = arith.cmpi sge, %sub3A_182, %ge3A : i32
        %add3A_184 = arith.constant 2 : i32
        %add3A_185 = arith.addi %sub3A_182, %add3A_184 : i32
        %lt3A = arith.constant 40 : i32
        %lt3A_186 = arith.cmpi slt, %add3A_185, %lt3A : i32
        %and3A = arith.andi %ge3A_183, %lt3A_186 : i1
        %convert_element_type3A_187 = arith.extui %and3A : i1 to i32
        %cond3A_188 = arith.constant 0 : i32
        %cond3A_189 = arith.cmpi ne, %convert_element_type3A_187, %cond3A_188 : i32
        scf.if %cond3A_189 {
          %dma_wait3A_234 = arith.constant 1 : i32
          %dma_wait3A_235 = arith.constant 1 : i32
          %dma_wait3A_236 = arith.constant 0 : i32
          %dma_wait3A_237 = arith.constant 0 : i32
          %dma_wait3A_238 = tpu.memref_slice %arg9[%dma_wait3A_234, %dma_wait3A_236, %dma_wait3A_237] : memref<2x128x128xf32, #tpu.memory_space<vmem>> -> memref<1x128x128xf32, #tpu.memory_space<vmem>>
          %dma_wait3A_239 = tpu.memref_squeeze %dma_wait3A_238 : memref<1x128x128xf32, #tpu.memory_space<vmem>> -> memref<128x128xf32, #tpu.memory_space<vmem>>
          %dma_wait3A_240 = arith.constant 0 : i32
          %dma_wait3A_241 = tpu.memref_slice %arg8[%sub3A_182, %dma_wait3A_240] : memref<40x128xi32, #tpu.memory_space<vmem>> -> memref<1x128xi32, #tpu.memory_space<vmem>>
          %dma_wait3A_242 = tpu.memref_squeeze %dma_wait3A_241 : memref<1x128xi32, #tpu.memory_space<vmem>> -> memref<128xi32, #tpu.memory_space<vmem>>
          %dma_wait3A_243 = arith.constant 0 : i32
          %dma_wait3A_244 = arith.constant 0 : i32
          %dma_wait3A_245 = tpu.memref_slice %arg10[%dma_wait3A_243, %dma_wait3A_244] : memref<10112x128xf32, #tpu.memory_space<vmem_shared>> -> memref<10112x128xf32, #tpu.memory_space<vmem_shared>>
          %dma_wait3A_246 = tpu.memref_slice %arg12[%dma_wait3A_235] : memref<2x!tpu.dma_semaphore, #tpu.memory_space<semaphore_mem>> -> memref<1x!tpu.dma_semaphore, #tpu.memory_space<semaphore_mem>>
          %dma_wait3A_247 = tpu.memref_squeeze %dma_wait3A_246 : memref<1x!tpu.dma_semaphore, #tpu.memory_space<semaphore_mem>> -> memref<!tpu.dma_semaphore, #tpu.memory_space<semaphore_mem>>
          tpu.wait_indirect_dma semaphore(%dma_wait3A_247 : memref<!tpu.dma_semaphore, #tpu.memory_space<semaphore_mem>>) src(%dma_wait3A_239 : memref<128x128xf32, #tpu.memory_space<vmem>>) dst(%dma_wait3A_245 : memref<10112x128xf32, #tpu.memory_space<vmem_shared>>)
          %add3A_248 = arith.constant 2 : i32
          %add3A_249 = arith.addi %sub3A_182, %add3A_248 : i32
          %dma_start3A_250 = arith.constant 1 : i32
          %dma_start3A_251 = arith.constant 1 : i32
          %dma_start3A_252 = arith.constant 0 : i32
          %dma_start3A_253 = arith.constant 0 : i32
          %dma_start3A_254 = tpu.memref_slice %arg9[%dma_start3A_250, %dma_start3A_252, %dma_start3A_253] : memref<2x128x128xf32, #tpu.memory_space<vmem>> -> memref<1x128x128xf32, #tpu.memory_space<vmem>>
          %dma_start3A_255 = tpu.memref_squeeze %dma_start3A_254 : memref<1x128x128xf32, #tpu.memory_space<vmem>> -> memref<128x128xf32, #tpu.memory_space<vmem>>
          %dma_start3A_256 = arith.constant 0 : i32
          %dma_start3A_257 = tpu.memref_slice %arg7[%add3A_249, %dma_start3A_256] : memref<40x128xi32, #tpu.memory_space<vmem>> -> memref<1x128xi32, #tpu.memory_space<vmem>>
          %dma_start3A_258 = tpu.memref_squeeze %dma_start3A_257 : memref<1x128xi32, #tpu.memory_space<vmem>> -> memref<128xi32, #tpu.memory_space<vmem>>
          %dma_start3A_259 = arith.constant 0 : i32
          %dma_start3A_260 = arith.constant 0 : i32
          %dma_start3A_261 = tpu.memref_slice %arg2[%dma_start3A_259, %dma_start3A_260] : memref<10000x128xf32, #tpu.memory_space<hbm>> -> memref<10000x128xf32, #tpu.memory_space<hbm>>
          %dma_start3A_262 = tpu.memref_slice %arg11[%dma_start3A_251] : memref<2x!tpu.dma_semaphore, #tpu.memory_space<semaphore_mem>> -> memref<1x!tpu.dma_semaphore, #tpu.memory_space<semaphore_mem>>
          %dma_start3A_263 = tpu.memref_squeeze %dma_start3A_262 : memref<1x!tpu.dma_semaphore, #tpu.memory_space<semaphore_mem>> -> memref<!tpu.dma_semaphore, #tpu.memory_space<semaphore_mem>>
          tpu.enqueue_indirect_dma source(%dma_start3A_261 : memref<10000x128xf32, #tpu.memory_space<hbm>>) target(%dma_start3A_255 : memref<128x128xf32, #tpu.memory_space<vmem>>) offsets(%dma_start3A_258 : memref<128xi32, #tpu.memory_space<vmem>>) semaphore(%dma_start3A_263 : memref<!tpu.dma_semaphore, #tpu.memory_space<semaphore_mem>>)
        } else {
        }
        %mul3A_190 = arith.constant 2 : i32
        %mul3A_191 = arith.muli %scan3A_149, %mul3A_190 : i32
        %add3A_192 = arith.constant 1 : i32
        %add3A_193 = arith.addi %mul3A_191, %add3A_192 : i32
        %dma_wait3A_194 = arith.constant 1 : i32
        %dma_wait3A_195 = arith.constant 1 : i32
        %dma_wait3A_196 = arith.constant 0 : i32
        %dma_wait3A_197 = arith.constant 0 : i32
        %dma_wait3A_198 = tpu.memref_slice %arg9[%dma_wait3A_194, %dma_wait3A_196, %dma_wait3A_197] : memref<2x128x128xf32, #tpu.memory_space<vmem>> -> memref<1x128x128xf32, #tpu.memory_space<vmem>>
        %dma_wait3A_199 = tpu.memref_squeeze %dma_wait3A_198 : memref<1x128x128xf32, #tpu.memory_space<vmem>> -> memref<128x128xf32, #tpu.memory_space<vmem>>
        %dma_wait3A_200 = arith.constant 0 : i32
        %dma_wait3A_201 = tpu.memref_slice %arg7[%add3A_193, %dma_wait3A_200] : memref<40x128xi32, #tpu.memory_space<vmem>> -> memref<1x128xi32, #tpu.memory_space<vmem>>
        %dma_wait3A_202 = tpu.memref_squeeze %dma_wait3A_201 : memref<1x128xi32, #tpu.memory_space<vmem>> -> memref<128xi32, #tpu.memory_space<vmem>>
        %dma_wait3A_203 = arith.constant 0 : i32
        %dma_wait3A_204 = arith.constant 0 : i32
        %dma_wait3A_205 = tpu.memref_slice %arg2[%dma_wait3A_203, %dma_wait3A_204] : memref<10000x128xf32, #tpu.memory_space<hbm>> -> memref<10000x128xf32, #tpu.memory_space<hbm>>
        %dma_wait3A_206 = tpu.memref_slice %arg11[%dma_wait3A_195] : memref<2x!tpu.dma_semaphore, #tpu.memory_space<semaphore_mem>> -> memref<1x!tpu.dma_semaphore, #tpu.memory_space<semaphore_mem>>
        %dma_wait3A_207 = tpu.memref_squeeze %dma_wait3A_206 : memref<1x!tpu.dma_semaphore, #tpu.memory_space<semaphore_mem>> -> memref<!tpu.dma_semaphore, #tpu.memory_space<semaphore_mem>>
        tpu.wait_indirect_dma semaphore(%dma_wait3A_207 : memref<!tpu.dma_semaphore, #tpu.memory_space<semaphore_mem>>) src(%dma_wait3A_205 : memref<10000x128xf32, #tpu.memory_space<hbm>>) dst(%dma_wait3A_199 : memref<128x128xf32, #tpu.memory_space<vmem>>)
        %dma_start3A_208 = arith.constant 1 : i32
        %dma_start3A_209 = arith.constant 1 : i32
        %dma_start3A_210 = arith.constant 0 : i32
        %dma_start3A_211 = arith.constant 0 : i32
        %dma_start3A_212 = tpu.memref_slice %arg9[%dma_start3A_208, %dma_start3A_210, %dma_start3A_211] : memref<2x128x128xf32, #tpu.memory_space<vmem>> -> memref<1x128x128xf32, #tpu.memory_space<vmem>>
        %dma_start3A_213 = tpu.memref_squeeze %dma_start3A_212 : memref<1x128x128xf32, #tpu.memory_space<vmem>> -> memref<128x128xf32, #tpu.memory_space<vmem>>
        %dma_start3A_214 = arith.constant 0 : i32
        %dma_start3A_215 = tpu.memref_slice %arg8[%add3A_193, %dma_start3A_214] : memref<40x128xi32, #tpu.memory_space<vmem>> -> memref<1x128xi32, #tpu.memory_space<vmem>>
        %dma_start3A_216 = tpu.memref_squeeze %dma_start3A_215 : memref<1x128xi32, #tpu.memory_space<vmem>> -> memref<128xi32, #tpu.memory_space<vmem>>
        %dma_start3A_217 = arith.constant 0 : i32
        %dma_start3A_218 = arith.constant 0 : i32
        %dma_start3A_219 = tpu.memref_slice %arg10[%dma_start3A_217, %dma_start3A_218] : memref<10112x128xf32, #tpu.memory_space<vmem_shared>> -> memref<10112x128xf32, #tpu.memory_space<vmem_shared>>
        %dma_start3A_220 = tpu.memref_slice %arg12[%dma_start3A_209] : memref<2x!tpu.dma_semaphore, #tpu.memory_space<semaphore_mem>> -> memref<1x!tpu.dma_semaphore, #tpu.memory_space<semaphore_mem>>
        %dma_start3A_221 = tpu.memref_squeeze %dma_start3A_220 : memref<1x!tpu.dma_semaphore, #tpu.memory_space<semaphore_mem>> -> memref<!tpu.dma_semaphore, #tpu.memory_space<semaphore_mem>>
        tpu.enqueue_indirect_dma source(%dma_start3A_213 : memref<128x128xf32, #tpu.memory_space<vmem>>) target(%dma_start3A_219 : memref<10112x128xf32, #tpu.memory_space<vmem_shared>>) offsets(%dma_start3A_216 : memref<128xi32, #tpu.memory_space<vmem>>) semaphore(%dma_start3A_221 : memref<!tpu.dma_semaphore, #tpu.memory_space<semaphore_mem>>) {add = true}
        %sub3A_222 = arith.constant 1 : i32
        %sub3A_223 = arith.subi %add3A_193, %sub3A_222 : i32
        %ge3A_224 = arith.constant 0 : i32
        %ge3A_225 = arith.cmpi sge, %sub3A_223, %ge3A_224 : i32
        %add3A_226 = arith.constant 2 : i32
        %add3A_227 = arith.addi %sub3A_223, %add3A_226 : i32
        %lt3A_228 = arith.constant 40 : i32
        %lt3A_229 = arith.cmpi slt, %add3A_227, %lt3A_228 : i32
        %and3A_230 = arith.andi %ge3A_225, %lt3A_229 : i1
        %convert_element_type3A_231 = arith.extui %and3A_230 : i1 to i32
        %cond3A_232 = arith.constant 0 : i32
        %cond3A_233 = arith.cmpi ne, %convert_element_type3A_231, %cond3A_232 : i32
        scf.if %cond3A_233 {
          %dma_wait3A_234 = arith.constant 0 : i32
          %dma_wait3A_235 = arith.constant 0 : i32
          %dma_wait3A_236 = arith.constant 0 : i32
          %dma_wait3A_237 = arith.constant 0 : i32
          %dma_wait3A_238 = tpu.memref_slice %arg9[%dma_wait3A_234, %dma_wait3A_236, %dma_wait3A_237] : memref<2x128x128xf32, #tpu.memory_space<vmem>> -> memref<1x128x128xf32, #tpu.memory_space<vmem>>
          %dma_wait3A_239 = tpu.memref_squeeze %dma_wait3A_238 : memref<1x128x128xf32, #tpu.memory_space<vmem>> -> memref<128x128xf32, #tpu.memory_space<vmem>>
          %dma_wait3A_240 = arith.constant 0 : i32
          %dma_wait3A_241 = tpu.memref_slice %arg8[%sub3A_223, %dma_wait3A_240] : memref<40x128xi32, #tpu.memory_space<vmem>> -> memref<1x128xi32, #tpu.memory_space<vmem>>
          %dma_wait3A_242 = tpu.memref_squeeze %dma_wait3A_241 : memref<1x128xi32, #tpu.memory_space<vmem>> -> memref<128xi32, #tpu.memory_space<vmem>>
          %dma_wait3A_243 = arith.constant 0 : i32
          %dma_wait3A_244 = arith.constant 0 : i32
          %dma_wait3A_245 = tpu.memref_slice %arg10[%dma_wait3A_243, %dma_wait3A_244] : memref<10112x128xf32, #tpu.memory_space<vmem_shared>> -> memref<10112x128xf32, #tpu.memory_space<vmem_shared>>
          %dma_wait3A_246 = tpu.memref_slice %arg12[%dma_wait3A_235] : memref<2x!tpu.dma_semaphore, #tpu.memory_space<semaphore_mem>> -> memref<1x!tpu.dma_semaphore, #tpu.memory_space<semaphore_mem>>
          %dma_wait3A_247 = tpu.memref_squeeze %dma_wait3A_246 : memref<1x!tpu.dma_semaphore, #tpu.memory_space<semaphore_mem>> -> memref<!tpu.dma_semaphore, #tpu.memory_space<semaphore_mem>>
          tpu.wait_indirect_dma semaphore(%dma_wait3A_247 : memref<!tpu.dma_semaphore, #tpu.memory_space<semaphore_mem>>) src(%dma_wait3A_239 : memref<128x128xf32, #tpu.memory_space<vmem>>) dst(%dma_wait3A_245 : memref<10112x128xf32, #tpu.memory_space<vmem_shared>>)
          %add3A_248 = arith.constant 2 : i32
          %add3A_249 = arith.addi %sub3A_223, %add3A_248 : i32
          %dma_start3A_250 = arith.constant 0 : i32
          %dma_start3A_251 = arith.constant 0 : i32
          %dma_start3A_252 = arith.constant 0 : i32
          %dma_start3A_253 = arith.constant 0 : i32
          %dma_start3A_254 = tpu.memref_slice %arg9[%dma_start3A_250, %dma_start3A_252, %dma_start3A_253] : memref<2x128x128xf32, #tpu.memory_space<vmem>> -> memref<1x128x128xf32, #tpu.memory_space<vmem>>
          %dma_start3A_255 = tpu.memref_squeeze %dma_start3A_254 : memref<1x128x128xf32, #tpu.memory_space<vmem>> -> memref<128x128xf32, #tpu.memory_space<vmem>>
          %dma_start3A_256 = arith.constant 0 : i32
          %dma_start3A_257 = tpu.memref_slice %arg7[%add3A_249, %dma_start3A_256] : memref<40x128xi32, #tpu.memory_space<vmem>> -> memref<1x128xi32, #tpu.memory_space<vmem>>
          %dma_start3A_258 = tpu.memref_squeeze %dma_start3A_257 : memref<1x128xi32, #tpu.memory_space<vmem>> -> memref<128xi32, #tpu.memory_space<vmem>>
          %dma_start3A_259 = arith.constant 0 : i32
          %dma_start3A_260 = arith.constant 0 : i32
          %dma_start3A_261 = tpu.memref_slice %arg2[%dma_start3A_259, %dma_start3A_260] : memref<10000x128xf32, #tpu.memory_space<hbm>> -> memref<10000x128xf32, #tpu.memory_space<hbm>>
          %dma_start3A_262 = tpu.memref_slice %arg11[%dma_start3A_251] : memref<2x!tpu.dma_semaphore, #tpu.memory_space<semaphore_mem>> -> memref<1x!tpu.dma_semaphore, #tpu.memory_space<semaphore_mem>>
          %dma_start3A_263 = tpu.memref_squeeze %dma_start3A_262 : memref<1x!tpu.dma_semaphore, #tpu.memory_space<semaphore_mem>> -> memref<!tpu.dma_semaphore, #tpu.memory_space<semaphore_mem>>
          tpu.enqueue_indirect_dma source(%dma_start3A_261 : memref<10000x128xf32, #tpu.memory_space<hbm>>) target(%dma_start3A_255 : memref<128x128xf32, #tpu.memory_space<vmem>>) offsets(%dma_start3A_258 : memref<128xi32, #tpu.memory_space<vmem>>) semaphore(%dma_start3A_263 : memref<!tpu.dma_semaphore, #tpu.memory_space<semaphore_mem>>)
        } else {
        }
      }
      %scan3A_118 = arith.constant 20 : i32
      %dma_wait3A_119 = arith.constant 0 : i32
      %dma_wait3A_120 = arith.constant 38 : i32
      %dma_wait3A_121 = arith.constant 0 : i32
      %dma_wait3A_122 = arith.constant 0 : i32
      %dma_wait3A_123 = arith.constant 0 : i32
      %dma_wait3A_124 = tpu.memref_slice %arg9[%dma_wait3A_119, %dma_wait3A_122, %dma_wait3A_123] : memref<2x128x128xf32, #tpu.memory_space<vmem>> -> memref<1x128x128xf32, #tpu.memory_space<vmem>>
      %dma_wait3A_125 = tpu.memref_squeeze %dma_wait3A_124 : memref<1x128x128xf32, #tpu.memory_space<vmem>> -> memref<128x128xf32, #tpu.memory_space<vmem>>
      %dma_wait3A_126 = arith.constant 0 : i32
      %dma_wait3A_127 = tpu.memref_slice %arg8[%dma_wait3A_120, %dma_wait3A_126] : memref<40x128xi32, #tpu.memory_space<vmem>> -> memref<1x128xi32, #tpu.memory_space<vmem>>
      %dma_wait3A_128 = tpu.memref_squeeze %dma_wait3A_127 : memref<1x128xi32, #tpu.memory_space<vmem>> -> memref<128xi32, #tpu.memory_space<vmem>>
      %dma_wait3A_129 = arith.constant 0 : i32
      %dma_wait3A_130 = arith.constant 0 : i32
      %dma_wait3A_131 = tpu.memref_slice %arg10[%dma_wait3A_129, %dma_wait3A_130] : memref<10112x128xf32, #tpu.memory_space<vmem_shared>> -> memref<10112x128xf32, #tpu.memory_space<vmem_shared>>
      %dma_wait3A_132 = tpu.memref_slice %arg12[%dma_wait3A_121] : memref<2x!tpu.dma_semaphore, #tpu.memory_space<semaphore_mem>> -> memref<1x!tpu.dma_semaphore, #tpu.memory_space<semaphore_mem>>
      %dma_wait3A_133 = tpu.memref_squeeze %dma_wait3A_132 : memref<1x!tpu.dma_semaphore, #tpu.memory_space<semaphore_mem>> -> memref<!tpu.dma_semaphore, #tpu.memory_space<semaphore_mem>>
      tpu.wait_indirect_dma semaphore(%dma_wait3A_133 : memref<!tpu.dma_semaphore, #tpu.memory_space<semaphore_mem>>) src(%dma_wait3A_125 : memref<128x128xf32, #tpu.memory_space<vmem>>) dst(%dma_wait3A_131 : memref<10112x128xf32, #tpu.memory_space<vmem_shared>>)
      %dma_wait3A_134 = arith.constant 1 : i32
      %dma_wait3A_135 = arith.constant 39 : i32
      %dma_wait3A_136 = arith.constant 1 : i32
      %dma_wait3A_137 = arith.constant 0 : i32
      %dma_wait3A_138 = arith.constant 0 : i32
      %dma_wait3A_139 = tpu.memref_slice %arg9[%dma_wait3A_134, %dma_wait3A_137, %dma_wait3A_138] : memref<2x128x128xf32, #tpu.memory_space<vmem>> -> memref<1x128x128xf32, #tpu.memory_space<vmem>>
      %dma_wait3A_140 = tpu.memref_squeeze %dma_wait3A_139 : memref<1x128x128xf32, #tpu.memory_space<vmem>> -> memref<128x128xf32, #tpu.memory_space<vmem>>
      %dma_wait3A_141 = arith.constant 0 : i32
      %dma_wait3A_142 = tpu.memref_slice %arg8[%dma_wait3A_135, %dma_wait3A_141] : memref<40x128xi32, #tpu.memory_space<vmem>> -> memref<1x128xi32, #tpu.memory_space<vmem>>
      %dma_wait3A_143 = tpu.memref_squeeze %dma_wait3A_142 : memref<1x128xi32, #tpu.memory_space<vmem>> -> memref<128xi32, #tpu.memory_space<vmem>>
      %dma_wait3A_144 = arith.constant 0 : i32
      %dma_wait3A_145 = arith.constant 0 : i32
      %dma_wait3A_146 = tpu.memref_slice %arg10[%dma_wait3A_144, %dma_wait3A_145] : memref<10112x128xf32, #tpu.memory_space<vmem_shared>> -> memref<10112x128xf32, #tpu.memory_space<vmem_shared>>
      %dma_wait3A_147 = tpu.memref_slice %arg12[%dma_wait3A_136] : memref<2x!tpu.dma_semaphore, #tpu.memory_space<semaphore_mem>> -> memref<1x!tpu.dma_semaphore, #tpu.memory_space<semaphore_mem>>
      %dma_wait3A_148 = tpu.memref_squeeze %dma_wait3A_147 : memref<1x!tpu.dma_semaphore, #tpu.memory_space<semaphore_mem>> -> memref<!tpu.dma_semaphore, #tpu.memory_space<semaphore_mem>>
      tpu.wait_indirect_dma semaphore(%dma_wait3A_148 : memref<!tpu.dma_semaphore, #tpu.memory_space<semaphore_mem>>) src(%dma_wait3A_140 : memref<128x128xf32, #tpu.memory_space<vmem>>) dst(%dma_wait3A_146 : memref<10112x128xf32, #tpu.memory_space<vmem_shared>>)
    } else {
    }
    %eq3A_71 = arith.constant 0 : i32
    %eq3A_72 = arith.cmpi eq, %arg0, %eq3A_71 : i32
    %convert_element_type3A_73 = arith.extui %eq3A_72 : i1 to i32
    %cond3A_74 = arith.constant 0 : i32
    %cond3A_75 = arith.cmpi ne, %convert_element_type3A_73, %cond3A_74 : i32
    scf.if %cond3A_75 {
      "tpu.region"() ({
        %run_scoped3A = tpu.sem_alloc : memref<!tpu.dma_semaphore, #tpu.memory_space<semaphore_mem>>
        %dma_start3A_149 = arith.constant 80 : i32
        %dma_start3A_150 = arith.constant 0 : i32
        %dma_start3A_151 = tpu.memref_slice %arg3[%arg1, %dma_start3A_149, %dma_start3A_150] : memref<16x160x128xi32, #tpu.memory_space<hbm>> -> memref<1x40x128xi32, #tpu.memory_space<hbm>>
        %dma_start3A_152 = tpu.memref_squeeze %dma_start3A_151 : memref<1x40x128xi32, #tpu.memory_space<hbm>> -> memref<40x128xi32, #tpu.memory_space<hbm>>
        %dma_start3A_153 = arith.constant 80 : i32
        %dma_start3A_154 = arith.constant 0 : i32
        %dma_start3A_155 = tpu.memref_slice %arg3[%arg1, %dma_start3A_153, %dma_start3A_154] : memref<16x160x128xi32, #tpu.memory_space<hbm>> -> memref<1x40x128xi32, #tpu.memory_space<hbm>>
        %dma_start3A_156 = tpu.memref_squeeze %dma_start3A_155 : memref<1x40x128xi32, #tpu.memory_space<hbm>> -> memref<40x128xi32, #tpu.memory_space<hbm>>
        tpu.enqueue_dma source(%dma_start3A_156 : memref<40x128xi32, #tpu.memory_space<hbm>>) target(%arg7 : memref<40x128xi32, #tpu.memory_space<vmem>>) target_semaphore(%run_scoped3A : memref<!tpu.dma_semaphore, #tpu.memory_space<semaphore_mem>>)
        %dma_wait3A_157 = arith.constant 80 : i32
        %dma_wait3A_158 = arith.constant 0 : i32
        %dma_wait3A_159 = tpu.memref_slice %arg3[%arg1, %dma_wait3A_157, %dma_wait3A_158] : memref<16x160x128xi32, #tpu.memory_space<hbm>> -> memref<1x40x128xi32, #tpu.memory_space<hbm>>
        %dma_wait3A_160 = tpu.memref_squeeze %dma_wait3A_159 : memref<1x40x128xi32, #tpu.memory_space<hbm>> -> memref<40x128xi32, #tpu.memory_space<hbm>>
        %dma_wait3A_161 = arith.constant 80 : i32
        %dma_wait3A_162 = arith.constant 0 : i32
        %dma_wait3A_163 = tpu.memref_slice %arg3[%arg1, %dma_wait3A_161, %dma_wait3A_162] : memref<16x160x128xi32, #tpu.memory_space<hbm>> -> memref<1x40x128xi32, #tpu.memory_space<hbm>>
        %dma_wait3A_164 = tpu.memref_squeeze %dma_wait3A_163 : memref<1x40x128xi32, #tpu.memory_space<hbm>> -> memref<40x128xi32, #tpu.memory_space<hbm>>
        tpu.wait_dma2 semaphore(%run_scoped3A : memref<!tpu.dma_semaphore, #tpu.memory_space<semaphore_mem>>) src(%dma_wait3A_164 : memref<40x128xi32, #tpu.memory_space<hbm>>) dst(%arg7 : memref<40x128xi32, #tpu.memory_space<vmem>>)
        tpu.yield
      }) : () -> ()
      "tpu.region"() ({
        %run_scoped3A = tpu.sem_alloc : memref<!tpu.dma_semaphore, #tpu.memory_space<semaphore_mem>>
        %dma_start3A_149 = arith.constant 80 : i32
        %dma_start3A_150 = arith.constant 0 : i32
        %dma_start3A_151 = tpu.memref_slice %arg4[%arg1, %dma_start3A_149, %dma_start3A_150] : memref<16x160x128xi32, #tpu.memory_space<hbm>> -> memref<1x40x128xi32, #tpu.memory_space<hbm>>
        %dma_start3A_152 = tpu.memref_squeeze %dma_start3A_151 : memref<1x40x128xi32, #tpu.memory_space<hbm>> -> memref<40x128xi32, #tpu.memory_space<hbm>>
        %dma_start3A_153 = arith.constant 80 : i32
        %dma_start3A_154 = arith.constant 0 : i32
        %dma_start3A_155 = tpu.memref_slice %arg4[%arg1, %dma_start3A_153, %dma_start3A_154] : memref<16x160x128xi32, #tpu.memory_space<hbm>> -> memref<1x40x128xi32, #tpu.memory_space<hbm>>
        %dma_start3A_156 = tpu.memref_squeeze %dma_start3A_155 : memref<1x40x128xi32, #tpu.memory_space<hbm>> -> memref<40x128xi32, #tpu.memory_space<hbm>>
        tpu.enqueue_dma source(%dma_start3A_156 : memref<40x128xi32, #tpu.memory_space<hbm>>) target(%arg8 : memref<40x128xi32, #tpu.memory_space<vmem>>) target_semaphore(%run_scoped3A : memref<!tpu.dma_semaphore, #tpu.memory_space<semaphore_mem>>)
        %dma_wait3A_157 = arith.constant 80 : i32
        %dma_wait3A_158 = arith.constant 0 : i32
        %dma_wait3A_159 = tpu.memref_slice %arg4[%arg1, %dma_wait3A_157, %dma_wait3A_158] : memref<16x160x128xi32, #tpu.memory_space<hbm>> -> memref<1x40x128xi32, #tpu.memory_space<hbm>>
        %dma_wait3A_160 = tpu.memref_squeeze %dma_wait3A_159 : memref<1x40x128xi32, #tpu.memory_space<hbm>> -> memref<40x128xi32, #tpu.memory_space<hbm>>
        %dma_wait3A_161 = arith.constant 80 : i32
        %dma_wait3A_162 = arith.constant 0 : i32
        %dma_wait3A_163 = tpu.memref_slice %arg4[%arg1, %dma_wait3A_161, %dma_wait3A_162] : memref<16x160x128xi32, #tpu.memory_space<hbm>> -> memref<1x40x128xi32, #tpu.memory_space<hbm>>
        %dma_wait3A_164 = tpu.memref_squeeze %dma_wait3A_163 : memref<1x40x128xi32, #tpu.memory_space<hbm>> -> memref<40x128xi32, #tpu.memory_space<hbm>>
        tpu.wait_dma2 semaphore(%run_scoped3A : memref<!tpu.dma_semaphore, #tpu.memory_space<semaphore_mem>>) src(%dma_wait3A_164 : memref<40x128xi32, #tpu.memory_space<hbm>>) dst(%arg8 : memref<40x128xi32, #tpu.memory_space<vmem>>)
        tpu.yield
      }) : () -> ()
      %dma_start3A_83 = arith.constant 0 : i32
      %dma_start3A_84 = arith.constant 0 : i32
      %dma_start3A_85 = arith.constant 0 : i32
      %dma_start3A_86 = arith.constant 0 : i32
      %dma_start3A_87 = arith.constant 0 : i32
      %dma_start3A_88 = tpu.memref_slice %arg9[%dma_start3A_84, %dma_start3A_86, %dma_start3A_87] : memref<2x128x128xf32, #tpu.memory_space<vmem>> -> memref<1x128x128xf32, #tpu.memory_space<vmem>>
      %dma_start3A_89 = tpu.memref_squeeze %dma_start3A_88 : memref<1x128x128xf32, #tpu.memory_space<vmem>> -> memref<128x128xf32, #tpu.memory_space<vmem>>
      %dma_start3A_90 = arith.constant 0 : i32
      %dma_start3A_91 = tpu.memref_slice %arg7[%dma_start3A_83, %dma_start3A_90] : memref<40x128xi32, #tpu.memory_space<vmem>> -> memref<1x128xi32, #tpu.memory_space<vmem>>
      %dma_start3A_92 = tpu.memref_squeeze %dma_start3A_91 : memref<1x128xi32, #tpu.memory_space<vmem>> -> memref<128xi32, #tpu.memory_space<vmem>>
      %dma_start3A_93 = arith.constant 0 : i32
      %dma_start3A_94 = arith.constant 0 : i32
      %dma_start3A_95 = tpu.memref_slice %arg2[%dma_start3A_93, %dma_start3A_94] : memref<10000x128xf32, #tpu.memory_space<hbm>> -> memref<10000x128xf32, #tpu.memory_space<hbm>>
      %dma_start3A_96 = tpu.memref_slice %arg11[%dma_start3A_85] : memref<2x!tpu.dma_semaphore, #tpu.memory_space<semaphore_mem>> -> memref<1x!tpu.dma_semaphore, #tpu.memory_space<semaphore_mem>>
      %dma_start3A_97 = tpu.memref_squeeze %dma_start3A_96 : memref<1x!tpu.dma_semaphore, #tpu.memory_space<semaphore_mem>> -> memref<!tpu.dma_semaphore, #tpu.memory_space<semaphore_mem>>
      tpu.enqueue_indirect_dma source(%dma_start3A_95 : memref<10000x128xf32, #tpu.memory_space<hbm>>) target(%dma_start3A_89 : memref<128x128xf32, #tpu.memory_space<vmem>>) offsets(%dma_start3A_92 : memref<128xi32, #tpu.memory_space<vmem>>) semaphore(%dma_start3A_97 : memref<!tpu.dma_semaphore, #tpu.memory_space<semaphore_mem>>)
      %dma_start3A_98 = arith.constant 1 : i32
      %dma_start3A_99 = arith.constant 1 : i32
      %dma_start3A_100 = arith.constant 1 : i32
      %dma_start3A_101 = arith.constant 0 : i32
      %dma_start3A_102 = arith.constant 0 : i32
      %dma_start3A_103 = tpu.memref_slice %arg9[%dma_start3A_99, %dma_start3A_101, %dma_start3A_102] : memref<2x128x128xf32, #tpu.memory_space<vmem>> -> memref<1x128x128xf32, #tpu.memory_space<vmem>>
      %dma_start3A_104 = tpu.memref_squeeze %dma_start3A_103 : memref<1x128x128xf32, #tpu.memory_space<vmem>> -> memref<128x128xf32, #tpu.memory_space<vmem>>
      %dma_start3A_105 = arith.constant 0 : i32
      %dma_start3A_106 = tpu.memref_slice %arg7[%dma_start3A_98, %dma_start3A_105] : memref<40x128xi32, #tpu.memory_space<vmem>> -> memref<1x128xi32, #tpu.memory_space<vmem>>
      %dma_start3A_107 = tpu.memref_squeeze %dma_start3A_106 : memref<1x128xi32, #tpu.memory_space<vmem>> -> memref<128xi32, #tpu.memory_space<vmem>>
      %dma_start3A_108 = arith.constant 0 : i32
      %dma_start3A_109 = arith.constant 0 : i32
      %dma_start3A_110 = tpu.memref_slice %arg2[%dma_start3A_108, %dma_start3A_109] : memref<10000x128xf32, #tpu.memory_space<hbm>> -> memref<10000x128xf32, #tpu.memory_space<hbm>>
      %dma_start3A_111 = tpu.memref_slice %arg11[%dma_start3A_100] : memref<2x!tpu.dma_semaphore, #tpu.memory_space<semaphore_mem>> -> memref<1x!tpu.dma_semaphore, #tpu.memory_space<semaphore_mem>>
      %dma_start3A_112 = tpu.memref_squeeze %dma_start3A_111 : memref<1x!tpu.dma_semaphore, #tpu.memory_space<semaphore_mem>> -> memref<!tpu.dma_semaphore, #tpu.memory_space<semaphore_mem>>
      tpu.enqueue_indirect_dma source(%dma_start3A_110 : memref<10000x128xf32, #tpu.memory_space<hbm>>) target(%dma_start3A_104 : memref<128x128xf32, #tpu.memory_space<vmem>>) offsets(%dma_start3A_107 : memref<128xi32, #tpu.memory_space<vmem>>) semaphore(%dma_start3A_112 : memref<!tpu.dma_semaphore, #tpu.memory_space<semaphore_mem>>)
      %scan3A_113 = arith.constant 0 : i32
      %scan3A_114 = arith.constant 0 : i32
      %scan3A_115 = arith.constant 20 : i32
      %scan3A_116 = arith.addi %scan3A_114, %scan3A_115 : i32
      %scan3A_117 = arith.constant 1 : i32
      scf.for %scan3A_149 = %scan3A_114 to %scan3A_116 step %scan3A_117  : i32 {
        %mul3A_150 = arith.constant 2 : i32
        %mul3A_151 = arith.muli %scan3A_149, %mul3A_150 : i32
        %add3A_152 = arith.constant 0 : i32
        %add3A_153 = arith.addi %mul3A_151, %add3A_152 : i32
        %dma_wait3A_154 = arith.constant 0 : i32
        %dma_wait3A_155 = arith.constant 0 : i32
        %dma_wait3A_156 = arith.constant 0 : i32
        %dma_wait3A_157 = arith.constant 0 : i32
        %dma_wait3A_158 = tpu.memref_slice %arg9[%dma_wait3A_154, %dma_wait3A_156, %dma_wait3A_157] : memref<2x128x128xf32, #tpu.memory_space<vmem>> -> memref<1x128x128xf32, #tpu.memory_space<vmem>>
        %dma_wait3A_159 = tpu.memref_squeeze %dma_wait3A_158 : memref<1x128x128xf32, #tpu.memory_space<vmem>> -> memref<128x128xf32, #tpu.memory_space<vmem>>
        %dma_wait3A_160 = arith.constant 0 : i32
        %dma_wait3A_161 = tpu.memref_slice %arg7[%add3A_153, %dma_wait3A_160] : memref<40x128xi32, #tpu.memory_space<vmem>> -> memref<1x128xi32, #tpu.memory_space<vmem>>
        %dma_wait3A_162 = tpu.memref_squeeze %dma_wait3A_161 : memref<1x128xi32, #tpu.memory_space<vmem>> -> memref<128xi32, #tpu.memory_space<vmem>>
        %dma_wait3A_163 = arith.constant 0 : i32
        %dma_wait3A_164 = arith.constant 0 : i32
        %dma_wait3A_165 = tpu.memref_slice %arg2[%dma_wait3A_163, %dma_wait3A_164] : memref<10000x128xf32, #tpu.memory_space<hbm>> -> memref<10000x128xf32, #tpu.memory_space<hbm>>
        %dma_wait3A_166 = tpu.memref_slice %arg11[%dma_wait3A_155] : memref<2x!tpu.dma_semaphore, #tpu.memory_space<semaphore_mem>> -> memref<1x!tpu.dma_semaphore, #tpu.memory_space<semaphore_mem>>
        %dma_wait3A_167 = tpu.memref_squeeze %dma_wait3A_166 : memref<1x!tpu.dma_semaphore, #tpu.memory_space<semaphore_mem>> -> memref<!tpu.dma_semaphore, #tpu.memory_space<semaphore_mem>>
        tpu.wait_indirect_dma semaphore(%dma_wait3A_167 : memref<!tpu.dma_semaphore, #tpu.memory_space<semaphore_mem>>) src(%dma_wait3A_165 : memref<10000x128xf32, #tpu.memory_space<hbm>>) dst(%dma_wait3A_159 : memref<128x128xf32, #tpu.memory_space<vmem>>)
        %dma_start3A_168 = arith.constant 0 : i32
        %dma_start3A_169 = arith.constant 0 : i32
        %dma_start3A_170 = arith.constant 0 : i32
        %dma_start3A_171 = arith.constant 0 : i32
        %dma_start3A_172 = tpu.memref_slice %arg9[%dma_start3A_168, %dma_start3A_170, %dma_start3A_171] : memref<2x128x128xf32, #tpu.memory_space<vmem>> -> memref<1x128x128xf32, #tpu.memory_space<vmem>>
        %dma_start3A_173 = tpu.memref_squeeze %dma_start3A_172 : memref<1x128x128xf32, #tpu.memory_space<vmem>> -> memref<128x128xf32, #tpu.memory_space<vmem>>
        %dma_start3A_174 = arith.constant 0 : i32
        %dma_start3A_175 = tpu.memref_slice %arg8[%add3A_153, %dma_start3A_174] : memref<40x128xi32, #tpu.memory_space<vmem>> -> memref<1x128xi32, #tpu.memory_space<vmem>>
        %dma_start3A_176 = tpu.memref_squeeze %dma_start3A_175 : memref<1x128xi32, #tpu.memory_space<vmem>> -> memref<128xi32, #tpu.memory_space<vmem>>
        %dma_start3A_177 = arith.constant 0 : i32
        %dma_start3A_178 = arith.constant 0 : i32
        %dma_start3A_179 = tpu.memref_slice %arg10[%dma_start3A_177, %dma_start3A_178] : memref<10112x128xf32, #tpu.memory_space<vmem_shared>> -> memref<10112x128xf32, #tpu.memory_space<vmem_shared>>
        %dma_start3A_180 = tpu.memref_slice %arg12[%dma_start3A_169] : memref<2x!tpu.dma_semaphore, #tpu.memory_space<semaphore_mem>> -> memref<1x!tpu.dma_semaphore, #tpu.memory_space<semaphore_mem>>
        %dma_start3A_181 = tpu.memref_squeeze %dma_start3A_180 : memref<1x!tpu.dma_semaphore, #tpu.memory_space<semaphore_mem>> -> memref<!tpu.dma_semaphore, #tpu.memory_space<semaphore_mem>>
        tpu.enqueue_indirect_dma source(%dma_start3A_173 : memref<128x128xf32, #tpu.memory_space<vmem>>) target(%dma_start3A_179 : memref<10112x128xf32, #tpu.memory_space<vmem_shared>>) offsets(%dma_start3A_176 : memref<128xi32, #tpu.memory_space<vmem>>) semaphore(%dma_start3A_181 : memref<!tpu.dma_semaphore, #tpu.memory_space<semaphore_mem>>) {add = true}
        %sub3A = arith.constant 1 : i32
        %sub3A_182 = arith.subi %add3A_153, %sub3A : i32
        %ge3A = arith.constant 0 : i32
        %ge3A_183 = arith.cmpi sge, %sub3A_182, %ge3A : i32
        %add3A_184 = arith.constant 2 : i32
        %add3A_185 = arith.addi %sub3A_182, %add3A_184 : i32
        %lt3A = arith.constant 40 : i32
        %lt3A_186 = arith.cmpi slt, %add3A_185, %lt3A : i32
        %and3A = arith.andi %ge3A_183, %lt3A_186 : i1
        %convert_element_type3A_187 = arith.extui %and3A : i1 to i32
        %cond3A_188 = arith.constant 0 : i32
        %cond3A_189 = arith.cmpi ne, %convert_element_type3A_187, %cond3A_188 : i32
        scf.if %cond3A_189 {
          %dma_wait3A_234 = arith.constant 1 : i32
          %dma_wait3A_235 = arith.constant 1 : i32
          %dma_wait3A_236 = arith.constant 0 : i32
          %dma_wait3A_237 = arith.constant 0 : i32
          %dma_wait3A_238 = tpu.memref_slice %arg9[%dma_wait3A_234, %dma_wait3A_236, %dma_wait3A_237] : memref<2x128x128xf32, #tpu.memory_space<vmem>> -> memref<1x128x128xf32, #tpu.memory_space<vmem>>
          %dma_wait3A_239 = tpu.memref_squeeze %dma_wait3A_238 : memref<1x128x128xf32, #tpu.memory_space<vmem>> -> memref<128x128xf32, #tpu.memory_space<vmem>>
          %dma_wait3A_240 = arith.constant 0 : i32
          %dma_wait3A_241 = tpu.memref_slice %arg8[%sub3A_182, %dma_wait3A_240] : memref<40x128xi32, #tpu.memory_space<vmem>> -> memref<1x128xi32, #tpu.memory_space<vmem>>
          %dma_wait3A_242 = tpu.memref_squeeze %dma_wait3A_241 : memref<1x128xi32, #tpu.memory_space<vmem>> -> memref<128xi32, #tpu.memory_space<vmem>>
          %dma_wait3A_243 = arith.constant 0 : i32
          %dma_wait3A_244 = arith.constant 0 : i32
          %dma_wait3A_245 = tpu.memref_slice %arg10[%dma_wait3A_243, %dma_wait3A_244] : memref<10112x128xf32, #tpu.memory_space<vmem_shared>> -> memref<10112x128xf32, #tpu.memory_space<vmem_shared>>
          %dma_wait3A_246 = tpu.memref_slice %arg12[%dma_wait3A_235] : memref<2x!tpu.dma_semaphore, #tpu.memory_space<semaphore_mem>> -> memref<1x!tpu.dma_semaphore, #tpu.memory_space<semaphore_mem>>
          %dma_wait3A_247 = tpu.memref_squeeze %dma_wait3A_246 : memref<1x!tpu.dma_semaphore, #tpu.memory_space<semaphore_mem>> -> memref<!tpu.dma_semaphore, #tpu.memory_space<semaphore_mem>>
          tpu.wait_indirect_dma semaphore(%dma_wait3A_247 : memref<!tpu.dma_semaphore, #tpu.memory_space<semaphore_mem>>) src(%dma_wait3A_239 : memref<128x128xf32, #tpu.memory_space<vmem>>) dst(%dma_wait3A_245 : memref<10112x128xf32, #tpu.memory_space<vmem_shared>>)
          %add3A_248 = arith.constant 2 : i32
          %add3A_249 = arith.addi %sub3A_182, %add3A_248 : i32
          %dma_start3A_250 = arith.constant 1 : i32
          %dma_start3A_251 = arith.constant 1 : i32
          %dma_start3A_252 = arith.constant 0 : i32
          %dma_start3A_253 = arith.constant 0 : i32
          %dma_start3A_254 = tpu.memref_slice %arg9[%dma_start3A_250, %dma_start3A_252, %dma_start3A_253] : memref<2x128x128xf32, #tpu.memory_space<vmem>> -> memref<1x128x128xf32, #tpu.memory_space<vmem>>
          %dma_start3A_255 = tpu.memref_squeeze %dma_start3A_254 : memref<1x128x128xf32, #tpu.memory_space<vmem>> -> memref<128x128xf32, #tpu.memory_space<vmem>>
          %dma_start3A_256 = arith.constant 0 : i32
          %dma_start3A_257 = tpu.memref_slice %arg7[%add3A_249, %dma_start3A_256] : memref<40x128xi32, #tpu.memory_space<vmem>> -> memref<1x128xi32, #tpu.memory_space<vmem>>
          %dma_start3A_258 = tpu.memref_squeeze %dma_start3A_257 : memref<1x128xi32, #tpu.memory_space<vmem>> -> memref<128xi32, #tpu.memory_space<vmem>>
          %dma_start3A_259 = arith.constant 0 : i32
          %dma_start3A_260 = arith.constant 0 : i32
          %dma_start3A_261 = tpu.memref_slice %arg2[%dma_start3A_259, %dma_start3A_260] : memref<10000x128xf32, #tpu.memory_space<hbm>> -> memref<10000x128xf32, #tpu.memory_space<hbm>>
          %dma_start3A_262 = tpu.memref_slice %arg11[%dma_start3A_251] : memref<2x!tpu.dma_semaphore, #tpu.memory_space<semaphore_mem>> -> memref<1x!tpu.dma_semaphore, #tpu.memory_space<semaphore_mem>>
          %dma_start3A_263 = tpu.memref_squeeze %dma_start3A_262 : memref<1x!tpu.dma_semaphore, #tpu.memory_space<semaphore_mem>> -> memref<!tpu.dma_semaphore, #tpu.memory_space<semaphore_mem>>
          tpu.enqueue_indirect_dma source(%dma_start3A_261 : memref<10000x128xf32, #tpu.memory_space<hbm>>) target(%dma_start3A_255 : memref<128x128xf32, #tpu.memory_space<vmem>>) offsets(%dma_start3A_258 : memref<128xi32, #tpu.memory_space<vmem>>) semaphore(%dma_start3A_263 : memref<!tpu.dma_semaphore, #tpu.memory_space<semaphore_mem>>)
        } else {
        }
        %mul3A_190 = arith.constant 2 : i32
        %mul3A_191 = arith.muli %scan3A_149, %mul3A_190 : i32
        %add3A_192 = arith.constant 1 : i32
        %add3A_193 = arith.addi %mul3A_191, %add3A_192 : i32
        %dma_wait3A_194 = arith.constant 1 : i32
        %dma_wait3A_195 = arith.constant 1 : i32
        %dma_wait3A_196 = arith.constant 0 : i32
        %dma_wait3A_197 = arith.constant 0 : i32
        %dma_wait3A_198 = tpu.memref_slice %arg9[%dma_wait3A_194, %dma_wait3A_196, %dma_wait3A_197] : memref<2x128x128xf32, #tpu.memory_space<vmem>> -> memref<1x128x128xf32, #tpu.memory_space<vmem>>
        %dma_wait3A_199 = tpu.memref_squeeze %dma_wait3A_198 : memref<1x128x128xf32, #tpu.memory_space<vmem>> -> memref<128x128xf32, #tpu.memory_space<vmem>>
        %dma_wait3A_200 = arith.constant 0 : i32
        %dma_wait3A_201 = tpu.memref_slice %arg7[%add3A_193, %dma_wait3A_200] : memref<40x128xi32, #tpu.memory_space<vmem>> -> memref<1x128xi32, #tpu.memory_space<vmem>>
        %dma_wait3A_202 = tpu.memref_squeeze %dma_wait3A_201 : memref<1x128xi32, #tpu.memory_space<vmem>> -> memref<128xi32, #tpu.memory_space<vmem>>
        %dma_wait3A_203 = arith.constant 0 : i32
        %dma_wait3A_204 = arith.constant 0 : i32
        %dma_wait3A_205 = tpu.memref_slice %arg2[%dma_wait3A_203, %dma_wait3A_204] : memref<10000x128xf32, #tpu.memory_space<hbm>> -> memref<10000x128xf32, #tpu.memory_space<hbm>>
        %dma_wait3A_206 = tpu.memref_slice %arg11[%dma_wait3A_195] : memref<2x!tpu.dma_semaphore, #tpu.memory_space<semaphore_mem>> -> memref<1x!tpu.dma_semaphore, #tpu.memory_space<semaphore_mem>>
        %dma_wait3A_207 = tpu.memref_squeeze %dma_wait3A_206 : memref<1x!tpu.dma_semaphore, #tpu.memory_space<semaphore_mem>> -> memref<!tpu.dma_semaphore, #tpu.memory_space<semaphore_mem>>
        tpu.wait_indirect_dma semaphore(%dma_wait3A_207 : memref<!tpu.dma_semaphore, #tpu.memory_space<semaphore_mem>>) src(%dma_wait3A_205 : memref<10000x128xf32, #tpu.memory_space<hbm>>) dst(%dma_wait3A_199 : memref<128x128xf32, #tpu.memory_space<vmem>>)
        %dma_start3A_208 = arith.constant 1 : i32
        %dma_start3A_209 = arith.constant 1 : i32
        %dma_start3A_210 = arith.constant 0 : i32
        %dma_start3A_211 = arith.constant 0 : i32
        %dma_start3A_212 = tpu.memref_slice %arg9[%dma_start3A_208, %dma_start3A_210, %dma_start3A_211] : memref<2x128x128xf32, #tpu.memory_space<vmem>> -> memref<1x128x128xf32, #tpu.memory_space<vmem>>
        %dma_start3A_213 = tpu.memref_squeeze %dma_start3A_212 : memref<1x128x128xf32, #tpu.memory_space<vmem>> -> memref<128x128xf32, #tpu.memory_space<vmem>>
        %dma_start3A_214 = arith.constant 0 : i32
        %dma_start3A_215 = tpu.memref_slice %arg8[%add3A_193, %dma_start3A_214] : memref<40x128xi32, #tpu.memory_space<vmem>> -> memref<1x128xi32, #tpu.memory_space<vmem>>
        %dma_start3A_216 = tpu.memref_squeeze %dma_start3A_215 : memref<1x128xi32, #tpu.memory_space<vmem>> -> memref<128xi32, #tpu.memory_space<vmem>>
        %dma_start3A_217 = arith.constant 0 : i32
        %dma_start3A_218 = arith.constant 0 : i32
        %dma_start3A_219 = tpu.memref_slice %arg10[%dma_start3A_217, %dma_start3A_218] : memref<10112x128xf32, #tpu.memory_space<vmem_shared>> -> memref<10112x128xf32, #tpu.memory_space<vmem_shared>>
        %dma_start3A_220 = tpu.memref_slice %arg12[%dma_start3A_209] : memref<2x!tpu.dma_semaphore, #tpu.memory_space<semaphore_mem>> -> memref<1x!tpu.dma_semaphore, #tpu.memory_space<semaphore_mem>>
        %dma_start3A_221 = tpu.memref_squeeze %dma_start3A_220 : memref<1x!tpu.dma_semaphore, #tpu.memory_space<semaphore_mem>> -> memref<!tpu.dma_semaphore, #tpu.memory_space<semaphore_mem>>
        tpu.enqueue_indirect_dma source(%dma_start3A_213 : memref<128x128xf32, #tpu.memory_space<vmem>>) target(%dma_start3A_219 : memref<10112x128xf32, #tpu.memory_space<vmem_shared>>) offsets(%dma_start3A_216 : memref<128xi32, #tpu.memory_space<vmem>>) semaphore(%dma_start3A_221 : memref<!tpu.dma_semaphore, #tpu.memory_space<semaphore_mem>>) {add = true}
        %sub3A_222 = arith.constant 1 : i32
        %sub3A_223 = arith.subi %add3A_193, %sub3A_222 : i32
        %ge3A_224 = arith.constant 0 : i32
        %ge3A_225 = arith.cmpi sge, %sub3A_223, %ge3A_224 : i32
        %add3A_226 = arith.constant 2 : i32
        %add3A_227 = arith.addi %sub3A_223, %add3A_226 : i32
        %lt3A_228 = arith.constant 40 : i32
        %lt3A_229 = arith.cmpi slt, %add3A_227, %lt3A_228 : i32
        %and3A_230 = arith.andi %ge3A_225, %lt3A_229 : i1
        %convert_element_type3A_231 = arith.extui %and3A_230 : i1 to i32
        %cond3A_232 = arith.constant 0 : i32
        %cond3A_233 = arith.cmpi ne, %convert_element_type3A_231, %cond3A_232 : i32
        scf.if %cond3A_233 {
          %dma_wait3A_234 = arith.constant 0 : i32
          %dma_wait3A_235 = arith.constant 0 : i32
          %dma_wait3A_236 = arith.constant 0 : i32
          %dma_wait3A_237 = arith.constant 0 : i32
          %dma_wait3A_238 = tpu.memref_slice %arg9[%dma_wait3A_234, %dma_wait3A_236, %dma_wait3A_237] : memref<2x128x128xf32, #tpu.memory_space<vmem>> -> memref<1x128x128xf32, #tpu.memory_space<vmem>>
          %dma_wait3A_239 = tpu.memref_squeeze %dma_wait3A_238 : memref<1x128x128xf32, #tpu.memory_space<vmem>> -> memref<128x128xf32, #tpu.memory_space<vmem>>
          %dma_wait3A_240 = arith.constant 0 : i32
          %dma_wait3A_241 = tpu.memref_slice %arg8[%sub3A_223, %dma_wait3A_240] : memref<40x128xi32, #tpu.memory_space<vmem>> -> memref<1x128xi32, #tpu.memory_space<vmem>>
          %dma_wait3A_242 = tpu.memref_squeeze %dma_wait3A_241 : memref<1x128xi32, #tpu.memory_space<vmem>> -> memref<128xi32, #tpu.memory_space<vmem>>
          %dma_wait3A_243 = arith.constant 0 : i32
          %dma_wait3A_244 = arith.constant 0 : i32
          %dma_wait3A_245 = tpu.memref_slice %arg10[%dma_wait3A_243, %dma_wait3A_244] : memref<10112x128xf32, #tpu.memory_space<vmem_shared>> -> memref<10112x128xf32, #tpu.memory_space<vmem_shared>>
          %dma_wait3A_246 = tpu.memref_slice %arg12[%dma_wait3A_235] : memref<2x!tpu.dma_semaphore, #tpu.memory_space<semaphore_mem>> -> memref<1x!tpu.dma_semaphore, #tpu.memory_space<semaphore_mem>>
          %dma_wait3A_247 = tpu.memref_squeeze %dma_wait3A_246 : memref<1x!tpu.dma_semaphore, #tpu.memory_space<semaphore_mem>> -> memref<!tpu.dma_semaphore, #tpu.memory_space<semaphore_mem>>
          tpu.wait_indirect_dma semaphore(%dma_wait3A_247 : memref<!tpu.dma_semaphore, #tpu.memory_space<semaphore_mem>>) src(%dma_wait3A_239 : memref<128x128xf32, #tpu.memory_space<vmem>>) dst(%dma_wait3A_245 : memref<10112x128xf32, #tpu.memory_space<vmem_shared>>)
          %add3A_248 = arith.constant 2 : i32
          %add3A_249 = arith.addi %sub3A_223, %add3A_248 : i32
          %dma_start3A_250 = arith.constant 0 : i32
          %dma_start3A_251 = arith.constant 0 : i32
          %dma_start3A_252 = arith.constant 0 : i32
          %dma_start3A_253 = arith.constant 0 : i32
          %dma_start3A_254 = tpu.memref_slice %arg9[%dma_start3A_250, %dma_start3A_252, %dma_start3A_253] : memref<2x128x128xf32, #tpu.memory_space<vmem>> -> memref<1x128x128xf32, #tpu.memory_space<vmem>>
          %dma_start3A_255 = tpu.memref_squeeze %dma_start3A_254 : memref<1x128x128xf32, #tpu.memory_space<vmem>> -> memref<128x128xf32, #tpu.memory_space<vmem>>
          %dma_start3A_256 = arith.constant 0 : i32
          %dma_start3A_257 = tpu.memref_slice %arg7[%add3A_249, %dma_start3A_256] : memref<40x128xi32, #tpu.memory_space<vmem>> -> memref<1x128xi32, #tpu.memory_space<vmem>>
          %dma_start3A_258 = tpu.memref_squeeze %dma_start3A_257 : memref<1x128xi32, #tpu.memory_space<vmem>> -> memref<128xi32, #tpu.memory_space<vmem>>
          %dma_start3A_259 = arith.constant 0 : i32
          %dma_start3A_260 = arith.constant 0 : i32
          %dma_start3A_261 = tpu.memref_slice %arg2[%dma_start3A_259, %dma_start3A_260] : memref<10000x128xf32, #tpu.memory_space<hbm>> -> memref<10000x128xf32, #tpu.memory_space<hbm>>
          %dma_start3A_262 = tpu.memref_slice %arg11[%dma_start3A_251] : memref<2x!tpu.dma_semaphore, #tpu.memory_space<semaphore_mem>> -> memref<1x!tpu.dma_semaphore, #tpu.memory_space<semaphore_mem>>
          %dma_start3A_263 = tpu.memref_squeeze %dma_start3A_262 : memref<1x!tpu.dma_semaphore, #tpu.memory_space<semaphore_mem>> -> memref<!tpu.dma_semaphore, #tpu.memory_space<semaphore_mem>>
          tpu.enqueue_indirect_dma source(%dma_start3A_261 : memref<10000x128xf32, #tpu.memory_space<hbm>>) target(%dma_start3A_255 : memref<128x128xf32, #tpu.memory_space<vmem>>) offsets(%dma_start3A_258 : memref<128xi32, #tpu.memory_space<vmem>>) semaphore(%dma_start3A_263 : memref<!tpu.dma_semaphore, #tpu.memory_space<semaphore_mem>>)
        } else {
        }
      }
      %scan3A_118 = arith.constant 20 : i32
      %dma_wait3A_119 = arith.constant 0 : i32
      %dma_wait3A_120 = arith.constant 38 : i32
      %dma_wait3A_121 = arith.constant 0 : i32
      %dma_wait3A_122 = arith.constant 0 : i32
      %dma_wait3A_123 = arith.constant 0 : i32
      %dma_wait3A_124 = tpu.memref_slice %arg9[%dma_wait3A_119, %dma_wait3A_122, %dma_wait3A_123] : memref<2x128x128xf32, #tpu.memory_space<vmem>> -> memref<1x128x128xf32, #tpu.memory_space<vmem>>
      %dma_wait3A_125 = tpu.memref_squeeze %dma_wait3A_124 : memref<1x128x128xf32, #tpu.memory_space<vmem>> -> memref<128x128xf32, #tpu.memory_space<vmem>>
      %dma_wait3A_126 = arith.constant 0 : i32
      %dma_wait3A_127 = tpu.memref_slice %arg8[%dma_wait3A_120, %dma_wait3A_126] : memref<40x128xi32, #tpu.memory_space<vmem>> -> memref<1x128xi32, #tpu.memory_space<vmem>>
      %dma_wait3A_128 = tpu.memref_squeeze %dma_wait3A_127 : memref<1x128xi32, #tpu.memory_space<vmem>> -> memref<128xi32, #tpu.memory_space<vmem>>
      %dma_wait3A_129 = arith.constant 0 : i32
      %dma_wait3A_130 = arith.constant 0 : i32
      %dma_wait3A_131 = tpu.memref_slice %arg10[%dma_wait3A_129, %dma_wait3A_130] : memref<10112x128xf32, #tpu.memory_space<vmem_shared>> -> memref<10112x128xf32, #tpu.memory_space<vmem_shared>>
      %dma_wait3A_132 = tpu.memref_slice %arg12[%dma_wait3A_121] : memref<2x!tpu.dma_semaphore, #tpu.memory_space<semaphore_mem>> -> memref<1x!tpu.dma_semaphore, #tpu.memory_space<semaphore_mem>>
      %dma_wait3A_133 = tpu.memref_squeeze %dma_wait3A_132 : memref<1x!tpu.dma_semaphore, #tpu.memory_space<semaphore_mem>> -> memref<!tpu.dma_semaphore, #tpu.memory_space<semaphore_mem>>
      tpu.wait_indirect_dma semaphore(%dma_wait3A_133 : memref<!tpu.dma_semaphore, #tpu.memory_space<semaphore_mem>>) src(%dma_wait3A_125 : memref<128x128xf32, #tpu.memory_space<vmem>>) dst(%dma_wait3A_131 : memref<10112x128xf32, #tpu.memory_space<vmem_shared>>)
      %dma_wait3A_134 = arith.constant 1 : i32
      %dma_wait3A_135 = arith.constant 39 : i32
      %dma_wait3A_136 = arith.constant 1 : i32
      %dma_wait3A_137 = arith.constant 0 : i32
      %dma_wait3A_138 = arith.constant 0 : i32
      %dma_wait3A_139 = tpu.memref_slice %arg9[%dma_wait3A_134, %dma_wait3A_137, %dma_wait3A_138] : memref<2x128x128xf32, #tpu.memory_space<vmem>> -> memref<1x128x128xf32, #tpu.memory_space<vmem>>
      %dma_wait3A_140 = tpu.memref_squeeze %dma_wait3A_139 : memref<1x128x128xf32, #tpu.memory_space<vmem>> -> memref<128x128xf32, #tpu.memory_space<vmem>>
      %dma_wait3A_141 = arith.constant 0 : i32
      %dma_wait3A_142 = tpu.memref_slice %arg8[%dma_wait3A_135, %dma_wait3A_141] : memref<40x128xi32, #tpu.memory_space<vmem>> -> memref<1x128xi32, #tpu.memory_space<vmem>>
      %dma_wait3A_143 = tpu.memref_squeeze %dma_wait3A_142 : memref<1x128xi32, #tpu.memory_space<vmem>> -> memref<128xi32, #tpu.memory_space<vmem>>
      %dma_wait3A_144 = arith.constant 0 : i32
      %dma_wait3A_145 = arith.constant 0 : i32
      %dma_wait3A_146 = tpu.memref_slice %arg10[%dma_wait3A_144, %dma_wait3A_145] : memref<10112x128xf32, #tpu.memory_space<vmem_shared>> -> memref<10112x128xf32, #tpu.memory_space<vmem_shared>>
      %dma_wait3A_147 = tpu.memref_slice %arg12[%dma_wait3A_136] : memref<2x!tpu.dma_semaphore, #tpu.memory_space<semaphore_mem>> -> memref<1x!tpu.dma_semaphore, #tpu.memory_space<semaphore_mem>>
      %dma_wait3A_148 = tpu.memref_squeeze %dma_wait3A_147 : memref<1x!tpu.dma_semaphore, #tpu.memory_space<semaphore_mem>> -> memref<!tpu.dma_semaphore, #tpu.memory_space<semaphore_mem>>
      tpu.wait_indirect_dma semaphore(%dma_wait3A_148 : memref<!tpu.dma_semaphore, #tpu.memory_space<semaphore_mem>>) src(%dma_wait3A_140 : memref<128x128xf32, #tpu.memory_space<vmem>>) dst(%dma_wait3A_146 : memref<10112x128xf32, #tpu.memory_space<vmem_shared>>)
    } else {
    }
    %barrier3A_76 = arith.constant 0 : index
    tpu.barrier barrier_id(%barrier3A_76)
    %mul3A_77 = arith.constant 632 : i32
    %mul3A_78 = arith.muli %arg1, %mul3A_77 : i32
    %mul3A_79 = arith.constant 10112 : i32
    %mul3A_80 = arith.muli %arg0, %mul3A_79 : i32
    %mul3A_81 = arith.constant 632 : i32
    %mul3A_82 = arith.muli %arg1, %mul3A_81 : i32
    %add3A = arith.addi %mul3A_80, %mul3A_82 : i32
    "tpu.region"() ({
      %run_scoped3A = tpu.sem_alloc : memref<!tpu.dma_semaphore, #tpu.memory_space<semaphore_mem>>
      %dma_start3A_83 = arith.constant 0 : i32
      %dma_start3A_84 = tpu.memref_slice %arg6[%add3A, %dma_start3A_83] : memref<20224x128xf32, #tpu.memory_space<hbm>> -> memref<632x128xf32, #tpu.memory_space<hbm>>
      %dma_start3A_85 = arith.constant 0 : i32
      %dma_start3A_86 = tpu.memref_slice %arg10[%mul3A_78, %dma_start3A_85] : memref<10112x128xf32, #tpu.memory_space<vmem_shared>> -> memref<632x128xf32, #tpu.memory_space<vmem_shared>>
      tpu.enqueue_dma source(%dma_start3A_86 : memref<632x128xf32, #tpu.memory_space<vmem_shared>>) target(%dma_start3A_84 : memref<632x128xf32, #tpu.memory_space<hbm>>) target_semaphore(%run_scoped3A : memref<!tpu.dma_semaphore, #tpu.memory_space<semaphore_mem>>)
      %dma_wait3A_87 = arith.constant 0 : i32
      %dma_wait3A_88 = tpu.memref_slice %arg6[%add3A, %dma_wait3A_87] : memref<20224x128xf32, #tpu.memory_space<hbm>> -> memref<632x128xf32, #tpu.memory_space<hbm>>
      %dma_wait3A_89 = arith.constant 0 : i32
      %dma_wait3A_90 = tpu.memref_slice %arg10[%mul3A_78, %dma_wait3A_89] : memref<10112x128xf32, #tpu.memory_space<vmem_shared>> -> memref<632x128xf32, #tpu.memory_space<vmem_shared>>
      tpu.wait_dma2 semaphore(%run_scoped3A : memref<!tpu.dma_semaphore, #tpu.memory_space<semaphore_mem>>) src(%dma_wait3A_90 : memref<632x128xf32, #tpu.memory_space<vmem_shared>>) dst(%dma_wait3A_88 : memref<632x128xf32, #tpu.memory_space<hbm>>)
      tpu.yield
    }) : () -> ()
    return
  }
}

module attributes {stable_mosaic.version = 14 : i64} {
  func.func @body(%arg0: memref<10000x128xf32, #tpu.memory_space<vmem>>, %arg1: memref<128x128xf32, #tpu.memory_space<vmem>>, %arg2: memref<20224x128xf32, #tpu.memory_space<vmem>>, %arg3: memref<10000x128xf32, #tpu.memory_space<vmem>>) attributes {dimension_semantics = [], scalar_prefetch = 0 : i64, scratch_operands = 0 : i64, tpu.core_type = #tpu.core_type<tc>} {
    %get3A = arith.constant 0 : index
    %get3A_0 = arith.constant 0 : index
    %get3A_1 = vector.load %arg2[%get3A, %get3A_0] : memref<20224x128xf32, #tpu.memory_space<vmem>>, vector<10000x1xf32>
    %get3A_2 = arith.constant 10112 : index
    %get3A_3 = arith.constant 0 : index
    %get3A_4 = vector.load %arg2[%get3A_2, %get3A_3] : memref<20224x128xf32, #tpu.memory_space<vmem>>, vector<10000x1xf32>
    %add3A = arith.addf %get3A_1, %get3A_4 : vector<10000x1xf32>
    %add3A_5 = arith.constant 1.000000e+00 : f32
    %add3A_6 = vector.broadcast %add3A_5 : f32 to vector<10000x1xf32>
    %add3A_7 = arith.addf %add3A, %add3A_6 : vector<10000x1xf32>
    %rsqrt3A = math.rsqrt %add3A_7 : vector<10000x1xf32>
    %get3A_8 = arith.constant 0 : index
    %get3A_9 = arith.constant 0 : index
    %get3A_10 = vector.load %arg0[%get3A_8, %get3A_9] : memref<10000x128xf32, #tpu.memory_space<vmem>>, vector<10000x128xf32>
    %get3A_11 = arith.constant 0 : index
    %get3A_12 = arith.constant 0 : index
    %get3A_13 = vector.load %arg1[%get3A_11, %get3A_12] : memref<128x128xf32, #tpu.memory_space<vmem>>, vector<128x128xf32>
    %dot_general3A = arith.constant dense<0.000000e+00> : vector<10000x128xf32>
    %dot_general3A_14 = tpu.matmul %get3A_10, %get3A_13, %dot_general3A {dimension_numbers = #tpu.dot_dimension_numbers<[1], [0], [0], [1], [0, 0, 1, 1], [], []>, transpose_lhs_hint = false} : vector<10000x128xf32>, vector<128x128xf32>, vector<10000x128xf32> -> vector<10000x128xf32>
    %mul3A = vector.broadcast %rsqrt3A : vector<10000x1xf32> to vector<10000x128xf32>
    %mul3A_15 = arith.mulf %dot_general3A_14, %mul3A : vector<10000x128xf32>
    %swap3A = arith.constant 0 : index
    %swap3A_16 = arith.constant 0 : index
    %swap3A_17 = vector.load %arg3[%swap3A, %swap3A_16] : memref<10000x128xf32, #tpu.memory_space<vmem>>, vector<10000x128xf32>
    tpu.vector_store %arg3[%swap3A, %swap3A_16], %mul3A_15 {strides = array<i32>} : memref<10000x128xf32, #tpu.memory_space<vmem>>, vector<10000x128xf32>,
    return
  }
}

module attributes {stable_mosaic.version = 14 : i64} {
  func.func @body(%arg0: memref<20224x128xf32, #tpu.memory_space<vmem>>, %arg1: memref<10000x128xf32, #tpu.memory_space<vmem>>, %arg2: memref<20224x128xf32, #tpu.memory_space<vmem>>, %arg3: memref<1x128xf32, #tpu.memory_space<vmem>>, %arg4: memref<1x128xf32, #tpu.memory_space<vmem>>, %arg5: memref<1x128xf32, #tpu.memory_space<vmem>>, %arg6: memref<128x128xf32, #tpu.memory_space<vmem>>, %arg7: memref<10000x128xf32, #tpu.memory_space<vmem>>) attributes {dimension_semantics = [], scalar_prefetch = 0 : i64, scratch_operands = 0 : i64, tpu.core_type = #tpu.core_type<tc>} {
    %get3A = arith.constant 0 : index
    %get3A_0 = arith.constant 0 : index
    %get3A_1 = vector.load %arg2[%get3A, %get3A_0] : memref<20224x128xf32, #tpu.memory_space<vmem>>, vector<10000x1xf32>
    %get3A_2 = arith.constant 10112 : index
    %get3A_3 = arith.constant 0 : index
    %get3A_4 = vector.load %arg2[%get3A_2, %get3A_3] : memref<20224x128xf32, #tpu.memory_space<vmem>>, vector<10000x1xf32>
    %add3A = arith.addf %get3A_1, %get3A_4 : vector<10000x1xf32>
    %add3A_5 = arith.constant 1.000000e+00 : f32
    %add3A_6 = vector.broadcast %add3A_5 : f32 to vector<10000x1xf32>
    %add3A_7 = arith.addf %add3A, %add3A_6 : vector<10000x1xf32>
    %rsqrt3A = math.rsqrt %add3A_7 : vector<10000x1xf32>
    %get3A_8 = arith.constant 0 : index
    %get3A_9 = arith.constant 0 : index
    %get3A_10 = vector.load %arg0[%get3A_8, %get3A_9] : memref<20224x128xf32, #tpu.memory_space<vmem>>, vector<10000x128xf32>
    %get3A_11 = arith.constant 10112 : index
    %get3A_12 = arith.constant 0 : index
    %get3A_13 = vector.load %arg0[%get3A_11, %get3A_12] : memref<20224x128xf32, #tpu.memory_space<vmem>>, vector<10000x128xf32>
    %add3A_14 = arith.addf %get3A_10, %get3A_13 : vector<10000x128xf32>
    %get3A_15 = arith.constant 0 : index
    %get3A_16 = arith.constant 0 : index
    %get3A_17 = vector.load %arg1[%get3A_15, %get3A_16] : memref<10000x128xf32, #tpu.memory_space<vmem>>, vector<10000x128xf32>
    %add3A_18 = arith.addf %add3A_14, %get3A_17 : vector<10000x128xf32>
    %mul3A = vector.broadcast %rsqrt3A : vector<10000x1xf32> to vector<10000x128xf32>
    %mul3A_19 = arith.mulf %add3A_18, %mul3A : vector<10000x128xf32>
    %get3A_20 = arith.constant 0 : index
    %get3A_21 = arith.constant 0 : index
    %get3A_22 = vector.load %arg3[%get3A_20, %get3A_21] : memref<1x128xf32, #tpu.memory_space<vmem>>, vector<1x128xf32>
    %add3A_23 = vector.broadcast %get3A_22 : vector<1x128xf32> to vector<10000x128xf32>
    %add3A_24 = arith.addf %mul3A_19, %add3A_23 : vector<10000x128xf32>
    %reduce_sum3A = arith.constant dense<0.000000e+00> : vector<128xf32>
    %reduce_sum3A_25 = vector.multi_reduction <add>, %add3A_24, %reduce_sum3A [0] : vector<10000x128xf32> to vector<128xf32>
    %broadcast_in_dim3A = vector.shape_cast %reduce_sum3A_25 : vector<128xf32> to vector<1x128xf32>
    %div3A = arith.constant 1.000000e+04 : f32
    %div3A_26 = vector.broadcast %div3A : f32 to vector<1x128xf32>
    %div3A_27 = arith.divf %broadcast_in_dim3A, %div3A_26 : vector<1x128xf32>
    %sub3A = vector.broadcast %div3A_27 : vector<1x128xf32> to vector<10000x128xf32>
    %sub3A_28 = arith.subf %add3A_24, %sub3A : vector<10000x128xf32>
    %integer_pow3A = arith.mulf %sub3A_28, %sub3A_28 : vector<10000x128xf32>
    %reduce_sum3A_29 = arith.constant dense<0.000000e+00> : vector<128xf32>
    %reduce_sum3A_30 = vector.multi_reduction <add>, %integer_pow3A, %reduce_sum3A_29 [0] : vector<10000x128xf32> to vector<128xf32>
    %broadcast_in_dim3A_31 = vector.shape_cast %reduce_sum3A_30 : vector<128xf32> to vector<1x128xf32>
    %div3A_32 = arith.constant 1.000000e+04 : f32
    %div3A_33 = vector.broadcast %div3A_32 : f32 to vector<1x128xf32>
    %div3A_34 = arith.divf %broadcast_in_dim3A_31, %div3A_33 : vector<1x128xf32>
    %sub3A_35 = vector.broadcast %div3A_27 : vector<1x128xf32> to vector<10000x128xf32>
    %sub3A_36 = arith.subf %add3A_24, %sub3A_35 : vector<10000x128xf32>
    %add3A_37 = arith.constant 9.99999974E-6 : f32
    %add3A_38 = vector.broadcast %add3A_37 : f32 to vector<1x128xf32>
    %add3A_39 = arith.addf %div3A_34, %add3A_38 : vector<1x128xf32>
    %rsqrt3A_40 = math.rsqrt %add3A_39 : vector<1x128xf32>
    %mul3A_41 = vector.broadcast %rsqrt3A_40 : vector<1x128xf32> to vector<10000x128xf32>
    %mul3A_42 = arith.mulf %sub3A_36, %mul3A_41 : vector<10000x128xf32>
    %get3A_43 = arith.constant 0 : index
    %get3A_44 = arith.constant 0 : index
    %get3A_45 = vector.load %arg4[%get3A_43, %get3A_44] : memref<1x128xf32, #tpu.memory_space<vmem>>, vector<1x128xf32>
    %mul3A_46 = vector.broadcast %get3A_45 : vector<1x128xf32> to vector<10000x128xf32>
    %mul3A_47 = arith.mulf %mul3A_42, %mul3A_46 : vector<10000x128xf32>
    %get3A_48 = arith.constant 0 : index
    %get3A_49 = arith.constant 0 : index
    %get3A_50 = vector.load %arg5[%get3A_48, %get3A_49] : memref<1x128xf32, #tpu.memory_space<vmem>>, vector<1x128xf32>
    %add3A_51 = vector.broadcast %get3A_50 : vector<1x128xf32> to vector<10000x128xf32>
    %add3A_52 = arith.addf %mul3A_47, %add3A_51 : vector<10000x128xf32>
    %max3A = arith.constant 0.000000e+00 : f32
    %max3A_53 = vector.broadcast %max3A : f32 to vector<10000x128xf32>
    %max3A_54 = arith.maximumf %add3A_52, %max3A_53 : vector<10000x128xf32>
    %get3A_55 = arith.constant 0 : index
    %get3A_56 = arith.constant 0 : index
    %get3A_57 = vector.load %arg6[%get3A_55, %get3A_56] : memref<128x128xf32, #tpu.memory_space<vmem>>, vector<128x128xf32>
    %dot_general3A = arith.constant dense<0.000000e+00> : vector<10000x128xf32>
    %dot_general3A_58 = tpu.matmul %max3A_54, %get3A_57, %dot_general3A {dimension_numbers = #tpu.dot_dimension_numbers<[1], [0], [0], [1], [0, 0, 1, 1], [], []>, transpose_lhs_hint = false} : vector<10000x128xf32>, vector<128x128xf32>, vector<10000x128xf32> -> vector<10000x128xf32>
    %mul3A_59 = vector.broadcast %rsqrt3A : vector<10000x1xf32> to vector<10000x128xf32>
    %mul3A_60 = arith.mulf %dot_general3A_58, %mul3A_59 : vector<10000x128xf32>
    %swap3A = arith.constant 0 : index
    %swap3A_61 = arith.constant 0 : index
    %swap3A_62 = vector.load %arg7[%swap3A, %swap3A_61] : memref<10000x128xf32, #tpu.memory_space<vmem>>, vector<10000x128xf32>
    tpu.vector_store %arg7[%swap3A, %swap3A_61], %mul3A_60 {strides = array<i32>} : memref<10000x128xf32, #tpu.memory_space<vmem>>, vector<10000x128xf32>,
    return
  }
}

module attributes {stable_mosaic.version = 14 : i64} {
  func.func @body(%arg0: memref<20224x128xf32, #tpu.memory_space<vmem>>, %arg1: memref<10000x128xf32, #tpu.memory_space<vmem>>, %arg2: memref<20224x128xf32, #tpu.memory_space<vmem>>, %arg3: memref<1x64xf32, #tpu.memory_space<vmem>>, %arg4: memref<10000x64xf32, #tpu.memory_space<vmem>>) attributes {dimension_semantics = [], scalar_prefetch = 0 : i64, scratch_operands = 0 : i64, tpu.core_type = #tpu.core_type<tc>} {
    %get3A = arith.constant 0 : index
    %get3A_0 = arith.constant 0 : index
    %get3A_1 = vector.load %arg2[%get3A, %get3A_0] : memref<20224x128xf32, #tpu.memory_space<vmem>>, vector<10000x1xf32>
    %get3A_2 = arith.constant 10112 : index
    %get3A_3 = arith.constant 0 : index
    %get3A_4 = vector.load %arg2[%get3A_2, %get3A_3] : memref<20224x128xf32, #tpu.memory_space<vmem>>, vector<10000x1xf32>
    %add3A = arith.addf %get3A_1, %get3A_4 : vector<10000x1xf32>
    %add3A_5 = arith.constant 1.000000e+00 : f32
    %add3A_6 = vector.broadcast %add3A_5 : f32 to vector<10000x1xf32>
    %add3A_7 = arith.addf %add3A, %add3A_6 : vector<10000x1xf32>
    %rsqrt3A = math.rsqrt %add3A_7 : vector<10000x1xf32>
    %get3A_8 = arith.constant 0 : index
    %get3A_9 = arith.constant 0 : index
    %get3A_10 = vector.load %arg0[%get3A_8, %get3A_9] : memref<20224x128xf32, #tpu.memory_space<vmem>>, vector<10000x64xf32>
    %get3A_11 = arith.constant 10112 : index
    %get3A_12 = arith.constant 0 : index
    %get3A_13 = vector.load %arg0[%get3A_11, %get3A_12] : memref<20224x128xf32, #tpu.memory_space<vmem>>, vector<10000x64xf32>
    %add3A_14 = arith.addf %get3A_10, %get3A_13 : vector<10000x64xf32>
    %get3A_15 = arith.constant 0 : index
    %get3A_16 = arith.constant 0 : index
    %get3A_17 = vector.load %arg1[%get3A_15, %get3A_16] : memref<10000x128xf32, #tpu.memory_space<vmem>>, vector<10000x64xf32>
    %add3A_18 = arith.addf %add3A_14, %get3A_17 : vector<10000x64xf32>
    %mul3A = vector.broadcast %rsqrt3A : vector<10000x1xf32> to vector<10000x64xf32>
    %mul3A_19 = arith.mulf %add3A_18, %mul3A : vector<10000x64xf32>
    %get3A_20 = arith.constant 0 : index
    %get3A_21 = arith.constant 0 : index
    %get3A_22 = vector.load %arg3[%get3A_20, %get3A_21] : memref<1x64xf32, #tpu.memory_space<vmem>>, vector<1x64xf32>
    %add3A_23 = vector.broadcast %get3A_22 : vector<1x64xf32> to vector<10000x64xf32>
    %add3A_24 = arith.addf %mul3A_19, %add3A_23 : vector<10000x64xf32>
    %swap3A = arith.constant 0 : index
    %swap3A_25 = arith.constant 0 : index
    %swap3A_26 = vector.load %arg4[%swap3A, %swap3A_25] : memref<10000x64xf32, #tpu.memory_space<vmem>>, vector<10000x64xf32>
    tpu.vector_store %arg4[%swap3A, %swap3A_25], %add3A_24 {strides = array<i32>} : memref<10000x64xf32, #tpu.memory_space<vmem>>, vector<10000x64xf32>,
    return
  }
}

</mosaic_0001>

<sc_bundles>
// kernel: kernel.10.cloned.1.call-start
scs
__scs_entry_jumppad:
0x0: {  	(pc) =	sbr.rel $0x88, $3  }
0x1: {  	(tag) =	ssettag $0x0;
	lr =	simm.s32 $0x1  }
0x2: {  	[smem:$0x3F95] =	sst lr;
	_ =	strace $0xD0000000  }
0x3: {  	_ = 	snop  }
0x4: {  	_ = 	snop  }
0x5: {  	_ = 	snop  }
0x6: {  	_ = 	snop  }
0x7: {  	_ = 	snop  }
__scs_overlays_trampoline_lowered:
0x8: {  	[smem:$0x3FA4] =	sst s0  }
0x9: {  	[smem:$0x3FA5] =	sst s1  }
0xa: {  	[smem:$0x3FA6] =	sst s2  }
0xb: {  	[smem:$0x3FA7] =	sst s3  }
0xc: {  	[smem:$0x3FA8] =	sst s4  }
0xd: {  	[smem:$0x3FA9] =	sst s5  }
0xe: {  	[smem:$0x3FAA] =	sst s6  }
0xf: {  	[smem:$0x3FAB] =	sst s7  }
0x10: {  	[smem:$0x3FAC] =	sst s8  }
0x11: {  	[smem:$0x3FAD] =	sst s9;
	s0 =	simm.s32 @!p0 $0x0  }
0x12: {  	s1 =	sld [smem:$0x3F93];
	s0 =	simm.s32 @p0 $0x1  }
0x13: {  	[smem:$0x3FAE] =	sst s0;
	s0 =	simm.s32 @!p1 $0x0  }
0x14: {  	s2 =	sld [smem:$0x3F92];
	s0 =	simm.s32 @p1 $0x1  }
0x15: {  	[smem:$0x3FAF] =	sst s0;
	s0 =	simm.s32 @!p2 $0x0  }
0x16: {  	s3 =	sld [smem:$0x3FDB];
	s0 =	simm.s32 @p2 $0x1  }
0x17: {  	s4 =	simm.s32 $0x1BF5;
	[smem:$0x3FB1] =	sst s0  }
0x18: {  	s0 =	sld [smem:$0x3F94];
	_ =	swait.ge [sflag:s4], $0x0  }
0x19: {  	s7 =	sld [smem:$0x3F95]  }
0x1a: {  	s8 =	sadd.s32 $0xFFFFE003, lr  }
0x1b: {  	s9 =	sadd.s32 $0xFFFFFEF7, lr;
	s5 =	simm.s32 $0xFFFFFFFF;
	p2 =	slt.u32 s8, $0xFFFFF086  }
0x1c: {  	p1 =	slt.u32 s9, $0xF7A;
	s5 =	simm.s32 @!p2 $0x0  }
0x1d: {  	s5 =	simm.s32 @p1 $0x1;
	p0 =	seq.s32 s7, s2  }
0x1e: {  	s7 =	smul.u32 @!p0 $0xF7A, s2;
	p2 =	seq.s32 @!p0 s5, $0x0  }
0x1f: {  	s9 =	smul.u32 $0xF7A, s1;
	s8 =	simm.s32 @!p0 $0x1BF5;
	p2 =	por !p2, p0  }
0x20: {  	[sflag:s8] =	ssyncset.s32 @!p0 $0xFFFFF086;
	s6 =	sadd.s32 @!p0 s3, s7;
	s7 =	simm.s32 @!p0 $0x108  }
0x21: {  	s3 =	sadd.s32 s3, s9;
	s6 =	sadd.s32 @!p0 $0x88, s6;
	s7 =	simm.s32 @p2 $0x1082  }
0x22: {  	[simem:s7], [sflag:s8] =	dma.local @!p0 [hbm:s6], $0xF7A  }
0x23: {  	s9 =	sor.u32 $0xD0000000, s2;
	s6 =	simm.s32 $0x108;
	_ =	swait.ge @!p0 [sflag:s8], $0x0  }
0x24: {  	s3 =	sadd.s32 $0x88, s3;
	s6 =	simm.s32 @!p1 $0x1082;
	[sflag:s4] =	ssyncset.s32 $0xFFFFF086  }
0x25: {  	[simem:s6], [sflag:s4] =	dma.local [hbm:s3], $0xF7A  }
0x26: {  	[smem:$0x3F95] =	sst s1;
	(tag) =	ssettag s2;
	_ =	strace s9  }
0x27: {  	s1 =	sld [smem:$0x3FA5]  }
0x28: {  	s2 =	sld [smem:$0x3FA6]  }
0x29: {  	s4 =	sld [smem:$0x3FA8]  }
0x2a: {  	p0 =	seq.s32 s5, $0x0;
	s5 =	sld [smem:$0x3FA9]  }
0x2b: {  	s6 =	sld [smem:$0x3FAA]  }
0x2c: {  	s7 =	sld [smem:$0x3FAB]  }
0x2d: {  	s3 =	simm.s32 $0x108;
	s8 =	sld [smem:$0x3FAC]  }
0x2e: {  	s3 =	simm.s32 @!p0 $0x1082;
	s9 =	sld [smem:$0x3FAD]  }
0x2f: {  	lr =	sadd.s32 s0, s3;
	s0 =	sld [smem:$0x3FA4]  }
0x30: {  	s3 =	sld [smem:$0x3FA7]  }
0x31: {  	[smem:$0x3FB0] =	sst s10  }
0x32: {  	s10 =	sld [smem:$0x3FAE];
	_ =	sdelay $0x3  }
0x33: {  	p0 =	seq.s32 s10, $0x1;
	s10 =	sld [smem:$0x3FB0];
	_ =	sdelay $0x3  }
0x34: {  	[smem:$0x3FB0] =	sst s10  }
0x35: {  	s10 =	sld [smem:$0x3FAF];
	_ =	sdelay $0x3  }
0x36: {  	p1 =	seq.s32 s10, $0x1;
	s10 =	sld [smem:$0x3FB0];
	_ =	sdelay $0x3  }
0x37: {  	[smem:$0x3FB0] =	sst s10  }
0x38: {  	s10 =	sld [smem:$0x3FB1]  }
0x39: {  	_ = 	snop;
	(pc) =	sbr.ind lr, $3  }
0x3a: {  	_ = 	snop  }
0x3b: {  	_ = 	snop  }
0x3c: {  	p2 =	seq.s32 s10, $0x1;
	s10 =	sld [smem:$0x3FB0]  }
0x3d: {  	_ =	shalt  }
0x3e: {  	_ =	shalt  }
0x3f: {  	_ =	shalt  }
0x40: {  	_ =	shalt  }
0x41: {  	_ =	shalt  }
0x42: {  	_ =	shalt  }
0x43: {  	_ =	shalt  }
0x44: {  	_ =	shalt  }
0x45: {  	_ =	shalt  }
0x46: {  	_ =	shalt  }
0x47: {  	_ =	shalt  }
0x48: {  	_ =	shalt  }
0x49: {  	_ =	shalt  }
0x4a: {  	_ =	shalt  }
0x4b: {  	_ =	shalt  }
0x4c: {  	_ =	shalt  }
0x4d: {  	_ =	shalt  }
0x4e: {  	_ =	shalt  }
0x4f: {  	_ =	shalt  }
0x50: {  	_ =	shalt  }
0x51: {  	_ =	shalt  }
0x52: {  	_ =	shalt  }
0x53: {  	_ =	shalt  }
0x54: {  	_ =	shalt  }
0x55: {  	_ =	shalt  }
0x56: {  	_ =	shalt  }
0x57: {  	_ =	shalt  }
0x58: {  	_ =	shalt  }
0x59: {  	_ =	shalt  }
0x5a: {  	_ =	shalt  }
0x5b: {  	_ =	shalt  }
0x5c: {  	_ =	shalt  }
0x5d: {  	_ =	shalt  }
0x5e: {  	_ =	shalt  }
0x5f: {  	_ =	shalt  }
0x60: {  	_ =	shalt  }
0x61: {  	_ =	shalt  }
0x62: {  	_ =	shalt  }
0x63: {  	_ =	shalt  }
0x64: {  	_ =	shalt  }
0x65: {  	_ =	shalt  }
0x66: {  	_ =	shalt  }
0x67: {  	_ =	shalt  }
0x68: {  	_ =	shalt  }
0x69: {  	_ =	shalt  }
0x6a: {  	_ =	shalt  }
0x6b: {  	_ =	shalt  }
0x6c: {  	_ =	shalt  }
0x6d: {  	_ =	shalt  }
0x6e: {  	_ =	shalt  }
0x6f: {  	_ =	shalt  }
0x70: {  	_ =	shalt  }
0x71: {  	_ =	shalt  }
0x72: {  	_ =	shalt  }
0x73: {  	_ =	shalt  }
0x74: {  	_ =	shalt  }
0x75: {  	_ =	shalt  }
0x76: {  	_ =	shalt  }
0x77: {  	_ =	shalt  }
0x78: {  	_ =	shalt  }
0x79: {  	_ =	shalt  }
0x7a: {  	_ =	shalt  }
0x7b: {  	_ =	shalt  }
0x7c: {  	_ =	shalt  }
0x7d: {  	_ =	shalt  }
0x7e: {  	_ =	shalt  }
0x7f: {  	_ =	shalt  }
0x80: {  	_ =	shalt  }
0x81: {  	_ =	shalt  }
0x82: {  	_ =	shalt  }
0x83: {  	_ =	shalt  }
0x84: {  	_ =	shalt  }
0x85: {  	_ =	shalt  }
0x86: {  	_ =	shalt  }
0x87: {  	_ =	shalt  }
.Lfunc_end0:
.L_simem_size_0:
called_computation_lowered:
.L_overlay_start_0:
0x88: {  	s2 =	sld [smem:$0x3FD9]  }
0x89: {  	s3 =	sld [smem:$0x3FFE];
	_ =	sdelay $0x1  }
0x8a: {  	s1 =	srdreg.scid  }
0x8b: {  	s0 =	sand.u32 $0x1, s1  }
0x8c: {  	s17 =	sshll.u32 s0, $0xA;
	s2 =	sadd.s32 s3, s2  }
0x8d: {  	s2 =	sadd.s32 s2, s17  }
0x8e: {  	[smem:$0x3FBC] =	sst s2  }
0x8f: {  	_ = 	snop  }
0x90: {  	s2 =	sld [smem:$0x3FD0];
	(tm) =	ssettm $0x1  }
0x91: {  	s18 =	sld [smem:$0x3FFB];
	_ =	sdelay $0x3  }
0x92: {  	_ =	strace s18  }
0x93: {  	s3 =	sld [smem:$0x3FFC];
	_ =	sdelay $0x3  }
0x94: {  	_ =	strace s3  }
0x95: {  	s3 =	sld [smem:$0x3FFD];
	_ =	sdelay $0x3  }
0x96: {  	_ =	strace s3  }
0x97: {  	_ =	strace $0x8FFFFFFF  }
0x98: {  	s19 =	sld [smem:$0x3FDB];
	_ =	sdelay $0x1  }
0x99: {  	s4 =	simm.s32 $_scs_section_size  }
0x9a: {  	s5 =	simm.s32 $_size__tile_overlayer_lowered;
	s6 =	simm.s32 $_tile_overlayer_lowered  }
0x9b: {  	s22 =	simm.s32 $0x1BFF;
	s21 =	sshll.u32 s6, $0x1;
	s3 =	sadd.s32 s4, s19  }
0x9c: {  	s7 =	simm.s32 $0x0;
	s20 =	sshll.u32 s5, $0x1;
	s5 =	sadd.s32 s21, s3  }
0x9d: {  	[timem:s7], [sflag:s22] =	dma.local [hbm:s5], s20  }
0x9e: {  	_ =	swait.ge [sflag:s22], s20  }
0x9f: {  	s4 =	ssub.s32 $0x0, s20;
	[sflag:s22] =	ssyncset.done $0x0  }
0xa0: {  	[sflag:s22] =	ssyncadd.s32 s4;
	_ =	sdelay $0x1  }
0xa1: {  	s23 =	simm.s32 $0x1B8B  }
0xa2: {  	_ =	swait.ge [sflag:s23], $0x1  }
0xa3: {  	[sflag:s23] =	ssyncset.done $0x0  }
0xa4: {  	s25 =	simm.s32 $0x1B8E;
	s24 =	sld [smem:$0x3FFE];
	[sflag:s23] =	ssyncadd.s32 $0xFFFFFFFF  }
0xa5: {  	s26 =	simm.s32 $execute0_lowered;
	[smem:$0x3FD2] =	sst s25  }
0xa6: {  	s5 =	sshll.u32 s26, $0x1;
	_ =	strace $0x80000046;
	[dreg:$0x1] =	wrdreg $0xFFFFFFFF  }
0xa7: {  	s28 =	simm.s32 $_size_execute0_lowered;
	s3 =	sadd.s32 s3, s5;
	[dreg:$0x0] =	wrdreg $0x0  }
0xa8: {  	s5 =	sshll.u32 s28, $0x1;
	[dreg:$0x2] =	wrdreg s3  }
0xa9: {  	[dreg:$0x3] =	wrdreg s5  }
0xaa: {  	[dreg:$0x4] =	wrdreg $0xC0  }
0xab: {  	_ =	task [dreg:s7], $0x5FFFF  }
0xac: {  	[dreg:$0x1] =	wrdreg $0xFFFFFFFF  }
0xad: {  	[dreg:$0x0] =	wrdreg $0x60  }
0xae: {  	[dreg:$0x2] =	wrdreg s2  }
0xaf: {  	[dreg:$0x3] =	wrdreg s24  }
0xb0: {  	[dreg:$0x4] =	wrdreg $0x68000  }
0xb1: {  	[dreg:$0x5] =	wrdreg $0x9  }
0xb2: {  	_ =	task.clear_ibuf [dreg:s7], $0x6FFFF;
	_ =	strace $0x90000046  }
0xb3: {  	s29 =	simm.s32 $0x9;
	_ =	strace $0x80000048  }
0xb4: {  	_ =	swait.ge [sflag:s29], $0x1  }
0xb5: {  	[sflag:s29] =	ssyncadd.s32 $0xFFFFFFFF  }
0xb6: {  	_ =	strace $0x90000048  }
0xb7: {  	_ =	sfence  }
0xb8: {  	s30 =	sld [smem:$0x0];
	_ =	sdelay $0x2  }
0xb9: {  	s31 =	sshll.u32 s1, $0xD;
	s1 =	sshrl.u32 s1, $0x2  }
0xba: {  	s3 =	sand.u32 $0x4000, s31;
	s1 =	sadd.s32 s1, s30  }
0xbb: {  	s0 =	sor.u32 s3, s0;
	s1 =	sshll.u32 s1, $0x11  }
0xbc: {  	s0 =	sor.u32 s1, s0  }
0xbd: {  	s0 =	sadd.s32 $0x8F2B, s0  }
0xbe: {  	[sflag:s0] =	ssyncadd.remote.s32 $0x1  }
0xbf: {  	_ =	sfence.sel $0xFFFF  }
0xc0: {  	[dreg:$0x0] =	wrdreg $0xFFFFFFFF;
	(pc) =	sbr.abs _section_cstart, $3  }
0xc1: {  	[dreg:$0x1] =	wrdreg $0xFFFFFFFF  }
0xc2: {  	_ =	task.clear_ibuf [dreg:s7], $0x2FFFF;
	_ =	strace $0x9FFFFFFF  }
0xc3: {  	(tm) =	ssettm $0x7FFFFFFF  }
tec
execute0_lowered:
.L_overlay_start_1:
0x0: {  	(tag) =	ssettag $0x1  }
0x1: {  	s5 =	rddreg [dreg:$0x0]  }
0x2: {  	s6 =	rddreg [dreg:$0x1]  }
0x3: {  	s2 =	rddreg [dreg:$0x2]  }
0x4: {  	s0 =	rddreg [dreg:$0x3];
	s3 =	simm.s32 $0x0  }
0x5: {  	s1 =	stileid.u32;
	s4 =	srdreg.scid;
	s13 =	simm.s32 $0x80  }
0x6: {  	s14 =	simm.s32 $0x1;
	s15 =	simm.s32 $0x2;
	s16 =	simm.s32 $0x0  }
0x7: {  	[smem:$0x7FF] =	sst s3;
	s7 =	smul.u32 $0x2780, s1;
	s8 =	sand.u32 $0x1, s4  }
0x8: {  	s4 =	sadd.s32 $0x3E00, s6;
	s10 =	sshll.u32 s1, $0x1;
	s12 =	smul.u32 $0x4F000, s1  }
0x9: {  	s31 =	sshll.u32 s1, $0x6;
	_ =	strace $0x80000047;
	s9 =	smul.u32 $0x27800, s8  }
0xa: {  	s10 =	sor.u32 s8, s10;
	s8 =	ssub.s32 $0x2, s8;
	s11 =	sadd.s32 s7, s6  }
0xb: {  	s28 =	smul.u32 $0x500, s10;
	s29 =	sshrl.u32 s8, $0x1;
	s30 =	sshrl.u32 s12, $0x2  }
0xc: {  	s10 =	simm.s32 $0x2800;
	s7 =	sadd.s32 s7, s9;
	s8 =	ssub.s32 s8, s29  }
0xd: {  	s12 =	sadd.s32 s30, s2;
	s9 =	simm.s32 $0x3;
	s7 =	sadd.s32 s7, s6  }
0xe: {  	s5 =	sadd.s32 s5, s28;
	s6 =	sadd.s32 $0x4600, s11;
	s8 =	smax.u32 s8, $0x1  }
0xf: {  	s11 =	sor.u32 $0x1C03, s31;
	s12 =	sshrl.u32 s12, $0x3;
	s7 =	sadd.s32 $0x2BE00, s7  }
.LBB2_1:
0x10: {  	[tilespmem:s3], [sflag:$0x3] =	stream.linear.gather [hbm4b:s5+s3], $0x2800, $0x38;
	[tilespmem:$0x1A400] =	vst v63  }
0x11: {  	_ =	swait.ge [sflag:s9], $0x2800  }
0x12: {  	[sflag:s9] =	ssyncset.done $0x0  }
0x13: {  	[sflag:s9] =	ssyncadd.s32 $0xFFFFD800  }
0x14: {  	[tilespmem:s10], [sflag:$0x3] =	stream.linear.gather [hbm4b:s4+s3], $0x4000, $0x38;
	[tilespmem:$0x1A400] =	vst v63  }
0x15: {  	_ =	swait.ge [sflag:s9], $0x4000  }
0x16: {  	[sflag:s9] =	ssyncset.done $0x0  }
0x17: {  	[sflag:s9] =	ssyncadd.s32 $0xFFFFC000  }
0x18: {  	[spmem:s12], [sflag:s11] =	dma.local [hbm:s6], $0x2780  }
0x19: {  	_ =	swait.ge [sflag:s9], $0x2780  }
0x1a: {  	[sflag:s9] =	ssyncset.done $0x0  }
0x1b: {  	[sflag:s9] =	ssyncadd.s32 $0xFFFFD880  }
0x1c: {  	[bflag:$0x0] =	sbarrier.arrive $0xFFFF  }
0x1d: {  	[spmem:s2] =	stream.indirect.scatter.add.f32 [tilespmem:s10], [sflag:$0x1], $0x80, s3, s13, $0xb8;
	[tilespmem:$0x1A400] =	vst v63  }
0x1e: {  	_ = 	snop  }
0x1f: {  	[spmem:s2] =	stream.indirect.scatter.add.f32 [tilespmem:s10], [sflag:$0x2], $0x80, s13, s13, $0xb8;
	[tilespmem:$0x1A400] =	vst v63  }
0x20: {  	_ =	swait.ge [sflag:s14], $0x4000  }
0x21: {  	[sflag:s14] =	ssyncset.done $0x0  }
0x22: {  	s17 =	simm.s32 $0x100;
	[sflag:s14] =	ssyncadd.s32 $0xFFFFC000  }
0x23: {  	[spmem:s2] =	stream.indirect.scatter.add.f32 [tilespmem:s10], [sflag:$0x1], $0x80, s17, s13, $0xb8;
	[tilespmem:$0x1A400] =	vst v63  }
0x24: {  	_ =	swait.ge [sflag:s15], $0x4000  }
0x25: {  	[sflag:s15] =	ssyncset.done $0x0  }
0x26: {  	s18 =	simm.s32 $0x180;
	s17 =	simm.s32 $0xFFFF6800;
	[sflag:s15] =	ssyncadd.s32 $0xFFFFC000  }
.LBB2_2:
0x27: {  	[spmem:s2] =	stream.indirect.scatter.add.f32 [tilespmem:s10], [sflag:$0x2], $0x80, s18, s13, $0xb8;
	[tilespmem:$0x1A400] =	vst v63  }
0x28: {  	s18 =	smov.u32 s17  }
0x29: {  	p0 =	sne.s32 s17, $0xFFFFFC00;
	s17 =	sadd.s32 $0x400, s17;
	_ =	swait.ge [sflag:s14], $0x4000  }
0x2a: {  	s18 =	sshra.s32 s18, $0x2;
	[sflag:s14] =	ssyncset.done $0x0  }
.Ltmp0:
0x2b: {  	s19 =	sadd.s32 $0x2800, s18;
	[sflag:s14] =	ssyncadd.s32 $0xFFFFC000;
	(pc) =	sbr.rel @p0 .LBB2_2-.Ltmp0, $4  }
0x2c: {  	[spmem:s2] =	stream.indirect.scatter.add.f32 [tilespmem:s10], [sflag:$0x1], $0x80, s19, s13, $0xb8;
	[tilespmem:$0x1A400] =	vst v63  }
0x2d: {  	_ =	swait.ge [sflag:s15], $0x4000  }
0x2e: {  	[sflag:s15] =	ssyncset.done $0x0  }
0x2f: {  	s18 =	sadd.s32 $0x2880, s18;
	[sflag:s15] =	ssyncadd.s32 $0xFFFFC000  }
0x30: {  	[spmem:s2] =	stream.indirect.scatter.add.f32 [tilespmem:s10], [sflag:$0x2], $0x80, s18, s13, $0xb8;
	[tilespmem:$0x1A400] =	vst v63  }
0x31: {  	_ =	swait.ge [sflag:s14], $0x4000  }
0x32: {  	[sflag:s14] =	ssyncset.done $0x0  }
0x33: {  	[sflag:s14] =	ssyncadd.s32 $0xFFFFC000  }
0x34: {  	_ =	swait.ge [sflag:s15], $0x4000  }
0x35: {  	s16 =	sadd.s32 $0x1, s16;
	[sflag:s15] =	ssyncset.done $0x0  }
0x36: {  	p0 =	sne.s32 s16, s8;
	[sflag:s15] =	ssyncadd.s32 $0xFFFFC000  }
.Ltmp1:
0x37: {  	[bflag:$0x0] =	sbarrier.arrive $0xFFFF;
	(pc) =	sbr.rel @p0 .LBB2_1-.Ltmp1, $4  }
0x38: {  	[hbm:s7], [sflag:s11] =	dma.local [spmem:s12], $0x2780  }
0x39: {  	_ =	swait.ge [sflag:s9], $0x2780  }
0x3a: {  	[sflag:s9] =	ssyncset.done $0x0  }
0x3b: {  	[sflag:s9] =	ssyncadd.s32 $0xFFFFD880  }
0x3c: {  	_ =	sfence.sel $0x180000  }
0x3d: {  	[bflag:$0x0] =	sbarrier.arrive $0xFFFF  }
0x3e: {  	p0 =	sne.s32 s1, $0x0;
	_ =	strace $0x90000047  }
0x3f: {  	s0 =	sadd.s32 @!p0 $0x100000, s0;
	[bflag:$0x2] =	sbarrier.arrive $0xFFFF  }
0x40: {  	[sflag:s0] =	ssyncadd.tile.s32 @!p0 $0x1;
	_ =	shalt  }
.Lfunc_end2:
_tile_overlayer_lowered:
.L_overlay_start_2:
0x41: {  	(tag) =	ssettag $0x2  }
0x42: {  	s0 =	rddreg [dreg:$0x0];
	s2 =	stileid.u32  }
0x43: {  	s1 =	rddreg [dreg:$0x1];
	p0 =	sne.s32 s2, $0x0  }
0x44: {  	s3 =	rddreg [dreg:$0x2];
	[bflag:$0x3] =	sbarrier.arrive $0xFFFF;
	s2 =	simm.s32 @!p0 $0x1C03  }
0x45: {  	[timem:s3], [sflag:s2] =	dma.local @!p0 [hbm:s0], s1  }
0x46: {  	s0 =	simm.s32 @!p0 $0x3  }
0x47: {  	_ =	swait.ge @!p0 [sflag:s0], s1  }
0x48: {  	s1 =	ssub.s32 @!p0 $0x0, s1;
	[sflag:s0] =	ssyncset.done @!p0 $0x0  }
0x49: {  	[sflag:s0] =	ssyncadd.s32 @!p0 s1  }
0x4a: {  	[bflag:$0x3] =	sbarrier.arrive $0xFFFF  }
0x4b: {  	_ =	shalt  }

// kernel: kernel.13.cloned.1.call-start
scs
__scs_entry_jumppad:
0x0: {  	(pc) =	sbr.rel $0x88, $3  }
0x1: {  	(tag) =	ssettag $0x0;
	lr =	simm.s32 $0x1  }
0x2: {  	[smem:$0x3F95] =	sst lr;
	_ =	strace $0xD0000000  }
0x3: {  	_ = 	snop  }
0x4: {  	_ = 	snop  }
0x5: {  	_ = 	snop  }
0x6: {  	_ = 	snop  }
0x7: {  	_ = 	snop  }
__scs_overlays_trampoline_lowered:
0x8: {  	[smem:$0x3FA4] =	sst s0  }
0x9: {  	[smem:$0x3FA5] =	sst s1  }
0xa: {  	[smem:$0x3FA6] =	sst s2  }
0xb: {  	[smem:$0x3FA7] =	sst s3  }
0xc: {  	[smem:$0x3FA8] =	sst s4  }
0xd: {  	[smem:$0x3FA9] =	sst s5  }
0xe: {  	[smem:$0x3FAA] =	sst s6  }
0xf: {  	[smem:$0x3FAB] =	sst s7  }
0x10: {  	[smem:$0x3FAC] =	sst s8  }
0x11: {  	[smem:$0x3FAD] =	sst s9;
	s0 =	simm.s32 @!p0 $0x0  }
0x12: {  	s1 =	sld [smem:$0x3F93];
	s0 =	simm.s32 @p0 $0x1  }
0x13: {  	[smem:$0x3FAE] =	sst s0;
	s0 =	simm.s32 @!p1 $0x0  }
0x14: {  	s2 =	sld [smem:$0x3F92];
	s0 =	simm.s32 @p1 $0x1  }
0x15: {  	[smem:$0x3FAF] =	sst s0;
	s0 =	simm.s32 @!p2 $0x0  }
0x16: {  	s3 =	sld [smem:$0x3FDB];
	s0 =	simm.s32 @p2 $0x1  }
0x17: {  	s4 =	simm.s32 $0x1BF5;
	[smem:$0x3FB1] =	sst s0  }
0x18: {  	s0 =	sld [smem:$0x3F94];
	_ =	swait.ge [sflag:s4], $0x0  }
0x19: {  	s7 =	sld [smem:$0x3F95]  }
0x1a: {  	s8 =	sadd.s32 $0xFFFFE003, lr  }
0x1b: {  	s9 =	sadd.s32 $0xFFFFFEF7, lr;
	s5 =	simm.s32 $0xFFFFFFFF;
	p2 =	slt.u32 s8, $0xFFFFF086  }
0x1c: {  	p1 =	slt.u32 s9, $0xF7A;
	s5 =	simm.s32 @!p2 $0x0  }
0x1d: {  	s5 =	simm.s32 @p1 $0x1;
	p0 =	seq.s32 s7, s2  }
0x1e: {  	s7 =	smul.u32 @!p0 $0xF7A, s2;
	p2 =	seq.s32 @!p0 s5, $0x0  }
0x1f: {  	s9 =	smul.u32 $0xF7A, s1;
	s8 =	simm.s32 @!p0 $0x1BF5;
	p2 =	por !p2, p0  }
0x20: {  	[sflag:s8] =	ssyncset.s32 @!p0 $0xFFFFF086;
	s6 =	sadd.s32 @!p0 s3, s7;
	s7 =	simm.s32 @!p0 $0x108  }
0x21: {  	s3 =	sadd.s32 s3, s9;
	s6 =	sadd.s32 @!p0 $0x88, s6;
	s7 =	simm.s32 @p2 $0x1082  }
0x22: {  	[simem:s7], [sflag:s8] =	dma.local @!p0 [hbm:s6], $0xF7A  }
0x23: {  	s9 =	sor.u32 $0xD0000000, s2;
	s6 =	simm.s32 $0x108;
	_ =	swait.ge @!p0 [sflag:s8], $0x0  }
0x24: {  	s3 =	sadd.s32 $0x88, s3;
	s6 =	simm.s32 @!p1 $0x1082;
	[sflag:s4] =	ssyncset.s32 $0xFFFFF086  }
0x25: {  	[simem:s6], [sflag:s4] =	dma.local [hbm:s3], $0xF7A  }
0x26: {  	[smem:$0x3F95] =	sst s1;
	(tag) =	ssettag s2;
	_ =	strace s9  }
0x27: {  	s1 =	sld [smem:$0x3FA5]  }
0x28: {  	s2 =	sld [smem:$0x3FA6]  }
0x29: {  	s4 =	sld [smem:$0x3FA8]  }
0x2a: {  	p0 =	seq.s32 s5, $0x0;
	s5 =	sld [smem:$0x3FA9]  }
0x2b: {  	s6 =	sld [smem:$0x3FAA]  }
0x2c: {  	s7 =	sld [smem:$0x3FAB]  }
0x2d: {  	s3 =	simm.s32 $0x108;
	s8 =	sld [smem:$0x3FAC]  }
0x2e: {  	s3 =	simm.s32 @!p0 $0x1082;
	s9 =	sld [smem:$0x3FAD]  }
0x2f: {  	lr =	sadd.s32 s0, s3;
	s0 =	sld [smem:$0x3FA4]  }
0x30: {  	s3 =	sld [smem:$0x3FA7]  }
0x31: {  	[smem:$0x3FB0] =	sst s10  }
0x32: {  	s10 =	sld [smem:$0x3FAE];
	_ =	sdelay $0x3  }
0x33: {  	p0 =	seq.s32 s10, $0x1;
	s10 =	sld [smem:$0x3FB0];
	_ =	sdelay $0x3  }
0x34: {  	[smem:$0x3FB0] =	sst s10  }
0x35: {  	s10 =	sld [smem:$0x3FAF];
	_ =	sdelay $0x3  }
0x36: {  	p1 =	seq.s32 s10, $0x1;
	s10 =	sld [smem:$0x3FB0];
	_ =	sdelay $0x3  }
0x37: {  	[smem:$0x3FB0] =	sst s10  }
0x38: {  	s10 =	sld [smem:$0x3FB1]  }
0x39: {  	_ = 	snop;
	(pc) =	sbr.ind lr, $3  }
0x3a: {  	_ = 	snop  }
0x3b: {  	_ = 	snop  }
0x3c: {  	p2 =	seq.s32 s10, $0x1;
	s10 =	sld [smem:$0x3FB0]  }
0x3d: {  	_ =	shalt  }
0x3e: {  	_ =	shalt  }
0x3f: {  	_ =	shalt  }
0x40: {  	_ =	shalt  }
0x41: {  	_ =	shalt  }
0x42: {  	_ =	shalt  }
0x43: {  	_ =	shalt  }
0x44: {  	_ =	shalt  }
0x45: {  	_ =	shalt  }
0x46: {  	_ =	shalt  }
0x47: {  	_ =	shalt  }
0x48: {  	_ =	shalt  }
0x49: {  	_ =	shalt  }
0x4a: {  	_ =	shalt  }
0x4b: {  	_ =	shalt  }
0x4c: {  	_ =	shalt  }
0x4d: {  	_ =	shalt  }
0x4e: {  	_ =	shalt  }
0x4f: {  	_ =	shalt  }
0x50: {  	_ =	shalt  }
0x51: {  	_ =	shalt  }
0x52: {  	_ =	shalt  }
0x53: {  	_ =	shalt  }
0x54: {  	_ =	shalt  }
0x55: {  	_ =	shalt  }
0x56: {  	_ =	shalt  }
0x57: {  	_ =	shalt  }
0x58: {  	_ =	shalt  }
0x59: {  	_ =	shalt  }
0x5a: {  	_ =	shalt  }
0x5b: {  	_ =	shalt  }
0x5c: {  	_ =	shalt  }
0x5d: {  	_ =	shalt  }
0x5e: {  	_ =	shalt  }
0x5f: {  	_ =	shalt  }
0x60: {  	_ =	shalt  }
0x61: {  	_ =	shalt  }
0x62: {  	_ =	shalt  }
0x63: {  	_ =	shalt  }
0x64: {  	_ =	shalt  }
0x65: {  	_ =	shalt  }
0x66: {  	_ =	shalt  }
0x67: {  	_ =	shalt  }
0x68: {  	_ =	shalt  }
0x69: {  	_ =	shalt  }
0x6a: {  	_ =	shalt  }
0x6b: {  	_ =	shalt  }
0x6c: {  	_ =	shalt  }
0x6d: {  	_ =	shalt  }
0x6e: {  	_ =	shalt  }
0x6f: {  	_ =	shalt  }
0x70: {  	_ =	shalt  }
0x71: {  	_ =	shalt  }
0x72: {  	_ =	shalt  }
0x73: {  	_ =	shalt  }
0x74: {  	_ =	shalt  }
0x75: {  	_ =	shalt  }
0x76: {  	_ =	shalt  }
0x77: {  	_ =	shalt  }
0x78: {  	_ =	shalt  }
0x79: {  	_ =	shalt  }
0x7a: {  	_ =	shalt  }
0x7b: {  	_ =	shalt  }
0x7c: {  	_ =	shalt  }
0x7d: {  	_ =	shalt  }
0x7e: {  	_ =	shalt  }
0x7f: {  	_ =	shalt  }
0x80: {  	_ =	shalt  }
0x81: {  	_ =	shalt  }
0x82: {  	_ =	shalt  }
0x83: {  	_ =	shalt  }
0x84: {  	_ =	shalt  }
0x85: {  	_ =	shalt  }
0x86: {  	_ =	shalt  }
0x87: {  	_ =	shalt  }
.Lfunc_end0:
.L_simem_size_0:
called_computation.1_lowered:
.L_overlay_start_0:
0x88: {  	s2 =	sld [smem:$0x3FD9]  }
0x89: {  	s3 =	sld [smem:$0x3FFE];
	_ =	sdelay $0x1  }
0x8a: {  	s1 =	srdreg.scid  }
0x8b: {  	s0 =	sand.u32 $0x1, s1  }
0x8c: {  	s17 =	sshll.u32 s0, $0xA;
	s2 =	sadd.s32 s3, s2  }
0x8d: {  	s2 =	sadd.s32 s2, s17  }
0x8e: {  	[smem:$0x3FBC] =	sst s2  }
0x8f: {  	_ = 	snop  }
0x90: {  	s2 =	sld [smem:$0x3FD0];
	(tm) =	ssettm $0x1  }
0x91: {  	s18 =	sld [smem:$0x3FFB];
	_ =	sdelay $0x3  }
0x92: {  	_ =	strace s18  }
0x93: {  	s3 =	sld [smem:$0x3FFC];
	_ =	sdelay $0x3  }
0x94: {  	_ =	strace s3  }
0x95: {  	s3 =	sld [smem:$0x3FFD];
	_ =	sdelay $0x3  }
0x96: {  	_ =	strace s3  }
0x97: {  	_ =	strace $0x8FFFFFFF  }
0x98: {  	s19 =	sld [smem:$0x3FDB];
	_ =	sdelay $0x1  }
0x99: {  	s4 =	simm.s32 $_scs_section_size  }
0x9a: {  	s5 =	simm.s32 $_size__tile_overlayer_lowered;
	s6 =	simm.s32 $_tile_overlayer_lowered  }
0x9b: {  	s22 =	simm.s32 $0x1BFF;
	s21 =	sshll.u32 s6, $0x1;
	s3 =	sadd.s32 s4, s19  }
0x9c: {  	s7 =	simm.s32 $0x0;
	s20 =	sshll.u32 s5, $0x1;
	s5 =	sadd.s32 s21, s3  }
0x9d: {  	[timem:s7], [sflag:s22] =	dma.local [hbm:s5], s20  }
0x9e: {  	_ =	swait.ge [sflag:s22], s20  }
0x9f: {  	s4 =	ssub.s32 $0x0, s20;
	[sflag:s22] =	ssyncset.done $0x0  }
0xa0: {  	[sflag:s22] =	ssyncadd.s32 s4;
	_ =	sdelay $0x1  }
0xa1: {  	s23 =	simm.s32 $0x1B8B  }
0xa2: {  	_ =	swait.ge [sflag:s23], $0x1  }
0xa3: {  	[sflag:s23] =	ssyncset.done $0x0  }
0xa4: {  	s25 =	simm.s32 $0x1B8E;
	s24 =	sld [smem:$0x3FFE];
	[sflag:s23] =	ssyncadd.s32 $0xFFFFFFFF  }
0xa5: {  	s26 =	simm.s32 $execute0_lowered;
	[smem:$0x3FD2] =	sst s25  }
0xa6: {  	s5 =	sshll.u32 s26, $0x1;
	_ =	strace $0x80000049;
	[dreg:$0x1] =	wrdreg $0xFFFFFFFF  }
0xa7: {  	s28 =	simm.s32 $_size_execute0_lowered;
	s3 =	sadd.s32 s3, s5;
	[dreg:$0x0] =	wrdreg $0x0  }
0xa8: {  	s5 =	sshll.u32 s28, $0x1;
	[dreg:$0x2] =	wrdreg s3  }
0xa9: {  	[dreg:$0x3] =	wrdreg s5  }
0xaa: {  	[dreg:$0x4] =	wrdreg $0xC0  }
0xab: {  	_ =	task [dreg:s7], $0x5FFFF  }
0xac: {  	[dreg:$0x1] =	wrdreg $0xFFFFFFFF  }
0xad: {  	[dreg:$0x0] =	wrdreg $0x60  }
0xae: {  	[dreg:$0x2] =	wrdreg s24  }
0xaf: {  	[dreg:$0x3] =	wrdreg s2  }
0xb0: {  	[dreg:$0x4] =	wrdreg $0xA8000  }
0xb1: {  	[dreg:$0x5] =	wrdreg $0x9  }
0xb2: {  	_ =	task.clear_ibuf [dreg:s7], $0x6FFFF;
	_ =	strace $0x90000049  }
0xb3: {  	s29 =	simm.s32 $0x9;
	_ =	strace $0x8000004B  }
0xb4: {  	_ =	swait.ge [sflag:s29], $0x1  }
0xb5: {  	[sflag:s29] =	ssyncadd.s32 $0xFFFFFFFF  }
0xb6: {  	_ =	strace $0x9000004B  }
0xb7: {  	_ =	sfence  }
0xb8: {  	s30 =	sld [smem:$0x0];
	_ =	sdelay $0x2  }
0xb9: {  	s31 =	sshll.u32 s1, $0xD;
	s1 =	sshrl.u32 s1, $0x2  }
0xba: {  	s3 =	sand.u32 $0x4000, s31;
	s1 =	sadd.s32 s1, s30  }
0xbb: {  	s0 =	sor.u32 s3, s0;
	s1 =	sshll.u32 s1, $0x11  }
0xbc: {  	s0 =	sor.u32 s1, s0  }
0xbd: {  	s0 =	sadd.s32 $0x8F2B, s0  }
0xbe: {  	[sflag:s0] =	ssyncadd.remote.s32 $0x1  }
0xbf: {  	_ =	sfence.sel $0xFFFF  }
0xc0: {  	[dreg:$0x0] =	wrdreg $0xFFFFFFFF;
	(pc) =	sbr.abs _section_cstart, $3  }
0xc1: {  	[dreg:$0x1] =	wrdreg $0xFFFFFFFF  }
0xc2: {  	_ =	task.clear_ibuf [dreg:s7], $0x2FFFF;
	_ =	strace $0x9FFFFFFF  }
0xc3: {  	(tm) =	ssettm $0x7FFFFFFF  }
tec
execute0_lowered:
.L_overlay_start_1:
0x0: {  	(tag) =	ssettag $0x1  }
0x1: {  	s5 =	rddreg [dreg:$0x0]  }
0x2: {  	s12 =	rddreg [dreg:$0x1]  }
0x3: {  	s2 =	rddreg [dreg:$0x2]  }
0x4: {  	s0 =	rddreg [dreg:$0x3]  }
0x5: {  	s1 =	stileid.u32;
	s4 =	srdreg.scid  }
0x6: {  	s3 =	simm.s32 $0x0;
	s17 =	simm.s32 $0x1400;
	s18 =	simm.s32 $0x80  }
0x7: {  	s19 =	simm.s32 $0x2800;
	s20 =	simm.s32 $0x6800;
	s21 =	simm.s32 $0x1  }
0x8: {  	s22 =	simm.s32 $0x2;
	s28 =	simm.s32 $0x0;
	s6 =	smul.u32 $0x2780, s1  }
0x9: {  	s25 =	sand.u32 $0x1, s4;
	[smem:$0x7FF] =	sst s3;
	s23 =	smul.u32 $0x4F000, s1  }
0xa: {  	s4 =	sadd.s32 $0x84E00, s5;
	s11 =	sadd.s32 $0x7AE00, s5;
	s10 =	smul.u32 $0x5000, s1  }
0xb: {  	s30 =	sshll.u32 s1, $0x6;
	s7 =	smul.u32 $0x27800, s25;
	_ =	strace $0x8000004A  }
0xc: {  	s24 =	ssub.s32 $0x0, s25;
	s26 =	ssub.s32 $0x2, s25;
	p0 =	sne.s32 s25, $0x0  }
0xd: {  	s25 =	simm.s32 $0x100;
	s8 =	sadd.s32 s6, s5;
	s9 =	sshrl.u32 s26, $0x1  }
0xe: {  	s29 =	sand.u32 $0x3C00, s24;
	s16 =	sshrl.u32 s10, $0x3;
	s24 =	simm.s32 $0x3  }
0xf: {  	s6 =	sadd.s32 s6, s7;
	s7 =	sshrl.u32 s23, $0x2;
	s14 =	ssub.s32 s26, s9  }
0x10: {  	s31 =	sadd.s32 s10, s29;
	s10 =	sadd.s32 $0x280, s16;
	s16 =	sadd.s32 $0x500, s16  }
0x11: {  	s23 =	simm.s32 $0x1480;
	s26 =	simm.s32 $0x4;
	s13 =	sadd.s32 s6, s5  }
.Ltmp0:
0x12: {  	s15 =	sadd.s32 s7, s2;
	s5 =	sadd.s32 $0x4600, s8;
	(pc) =	sbr.rel .LBB2_1-.Ltmp0, $4  }
0x13: {  	s6 =	sor.u32 $0x1C05, s30;
	s8 =	sshrl.u32 s31, $0x3;
	s9 =	sadd.s32 s11, s10  }
0x14: {  	s10 =	sadd.s32 s12, s10;
	s14 =	smax.u32 s14, $0x1;
	s7 =	sadd.s32 s11, s8  }
0x15: {  	s8 =	sadd.s32 s12, s8;
	s11 =	sadd.s32 s11, s16;
	s12 =	sadd.s32 s12, s16  }
0x16: {  	s13 =	sadd.s32 $0xAC000, s13;
	s15 =	sshrl.u32 s15, $0x3;
	s16 =	simm.s32 $0x5  }
.LBB2_11:
0x17: {  	_ =	swait.ge [sflag:s26], $0x4000  }
0x18: {  	[sflag:s26] =	ssyncset.done $0x0  }
0x19: {  	[sflag:s26] =	ssyncadd.s32 $0xFFFFC000  }
.LBB2_12:
0x1a: {  	s28 =	sadd.s32 $0x1, s28  }
0x1b: {  	p1 =	sne.s32 s28, s14  }
.Ltmp1:
0x1c: {  	[bflag:$0x0] =	sbarrier.arrive $0xFFFF;
	(pc) =	sbr.rel @!p1 .LBB2_13-.Ltmp1, $4  }
0x1d: {  	[hbm:s13], [sflag:s6] =	dma.local [spmem:s15], $0x2780  }
0x1e: {  	_ =	swait.ge [sflag:s16], $0x2780  }
0x1f: {  	[sflag:s16] =	ssyncset.done $0x0  }
0x20: {  	[sflag:s16] =	ssyncadd.s32 $0xFFFFD880  }
.LBB2_1:
0x21: {  	[spmem:s15], [sflag:s6] =	dma.local [hbm:s5], $0x2780  }
0x22: {  	_ =	swait.ge [sflag:s16], $0x2780  }
0x23: {  	[sflag:s16] =	ssyncset.done $0x0  }
0x24: {  	[sflag:s16] =	ssyncadd.s32 $0xFFFFD880  }
0x25: {  	[bflag:$0x0] =	sbarrier.arrive $0xFFFF  }
0x26: {  	[tilespmem:s3], [sflag:$0x5] =	stream.linear.gather [hbm4b:s7+s3], $0x1400, $0x38;
	[tilespmem:$0x1E400] =	vst v63  }
0x27: {  	_ =	swait.ge [sflag:s16], $0x1400  }
0x28: {  	[sflag:s16] =	ssyncset.done $0x0  }
0x29: {  	[sflag:s16] =	ssyncadd.s32 $0xFFFFEC00  }
0x2a: {  	[tilespmem:s17], [sflag:$0x5] =	stream.linear.gather [hbm4b:s8+s3], $0x1400, $0x38;
	[tilespmem:$0x1E400] =	vst v63  }
0x2b: {  	_ =	swait.ge [sflag:s16], $0x1400  }
0x2c: {  	[sflag:s16] =	ssyncset.done $0x0  }
0x2d: {  	[sflag:s16] =	ssyncadd.s32 $0xFFFFEC00  }
0x2e: {  	[tilespmem:s19], [sflag:$0x1] =	stream.indirect.gather [hbm4b:s4+s18], $0x80, s3, s18, $0xb8;
	[tilespmem:$0x1E400] =	vst v63  }
0x2f: {  	_ = 	snop  }
0x30: {  	[tilespmem:s20], [sflag:$0x2] =	stream.indirect.gather [hbm4b:s4+s18], $0x80, s18, s18, $0xb8;
	[tilespmem:$0x1E400] =	vst v63  }
0x31: {  	_ =	swait.ge [sflag:s21], $0x4000  }
0x32: {  	[sflag:s21] =	ssyncset.done $0x0  }
0x33: {  	[sflag:s21] =	ssyncadd.s32 $0xFFFFC000  }
0x34: {  	[spmem:s2] =	stream.indirect.scatter.add.f32 [tilespmem:s19], [sflag:$0x3], $0x80, s17, s18, $0xb8;
	[tilespmem:$0x1E400] =	vst v63  }
0x35: {  	_ =	swait.ge [sflag:s22], $0x4000  }
0x36: {  	[sflag:s22] =	ssyncset.done $0x0  }
0x37: {  	[sflag:s22] =	ssyncadd.s32 $0xFFFFC000  }
0x38: {  	[spmem:s2] =	stream.indirect.scatter.add.f32 [tilespmem:s20], [sflag:$0x4], $0x80, s23, s18, $0xb8;
	[tilespmem:$0x1E400] =	vst v63  }
0x39: {  	_ =	swait.ge [sflag:s24], $0x4000  }
0x3a: {  	[sflag:s24] =	ssyncset.done $0x0  }
0x3b: {  	s29 =	simm.s32 $0xFFFFB800;
	[sflag:s24] =	ssyncadd.s32 $0xFFFFC000  }
0x3c: {  	[tilespmem:s19], [sflag:$0x1] =	stream.indirect.gather [hbm4b:s4+s18], $0x80, s25, s18, $0xb8;
	[tilespmem:$0x1E400] =	vst v63  }
.LBB2_2:
0x3d: {  	_ =	swait.ge [sflag:s21], $0x4000  }
0x3e: {  	s30 =	sshra.s32 s29, $0x2;
	[sflag:s21] =	ssyncset.done $0x0  }
0x3f: {  	s31 =	sadd.s32 $0x2700, s30;
	[sflag:s21] =	ssyncadd.s32 $0xFFFFC000  }
0x40: {  	[spmem:s2] =	stream.indirect.scatter.add.f32 [tilespmem:s19], [sflag:$0x3], $0x80, s31, s18, $0xb8;
	[tilespmem:$0x1E400] =	vst v63  }
0x41: {  	_ =	swait.ge [sflag:s26], $0x4000  }
0x42: {  	[sflag:s26] =	ssyncset.done $0x0  }
0x43: {  	s31 =	sadd.s32 $0x1380, s30;
	[sflag:s26] =	ssyncadd.s32 $0xFFFFC000  }
0x44: {  	[tilespmem:s20], [sflag:$0x2] =	stream.indirect.gather [hbm4b:s4+s18], $0x80, s31, s18, $0xb8;
	[tilespmem:$0x1E400] =	vst v63  }
0x45: {  	_ =	swait.ge [sflag:s22], $0x4000  }
0x46: {  	p1 =	seq.s32 s29, $0x0;
	[sflag:s22] =	ssyncset.done $0x0  }
.Ltmp2:
0x47: {  	s31 =	sadd.s32 $0x2780, s30;
	[sflag:s22] =	ssyncadd.s32 $0xFFFFC000;
	(pc) =	sbr.rel @p1 .LBB2_4-.Ltmp2, $4  }
0x48: {  	[spmem:s2] =	stream.indirect.scatter.add.f32 [tilespmem:s20], [sflag:$0x4], $0x80, s31, s18, $0xb8;
	[tilespmem:$0x1E400] =	vst v63  }
0x49: {  	_ =	swait.ge [sflag:s24], $0x4000  }
0x4a: {  	[sflag:s24] =	ssyncset.done $0x0  }
0x4b: {  	[sflag:s24] =	ssyncadd.s32 $0xFFFFC000  }
.Ltmp3:
0x4c: {  	(pc) =	sbr.rel .LBB2_2-.Ltmp3, $3  }
0x4d: {  	_ =	sdelay $0x1  }
0x4e: {  	s30 =	sadd.s32 $0x1400, s30;
	s29 =	sadd.s32 $0x400, s29  }
0x4f: {  	[tilespmem:s19], [sflag:$0x1] =	stream.indirect.gather [hbm4b:s4+s18], $0x80, s30, s18, $0xb8;
	[tilespmem:$0x1E400] =	vst v63  }
.LBB2_4:
.Ltmp4:
0x50: {  	(pc) =	sbr.rel @p0 .LBB2_12-.Ltmp4, $4  }
0x51: {  	_ = 	snop  }
0x52: {  	_ =	swait.ge [sflag:s26], $0x4000  }
0x53: {  	[sflag:s26] =	ssyncset.done $0x0  }
0x54: {  	[sflag:s26] =	ssyncadd.s32 $0xFFFFC000  }
0x55: {  	[tilespmem:s3], [sflag:$0x5] =	stream.linear.gather [hbm4b:s9+s3], $0x1400, $0x38;
	[tilespmem:$0x1E400] =	vst v63  }
0x56: {  	_ =	swait.ge [sflag:s16], $0x1400  }
0x57: {  	[sflag:s16] =	ssyncset.done $0x0  }
0x58: {  	[sflag:s16] =	ssyncadd.s32 $0xFFFFEC00  }
0x59: {  	[tilespmem:s17], [sflag:$0x5] =	stream.linear.gather [hbm4b:s10+s3], $0x1400, $0x38;
	[tilespmem:$0x1E400] =	vst v63  }
0x5a: {  	_ =	swait.ge [sflag:s16], $0x1400  }
0x5b: {  	[sflag:s16] =	ssyncset.done $0x0  }
0x5c: {  	[sflag:s16] =	ssyncadd.s32 $0xFFFFEC00  }
0x5d: {  	[tilespmem:s19], [sflag:$0x1] =	stream.indirect.gather [hbm4b:s4+s18], $0x80, s3, s18, $0xb8;
	[tilespmem:$0x1E400] =	vst v63  }
0x5e: {  	_ = 	snop  }
0x5f: {  	[tilespmem:s20], [sflag:$0x2] =	stream.indirect.gather [hbm4b:s4+s18], $0x80, s18, s18, $0xb8;
	[tilespmem:$0x1E400] =	vst v63  }
0x60: {  	_ =	swait.ge [sflag:s21], $0x4000  }
0x61: {  	[sflag:s21] =	ssyncset.done $0x0  }
0x62: {  	[sflag:s21] =	ssyncadd.s32 $0xFFFFC000  }
0x63: {  	[spmem:s2] =	stream.indirect.scatter.add.f32 [tilespmem:s19], [sflag:$0x3], $0x80, s17, s18, $0xb8;
	[tilespmem:$0x1E400] =	vst v63  }
0x64: {  	_ =	swait.ge [sflag:s22], $0x4000  }
0x65: {  	[sflag:s22] =	ssyncset.done $0x0  }
0x66: {  	[sflag:s22] =	ssyncadd.s32 $0xFFFFC000  }
0x67: {  	[spmem:s2] =	stream.indirect.scatter.add.f32 [tilespmem:s20], [sflag:$0x4], $0x80, s23, s18, $0xb8;
	[tilespmem:$0x1E400] =	vst v63  }
0x68: {  	_ =	swait.ge [sflag:s24], $0x4000  }
0x69: {  	[sflag:s24] =	ssyncset.done $0x0  }
0x6a: {  	s29 =	simm.s32 $0xFFFFB800;
	[sflag:s24] =	ssyncadd.s32 $0xFFFFC000  }
0x6b: {  	[tilespmem:s19], [sflag:$0x1] =	stream.indirect.gather [hbm4b:s4+s18], $0x80, s25, s18, $0xb8;
	[tilespmem:$0x1E400] =	vst v63  }
.LBB2_6:
0x6c: {  	_ =	swait.ge [sflag:s21], $0x4000  }
0x6d: {  	s30 =	sshra.s32 s29, $0x2;
	[sflag:s21] =	ssyncset.done $0x0  }
0x6e: {  	s31 =	sadd.s32 $0x2700, s30;
	[sflag:s21] =	ssyncadd.s32 $0xFFFFC000  }
0x6f: {  	[spmem:s2] =	stream.indirect.scatter.add.f32 [tilespmem:s19], [sflag:$0x3], $0x80, s31, s18, $0xb8;
	[tilespmem:$0x1E400] =	vst v63  }
0x70: {  	_ =	swait.ge [sflag:s26], $0x4000  }
0x71: {  	[sflag:s26] =	ssyncset.done $0x0  }
0x72: {  	s31 =	sadd.s32 $0x1380, s30;
	[sflag:s26] =	ssyncadd.s32 $0xFFFFC000  }
0x73: {  	[tilespmem:s20], [sflag:$0x2] =	stream.indirect.gather [hbm4b:s4+s18], $0x80, s31, s18, $0xb8;
	[tilespmem:$0x1E400] =	vst v63  }
0x74: {  	_ =	swait.ge [sflag:s22], $0x4000  }
0x75: {  	p1 =	seq.s32 s29, $0x0;
	[sflag:s22] =	ssyncset.done $0x0  }
.Ltmp5:
0x76: {  	s31 =	sadd.s32 $0x2780, s30;
	[sflag:s22] =	ssyncadd.s32 $0xFFFFC000;
	(pc) =	sbr.rel @p1 .LBB2_8-.Ltmp5, $4  }
0x77: {  	[spmem:s2] =	stream.indirect.scatter.add.f32 [tilespmem:s20], [sflag:$0x4], $0x80, s31, s18, $0xb8;
	[tilespmem:$0x1E400] =	vst v63  }
0x78: {  	_ =	swait.ge [sflag:s24], $0x4000  }
0x79: {  	[sflag:s24] =	ssyncset.done $0x0  }
0x7a: {  	[sflag:s24] =	ssyncadd.s32 $0xFFFFC000  }
.Ltmp6:
0x7b: {  	(pc) =	sbr.rel .LBB2_6-.Ltmp6, $3  }
0x7c: {  	_ =	sdelay $0x1  }
0x7d: {  	s30 =	sadd.s32 $0x1400, s30;
	s29 =	sadd.s32 $0x400, s29  }
0x7e: {  	[tilespmem:s19], [sflag:$0x1] =	stream.indirect.gather [hbm4b:s4+s18], $0x80, s30, s18, $0xb8;
	[tilespmem:$0x1E400] =	vst v63  }
.LBB2_8:
0x7f: {  	_ =	swait.ge [sflag:s26], $0x4000  }
0x80: {  	[sflag:s26] =	ssyncset.done $0x0  }
0x81: {  	[sflag:s26] =	ssyncadd.s32 $0xFFFFC000  }
0x82: {  	[tilespmem:s3], [sflag:$0x5] =	stream.linear.gather [hbm4b:s11+s3], $0x1400, $0x38;
	[tilespmem:$0x1E400] =	vst v63  }
0x83: {  	_ =	swait.ge [sflag:s16], $0x1400  }
0x84: {  	[sflag:s16] =	ssyncset.done $0x0  }
0x85: {  	[sflag:s16] =	ssyncadd.s32 $0xFFFFEC00  }
0x86: {  	[tilespmem:s17], [sflag:$0x5] =	stream.linear.gather [hbm4b:s12+s3], $0x1400, $0x38;
	[tilespmem:$0x1E400] =	vst v63  }
0x87: {  	_ =	swait.ge [sflag:s16], $0x1400  }
0x88: {  	[sflag:s16] =	ssyncset.done $0x0  }
0x89: {  	[sflag:s16] =	ssyncadd.s32 $0xFFFFEC00  }
0x8a: {  	[tilespmem:s19], [sflag:$0x1] =	stream.indirect.gather [hbm4b:s4+s18], $0x80, s3, s18, $0xb8;
	[tilespmem:$0x1E400] =	vst v63  }
0x8b: {  	_ = 	snop  }
0x8c: {  	[tilespmem:s20], [sflag:$0x2] =	stream.indirect.gather [hbm4b:s4+s18], $0x80, s18, s18, $0xb8;
	[tilespmem:$0x1E400] =	vst v63  }
0x8d: {  	_ =	swait.ge [sflag:s21], $0x4000  }
0x8e: {  	[sflag:s21] =	ssyncset.done $0x0  }
0x8f: {  	[sflag:s21] =	ssyncadd.s32 $0xFFFFC000  }
0x90: {  	[spmem:s2] =	stream.indirect.scatter.add.f32 [tilespmem:s19], [sflag:$0x3], $0x80, s17, s18, $0xb8;
	[tilespmem:$0x1E400] =	vst v63  }
0x91: {  	_ =	swait.ge [sflag:s22], $0x4000  }
0x92: {  	[sflag:s22] =	ssyncset.done $0x0  }
0x93: {  	[sflag:s22] =	ssyncadd.s32 $0xFFFFC000  }
0x94: {  	[spmem:s2] =	stream.indirect.scatter.add.f32 [tilespmem:s20], [sflag:$0x4], $0x80, s23, s18, $0xb8;
	[tilespmem:$0x1E400] =	vst v63  }
0x95: {  	_ =	swait.ge [sflag:s24], $0x4000  }
0x96: {  	[sflag:s24] =	ssyncset.done $0x0  }
0x97: {  	s29 =	simm.s32 $0xFFFFB800;
	[sflag:s24] =	ssyncadd.s32 $0xFFFFC000  }
0x98: {  	[tilespmem:s19], [sflag:$0x1] =	stream.indirect.gather [hbm4b:s4+s18], $0x80, s25, s18, $0xb8;
	[tilespmem:$0x1E400] =	vst v63  }
.LBB2_9:
0x99: {  	_ =	swait.ge [sflag:s21], $0x4000  }
0x9a: {  	s30 =	sshra.s32 s29, $0x2;
	[sflag:s21] =	ssyncset.done $0x0  }
0x9b: {  	s31 =	sadd.s32 $0x2700, s30;
	[sflag:s21] =	ssyncadd.s32 $0xFFFFC000  }
0x9c: {  	[spmem:s2] =	stream.indirect.scatter.add.f32 [tilespmem:s19], [sflag:$0x3], $0x80, s31, s18, $0xb8;
	[tilespmem:$0x1E400] =	vst v63  }
0x9d: {  	_ =	swait.ge [sflag:s26], $0x4000  }
0x9e: {  	[sflag:s26] =	ssyncset.done $0x0  }
0x9f: {  	s31 =	sadd.s32 $0x1380, s30;
	[sflag:s26] =	ssyncadd.s32 $0xFFFFC000  }
0xa0: {  	[tilespmem:s20], [sflag:$0x2] =	stream.indirect.gather [hbm4b:s4+s18], $0x80, s31, s18, $0xb8;
	[tilespmem:$0x1E400] =	vst v63  }
0xa1: {  	_ =	swait.ge [sflag:s22], $0x4000  }
0xa2: {  	p1 =	seq.s32 s29, $0x0;
	[sflag:s22] =	ssyncset.done $0x0  }
.Ltmp7:
0xa3: {  	s31 =	sadd.s32 $0x2780, s30;
	[sflag:s22] =	ssyncadd.s32 $0xFFFFC000;
	(pc) =	sbr.rel @p1 .LBB2_11-.Ltmp7, $4  }
0xa4: {  	[spmem:s2] =	stream.indirect.scatter.add.f32 [tilespmem:s20], [sflag:$0x4], $0x80, s31, s18, $0xb8;
	[tilespmem:$0x1E400] =	vst v63  }
0xa5: {  	_ =	swait.ge [sflag:s24], $0x4000  }
0xa6: {  	[sflag:s24] =	ssyncset.done $0x0  }
0xa7: {  	[sflag:s24] =	ssyncadd.s32 $0xFFFFC000  }
.Ltmp8:
0xa8: {  	(pc) =	sbr.rel .LBB2_9-.Ltmp8, $3  }
0xa9: {  	_ =	sdelay $0x1  }
0xaa: {  	s30 =	sadd.s32 $0x1400, s30;
	s29 =	sadd.s32 $0x400, s29  }
0xab: {  	[tilespmem:s19], [sflag:$0x1] =	stream.indirect.gather [hbm4b:s4+s18], $0x80, s30, s18, $0xb8;
	[tilespmem:$0x1E400] =	vst v63  }
.LBB2_13:
0xac: {  	_ =	sfence.sel $0x180000  }
0xad: {  	[bflag:$0x0] =	sbarrier.arrive $0xFFFF  }
0xae: {  	p0 =	sne.s32 s1, $0x0;
	_ =	strace $0x9000004A  }
0xaf: {  	s0 =	sadd.s32 @!p0 $0x100000, s0;
	[bflag:$0x2] =	sbarrier.arrive $0xFFFF  }
0xb0: {  	[sflag:s0] =	ssyncadd.tile.s32 @!p0 $0x1;
	_ =	shalt  }
.Lfunc_end2:
_tile_overlayer_lowered:
.L_overlay_start_2:
0xb1: {  	(tag) =	ssettag $0x2  }
0xb2: {  	s0 =	rddreg [dreg:$0x0];
	s2 =	stileid.u32  }
0xb3: {  	s1 =	rddreg [dreg:$0x1];
	p0 =	sne.s32 s2, $0x0  }
0xb4: {  	s3 =	rddreg [dreg:$0x2];
	[bflag:$0x3] =	sbarrier.arrive $0xFFFF;
	s2 =	simm.s32 @!p0 $0x1C05  }
0xb5: {  	[timem:s3], [sflag:s2] =	dma.local @!p0 [hbm:s0], s1  }
0xb6: {  	s0 =	simm.s32 @!p0 $0x5  }
0xb7: {  	_ =	swait.ge @!p0 [sflag:s0], s1  }
0xb8: {  	s1 =	ssub.s32 @!p0 $0x0, s1;
	[sflag:s0] =	ssyncset.done @!p0 $0x0  }
0xb9: {  	[sflag:s0] =	ssyncadd.s32 @!p0 s1  }
0xba: {  	[bflag:$0x3] =	sbarrier.arrive $0xFFFF  }
0xbb: {  	_ =	shalt  }

// kernel: kernel.16.cloned.1.call-start
scs
__scs_entry_jumppad:
0x0: {  	(pc) =	sbr.rel $0x88, $3  }
0x1: {  	(tag) =	ssettag $0x0;
	lr =	simm.s32 $0x1  }
0x2: {  	[smem:$0x3F95] =	sst lr;
	_ =	strace $0xD0000000  }
0x3: {  	_ = 	snop  }
0x4: {  	_ = 	snop  }
0x5: {  	_ = 	snop  }
0x6: {  	_ = 	snop  }
0x7: {  	_ = 	snop  }
__scs_overlays_trampoline_lowered:
0x8: {  	[smem:$0x3FA4] =	sst s0  }
0x9: {  	[smem:$0x3FA5] =	sst s1  }
0xa: {  	[smem:$0x3FA6] =	sst s2  }
0xb: {  	[smem:$0x3FA7] =	sst s3  }
0xc: {  	[smem:$0x3FA8] =	sst s4  }
0xd: {  	[smem:$0x3FA9] =	sst s5  }
0xe: {  	[smem:$0x3FAA] =	sst s6  }
0xf: {  	[smem:$0x3FAB] =	sst s7  }
0x10: {  	[smem:$0x3FAC] =	sst s8  }
0x11: {  	[smem:$0x3FAD] =	sst s9;
	s0 =	simm.s32 @!p0 $0x0  }
0x12: {  	s1 =	sld [smem:$0x3F93];
	s0 =	simm.s32 @p0 $0x1  }
0x13: {  	[smem:$0x3FAE] =	sst s0;
	s0 =	simm.s32 @!p1 $0x0  }
0x14: {  	s2 =	sld [smem:$0x3F92];
	s0 =	simm.s32 @p1 $0x1  }
0x15: {  	[smem:$0x3FAF] =	sst s0;
	s0 =	simm.s32 @!p2 $0x0  }
0x16: {  	s3 =	sld [smem:$0x3FDB];
	s0 =	simm.s32 @p2 $0x1  }
0x17: {  	s4 =	simm.s32 $0x1BF5;
	[smem:$0x3FB1] =	sst s0  }
0x18: {  	s0 =	sld [smem:$0x3F94];
	_ =	swait.ge [sflag:s4], $0x0  }
0x19: {  	s7 =	sld [smem:$0x3F95]  }
0x1a: {  	s8 =	sadd.s32 $0xFFFFE003, lr  }
0x1b: {  	s9 =	sadd.s32 $0xFFFFFEF7, lr;
	s5 =	simm.s32 $0xFFFFFFFF;
	p2 =	slt.u32 s8, $0xFFFFF086  }
0x1c: {  	p1 =	slt.u32 s9, $0xF7A;
	s5 =	simm.s32 @!p2 $0x0  }
0x1d: {  	s5 =	simm.s32 @p1 $0x1;
	p0 =	seq.s32 s7, s2  }
0x1e: {  	s7 =	smul.u32 @!p0 $0xF7A, s2;
	p2 =	seq.s32 @!p0 s5, $0x0  }
0x1f: {  	s9 =	smul.u32 $0xF7A, s1;
	s8 =	simm.s32 @!p0 $0x1BF5;
	p2 =	por !p2, p0  }
0x20: {  	[sflag:s8] =	ssyncset.s32 @!p0 $0xFFFFF086;
	s6 =	sadd.s32 @!p0 s3, s7;
	s7 =	simm.s32 @!p0 $0x108  }
0x21: {  	s3 =	sadd.s32 s3, s9;
	s6 =	sadd.s32 @!p0 $0x88, s6;
	s7 =	simm.s32 @p2 $0x1082  }
0x22: {  	[simem:s7], [sflag:s8] =	dma.local @!p0 [hbm:s6], $0xF7A  }
0x23: {  	s9 =	sor.u32 $0xD0000000, s2;
	s6 =	simm.s32 $0x108;
	_ =	swait.ge @!p0 [sflag:s8], $0x0  }
0x24: {  	s3 =	sadd.s32 $0x88, s3;
	s6 =	simm.s32 @!p1 $0x1082;
	[sflag:s4] =	ssyncset.s32 $0xFFFFF086  }
0x25: {  	[simem:s6], [sflag:s4] =	dma.local [hbm:s3], $0xF7A  }
0x26: {  	[smem:$0x3F95] =	sst s1;
	(tag) =	ssettag s2;
	_ =	strace s9  }
0x27: {  	s1 =	sld [smem:$0x3FA5]  }
0x28: {  	s2 =	sld [smem:$0x3FA6]  }
0x29: {  	s4 =	sld [smem:$0x3FA8]  }
0x2a: {  	p0 =	seq.s32 s5, $0x0;
	s5 =	sld [smem:$0x3FA9]  }
0x2b: {  	s6 =	sld [smem:$0x3FAA]  }
0x2c: {  	s7 =	sld [smem:$0x3FAB]  }
0x2d: {  	s3 =	simm.s32 $0x108;
	s8 =	sld [smem:$0x3FAC]  }
0x2e: {  	s3 =	simm.s32 @!p0 $0x1082;
	s9 =	sld [smem:$0x3FAD]  }
0x2f: {  	lr =	sadd.s32 s0, s3;
	s0 =	sld [smem:$0x3FA4]  }
0x30: {  	s3 =	sld [smem:$0x3FA7]  }
0x31: {  	[smem:$0x3FB0] =	sst s10  }
0x32: {  	s10 =	sld [smem:$0x3FAE];
	_ =	sdelay $0x3  }
0x33: {  	p0 =	seq.s32 s10, $0x1;
	s10 =	sld [smem:$0x3FB0];
	_ =	sdelay $0x3  }
0x34: {  	[smem:$0x3FB0] =	sst s10  }
0x35: {  	s10 =	sld [smem:$0x3FAF];
	_ =	sdelay $0x3  }
0x36: {  	p1 =	seq.s32 s10, $0x1;
	s10 =	sld [smem:$0x3FB0];
	_ =	sdelay $0x3  }
0x37: {  	[smem:$0x3FB0] =	sst s10  }
0x38: {  	s10 =	sld [smem:$0x3FB1]  }
0x39: {  	_ = 	snop;
	(pc) =	sbr.ind lr, $3  }
0x3a: {  	_ = 	snop  }
0x3b: {  	_ = 	snop  }
0x3c: {  	p2 =	seq.s32 s10, $0x1;
	s10 =	sld [smem:$0x3FB0]  }
0x3d: {  	_ =	shalt  }
0x3e: {  	_ =	shalt  }
0x3f: {  	_ =	shalt  }
0x40: {  	_ =	shalt  }
0x41: {  	_ =	shalt  }
0x42: {  	_ =	shalt  }
0x43: {  	_ =	shalt  }
0x44: {  	_ =	shalt  }
0x45: {  	_ =	shalt  }
0x46: {  	_ =	shalt  }
0x47: {  	_ =	shalt  }
0x48: {  	_ =	shalt  }
0x49: {  	_ =	shalt  }
0x4a: {  	_ =	shalt  }
0x4b: {  	_ =	shalt  }
0x4c: {  	_ =	shalt  }
0x4d: {  	_ =	shalt  }
0x4e: {  	_ =	shalt  }
0x4f: {  	_ =	shalt  }
0x50: {  	_ =	shalt  }
0x51: {  	_ =	shalt  }
0x52: {  	_ =	shalt  }
0x53: {  	_ =	shalt  }
0x54: {  	_ =	shalt  }
0x55: {  	_ =	shalt  }
0x56: {  	_ =	shalt  }
0x57: {  	_ =	shalt  }
0x58: {  	_ =	shalt  }
0x59: {  	_ =	shalt  }
0x5a: {  	_ =	shalt  }
0x5b: {  	_ =	shalt  }
0x5c: {  	_ =	shalt  }
0x5d: {  	_ =	shalt  }
0x5e: {  	_ =	shalt  }
0x5f: {  	_ =	shalt  }
0x60: {  	_ =	shalt  }
0x61: {  	_ =	shalt  }
0x62: {  	_ =	shalt  }
0x63: {  	_ =	shalt  }
0x64: {  	_ =	shalt  }
0x65: {  	_ =	shalt  }
0x66: {  	_ =	shalt  }
0x67: {  	_ =	shalt  }
0x68: {  	_ =	shalt  }
0x69: {  	_ =	shalt  }
0x6a: {  	_ =	shalt  }
0x6b: {  	_ =	shalt  }
0x6c: {  	_ =	shalt  }
0x6d: {  	_ =	shalt  }
0x6e: {  	_ =	shalt  }
0x6f: {  	_ =	shalt  }
0x70: {  	_ =	shalt  }
0x71: {  	_ =	shalt  }
0x72: {  	_ =	shalt  }
0x73: {  	_ =	shalt  }
0x74: {  	_ =	shalt  }
0x75: {  	_ =	shalt  }
0x76: {  	_ =	shalt  }
0x77: {  	_ =	shalt  }
0x78: {  	_ =	shalt  }
0x79: {  	_ =	shalt  }
0x7a: {  	_ =	shalt  }
0x7b: {  	_ =	shalt  }
0x7c: {  	_ =	shalt  }
0x7d: {  	_ =	shalt  }
0x7e: {  	_ =	shalt  }
0x7f: {  	_ =	shalt  }
0x80: {  	_ =	shalt  }
0x81: {  	_ =	shalt  }
0x82: {  	_ =	shalt  }
0x83: {  	_ =	shalt  }
0x84: {  	_ =	shalt  }
0x85: {  	_ =	shalt  }
0x86: {  	_ =	shalt  }
0x87: {  	_ =	shalt  }
.Lfunc_end0:
.L_simem_size_0:
called_computation.2_lowered:
.L_overlay_start_0:
0x88: {  	s2 =	sld [smem:$0x3FD9]  }
0x89: {  	s3 =	sld [smem:$0x3FFE];
	_ =	sdelay $0x1  }
0x8a: {  	s1 =	srdreg.scid  }
0x8b: {  	s0 =	sand.u32 $0x1, s1  }
0x8c: {  	s17 =	sshll.u32 s0, $0xA;
	s2 =	sadd.s32 s3, s2  }
0x8d: {  	s2 =	sadd.s32 s2, s17  }
0x8e: {  	[smem:$0x3FBC] =	sst s2  }
0x8f: {  	_ = 	snop  }
0x90: {  	s2 =	sld [smem:$0x3FD0];
	(tm) =	ssettm $0x1  }
0x91: {  	s18 =	sld [smem:$0x3FFB];
	_ =	sdelay $0x3  }
0x92: {  	_ =	strace s18  }
0x93: {  	s3 =	sld [smem:$0x3FFC];
	_ =	sdelay $0x3  }
0x94: {  	_ =	strace s3  }
0x95: {  	s3 =	sld [smem:$0x3FFD];
	_ =	sdelay $0x3  }
0x96: {  	_ =	strace s3  }
0x97: {  	_ =	strace $0x8FFFFFFF  }
0x98: {  	s19 =	sld [smem:$0x3FDB];
	_ =	sdelay $0x1  }
0x99: {  	s4 =	simm.s32 $_scs_section_size  }
0x9a: {  	s5 =	simm.s32 $_size__tile_overlayer_lowered;
	s6 =	simm.s32 $_tile_overlayer_lowered  }
0x9b: {  	s22 =	simm.s32 $0x1BFF;
	s21 =	sshll.u32 s6, $0x1;
	s3 =	sadd.s32 s4, s19  }
0x9c: {  	s7 =	simm.s32 $0x0;
	s20 =	sshll.u32 s5, $0x1;
	s5 =	sadd.s32 s21, s3  }
0x9d: {  	[timem:s7], [sflag:s22] =	dma.local [hbm:s5], s20  }
0x9e: {  	_ =	swait.ge [sflag:s22], s20  }
0x9f: {  	s4 =	ssub.s32 $0x0, s20;
	[sflag:s22] =	ssyncset.done $0x0  }
0xa0: {  	[sflag:s22] =	ssyncadd.s32 s4;
	_ =	sdelay $0x1  }
0xa1: {  	s23 =	simm.s32 $0x1B8B  }
0xa2: {  	_ =	swait.ge [sflag:s23], $0x1  }
0xa3: {  	[sflag:s23] =	ssyncset.done $0x0  }
0xa4: {  	s25 =	simm.s32 $0x1B8E;
	s24 =	sld [smem:$0x3FFE];
	[sflag:s23] =	ssyncadd.s32 $0xFFFFFFFF  }
0xa5: {  	s26 =	simm.s32 $execute0_lowered;
	[smem:$0x3FD2] =	sst s25  }
0xa6: {  	s5 =	sshll.u32 s26, $0x1;
	_ =	strace $0x8000004C;
	[dreg:$0x1] =	wrdreg $0xFFFFFFFF  }
0xa7: {  	s28 =	simm.s32 $_size_execute0_lowered;
	s3 =	sadd.s32 s3, s5;
	[dreg:$0x0] =	wrdreg $0x0  }
0xa8: {  	s5 =	sshll.u32 s28, $0x1;
	[dreg:$0x2] =	wrdreg s3  }
0xa9: {  	[dreg:$0x3] =	wrdreg s5  }
0xaa: {  	[dreg:$0x4] =	wrdreg $0xC0  }
0xab: {  	_ =	task [dreg:s7], $0x5FFFF  }
0xac: {  	[dreg:$0x1] =	wrdreg $0xFFFFFFFF  }
0xad: {  	[dreg:$0x0] =	wrdreg $0x60  }
0xae: {  	[dreg:$0x2] =	wrdreg s24  }
0xaf: {  	[dreg:$0x3] =	wrdreg s2  }
0xb0: {  	[dreg:$0x4] =	wrdreg $0xA8000  }
0xb1: {  	[dreg:$0x5] =	wrdreg $0x9  }
0xb2: {  	_ =	task.clear_ibuf [dreg:s7], $0x6FFFF;
	_ =	strace $0x9000004C  }
0xb3: {  	s29 =	simm.s32 $0x9;
	_ =	strace $0x8000004E  }
0xb4: {  	_ =	swait.ge [sflag:s29], $0x1  }
0xb5: {  	[sflag:s29] =	ssyncadd.s32 $0xFFFFFFFF  }
0xb6: {  	_ =	strace $0x9000004E  }
0xb7: {  	_ =	sfence  }
0xb8: {  	s30 =	sld [smem:$0x0];
	_ =	sdelay $0x2  }
0xb9: {  	s31 =	sshll.u32 s1, $0xD;
	s1 =	sshrl.u32 s1, $0x2  }
0xba: {  	s3 =	sand.u32 $0x4000, s31;
	s1 =	sadd.s32 s1, s30  }
0xbb: {  	s0 =	sor.u32 s3, s0;
	s1 =	sshll.u32 s1, $0x11  }
0xbc: {  	s0 =	sor.u32 s1, s0  }
0xbd: {  	s0 =	sadd.s32 $0x8F2B, s0  }
0xbe: {  	[sflag:s0] =	ssyncadd.remote.s32 $0x1  }
0xbf: {  	_ =	sfence.sel $0xFFFF  }
0xc0: {  	[dreg:$0x0] =	wrdreg $0xFFFFFFFF;
	(pc) =	sbr.abs _section_cstart, $3  }
0xc1: {  	[dreg:$0x1] =	wrdreg $0xFFFFFFFF  }
0xc2: {  	_ =	task.clear_ibuf [dreg:s7], $0x2FFFF;
	_ =	strace $0x9FFFFFFF  }
0xc3: {  	(tm) =	ssettm $0x7FFFFFFF  }
tec
execute0_lowered:
.L_overlay_start_1:
0x0: {  	(tag) =	ssettag $0x1  }
0x1: {  	s5 =	rddreg [dreg:$0x0]  }
0x2: {  	s12 =	rddreg [dreg:$0x1]  }
0x3: {  	s2 =	rddreg [dreg:$0x2]  }
0x4: {  	s0 =	rddreg [dreg:$0x3]  }
0x5: {  	s1 =	stileid.u32;
	s4 =	srdreg.scid  }
0x6: {  	s3 =	simm.s32 $0x0;
	s17 =	simm.s32 $0x1400;
	s18 =	simm.s32 $0x80  }
0x7: {  	s19 =	simm.s32 $0x2800;
	s20 =	simm.s32 $0x6800;
	s21 =	simm.s32 $0x1  }
0x8: {  	s22 =	simm.s32 $0x2;
	s28 =	simm.s32 $0x0;
	s6 =	smul.u32 $0x2780, s1  }
0x9: {  	s25 =	sand.u32 $0x1, s4;
	[smem:$0x7FF] =	sst s3;
	s23 =	smul.u32 $0x4F000, s1  }
0xa: {  	s4 =	sadd.s32 $0x84E00, s5;
	s11 =	sadd.s32 $0x7AE00, s5;
	s10 =	smul.u32 $0x5000, s1  }
0xb: {  	s30 =	sshll.u32 s1, $0x6;
	s7 =	smul.u32 $0x27800, s25;
	_ =	strace $0x8000004D  }
0xc: {  	s24 =	ssub.s32 $0x0, s25;
	s26 =	ssub.s32 $0x2, s25;
	p0 =	sne.s32 s25, $0x0  }
0xd: {  	s25 =	simm.s32 $0x100;
	s8 =	sadd.s32 s6, s5;
	s9 =	sshrl.u32 s26, $0x1  }
0xe: {  	s29 =	sand.u32 $0x3C00, s24;
	s16 =	sshrl.u32 s10, $0x3;
	s24 =	simm.s32 $0x3  }
0xf: {  	s6 =	sadd.s32 s6, s7;
	s7 =	sshrl.u32 s23, $0x2;
	s14 =	ssub.s32 s26, s9  }
0x10: {  	s31 =	sadd.s32 s10, s29;
	s10 =	sadd.s32 $0x280, s16;
	s16 =	sadd.s32 $0x500, s16  }
0x11: {  	s23 =	simm.s32 $0x1480;
	s26 =	simm.s32 $0x4;
	s13 =	sadd.s32 s6, s5  }
.Ltmp0:
0x12: {  	s15 =	sadd.s32 s7, s2;
	s5 =	sadd.s32 $0x4600, s8;
	(pc) =	sbr.rel .LBB2_1-.Ltmp0, $4  }
0x13: {  	s6 =	sor.u32 $0x1C05, s30;
	s8 =	sshrl.u32 s31, $0x3;
	s9 =	sadd.s32 s11, s10  }
0x14: {  	s10 =	sadd.s32 s12, s10;
	s14 =	smax.u32 s14, $0x1;
	s7 =	sadd.s32 s11, s8  }
0x15: {  	s8 =	sadd.s32 s12, s8;
	s11 =	sadd.s32 s11, s16;
	s12 =	sadd.s32 s12, s16  }
0x16: {  	s13 =	sadd.s32 $0xAC000, s13;
	s15 =	sshrl.u32 s15, $0x3;
	s16 =	simm.s32 $0x5  }
.LBB2_11:
0x17: {  	_ =	swait.ge [sflag:s26], $0x4000  }
0x18: {  	[sflag:s26] =	ssyncset.done $0x0  }
0x19: {  	[sflag:s26] =	ssyncadd.s32 $0xFFFFC000  }
.LBB2_12:
0x1a: {  	s28 =	sadd.s32 $0x1, s28  }
0x1b: {  	p1 =	sne.s32 s28, s14  }
.Ltmp1:
0x1c: {  	[bflag:$0x0] =	sbarrier.arrive $0xFFFF;
	(pc) =	sbr.rel @!p1 .LBB2_13-.Ltmp1, $4  }
0x1d: {  	[hbm:s13], [sflag:s6] =	dma.local [spmem:s15], $0x2780  }
0x1e: {  	_ =	swait.ge [sflag:s16], $0x2780  }
0x1f: {  	[sflag:s16] =	ssyncset.done $0x0  }
0x20: {  	[sflag:s16] =	ssyncadd.s32 $0xFFFFD880  }
.LBB2_1:
0x21: {  	[spmem:s15], [sflag:s6] =	dma.local [hbm:s5], $0x2780  }
0x22: {  	_ =	swait.ge [sflag:s16], $0x2780  }
0x23: {  	[sflag:s16] =	ssyncset.done $0x0  }
0x24: {  	[sflag:s16] =	ssyncadd.s32 $0xFFFFD880  }
0x25: {  	[bflag:$0x0] =	sbarrier.arrive $0xFFFF  }
0x26: {  	[tilespmem:s3], [sflag:$0x5] =	stream.linear.gather [hbm4b:s7+s3], $0x1400, $0x38;
	[tilespmem:$0x1E400] =	vst v63  }
0x27: {  	_ =	swait.ge [sflag:s16], $0x1400  }
0x28: {  	[sflag:s16] =	ssyncset.done $0x0  }
0x29: {  	[sflag:s16] =	ssyncadd.s32 $0xFFFFEC00  }
0x2a: {  	[tilespmem:s17], [sflag:$0x5] =	stream.linear.gather [hbm4b:s8+s3], $0x1400, $0x38;
	[tilespmem:$0x1E400] =	vst v63  }
0x2b: {  	_ =	swait.ge [sflag:s16], $0x1400  }
0x2c: {  	[sflag:s16] =	ssyncset.done $0x0  }
0x2d: {  	[sflag:s16] =	ssyncadd.s32 $0xFFFFEC00  }
0x2e: {  	[tilespmem:s19], [sflag:$0x1] =	stream.indirect.gather [hbm4b:s4+s18], $0x80, s3, s18, $0xb8;
	[tilespmem:$0x1E400] =	vst v63  }
0x2f: {  	_ = 	snop  }
0x30: {  	[tilespmem:s20], [sflag:$0x2] =	stream.indirect.gather [hbm4b:s4+s18], $0x80, s18, s18, $0xb8;
	[tilespmem:$0x1E400] =	vst v63  }
0x31: {  	_ =	swait.ge [sflag:s21], $0x4000  }
0x32: {  	[sflag:s21] =	ssyncset.done $0x0  }
0x33: {  	[sflag:s21] =	ssyncadd.s32 $0xFFFFC000  }
0x34: {  	[spmem:s2] =	stream.indirect.scatter.add.f32 [tilespmem:s19], [sflag:$0x3], $0x80, s17, s18, $0xb8;
	[tilespmem:$0x1E400] =	vst v63  }
0x35: {  	_ =	swait.ge [sflag:s22], $0x4000  }
0x36: {  	[sflag:s22] =	ssyncset.done $0x0  }
0x37: {  	[sflag:s22] =	ssyncadd.s32 $0xFFFFC000  }
0x38: {  	[spmem:s2] =	stream.indirect.scatter.add.f32 [tilespmem:s20], [sflag:$0x4], $0x80, s23, s18, $0xb8;
	[tilespmem:$0x1E400] =	vst v63  }
0x39: {  	_ =	swait.ge [sflag:s24], $0x4000  }
0x3a: {  	[sflag:s24] =	ssyncset.done $0x0  }
0x3b: {  	s29 =	simm.s32 $0xFFFFB800;
	[sflag:s24] =	ssyncadd.s32 $0xFFFFC000  }
0x3c: {  	[tilespmem:s19], [sflag:$0x1] =	stream.indirect.gather [hbm4b:s4+s18], $0x80, s25, s18, $0xb8;
	[tilespmem:$0x1E400] =	vst v63  }
.LBB2_2:
0x3d: {  	_ =	swait.ge [sflag:s21], $0x4000  }
0x3e: {  	s30 =	sshra.s32 s29, $0x2;
	[sflag:s21] =	ssyncset.done $0x0  }
0x3f: {  	s31 =	sadd.s32 $0x2700, s30;
	[sflag:s21] =	ssyncadd.s32 $0xFFFFC000  }
0x40: {  	[spmem:s2] =	stream.indirect.scatter.add.f32 [tilespmem:s19], [sflag:$0x3], $0x80, s31, s18, $0xb8;
	[tilespmem:$0x1E400] =	vst v63  }
0x41: {  	_ =	swait.ge [sflag:s26], $0x4000  }
0x42: {  	[sflag:s26] =	ssyncset.done $0x0  }
0x43: {  	s31 =	sadd.s32 $0x1380, s30;
	[sflag:s26] =	ssyncadd.s32 $0xFFFFC000  }
0x44: {  	[tilespmem:s20], [sflag:$0x2] =	stream.indirect.gather [hbm4b:s4+s18], $0x80, s31, s18, $0xb8;
	[tilespmem:$0x1E400] =	vst v63  }
0x45: {  	_ =	swait.ge [sflag:s22], $0x4000  }
0x46: {  	p1 =	seq.s32 s29, $0x0;
	[sflag:s22] =	ssyncset.done $0x0  }
.Ltmp2:
0x47: {  	s31 =	sadd.s32 $0x2780, s30;
	[sflag:s22] =	ssyncadd.s32 $0xFFFFC000;
	(pc) =	sbr.rel @p1 .LBB2_4-.Ltmp2, $4  }
0x48: {  	[spmem:s2] =	stream.indirect.scatter.add.f32 [tilespmem:s20], [sflag:$0x4], $0x80, s31, s18, $0xb8;
	[tilespmem:$0x1E400] =	vst v63  }
0x49: {  	_ =	swait.ge [sflag:s24], $0x4000  }
0x4a: {  	[sflag:s24] =	ssyncset.done $0x0  }
0x4b: {  	[sflag:s24] =	ssyncadd.s32 $0xFFFFC000  }
.Ltmp3:
0x4c: {  	(pc) =	sbr.rel .LBB2_2-.Ltmp3, $3  }
0x4d: {  	_ =	sdelay $0x1  }
0x4e: {  	s30 =	sadd.s32 $0x1400, s30;
	s29 =	sadd.s32 $0x400, s29  }
0x4f: {  	[tilespmem:s19], [sflag:$0x1] =	stream.indirect.gather [hbm4b:s4+s18], $0x80, s30, s18, $0xb8;
	[tilespmem:$0x1E400] =	vst v63  }
.LBB2_4:
.Ltmp4:
0x50: {  	(pc) =	sbr.rel @p0 .LBB2_12-.Ltmp4, $4  }
0x51: {  	_ = 	snop  }
0x52: {  	_ =	swait.ge [sflag:s26], $0x4000  }
0x53: {  	[sflag:s26] =	ssyncset.done $0x0  }
0x54: {  	[sflag:s26] =	ssyncadd.s32 $0xFFFFC000  }
0x55: {  	[tilespmem:s3], [sflag:$0x5] =	stream.linear.gather [hbm4b:s9+s3], $0x1400, $0x38;
	[tilespmem:$0x1E400] =	vst v63  }
0x56: {  	_ =	swait.ge [sflag:s16], $0x1400  }
0x57: {  	[sflag:s16] =	ssyncset.done $0x0  }
0x58: {  	[sflag:s16] =	ssyncadd.s32 $0xFFFFEC00  }
0x59: {  	[tilespmem:s17], [sflag:$0x5] =	stream.linear.gather [hbm4b:s10+s3], $0x1400, $0x38;
	[tilespmem:$0x1E400] =	vst v63  }
0x5a: {  	_ =	swait.ge [sflag:s16], $0x1400  }
0x5b: {  	[sflag:s16] =	ssyncset.done $0x0  }
0x5c: {  	[sflag:s16] =	ssyncadd.s32 $0xFFFFEC00  }
0x5d: {  	[tilespmem:s19], [sflag:$0x1] =	stream.indirect.gather [hbm4b:s4+s18], $0x80, s3, s18, $0xb8;
	[tilespmem:$0x1E400] =	vst v63  }
0x5e: {  	_ = 	snop  }
0x5f: {  	[tilespmem:s20], [sflag:$0x2] =	stream.indirect.gather [hbm4b:s4+s18], $0x80, s18, s18, $0xb8;
	[tilespmem:$0x1E400] =	vst v63  }
0x60: {  	_ =	swait.ge [sflag:s21], $0x4000  }
0x61: {  	[sflag:s21] =	ssyncset.done $0x0  }
0x62: {  	[sflag:s21] =	ssyncadd.s32 $0xFFFFC000  }
0x63: {  	[spmem:s2] =	stream.indirect.scatter.add.f32 [tilespmem:s19], [sflag:$0x3], $0x80, s17, s18, $0xb8;
	[tilespmem:$0x1E400] =	vst v63  }
0x64: {  	_ =	swait.ge [sflag:s22], $0x4000  }
0x65: {  	[sflag:s22] =	ssyncset.done $0x0  }
0x66: {  	[sflag:s22] =	ssyncadd.s32 $0xFFFFC000  }
0x67: {  	[spmem:s2] =	stream.indirect.scatter.add.f32 [tilespmem:s20], [sflag:$0x4], $0x80, s23, s18, $0xb8;
	[tilespmem:$0x1E400] =	vst v63  }
0x68: {  	_ =	swait.ge [sflag:s24], $0x4000  }
0x69: {  	[sflag:s24] =	ssyncset.done $0x0  }
0x6a: {  	s29 =	simm.s32 $0xFFFFB800;
	[sflag:s24] =	ssyncadd.s32 $0xFFFFC000  }
0x6b: {  	[tilespmem:s19], [sflag:$0x1] =	stream.indirect.gather [hbm4b:s4+s18], $0x80, s25, s18, $0xb8;
	[tilespmem:$0x1E400] =	vst v63  }
.LBB2_6:
0x6c: {  	_ =	swait.ge [sflag:s21], $0x4000  }
0x6d: {  	s30 =	sshra.s32 s29, $0x2;
	[sflag:s21] =	ssyncset.done $0x0  }
0x6e: {  	s31 =	sadd.s32 $0x2700, s30;
	[sflag:s21] =	ssyncadd.s32 $0xFFFFC000  }
0x6f: {  	[spmem:s2] =	stream.indirect.scatter.add.f32 [tilespmem:s19], [sflag:$0x3], $0x80, s31, s18, $0xb8;
	[tilespmem:$0x1E400] =	vst v63  }
0x70: {  	_ =	swait.ge [sflag:s26], $0x4000  }
0x71: {  	[sflag:s26] =	ssyncset.done $0x0  }
0x72: {  	s31 =	sadd.s32 $0x1380, s30;
	[sflag:s26] =	ssyncadd.s32 $0xFFFFC000  }
0x73: {  	[tilespmem:s20], [sflag:$0x2] =	stream.indirect.gather [hbm4b:s4+s18], $0x80, s31, s18, $0xb8;
	[tilespmem:$0x1E400] =	vst v63  }
0x74: {  	_ =	swait.ge [sflag:s22], $0x4000  }
0x75: {  	p1 =	seq.s32 s29, $0x0;
	[sflag:s22] =	ssyncset.done $0x0  }
.Ltmp5:
0x76: {  	s31 =	sadd.s32 $0x2780, s30;
	[sflag:s22] =	ssyncadd.s32 $0xFFFFC000;
	(pc) =	sbr.rel @p1 .LBB2_8-.Ltmp5, $4  }
0x77: {  	[spmem:s2] =	stream.indirect.scatter.add.f32 [tilespmem:s20], [sflag:$0x4], $0x80, s31, s18, $0xb8;
	[tilespmem:$0x1E400] =	vst v63  }
0x78: {  	_ =	swait.ge [sflag:s24], $0x4000  }
0x79: {  	[sflag:s24] =	ssyncset.done $0x0  }
0x7a: {  	[sflag:s24] =	ssyncadd.s32 $0xFFFFC000  }
.Ltmp6:
0x7b: {  	(pc) =	sbr.rel .LBB2_6-.Ltmp6, $3  }
0x7c: {  	_ =	sdelay $0x1  }
0x7d: {  	s30 =	sadd.s32 $0x1400, s30;
	s29 =	sadd.s32 $0x400, s29  }
0x7e: {  	[tilespmem:s19], [sflag:$0x1] =	stream.indirect.gather [hbm4b:s4+s18], $0x80, s30, s18, $0xb8;
	[tilespmem:$0x1E400] =	vst v63  }
.LBB2_8:
0x7f: {  	_ =	swait.ge [sflag:s26], $0x4000  }
0x80: {  	[sflag:s26] =	ssyncset.done $0x0  }
0x81: {  	[sflag:s26] =	ssyncadd.s32 $0xFFFFC000  }
0x82: {  	[tilespmem:s3], [sflag:$0x5] =	stream.linear.gather [hbm4b:s11+s3], $0x1400, $0x38;
	[tilespmem:$0x1E400] =	vst v63  }
0x83: {  	_ =	swait.ge [sflag:s16], $0x1400  }
0x84: {  	[sflag:s16] =	ssyncset.done $0x0  }
0x85: {  	[sflag:s16] =	ssyncadd.s32 $0xFFFFEC00  }
0x86: {  	[tilespmem:s17], [sflag:$0x5] =	stream.linear.gather [hbm4b:s12+s3], $0x1400, $0x38;
	[tilespmem:$0x1E400] =	vst v63  }
0x87: {  	_ =	swait.ge [sflag:s16], $0x1400  }
0x88: {  	[sflag:s16] =	ssyncset.done $0x0  }
0x89: {  	[sflag:s16] =	ssyncadd.s32 $0xFFFFEC00  }
0x8a: {  	[tilespmem:s19], [sflag:$0x1] =	stream.indirect.gather [hbm4b:s4+s18], $0x80, s3, s18, $0xb8;
	[tilespmem:$0x1E400] =	vst v63  }
0x8b: {  	_ = 	snop  }
0x8c: {  	[tilespmem:s20], [sflag:$0x2] =	stream.indirect.gather [hbm4b:s4+s18], $0x80, s18, s18, $0xb8;
	[tilespmem:$0x1E400] =	vst v63  }
0x8d: {  	_ =	swait.ge [sflag:s21], $0x4000  }
0x8e: {  	[sflag:s21] =	ssyncset.done $0x0  }
0x8f: {  	[sflag:s21] =	ssyncadd.s32 $0xFFFFC000  }
0x90: {  	[spmem:s2] =	stream.indirect.scatter.add.f32 [tilespmem:s19], [sflag:$0x3], $0x80, s17, s18, $0xb8;
	[tilespmem:$0x1E400] =	vst v63  }
0x91: {  	_ =	swait.ge [sflag:s22], $0x4000  }
0x92: {  	[sflag:s22] =	ssyncset.done $0x0  }
0x93: {  	[sflag:s22] =	ssyncadd.s32 $0xFFFFC000  }
0x94: {  	[spmem:s2] =	stream.indirect.scatter.add.f32 [tilespmem:s20], [sflag:$0x4], $0x80, s23, s18, $0xb8;
	[tilespmem:$0x1E400] =	vst v63  }
0x95: {  	_ =	swait.ge [sflag:s24], $0x4000  }
0x96: {  	[sflag:s24] =	ssyncset.done $0x0  }
0x97: {  	s29 =	simm.s32 $0xFFFFB800;
	[sflag:s24] =	ssyncadd.s32 $0xFFFFC000  }
0x98: {  	[tilespmem:s19], [sflag:$0x1] =	stream.indirect.gather [hbm4b:s4+s18], $0x80, s25, s18, $0xb8;
	[tilespmem:$0x1E400] =	vst v63  }
.LBB2_9:
0x99: {  	_ =	swait.ge [sflag:s21], $0x4000  }
0x9a: {  	s30 =	sshra.s32 s29, $0x2;
	[sflag:s21] =	ssyncset.done $0x0  }
0x9b: {  	s31 =	sadd.s32 $0x2700, s30;
	[sflag:s21] =	ssyncadd.s32 $0xFFFFC000  }
0x9c: {  	[spmem:s2] =	stream.indirect.scatter.add.f32 [tilespmem:s19], [sflag:$0x3], $0x80, s31, s18, $0xb8;
	[tilespmem:$0x1E400] =	vst v63  }
0x9d: {  	_ =	swait.ge [sflag:s26], $0x4000  }
0x9e: {  	[sflag:s26] =	ssyncset.done $0x0  }
0x9f: {  	s31 =	sadd.s32 $0x1380, s30;
	[sflag:s26] =	ssyncadd.s32 $0xFFFFC000  }
0xa0: {  	[tilespmem:s20], [sflag:$0x2] =	stream.indirect.gather [hbm4b:s4+s18], $0x80, s31, s18, $0xb8;
	[tilespmem:$0x1E400] =	vst v63  }
0xa1: {  	_ =	swait.ge [sflag:s22], $0x4000  }
0xa2: {  	p1 =	seq.s32 s29, $0x0;
	[sflag:s22] =	ssyncset.done $0x0  }
.Ltmp7:
0xa3: {  	s31 =	sadd.s32 $0x2780, s30;
	[sflag:s22] =	ssyncadd.s32 $0xFFFFC000;
	(pc) =	sbr.rel @p1 .LBB2_11-.Ltmp7, $4  }
0xa4: {  	[spmem:s2] =	stream.indirect.scatter.add.f32 [tilespmem:s20], [sflag:$0x4], $0x80, s31, s18, $0xb8;
	[tilespmem:$0x1E400] =	vst v63  }
0xa5: {  	_ =	swait.ge [sflag:s24], $0x4000  }
0xa6: {  	[sflag:s24] =	ssyncset.done $0x0  }
0xa7: {  	[sflag:s24] =	ssyncadd.s32 $0xFFFFC000  }
.Ltmp8:
0xa8: {  	(pc) =	sbr.rel .LBB2_9-.Ltmp8, $3  }
0xa9: {  	_ =	sdelay $0x1  }
0xaa: {  	s30 =	sadd.s32 $0x1400, s30;
	s29 =	sadd.s32 $0x400, s29  }
0xab: {  	[tilespmem:s19], [sflag:$0x1] =	stream.indirect.gather [hbm4b:s4+s18], $0x80, s30, s18, $0xb8;
	[tilespmem:$0x1E400] =	vst v63  }
.LBB2_13:
0xac: {  	_ =	sfence.sel $0x180000  }
0xad: {  	[bflag:$0x0] =	sbarrier.arrive $0xFFFF  }
0xae: {  	p0 =	sne.s32 s1, $0x0;
	_ =	strace $0x9000004D  }
0xaf: {  	s0 =	sadd.s32 @!p0 $0x100000, s0;
	[bflag:$0x2] =	sbarrier.arrive $0xFFFF  }
0xb0: {  	[sflag:s0] =	ssyncadd.tile.s32 @!p0 $0x1;
	_ =	shalt  }
.Lfunc_end2:
_tile_overlayer_lowered:
.L_overlay_start_2:
0xb1: {  	(tag) =	ssettag $0x2  }
0xb2: {  	s0 =	rddreg [dreg:$0x0];
	s2 =	stileid.u32  }
0xb3: {  	s1 =	rddreg [dreg:$0x1];
	p0 =	sne.s32 s2, $0x0  }
0xb4: {  	s3 =	rddreg [dreg:$0x2];
	[bflag:$0x3] =	sbarrier.arrive $0xFFFF;
	s2 =	simm.s32 @!p0 $0x1C05  }
0xb5: {  	[timem:s3], [sflag:s2] =	dma.local @!p0 [hbm:s0], s1  }
0xb6: {  	s0 =	simm.s32 @!p0 $0x5  }
0xb7: {  	_ =	swait.ge @!p0 [sflag:s0], s1  }
0xb8: {  	s1 =	ssub.s32 @!p0 $0x0, s1;
	[sflag:s0] =	ssyncset.done @!p0 $0x0  }
0xb9: {  	[sflag:s0] =	ssyncadd.s32 @!p0 s1  }
0xba: {  	[bflag:$0x3] =	sbarrier.arrive $0xFFFF  }
0xbb: {  	_ =	shalt  }

// kernel: kernel.19.cloned.1.call-start
scs
__scs_entry_jumppad:
0x0: {  	(pc) =	sbr.rel $0x88, $3  }
0x1: {  	(tag) =	ssettag $0x0;
	lr =	simm.s32 $0x1  }
0x2: {  	[smem:$0x3F95] =	sst lr;
	_ =	strace $0xD0000000  }
0x3: {  	_ = 	snop  }
0x4: {  	_ = 	snop  }
0x5: {  	_ = 	snop  }
0x6: {  	_ = 	snop  }
0x7: {  	_ = 	snop  }
__scs_overlays_trampoline_lowered:
0x8: {  	[smem:$0x3FA4] =	sst s0  }
0x9: {  	[smem:$0x3FA5] =	sst s1  }
0xa: {  	[smem:$0x3FA6] =	sst s2  }
0xb: {  	[smem:$0x3FA7] =	sst s3  }
0xc: {  	[smem:$0x3FA8] =	sst s4  }
0xd: {  	[smem:$0x3FA9] =	sst s5  }
0xe: {  	[smem:$0x3FAA] =	sst s6  }
0xf: {  	[smem:$0x3FAB] =	sst s7  }
0x10: {  	[smem:$0x3FAC] =	sst s8  }
0x11: {  	[smem:$0x3FAD] =	sst s9;
	s0 =	simm.s32 @!p0 $0x0  }
0x12: {  	s1 =	sld [smem:$0x3F93];
	s0 =	simm.s32 @p0 $0x1  }
0x13: {  	[smem:$0x3FAE] =	sst s0;
	s0 =	simm.s32 @!p1 $0x0  }
0x14: {  	s2 =	sld [smem:$0x3F92];
	s0 =	simm.s32 @p1 $0x1  }
0x15: {  	[smem:$0x3FAF] =	sst s0;
	s0 =	simm.s32 @!p2 $0x0  }
0x16: {  	s3 =	sld [smem:$0x3FDB];
	s0 =	simm.s32 @p2 $0x1  }
0x17: {  	s4 =	simm.s32 $0x1BF5;
	[smem:$0x3FB1] =	sst s0  }
0x18: {  	s0 =	sld [smem:$0x3F94];
	_ =	swait.ge [sflag:s4], $0x0  }
0x19: {  	s7 =	sld [smem:$0x3F95]  }
0x1a: {  	s8 =	sadd.s32 $0xFFFFE003, lr  }
0x1b: {  	s9 =	sadd.s32 $0xFFFFFEF7, lr;
	s5 =	simm.s32 $0xFFFFFFFF;
	p2 =	slt.u32 s8, $0xFFFFF086  }
0x1c: {  	p1 =	slt.u32 s9, $0xF7A;
	s5 =	simm.s32 @!p2 $0x0  }
0x1d: {  	s5 =	simm.s32 @p1 $0x1;
	p0 =	seq.s32 s7, s2  }
0x1e: {  	s7 =	smul.u32 @!p0 $0xF7A, s2;
	p2 =	seq.s32 @!p0 s5, $0x0  }
0x1f: {  	s9 =	smul.u32 $0xF7A, s1;
	s8 =	simm.s32 @!p0 $0x1BF5;
	p2 =	por !p2, p0  }
0x20: {  	[sflag:s8] =	ssyncset.s32 @!p0 $0xFFFFF086;
	s6 =	sadd.s32 @!p0 s3, s7;
	s7 =	simm.s32 @!p0 $0x108  }
0x21: {  	s3 =	sadd.s32 s3, s9;
	s6 =	sadd.s32 @!p0 $0x88, s6;
	s7 =	simm.s32 @p2 $0x1082  }
0x22: {  	[simem:s7], [sflag:s8] =	dma.local @!p0 [hbm:s6], $0xF7A  }
0x23: {  	s9 =	sor.u32 $0xD0000000, s2;
	s6 =	simm.s32 $0x108;
	_ =	swait.ge @!p0 [sflag:s8], $0x0  }
0x24: {  	s3 =	sadd.s32 $0x88, s3;
	s6 =	simm.s32 @!p1 $0x1082;
	[sflag:s4] =	ssyncset.s32 $0xFFFFF086  }
0x25: {  	[simem:s6], [sflag:s4] =	dma.local [hbm:s3], $0xF7A  }
0x26: {  	[smem:$0x3F95] =	sst s1;
	(tag) =	ssettag s2;
	_ =	strace s9  }
0x27: {  	s1 =	sld [smem:$0x3FA5]  }
0x28: {  	s2 =	sld [smem:$0x3FA6]  }
0x29: {  	s4 =	sld [smem:$0x3FA8]  }
0x2a: {  	p0 =	seq.s32 s5, $0x0;
	s5 =	sld [smem:$0x3FA9]  }
0x2b: {  	s6 =	sld [smem:$0x3FAA]  }
0x2c: {  	s7 =	sld [smem:$0x3FAB]  }
0x2d: {  	s3 =	simm.s32 $0x108;
	s8 =	sld [smem:$0x3FAC]  }
0x2e: {  	s3 =	simm.s32 @!p0 $0x1082;
	s9 =	sld [smem:$0x3FAD]  }
0x2f: {  	lr =	sadd.s32 s0, s3;
	s0 =	sld [smem:$0x3FA4]  }
0x30: {  	s3 =	sld [smem:$0x3FA7]  }
0x31: {  	[smem:$0x3FB0] =	sst s10  }
0x32: {  	s10 =	sld [smem:$0x3FAE];
	_ =	sdelay $0x3  }
0x33: {  	p0 =	seq.s32 s10, $0x1;
	s10 =	sld [smem:$0x3FB0];
	_ =	sdelay $0x3  }
0x34: {  	[smem:$0x3FB0] =	sst s10  }
0x35: {  	s10 =	sld [smem:$0x3FAF];
	_ =	sdelay $0x3  }
0x36: {  	p1 =	seq.s32 s10, $0x1;
	s10 =	sld [smem:$0x3FB0];
	_ =	sdelay $0x3  }
0x37: {  	[smem:$0x3FB0] =	sst s10  }
0x38: {  	s10 =	sld [smem:$0x3FB1]  }
0x39: {  	_ = 	snop;
	(pc) =	sbr.ind lr, $3  }
0x3a: {  	_ = 	snop  }
0x3b: {  	_ = 	snop  }
0x3c: {  	p2 =	seq.s32 s10, $0x1;
	s10 =	sld [smem:$0x3FB0]  }
0x3d: {  	_ =	shalt  }
0x3e: {  	_ =	shalt  }
0x3f: {  	_ =	shalt  }
0x40: {  	_ =	shalt  }
0x41: {  	_ =	shalt  }
0x42: {  	_ =	shalt  }
0x43: {  	_ =	shalt  }
0x44: {  	_ =	shalt  }
0x45: {  	_ =	shalt  }
0x46: {  	_ =	shalt  }
0x47: {  	_ =	shalt  }
0x48: {  	_ =	shalt  }
0x49: {  	_ =	shalt  }
0x4a: {  	_ =	shalt  }
0x4b: {  	_ =	shalt  }
0x4c: {  	_ =	shalt  }
0x4d: {  	_ =	shalt  }
0x4e: {  	_ =	shalt  }
0x4f: {  	_ =	shalt  }
0x50: {  	_ =	shalt  }
0x51: {  	_ =	shalt  }
0x52: {  	_ =	shalt  }
0x53: {  	_ =	shalt  }
0x54: {  	_ =	shalt  }
0x55: {  	_ =	shalt  }
0x56: {  	_ =	shalt  }
0x57: {  	_ =	shalt  }
0x58: {  	_ =	shalt  }
0x59: {  	_ =	shalt  }
0x5a: {  	_ =	shalt  }
0x5b: {  	_ =	shalt  }
0x5c: {  	_ =	shalt  }
0x5d: {  	_ =	shalt  }
0x5e: {  	_ =	shalt  }
0x5f: {  	_ =	shalt  }
0x60: {  	_ =	shalt  }
0x61: {  	_ =	shalt  }
0x62: {  	_ =	shalt  }
0x63: {  	_ =	shalt  }
0x64: {  	_ =	shalt  }
0x65: {  	_ =	shalt  }
0x66: {  	_ =	shalt  }
0x67: {  	_ =	shalt  }
0x68: {  	_ =	shalt  }
0x69: {  	_ =	shalt  }
0x6a: {  	_ =	shalt  }
0x6b: {  	_ =	shalt  }
0x6c: {  	_ =	shalt  }
0x6d: {  	_ =	shalt  }
0x6e: {  	_ =	shalt  }
0x6f: {  	_ =	shalt  }
0x70: {  	_ =	shalt  }
0x71: {  	_ =	shalt  }
0x72: {  	_ =	shalt  }
0x73: {  	_ =	shalt  }
0x74: {  	_ =	shalt  }
0x75: {  	_ =	shalt  }
0x76: {  	_ =	shalt  }
0x77: {  	_ =	shalt  }
0x78: {  	_ =	shalt  }
0x79: {  	_ =	shalt  }
0x7a: {  	_ =	shalt  }
0x7b: {  	_ =	shalt  }
0x7c: {  	_ =	shalt  }
0x7d: {  	_ =	shalt  }
0x7e: {  	_ =	shalt  }
0x7f: {  	_ =	shalt  }
0x80: {  	_ =	shalt  }
0x81: {  	_ =	shalt  }
0x82: {  	_ =	shalt  }
0x83: {  	_ =	shalt  }
0x84: {  	_ =	shalt  }
0x85: {  	_ =	shalt  }
0x86: {  	_ =	shalt  }
0x87: {  	_ =	shalt  }
.Lfunc_end0:
.L_simem_size_0:
called_computation.3_lowered:
.L_overlay_start_0:
0x88: {  	s2 =	sld [smem:$0x3FD9]  }
0x89: {  	s3 =	sld [smem:$0x3FFE];
	_ =	sdelay $0x1  }
0x8a: {  	s1 =	srdreg.scid  }
0x8b: {  	s0 =	sand.u32 $0x1, s1  }
0x8c: {  	s17 =	sshll.u32 s0, $0xA;
	s2 =	sadd.s32 s3, s2  }
0x8d: {  	s2 =	sadd.s32 s2, s17  }
0x8e: {  	[smem:$0x3FBC] =	sst s2  }
0x8f: {  	_ = 	snop  }
0x90: {  	s2 =	sld [smem:$0x3FD0];
	(tm) =	ssettm $0x1  }
0x91: {  	s18 =	sld [smem:$0x3FFB];
	_ =	sdelay $0x3  }
0x92: {  	_ =	strace s18  }
0x93: {  	s3 =	sld [smem:$0x3FFC];
	_ =	sdelay $0x3  }
0x94: {  	_ =	strace s3  }
0x95: {  	s3 =	sld [smem:$0x3FFD];
	_ =	sdelay $0x3  }
0x96: {  	_ =	strace s3  }
0x97: {  	_ =	strace $0x8FFFFFFF  }
0x98: {  	s19 =	sld [smem:$0x3FDB];
	_ =	sdelay $0x1  }
0x99: {  	s4 =	simm.s32 $_scs_section_size  }
0x9a: {  	s5 =	simm.s32 $_size__tile_overlayer_lowered;
	s6 =	simm.s32 $_tile_overlayer_lowered  }
0x9b: {  	s22 =	simm.s32 $0x1BFF;
	s21 =	sshll.u32 s6, $0x1;
	s3 =	sadd.s32 s4, s19  }
0x9c: {  	s7 =	simm.s32 $0x0;
	s20 =	sshll.u32 s5, $0x1;
	s5 =	sadd.s32 s21, s3  }
0x9d: {  	[timem:s7], [sflag:s22] =	dma.local [hbm:s5], s20  }
0x9e: {  	_ =	swait.ge [sflag:s22], s20  }
0x9f: {  	s4 =	ssub.s32 $0x0, s20;
	[sflag:s22] =	ssyncset.done $0x0  }
0xa0: {  	[sflag:s22] =	ssyncadd.s32 s4;
	_ =	sdelay $0x1  }
0xa1: {  	s23 =	simm.s32 $0x1B8B  }
0xa2: {  	_ =	swait.ge [sflag:s23], $0x1  }
0xa3: {  	[sflag:s23] =	ssyncset.done $0x0  }
0xa4: {  	s25 =	simm.s32 $0x1B8E;
	s24 =	sld [smem:$0x3FFE];
	[sflag:s23] =	ssyncadd.s32 $0xFFFFFFFF  }
0xa5: {  	s26 =	simm.s32 $execute0_lowered;
	[smem:$0x3FD2] =	sst s25  }
0xa6: {  	s5 =	sshll.u32 s26, $0x1;
	_ =	strace $0x8000004F;
	[dreg:$0x1] =	wrdreg $0xFFFFFFFF  }
0xa7: {  	s28 =	simm.s32 $_size_execute0_lowered;
	s3 =	sadd.s32 s3, s5;
	[dreg:$0x0] =	wrdreg $0x0  }
0xa8: {  	s5 =	sshll.u32 s28, $0x1;
	[dreg:$0x2] =	wrdreg s3  }
0xa9: {  	[dreg:$0x3] =	wrdreg s5  }
0xaa: {  	[dreg:$0x4] =	wrdreg $0xC0  }
0xab: {  	_ =	task [dreg:s7], $0x5FFFF  }
0xac: {  	[dreg:$0x1] =	wrdreg $0xFFFFFFFF  }
0xad: {  	[dreg:$0x0] =	wrdreg $0x60  }
0xae: {  	[dreg:$0x2] =	wrdreg s24  }
0xaf: {  	[dreg:$0x3] =	wrdreg s2  }
0xb0: {  	[dreg:$0x4] =	wrdreg $0xA8000  }
0xb1: {  	[dreg:$0x5] =	wrdreg $0x9  }
0xb2: {  	_ =	task.clear_ibuf [dreg:s7], $0x6FFFF;
	_ =	strace $0x9000004F  }
0xb3: {  	s29 =	simm.s32 $0x9;
	_ =	strace $0x80000051  }
0xb4: {  	_ =	swait.ge [sflag:s29], $0x1  }
0xb5: {  	[sflag:s29] =	ssyncadd.s32 $0xFFFFFFFF  }
0xb6: {  	_ =	strace $0x90000051  }
0xb7: {  	_ =	sfence  }
0xb8: {  	s30 =	sld [smem:$0x0];
	_ =	sdelay $0x2  }
0xb9: {  	s31 =	sshll.u32 s1, $0xD;
	s1 =	sshrl.u32 s1, $0x2  }
0xba: {  	s3 =	sand.u32 $0x4000, s31;
	s1 =	sadd.s32 s1, s30  }
0xbb: {  	s0 =	sor.u32 s3, s0;
	s1 =	sshll.u32 s1, $0x11  }
0xbc: {  	s0 =	sor.u32 s1, s0  }
0xbd: {  	s0 =	sadd.s32 $0x8F2B, s0  }
0xbe: {  	[sflag:s0] =	ssyncadd.remote.s32 $0x1  }
0xbf: {  	_ =	sfence.sel $0xFFFF  }
0xc0: {  	[dreg:$0x0] =	wrdreg $0xFFFFFFFF;
	(pc) =	sbr.abs _section_cstart, $3  }
0xc1: {  	[dreg:$0x1] =	wrdreg $0xFFFFFFFF  }
0xc2: {  	_ =	task.clear_ibuf [dreg:s7], $0x2FFFF;
	_ =	strace $0x9FFFFFFF  }
0xc3: {  	(tm) =	ssettm $0x7FFFFFFF  }
tec
execute0_lowered:
.L_overlay_start_1:
0x0: {  	(tag) =	ssettag $0x1  }
0x1: {  	s5 =	rddreg [dreg:$0x0]  }
0x2: {  	s12 =	rddreg [dreg:$0x1]  }
0x3: {  	s2 =	rddreg [dreg:$0x2]  }
0x4: {  	s0 =	rddreg [dreg:$0x3]  }
0x5: {  	s1 =	stileid.u32;
	s4 =	srdreg.scid  }
0x6: {  	s3 =	simm.s32 $0x0;
	s17 =	simm.s32 $0x1400;
	s18 =	simm.s32 $0x80  }
0x7: {  	s19 =	simm.s32 $0x2800;
	s20 =	simm.s32 $0x6800;
	s21 =	simm.s32 $0x1  }
0x8: {  	s22 =	simm.s32 $0x2;
	s28 =	simm.s32 $0x0;
	s6 =	smul.u32 $0x2780, s1  }
0x9: {  	s25 =	sand.u32 $0x1, s4;
	[smem:$0x7FF] =	sst s3;
	s23 =	smul.u32 $0x4F000, s1  }
0xa: {  	s4 =	sadd.s32 $0x84E00, s5;
	s11 =	sadd.s32 $0x7AE00, s5;
	s10 =	smul.u32 $0x5000, s1  }
0xb: {  	s30 =	sshll.u32 s1, $0x6;
	s7 =	smul.u32 $0x27800, s25;
	_ =	strace $0x80000050  }
0xc: {  	s24 =	ssub.s32 $0x0, s25;
	s26 =	ssub.s32 $0x2, s25;
	p0 =	sne.s32 s25, $0x0  }
0xd: {  	s25 =	simm.s32 $0x100;
	s8 =	sadd.s32 s6, s5;
	s9 =	sshrl.u32 s26, $0x1  }
0xe: {  	s29 =	sand.u32 $0x3C00, s24;
	s16 =	sshrl.u32 s10, $0x3;
	s24 =	simm.s32 $0x3  }
0xf: {  	s6 =	sadd.s32 s6, s7;
	s7 =	sshrl.u32 s23, $0x2;
	s14 =	ssub.s32 s26, s9  }
0x10: {  	s31 =	sadd.s32 s10, s29;
	s10 =	sadd.s32 $0x280, s16;
	s16 =	sadd.s32 $0x500, s16  }
0x11: {  	s23 =	simm.s32 $0x1480;
	s26 =	simm.s32 $0x4;
	s13 =	sadd.s32 s6, s5  }
.Ltmp0:
0x12: {  	s15 =	sadd.s32 s7, s2;
	s5 =	sadd.s32 $0x4600, s8;
	(pc) =	sbr.rel .LBB2_1-.Ltmp0, $4  }
0x13: {  	s6 =	sor.u32 $0x1C05, s30;
	s8 =	sshrl.u32 s31, $0x3;
	s9 =	sadd.s32 s11, s10  }
0x14: {  	s10 =	sadd.s32 s12, s10;
	s14 =	smax.u32 s14, $0x1;
	s7 =	sadd.s32 s11, s8  }
0x15: {  	s8 =	sadd.s32 s12, s8;
	s11 =	sadd.s32 s11, s16;
	s12 =	sadd.s32 s12, s16  }
0x16: {  	s13 =	sadd.s32 $0xAC000, s13;
	s15 =	sshrl.u32 s15, $0x3;
	s16 =	simm.s32 $0x5  }
.LBB2_11:
0x17: {  	_ =	swait.ge [sflag:s26], $0x4000  }
0x18: {  	[sflag:s26] =	ssyncset.done $0x0  }
0x19: {  	[sflag:s26] =	ssyncadd.s32 $0xFFFFC000  }
.LBB2_12:
0x1a: {  	s28 =	sadd.s32 $0x1, s28  }
0x1b: {  	p1 =	sne.s32 s28, s14  }
.Ltmp1:
0x1c: {  	[bflag:$0x0] =	sbarrier.arrive $0xFFFF;
	(pc) =	sbr.rel @!p1 .LBB2_13-.Ltmp1, $4  }
0x1d: {  	[hbm:s13], [sflag:s6] =	dma.local [spmem:s15], $0x2780  }
0x1e: {  	_ =	swait.ge [sflag:s16], $0x2780  }
0x1f: {  	[sflag:s16] =	ssyncset.done $0x0  }
0x20: {  	[sflag:s16] =	ssyncadd.s32 $0xFFFFD880  }
.LBB2_1:
0x21: {  	[spmem:s15], [sflag:s6] =	dma.local [hbm:s5], $0x2780  }
0x22: {  	_ =	swait.ge [sflag:s16], $0x2780  }
0x23: {  	[sflag:s16] =	ssyncset.done $0x0  }
0x24: {  	[sflag:s16] =	ssyncadd.s32 $0xFFFFD880  }
0x25: {  	[bflag:$0x0] =	sbarrier.arrive $0xFFFF  }
0x26: {  	[tilespmem:s3], [sflag:$0x5] =	stream.linear.gather [hbm4b:s7+s3], $0x1400, $0x38;
	[tilespmem:$0x1E400] =	vst v63  }
0x27: {  	_ =	swait.ge [sflag:s16], $0x1400  }
0x28: {  	[sflag:s16] =	ssyncset.done $0x0  }
0x29: {  	[sflag:s16] =	ssyncadd.s32 $0xFFFFEC00  }
0x2a: {  	[tilespmem:s17], [sflag:$0x5] =	stream.linear.gather [hbm4b:s8+s3], $0x1400, $0x38;
	[tilespmem:$0x1E400] =	vst v63  }
0x2b: {  	_ =	swait.ge [sflag:s16], $0x1400  }
0x2c: {  	[sflag:s16] =	ssyncset.done $0x0  }
0x2d: {  	[sflag:s16] =	ssyncadd.s32 $0xFFFFEC00  }
0x2e: {  	[tilespmem:s19], [sflag:$0x1] =	stream.indirect.gather [hbm4b:s4+s18], $0x80, s3, s18, $0xb8;
	[tilespmem:$0x1E400] =	vst v63  }
0x2f: {  	_ = 	snop  }
0x30: {  	[tilespmem:s20], [sflag:$0x2] =	stream.indirect.gather [hbm4b:s4+s18], $0x80, s18, s18, $0xb8;
	[tilespmem:$0x1E400] =	vst v63  }
0x31: {  	_ =	swait.ge [sflag:s21], $0x4000  }
0x32: {  	[sflag:s21] =	ssyncset.done $0x0  }
0x33: {  	[sflag:s21] =	ssyncadd.s32 $0xFFFFC000  }
0x34: {  	[spmem:s2] =	stream.indirect.scatter.add.f32 [tilespmem:s19], [sflag:$0x3], $0x80, s17, s18, $0xb8;
	[tilespmem:$0x1E400] =	vst v63  }
0x35: {  	_ =	swait.ge [sflag:s22], $0x4000  }
0x36: {  	[sflag:s22] =	ssyncset.done $0x0  }
0x37: {  	[sflag:s22] =	ssyncadd.s32 $0xFFFFC000  }
0x38: {  	[spmem:s2] =	stream.indirect.scatter.add.f32 [tilespmem:s20], [sflag:$0x4], $0x80, s23, s18, $0xb8;
	[tilespmem:$0x1E400] =	vst v63  }
0x39: {  	_ =	swait.ge [sflag:s24], $0x4000  }
0x3a: {  	[sflag:s24] =	ssyncset.done $0x0  }
0x3b: {  	s29 =	simm.s32 $0xFFFFB800;
	[sflag:s24] =	ssyncadd.s32 $0xFFFFC000  }
0x3c: {  	[tilespmem:s19], [sflag:$0x1] =	stream.indirect.gather [hbm4b:s4+s18], $0x80, s25, s18, $0xb8;
	[tilespmem:$0x1E400] =	vst v63  }
.LBB2_2:
0x3d: {  	_ =	swait.ge [sflag:s21], $0x4000  }
0x3e: {  	s30 =	sshra.s32 s29, $0x2;
	[sflag:s21] =	ssyncset.done $0x0  }
0x3f: {  	s31 =	sadd.s32 $0x2700, s30;
	[sflag:s21] =	ssyncadd.s32 $0xFFFFC000  }
0x40: {  	[spmem:s2] =	stream.indirect.scatter.add.f32 [tilespmem:s19], [sflag:$0x3], $0x80, s31, s18, $0xb8;
	[tilespmem:$0x1E400] =	vst v63  }
0x41: {  	_ =	swait.ge [sflag:s26], $0x4000  }
0x42: {  	[sflag:s26] =	ssyncset.done $0x0  }
0x43: {  	s31 =	sadd.s32 $0x1380, s30;
	[sflag:s26] =	ssyncadd.s32 $0xFFFFC000  }
0x44: {  	[tilespmem:s20], [sflag:$0x2] =	stream.indirect.gather [hbm4b:s4+s18], $0x80, s31, s18, $0xb8;
	[tilespmem:$0x1E400] =	vst v63  }
0x45: {  	_ =	swait.ge [sflag:s22], $0x4000  }
0x46: {  	p1 =	seq.s32 s29, $0x0;
	[sflag:s22] =	ssyncset.done $0x0  }
.Ltmp2:
0x47: {  	s31 =	sadd.s32 $0x2780, s30;
	[sflag:s22] =	ssyncadd.s32 $0xFFFFC000;
	(pc) =	sbr.rel @p1 .LBB2_4-.Ltmp2, $4  }
0x48: {  	[spmem:s2] =	stream.indirect.scatter.add.f32 [tilespmem:s20], [sflag:$0x4], $0x80, s31, s18, $0xb8;
	[tilespmem:$0x1E400] =	vst v63  }
0x49: {  	_ =	swait.ge [sflag:s24], $0x4000  }
0x4a: {  	[sflag:s24] =	ssyncset.done $0x0  }
0x4b: {  	[sflag:s24] =	ssyncadd.s32 $0xFFFFC000  }
.Ltmp3:
0x4c: {  	(pc) =	sbr.rel .LBB2_2-.Ltmp3, $3  }
0x4d: {  	_ =	sdelay $0x1  }
0x4e: {  	s30 =	sadd.s32 $0x1400, s30;
	s29 =	sadd.s32 $0x400, s29  }
0x4f: {  	[tilespmem:s19], [sflag:$0x1] =	stream.indirect.gather [hbm4b:s4+s18], $0x80, s30, s18, $0xb8;
	[tilespmem:$0x1E400] =	vst v63  }
.LBB2_4:
.Ltmp4:
0x50: {  	(pc) =	sbr.rel @p0 .LBB2_12-.Ltmp4, $4  }
0x51: {  	_ = 	snop  }
0x52: {  	_ =	swait.ge [sflag:s26], $0x4000  }
0x53: {  	[sflag:s26] =	ssyncset.done $0x0  }
0x54: {  	[sflag:s26] =	ssyncadd.s32 $0xFFFFC000  }
0x55: {  	[tilespmem:s3], [sflag:$0x5] =	stream.linear.gather [hbm4b:s9+s3], $0x1400, $0x38;
	[tilespmem:$0x1E400] =	vst v63  }
0x56: {  	_ =	swait.ge [sflag:s16], $0x1400  }
0x57: {  	[sflag:s16] =	ssyncset.done $0x0  }
0x58: {  	[sflag:s16] =	ssyncadd.s32 $0xFFFFEC00  }
0x59: {  	[tilespmem:s17], [sflag:$0x5] =	stream.linear.gather [hbm4b:s10+s3], $0x1400, $0x38;
	[tilespmem:$0x1E400] =	vst v63  }
0x5a: {  	_ =	swait.ge [sflag:s16], $0x1400  }
0x5b: {  	[sflag:s16] =	ssyncset.done $0x0  }
0x5c: {  	[sflag:s16] =	ssyncadd.s32 $0xFFFFEC00  }
0x5d: {  	[tilespmem:s19], [sflag:$0x1] =	stream.indirect.gather [hbm4b:s4+s18], $0x80, s3, s18, $0xb8;
	[tilespmem:$0x1E400] =	vst v63  }
0x5e: {  	_ = 	snop  }
0x5f: {  	[tilespmem:s20], [sflag:$0x2] =	stream.indirect.gather [hbm4b:s4+s18], $0x80, s18, s18, $0xb8;
	[tilespmem:$0x1E400] =	vst v63  }
0x60: {  	_ =	swait.ge [sflag:s21], $0x4000  }
0x61: {  	[sflag:s21] =	ssyncset.done $0x0  }
0x62: {  	[sflag:s21] =	ssyncadd.s32 $0xFFFFC000  }
0x63: {  	[spmem:s2] =	stream.indirect.scatter.add.f32 [tilespmem:s19], [sflag:$0x3], $0x80, s17, s18, $0xb8;
	[tilespmem:$0x1E400] =	vst v63  }
0x64: {  	_ =	swait.ge [sflag:s22], $0x4000  }
0x65: {  	[sflag:s22] =	ssyncset.done $0x0  }
0x66: {  	[sflag:s22] =	ssyncadd.s32 $0xFFFFC000  }
0x67: {  	[spmem:s2] =	stream.indirect.scatter.add.f32 [tilespmem:s20], [sflag:$0x4], $0x80, s23, s18, $0xb8;
	[tilespmem:$0x1E400] =	vst v63  }
0x68: {  	_ =	swait.ge [sflag:s24], $0x4000  }
0x69: {  	[sflag:s24] =	ssyncset.done $0x0  }
0x6a: {  	s29 =	simm.s32 $0xFFFFB800;
	[sflag:s24] =	ssyncadd.s32 $0xFFFFC000  }
0x6b: {  	[tilespmem:s19], [sflag:$0x1] =	stream.indirect.gather [hbm4b:s4+s18], $0x80, s25, s18, $0xb8;
	[tilespmem:$0x1E400] =	vst v63  }
.LBB2_6:
0x6c: {  	_ =	swait.ge [sflag:s21], $0x4000  }
0x6d: {  	s30 =	sshra.s32 s29, $0x2;
	[sflag:s21] =	ssyncset.done $0x0  }
0x6e: {  	s31 =	sadd.s32 $0x2700, s30;
	[sflag:s21] =	ssyncadd.s32 $0xFFFFC000  }
0x6f: {  	[spmem:s2] =	stream.indirect.scatter.add.f32 [tilespmem:s19], [sflag:$0x3], $0x80, s31, s18, $0xb8;
	[tilespmem:$0x1E400] =	vst v63  }
0x70: {  	_ =	swait.ge [sflag:s26], $0x4000  }
0x71: {  	[sflag:s26] =	ssyncset.done $0x0  }
0x72: {  	s31 =	sadd.s32 $0x1380, s30;
	[sflag:s26] =	ssyncadd.s32 $0xFFFFC000  }
0x73: {  	[tilespmem:s20], [sflag:$0x2] =	stream.indirect.gather [hbm4b:s4+s18], $0x80, s31, s18, $0xb8;
	[tilespmem:$0x1E400] =	vst v63  }
0x74: {  	_ =	swait.ge [sflag:s22], $0x4000  }
0x75: {  	p1 =	seq.s32 s29, $0x0;
	[sflag:s22] =	ssyncset.done $0x0  }
.Ltmp5:
0x76: {  	s31 =	sadd.s32 $0x2780, s30;
	[sflag:s22] =	ssyncadd.s32 $0xFFFFC000;
	(pc) =	sbr.rel @p1 .LBB2_8-.Ltmp5, $4  }
0x77: {  	[spmem:s2] =	stream.indirect.scatter.add.f32 [tilespmem:s20], [sflag:$0x4], $0x80, s31, s18, $0xb8;
	[tilespmem:$0x1E400] =	vst v63  }
0x78: {  	_ =	swait.ge [sflag:s24], $0x4000  }
0x79: {  	[sflag:s24] =	ssyncset.done $0x0  }
0x7a: {  	[sflag:s24] =	ssyncadd.s32 $0xFFFFC000  }
.Ltmp6:
0x7b: {  	(pc) =	sbr.rel .LBB2_6-.Ltmp6, $3  }
0x7c: {  	_ =	sdelay $0x1  }
0x7d: {  	s30 =	sadd.s32 $0x1400, s30;
	s29 =	sadd.s32 $0x400, s29  }
0x7e: {  	[tilespmem:s19], [sflag:$0x1] =	stream.indirect.gather [hbm4b:s4+s18], $0x80, s30, s18, $0xb8;
	[tilespmem:$0x1E400] =	vst v63  }
.LBB2_8:
0x7f: {  	_ =	swait.ge [sflag:s26], $0x4000  }
0x80: {  	[sflag:s26] =	ssyncset.done $0x0  }
0x81: {  	[sflag:s26] =	ssyncadd.s32 $0xFFFFC000  }
0x82: {  	[tilespmem:s3], [sflag:$0x5] =	stream.linear.gather [hbm4b:s11+s3], $0x1400, $0x38;
	[tilespmem:$0x1E400] =	vst v63  }
0x83: {  	_ =	swait.ge [sflag:s16], $0x1400  }
0x84: {  	[sflag:s16] =	ssyncset.done $0x0  }
0x85: {  	[sflag:s16] =	ssyncadd.s32 $0xFFFFEC00  }
0x86: {  	[tilespmem:s17], [sflag:$0x5] =	stream.linear.gather [hbm4b:s12+s3], $0x1400, $0x38;
	[tilespmem:$0x1E400] =	vst v63  }
0x87: {  	_ =	swait.ge [sflag:s16], $0x1400  }
0x88: {  	[sflag:s16] =	ssyncset.done $0x0  }
0x89: {  	[sflag:s16] =	ssyncadd.s32 $0xFFFFEC00  }
0x8a: {  	[tilespmem:s19], [sflag:$0x1] =	stream.indirect.gather [hbm4b:s4+s18], $0x80, s3, s18, $0xb8;
	[tilespmem:$0x1E400] =	vst v63  }
0x8b: {  	_ = 	snop  }
0x8c: {  	[tilespmem:s20], [sflag:$0x2] =	stream.indirect.gather [hbm4b:s4+s18], $0x80, s18, s18, $0xb8;
	[tilespmem:$0x1E400] =	vst v63  }
0x8d: {  	_ =	swait.ge [sflag:s21], $0x4000  }
0x8e: {  	[sflag:s21] =	ssyncset.done $0x0  }
0x8f: {  	[sflag:s21] =	ssyncadd.s32 $0xFFFFC000  }
0x90: {  	[spmem:s2] =	stream.indirect.scatter.add.f32 [tilespmem:s19], [sflag:$0x3], $0x80, s17, s18, $0xb8;
	[tilespmem:$0x1E400] =	vst v63  }
0x91: {  	_ =	swait.ge [sflag:s22], $0x4000  }
0x92: {  	[sflag:s22] =	ssyncset.done $0x0  }
0x93: {  	[sflag:s22] =	ssyncadd.s32 $0xFFFFC000  }
0x94: {  	[spmem:s2] =	stream.indirect.scatter.add.f32 [tilespmem:s20], [sflag:$0x4], $0x80, s23, s18, $0xb8;
	[tilespmem:$0x1E400] =	vst v63  }
0x95: {  	_ =	swait.ge [sflag:s24], $0x4000  }
0x96: {  	[sflag:s24] =	ssyncset.done $0x0  }
0x97: {  	s29 =	simm.s32 $0xFFFFB800;
	[sflag:s24] =	ssyncadd.s32 $0xFFFFC000  }
0x98: {  	[tilespmem:s19], [sflag:$0x1] =	stream.indirect.gather [hbm4b:s4+s18], $0x80, s25, s18, $0xb8;
	[tilespmem:$0x1E400] =	vst v63  }
.LBB2_9:
0x99: {  	_ =	swait.ge [sflag:s21], $0x4000  }
0x9a: {  	s30 =	sshra.s32 s29, $0x2;
	[sflag:s21] =	ssyncset.done $0x0  }
0x9b: {  	s31 =	sadd.s32 $0x2700, s30;
	[sflag:s21] =	ssyncadd.s32 $0xFFFFC000  }
0x9c: {  	[spmem:s2] =	stream.indirect.scatter.add.f32 [tilespmem:s19], [sflag:$0x3], $0x80, s31, s18, $0xb8;
	[tilespmem:$0x1E400] =	vst v63  }
0x9d: {  	_ =	swait.ge [sflag:s26], $0x4000  }
0x9e: {  	[sflag:s26] =	ssyncset.done $0x0  }
0x9f: {  	s31 =	sadd.s32 $0x1380, s30;
	[sflag:s26] =	ssyncadd.s32 $0xFFFFC000  }
0xa0: {  	[tilespmem:s20], [sflag:$0x2] =	stream.indirect.gather [hbm4b:s4+s18], $0x80, s31, s18, $0xb8;
	[tilespmem:$0x1E400] =	vst v63  }
0xa1: {  	_ =	swait.ge [sflag:s22], $0x4000  }
0xa2: {  	p1 =	seq.s32 s29, $0x0;
	[sflag:s22] =	ssyncset.done $0x0  }
.Ltmp7:
0xa3: {  	s31 =	sadd.s32 $0x2780, s30;
	[sflag:s22] =	ssyncadd.s32 $0xFFFFC000;
	(pc) =	sbr.rel @p1 .LBB2_11-.Ltmp7, $4  }
0xa4: {  	[spmem:s2] =	stream.indirect.scatter.add.f32 [tilespmem:s20], [sflag:$0x4], $0x80, s31, s18, $0xb8;
	[tilespmem:$0x1E400] =	vst v63  }
0xa5: {  	_ =	swait.ge [sflag:s24], $0x4000  }
0xa6: {  	[sflag:s24] =	ssyncset.done $0x0  }
0xa7: {  	[sflag:s24] =	ssyncadd.s32 $0xFFFFC000  }
.Ltmp8:
0xa8: {  	(pc) =	sbr.rel .LBB2_9-.Ltmp8, $3  }
0xa9: {  	_ =	sdelay $0x1  }
0xaa: {  	s30 =	sadd.s32 $0x1400, s30;
	s29 =	sadd.s32 $0x400, s29  }
0xab: {  	[tilespmem:s19], [sflag:$0x1] =	stream.indirect.gather [hbm4b:s4+s18], $0x80, s30, s18, $0xb8;
	[tilespmem:$0x1E400] =	vst v63  }
.LBB2_13:
0xac: {  	_ =	sfence.sel $0x180000  }
0xad: {  	[bflag:$0x0] =	sbarrier.arrive $0xFFFF  }
0xae: {  	p0 =	sne.s32 s1, $0x0;
	_ =	strace $0x90000050  }
0xaf: {  	s0 =	sadd.s32 @!p0 $0x100000, s0;
	[bflag:$0x2] =	sbarrier.arrive $0xFFFF  }
0xb0: {  	[sflag:s0] =	ssyncadd.tile.s32 @!p0 $0x1;
	_ =	shalt  }
.Lfunc_end2:
_tile_overlayer_lowered:
.L_overlay_start_2:
0xb1: {  	(tag) =	ssettag $0x2  }
0xb2: {  	s0 =	rddreg [dreg:$0x0];
	s2 =	stileid.u32  }
0xb3: {  	s1 =	rddreg [dreg:$0x1];
	p0 =	sne.s32 s2, $0x0  }
0xb4: {  	s3 =	rddreg [dreg:$0x2];
	[bflag:$0x3] =	sbarrier.arrive $0xFFFF;
	s2 =	simm.s32 @!p0 $0x1C05  }
0xb5: {  	[timem:s3], [sflag:s2] =	dma.local @!p0 [hbm:s0], s1  }
0xb6: {  	s0 =	simm.s32 @!p0 $0x5  }
0xb7: {  	_ =	swait.ge @!p0 [sflag:s0], s1  }
0xb8: {  	s1 =	ssub.s32 @!p0 $0x0, s1;
	[sflag:s0] =	ssyncset.done @!p0 $0x0  }
0xb9: {  	[sflag:s0] =	ssyncadd.s32 @!p0 s1  }
0xba: {  	[bflag:$0x3] =	sbarrier.arrive $0xFFFF  }
0xbb: {  	_ =	shalt  }

</sc_bundles>
